<compile_context>
chip_gen: v7x
topology: tpu7x:2x2x1
jax: 0.10.2.dev20260603
libtpu: 0.0.44.dev20260713+nightly
codegen_flags: <defaults>
</compile_context>

<pallas_src>
import functools

import jax
import jax.numpy as jnp
from jax import lax
from jax.experimental import pallas as pl
from jax.experimental.pallas import tpu as pltpu
from jax.experimental.pallas import tpu_sc as plsc

_NC = 2
_NS = 16
_K = 128
_R = 5000
_EPS = 1e-5


def _leaky(v):
    return jnp.where(v >= 0, v, 0.01 * v)


@functools.lru_cache(maxsize=None)
def _deg_kernel(N, E):
    NW = _NC * _NS
    epw = E // NW
    nb = epw // _K
    rem = epw - nb * _K
    assert E % NW == 0 and nb >= 10 and (nb - 2) % 4 == 0
    assert rem % 8 == 0
    nquads = (nb - 2) // 4 - 1
    mesh = plsc.VectorSubcoreMesh(core_axis_name="c", subcore_axis_name="s")

    @functools.partial(
        pl.kernel,
        mesh=mesh,
        out_type=jax.ShapeDtypeStruct((_NC * N,), jnp.float32),
        scratch_types=[
            pltpu.VMEM((_K,), jnp.int32),
            pltpu.VMEM((_K,), jnp.int32),
            pltpu.VMEM((_K,), jnp.int32),
            pltpu.VMEM((_K,), jnp.int32),
            pltpu.VMEM((max(rem, 8),), jnp.int32),
            pltpu.VMEM((_K,), jnp.float32),
            pltpu.VMEM((N,), jnp.float32),
            pltpu.VMEM_SHARED((N,), jnp.float32),
            pltpu.SemaphoreType.DMA,
            pltpu.SemaphoreType.DMA,
            pltpu.SemaphoreType.DMA,
            pltpu.SemaphoreType.DMA,
            pltpu.SemaphoreType.DMA,
            pltpu.SemaphoreType.DMA,
            pltpu.SemaphoreType.DMA,
            pltpu.SemaphoreType.DMA,
        ],
    )
    def deg(ei, zeros, out, idx0, idx1, idx2, idx3, idxt, ones, stage, acc,
            si0, si1, si2, si3, sc0, sc1, sc2, sc3):
        c = lax.axis_index("c")
        s = lax.axis_index("s")
        base = E + (c * _NS + s) * epw

        @pl.when(s == 0)
        def _():
            pltpu.sync_copy(zeros, stage)
            pltpu.sync_copy(stage, acc)

        for j in range(_K // 16):
            ones[pl.ds(16 * j, 16)] = jnp.ones((16,), jnp.float32)
        plsc.subcore_barrier()

        slots = ((idx0, si0, sc0), (idx1, si1, sc1),
                 (idx2, si2, sc2), (idx3, si3, sc3))

        def load(i, slot):
            off = pl.multiple_of(base + i * _K, 8)
            pltpu.async_copy(ei.at[pl.ds(off, _K)], slot[0], slot[1])

        def scwait(slot):
            pltpu.make_async_copy(ones, acc.at[slot[0]], slot[2]).wait()

        def body(j, A, W, ld, do_scwait):
            pltpu.make_async_copy(ei.at[pl.ds(0, _K)], A[0], A[1]).wait()
            if do_scwait:
                scwait(W)
            pltpu.async_copy(ones, acc.at[A[0]], A[2], add=True)
            if ld:
                load(j + 2, W)

        load(0, slots[0])
        load(1, slots[1])
        body(0, slots[0], slots[2], True, False)
        body(1, slots[1], slots[3], True, False)

        def quad(t, carry):
            j = 4 * t + 2
            body(j, slots[2], slots[0], True, True)
            body(j + 1, slots[3], slots[1], True, True)
            body(j + 2, slots[0], slots[2], True, True)
            body(j + 3, slots[1], slots[3], True, True)
            return carry

        lax.fori_loop(0, nquads, quad, 0)
        j0 = nb - 4
        body(j0, slots[2], slots[0], True, True)
        body(j0 + 1, slots[3], slots[1], True, True)
        body(j0 + 2, slots[0], slots[2], False, True)
        body(j0 + 3, slots[1], slots[3], False, True)
        scwait(slots[0])
        scwait(slots[1])
        if rem:
            roff = pl.multiple_of(base + nb * _K, 8)
            pltpu.sync_copy(ei.at[pl.ds(roff, rem)], idxt)
            pltpu.sync_copy(ones.at[pl.ds(0, rem)], acc.at[idxt], add=True)

        plsc.subcore_barrier()

        @pl.when(s == 0)
        def _():
            coff = pl.multiple_of(c * N, 8)
            pltpu.sync_copy(acc, stage)
            pltpu.sync_copy(stage, out.at[pl.ds(coff, N)])

    return deg


@functools.lru_cache(maxsize=None)
def _scatter_kernel(N, F, E):
    NW = _NC * _NS
    epw = E // NW
    nb = epw // _K
    rem = epw - nb * _K
    assert E % NW == 0 and nb >= 9 and (nb - 3) % 3 == 0
    assert rem % 8 == 0
    rpt = (-(-N // _NS) + 15) // 16 * 16
    rpt_last = N - (_NS - 1) * rpt
    assert rpt_last > 0
    ntriples = (nb - 3) // 3 - 1
    mesh = plsc.VectorSubcoreMesh(core_axis_name="c", subcore_axis_name="s")

    @functools.partial(
        pl.kernel,
        mesh=mesh,
        out_type=jax.ShapeDtypeStruct((_NC, N, F), jnp.float32),
        scratch_types=[
            pltpu.VMEM((_K,), jnp.int32),
            pltpu.VMEM((_K,), jnp.int32),
            pltpu.VMEM((_K,), jnp.int32),
            pltpu.VMEM((_K,), jnp.int32),
            pltpu.VMEM((_K,), jnp.int32),
            pltpu.VMEM((_K,), jnp.int32),
            pltpu.VMEM((max(rem, 8),), jnp.int32),
            pltpu.VMEM((_K, F), jnp.float32),
            pltpu.VMEM((_K, F), jnp.float32),
            pltpu.VMEM((_K, F), jnp.float32),
            pltpu.VMEM_SHARED((N, F), jnp.float32),
            pltpu.SemaphoreType.DMA,
            pltpu.SemaphoreType.DMA,
            pltpu.SemaphoreType.DMA,
            pltpu.SemaphoreType.DMA,
            pltpu.SemaphoreType.DMA,
            pltpu.SemaphoreType.DMA,
            pltpu.SemaphoreType.DMA,
            pltpu.SemaphoreType.DMA,
            pltpu.SemaphoreType.DMA,
            pltpu.SemaphoreType.DMA,
            pltpu.SemaphoreType.DMA,
            pltpu.SemaphoreType.DMA,
        ],
    )
    def scatter(hp, ei, out, si0, si1, si2, di0, di1, di2, dit,
                rows0, rows1, rows2, acc,
                ss0, ss1, ss2, sd0, sd1, sd2, sg0, sg1, sg2, sc0, sc1, sc2):
        c = lax.axis_index("c")
        s = lax.axis_index("s")
        base = (c * _NS + s) * epw

        @pl.when(s < _NS - 1)
        def _():
            off = pl.multiple_of(s * rpt, 16)
            pltpu.sync_copy(hp.at[pl.ds(off, rpt)], acc.at[pl.ds(off, rpt)])

        @pl.when(s == _NS - 1)
        def _():
            off = (_NS - 1) * rpt
            pltpu.sync_copy(hp.at[pl.ds(off, rpt_last)],
                            acc.at[pl.ds(off, rpt_last)])

        plsc.subcore_barrier()

        def srcload(i, ref, sem):
            off = pl.multiple_of(base + i * _K, 8)
            pltpu.async_copy(ei.at[pl.ds(off, _K)], ref, sem)

        def dstload(i, ref, sem):
            off = pl.multiple_of(E + base + i * _K, 8)
            pltpu.async_copy(ei.at[pl.ds(off, _K)], ref, sem)

        def iwait(ref, sem):
            pltpu.make_async_copy(ei.at[pl.ds(0, _K)], ref, sem).wait()

        def gwait(rref, sem):
            pltpu.make_async_copy(hp.at[pl.ds(0, _K)], rref, sem).wait()

        def scwait(rref, iref, sem):
            pltpu.make_async_copy(rref, acc.at[iref], sem).wait()

        slots = ((si0, di0, rows0, ss0, sd0, sg0, sc0),
                 (si1, di1, rows1, ss1, sd1, sg1, sc1),
                 (si2, di2, rows2, ss2, sd2, sg2, sc2))

        def half(j, A, B, ld_src, ld_dst, do_scwait):
            siA, diA, rA, ssA, sdA, sgA, scA = A
            siB, diB, rB, ssB, sdB, sgB, scB = B
            gwait(rA, sgA)
            iwait(siB, ssB)
            if do_scwait:
                scwait(rB, diB, scB)
            pltpu.async_copy(hp.at[siB], rB, sgB)
            if ld_src:
                srcload(j + 3, siA, ssA)
            if ld_dst:
                dstload(j + 1, diB, sdB)
            iwait(diA, sdA)
            pltpu.async_copy(rA, acc.at[diA], scA, add=True)

        srcload(0, si0, ss0)
        dstload(0, di0, sd0)
        iwait(si0, ss0)
        pltpu.async_copy(hp.at[si0], rows0, sg0)
        srcload(1, si1, ss1)
        srcload(2, si2, ss2)

        half(0, slots[0], slots[1], True, True, False)
        half(1, slots[1], slots[2], True, True, False)

        def triple(t, carry):
            j = 3 * t + 2
            half(j, slots[2], slots[0], True, True, True)
            half(j + 1, slots[0], slots[1], True, True, True)
            half(j + 2, slots[1], slots[2], True, True, True)
            return carry

        lax.fori_loop(0, ntriples, triple, 0)
        half(nb - 4, slots[2], slots[0], True, True, True)
        half(nb - 3, slots[0], slots[1], False, True, True)
        half(nb - 2, slots[1], slots[2], False, True, True)
        gwait(rows2, sg2)
        iwait(di2, sd2)
        pltpu.sync_copy(rows2, acc.at[di2], add=True)
        scwait(rows0, di0, sc0)
        scwait(rows1, di1, sc1)

        if rem:
            roff = pl.multiple_of(base + nb * _K, 8)
            pltpu.sync_copy(ei.at[pl.ds(roff, rem)], si0.at[pl.ds(0, rem)])
            pltpu.sync_copy(ei.at[pl.ds(E + roff, rem)], dit)
            pltpu.sync_copy(hp.at[si0.at[pl.ds(0, rem)]],
                            rows0.at[pl.ds(0, rem)])
            pltpu.sync_copy(rows0.at[pl.ds(0, rem)], acc.at[dit], add=True)

        plsc.subcore_barrier()

        @pl.when(s < _NS - 1)
        def _():
            off = pl.multiple_of(s * rpt, 16)
            pltpu.sync_copy(acc.at[pl.ds(off, rpt)],
                            out.at[c, pl.ds(off, rpt)])

        @pl.when(s == _NS - 1)
        def _():
            off = (_NS - 1) * rpt
            pltpu.sync_copy(acc.at[pl.ds(off, rpt_last)],
                            out.at[c, pl.ds(off, rpt_last)])

    return scatter


def _matmul(x, W1):
    N, F = x.shape
    nbk = N // _R

    def body(x_ref, w_ref, o_ref):
        o_ref[...] = jnp.dot(x_ref[...], w_ref[...],
                             preferred_element_type=jnp.float32)

    return pl.pallas_call(
        body,
        grid=(nbk,),
        in_specs=[
            pl.BlockSpec((_R, F), lambda i: (i, 0)),
            pl.BlockSpec((F, F), lambda i: (0, 0)),
        ],
        out_specs=pl.BlockSpec((_R, F), lambda i: (i, 0)),
        out_shape=jax.ShapeDtypeStruct((N, F), jnp.float32),
    )(x, W1)


def _scale(xw, degp):
    N, F = xw.shape
    nbk = N // _R

    def body(xw_ref, d_ref, hp_ref, dinv_ref):
        deg = d_ref[0] + d_ref[1] + 1.0
        dv = lax.rsqrt(deg)
        dinv_ref[...] = dv
        hp_ref[...] = dv * xw_ref[...]

    return pl.pallas_call(
        body,
        grid=(nbk,),
        in_specs=[
            pl.BlockSpec((_R, F), lambda i: (i, 0)),
            pl.BlockSpec((2, _R, 1), lambda i: (0, i, 0)),
        ],
        out_specs=[
            pl.BlockSpec((_R, F), lambda i: (i, 0)),
            pl.BlockSpec((_R, 1), lambda i: (i, 0)),
        ],
        out_shape=[
            jax.ShapeDtypeStruct((N, F), jnp.float32),
            jax.ShapeDtypeStruct((N, 1), jnp.float32),
        ],
    )(xw, degp.reshape(_NC, N, 1))


def _layer_tail(sp, hp, dinv, b, g, be, res, Wn):
    N, F = hp.shape
    nbk = N // _R
    has_res = res is not None

    def body(*refs):
        if has_res:
            (sp_ref, hp_ref, dinv_ref, b_ref, g_ref, be_ref, res_ref, w_ref,
             z_ref, hpn_ref, y_s, ssum, ssq) = refs
        else:
            (sp_ref, hp_ref, dinv_ref, b_ref, g_ref, be_ref, w_ref,
             z_ref, hpn_ref, y_s, ssum, ssq) = refs
        p = pl.program_id(0)
        i = pl.program_id(1)

        @pl.when(p == 0)
        def _():
            y = ((sp_ref[0] + sp_ref[1] - hp_ref[...])
                 * dinv_ref[...] + b_ref[...])
            y_s[pl.ds(i * _R, _R), :] = y

            @pl.when(i == 0)
            def _():
                ssum[...] = jnp.zeros_like(ssum)
                ssq[...] = jnp.zeros_like(ssq)

            ssum[...] += jnp.sum(y, axis=0, keepdims=True)
            ssq[...] += jnp.sum(y * y, axis=0, keepdims=True)

        @pl.when(p == 1)
        def _():
            m = ssum[...] / N
            v = ssq[...] / N - m * m
            y = y_s[pl.ds(i * _R, _R), :]
            yn = (y - m) * lax.rsqrt(v + _EPS) * g_ref[...] + be_ref[...]
            z = _leaky(yn)
            if has_res:
                z = z + res_ref[...]
            z_ref[...] = z
            hpn_ref[...] = dinv_ref[...] * jnp.dot(
                z, w_ref[...], preferred_element_type=jnp.float32)

    frozen = lambda p, i: (i * (1 - p) + (nbk - 1) * p, 0)
    sp_spec = pl.BlockSpec((_NC, _R, F), lambda p, i: (0,) + frozen(p, i))
    in_specs = [
        sp_spec,
        pl.BlockSpec((_R, F), frozen),
        pl.BlockSpec((_R, 1), lambda p, i: (i, 0)),
        pl.BlockSpec((1, F), lambda p, i: (0, 0)),
        pl.BlockSpec((1, F), lambda p, i: (0, 0)),
        pl.BlockSpec((1, F), lambda p, i: (0, 0)),
    ]
    args = [sp, hp, dinv, b.reshape(1, F), g.reshape(1, F), be.reshape(1, F)]
    if has_res:
        in_specs.append(pl.BlockSpec((_R, F), lambda p, i: (i * p, 0)))
        args.append(res)
    in_specs.append(pl.BlockSpec((F, F), lambda p, i: (0, 0)))
    args.append(Wn)

    return pl.pallas_call(
        body,
        grid=(2, nbk),
        in_specs=in_specs,
        out_specs=[
            pl.BlockSpec((_R, F), lambda p, i: (i * p, 0)),
            pl.BlockSpec((_R, F), lambda p, i: (i * p, 0)),
        ],
        out_shape=[
            jax.ShapeDtypeStruct((N, F), jnp.float32),
            jax.ShapeDtypeStruct((N, F), jnp.float32),
        ],
        scratch_shapes=[
            pltpu.VMEM((N, F), jnp.float32),
            pltpu.VMEM((1, F), jnp.float32),
            pltpu.VMEM((1, F), jnp.float32),
        ],
    )(*args)


def _head(sp, hp, dinv, b, g, be, res, fcW1, fcb1, fcW2, fcb2):
    N, F = hp.shape
    D = fcW2.shape[1]
    nbk = N // _R

    def body(sp_ref, hp_ref, dinv_ref, b_ref, g_ref, be_ref, res_ref,
             w1_ref, b1_ref, w2_ref, b2_ref, out_ref, y_s, ssum, ssq, zsum):
        p = pl.program_id(0)
        i = pl.program_id(1)

        @pl.when(p == 0)
        def _():
            y = ((sp_ref[0] + sp_ref[1] - hp_ref[...])
                 * dinv_ref[...] + b_ref[...])
            y_s[pl.ds(i * _R, _R), :] = y

            @pl.when(i == 0)
            def _():
                ssum[...] = jnp.zeros_like(ssum)
                ssq[...] = jnp.zeros_like(ssq)

            ssum[...] += jnp.sum(y, axis=0, keepdims=True)
            ssq[...] += jnp.sum(y * y, axis=0, keepdims=True)

        @pl.when(p == 1)
        def _():
            m = ssum[...] / N
            v = ssq[...] / N - m * m
            y = y_s[pl.ds(i * _R, _R), :]
            yn = (y - m) * lax.rsqrt(v + _EPS) * g_ref[...] + be_ref[...]
            z = _leaky(yn) + res_ref[...]

            @pl.when(i == 0)
            def _():
                zsum[...] = jnp.zeros_like(zsum)

            zsum[...] += jnp.sum(z, axis=0, keepdims=True)

            @pl.when(i == nbk - 1)
            def _():
                pooled = zsum[...] / N
                h1 = _leaky(jnp.dot(pooled, w1_ref[...],
                                    preferred_element_type=jnp.float32)
                            + b1_ref[...])
                o = jnp.dot(h1, w2_ref[...],
                            preferred_element_type=jnp.float32) + b2_ref[...]
                nrm = jnp.sqrt(jnp.sum(o * o, axis=1, keepdims=True))
                out_ref[...] = o / jnp.maximum(nrm, 1e-12)

    frozen = lambda p, i: (i * (1 - p) + (nbk - 1) * p, 0)
    return pl.pallas_call(
        body,
        grid=(2, nbk),
        in_specs=[
            pl.BlockSpec((_NC, _R, F), lambda p, i: (0,) + frozen(p, i)),
            pl.BlockSpec((_R, F), frozen),
            pl.BlockSpec((_R, 1), lambda p, i: (i, 0)),
            pl.BlockSpec((1, F), lambda p, i: (0, 0)),
            pl.BlockSpec((1, F), lambda p, i: (0, 0)),
            pl.BlockSpec((1, F), lambda p, i: (0, 0)),
            pl.BlockSpec((_R, F), lambda p, i: (i * p, 0)),
            pl.BlockSpec((F, F), lambda p, i: (0, 0)),
            pl.BlockSpec((1, F), lambda p, i: (0, 0)),
            pl.BlockSpec((F, D), lambda p, i: (0, 0)),
            pl.BlockSpec((1, D), lambda p, i: (0, 0)),
        ],
        out_specs=pl.BlockSpec((1, D), lambda p, i: (0, 0)),
        out_shape=jax.ShapeDtypeStruct((1, D), jnp.float32),
        scratch_shapes=[
            pltpu.VMEM((N, F), jnp.float32),
            pltpu.VMEM((1, F), jnp.float32),
            pltpu.VMEM((1, F), jnp.float32),
            pltpu.VMEM((1, F), jnp.float32),
        ],
    )(sp, hp, dinv, b.reshape(1, F), g.reshape(1, F), be.reshape(1, F), res,
      fcW1, fcb1.reshape(1, F), fcW2, fcb2.reshape(1, D))


def kernel(x, edge_index, W1, b1, W2, b2, W3, b3, g1, be1, g2, be2, g3, be3,
           fcW1, fcb1, fcW2, fcb2):
    N, F = x.shape
    E = edge_index.shape[1]

    ei = edge_index.reshape(2 * E)
    degp = _deg_kernel(N, E)(ei, jnp.zeros((N,), jnp.float32)).reshape(_NC, N)
    xw = _matmul(x, W1)
    hp1, dinv = _scale(xw, degp)

    scat = _scatter_kernel(N, F, E)
    sp1 = scat(hp1, ei)
    z1, hp2 = _layer_tail(sp1, hp1, dinv, b1, g1, be1, None, W2)
    sp2 = scat(hp2, ei)
    z2, hp3 = _layer_tail(sp2, hp2, dinv, b2, g2, be2, z1, W3)
    sp3 = scat(hp3, ei)
    return _head(sp3, hp3, dinv, b3, g3, be3, z2, fcW1, fcb1, fcW2, fcb2)

# --- scband reference (transcript-rebuilt; emitter-appended) ---
"""Pipeline reference for scband-improved-gnn-15247133901708 (READ-ONLY COPY).

The authoritative reference and input builder live on the scoring server;
editing this copy changes nothing except your own understanding.
"""

import jax, jax.numpy as jnp
import numpy as np

N, F_IN, H, D, E = 10000, 128, 128, 64, 320000


def setup_inputs(seed: int = 0) -> dict:
    key = jax.random.key(seed)
    ks = jax.random.split(key, 20)
    x = jax.random.normal(ks[0], (N, F_IN), dtype=jnp.float32)
    edge_index = jax.random.randint(ks[1], (2, E), 0, N, dtype=jnp.int32)
    s1 = 1.0 / np.sqrt(F_IN)
    s2 = 1.0 / np.sqrt(H)
    return {
        'x': x,
        'edge_index': edge_index,
        'W1': jax.random.normal(ks[2], (F_IN, H), dtype=jnp.float32) * s1,
        'b1': jnp.zeros((H,), dtype=jnp.float32),
        'W2': jax.random.normal(ks[3], (H, H), dtype=jnp.float32) * s2,
        'b2': jnp.zeros((H,), dtype=jnp.float32),
        'W3': jax.random.normal(ks[4], (H, H), dtype=jnp.float32) * s2,
        'b3': jnp.zeros((H,), dtype=jnp.float32),
        'g1': jnp.ones((H,), dtype=jnp.float32), 'be1': jnp.zeros((H,), dtype=jnp.float32),
        'g2': jnp.ones((H,), dtype=jnp.float32), 'be2': jnp.zeros((H,), dtype=jnp.float32),
        'g3': jnp.ones((H,), dtype=jnp.float32), 'be3': jnp.zeros((H,), dtype=jnp.float32),
        'fcW1': jax.random.normal(ks[5], (H, H), dtype=jnp.float32) * s2,
        'fcb1': jnp.zeros((H,), dtype=jnp.float32),
        'fcW2': jax.random.normal(ks[6], (H, D), dtype=jnp.float32) * s2,
        'fcb2': jnp.zeros((D,), dtype=jnp.float32),
    }


def gcn_conv(x, edge_index, W, b):
    n = x.shape[0]
    loop = jnp.arange(n, dtype=edge_index.dtype)
    src = jnp.concatenate([edge_index[0], loop])
    dst = jnp.concatenate([edge_index[1], loop])
    deg = jax.ops.segment_sum(jnp.ones(src.shape[0], dtype=x.dtype), dst, num_segments=n)
    dinv = jnp.where(deg > 0, deg ** -0.5, 0.0)
    norm = dinv[src] * dinv[dst]
    h = x @ W
    msg = h[src] * norm[:, None]
    out = jax.ops.segment_sum(msg, dst, num_segments=n)
    return out + b


def batch_norm(x, g, be, eps=1e-5):
    m = jnp.mean(x, axis=0)
    v = jnp.var(x, axis=0)
    return (x - m) / jnp.sqrt(v + eps) * g + be


def reference(x, edge_index, W1, b1, W2, b2, W3, b3, g1, be1, g2, be2, g3, be3, fcW1, fcb1, fcW2, fcb2):
    # dropout is identity in eval mode
    x1 = jax.nn.leaky_relu(batch_norm(gcn_conv(x, edge_index, W1, b1), g1, be1), 0.01)
    x2 = jax.nn.leaky_relu(batch_norm(gcn_conv(x1, edge_index, W2, b2), g2, be2), 0.01)
    x2 = x2 + x1
    x3 = jax.nn.leaky_relu(batch_norm(gcn_conv(x2, edge_index, W3, b3), g3, be3), 0.01)
    x3 = x3 + x2
    # batch = zeros -> single-graph global mean pool
    pooled = jnp.mean(x3, axis=0, keepdims=True)
    h = jax.nn.leaky_relu(pooled @ fcW1 + fcb1, 0.01)
    out = h @ fcW2 + fcb2
    nrm = jnp.linalg.norm(out, axis=1, keepdims=True)
    return out / jnp.maximum(nrm, 1e-12)

if __name__ == "__main__":
    import jax
    _d = setup_inputs()
    print(jax.jit(kernel)(*tuple(_d.values())))

</pallas_src>

<mosaic_0001>
#map = affine_map<(d0, d1) -> (0)>
module attributes {stable_mosaic.version = 14 : i64} {
  func.func @deg(%arg0: i32, %arg1: i32, %arg2: memref<640000xi32, #tpu.memory_space<hbm>>, %arg3: memref<10000xf32, #tpu.memory_space<hbm>>, %arg4: memref<20000xf32, #tpu.memory_space<hbm>>, %arg5: memref<128xi32, #tpu.memory_space<vmem>>, %arg6: memref<128xi32, #tpu.memory_space<vmem>>, %arg7: memref<128xi32, #tpu.memory_space<vmem>>, %arg8: memref<128xi32, #tpu.memory_space<vmem>>, %arg9: memref<16xi32, #tpu.memory_space<vmem>>, %arg10: memref<128xf32, #tpu.memory_space<vmem>>, %arg11: memref<10000xf32, #tpu.memory_space<vmem>>, %arg12: memref<10000xf32, #tpu.memory_space<vmem_shared>>, %arg13: memref<!tpu.dma_semaphore, #tpu.memory_space<semaphore_mem>>, %arg14: memref<!tpu.dma_semaphore, #tpu.memory_space<semaphore_mem>>, %arg15: memref<!tpu.dma_semaphore, #tpu.memory_space<semaphore_mem>>, %arg16: memref<!tpu.dma_semaphore, #tpu.memory_space<semaphore_mem>>, %arg17: memref<!tpu.dma_semaphore, #tpu.memory_space<semaphore_mem>>, %arg18: memref<!tpu.dma_semaphore, #tpu.memory_space<semaphore_mem>>, %arg19: memref<!tpu.dma_semaphore, #tpu.memory_space<semaphore_mem>>, %arg20: memref<!tpu.dma_semaphore, #tpu.memory_space<semaphore_mem>>) attributes {dimension_semantics = [#tpu.dimension_semantics<core_parallel>, #tpu.dimension_semantics<subcore_parallel>], iteration_bounds = array<i64: 2, 16>, scalar_prefetch = 0 : i64, scratch_operands = 16 : i64, tpu.core_type = #tpu.core_type<sc_vector_subcore>, window_params = [{transform_indices = #map}, {transform_indices = #map}, {transform_indices = #map}]} {
    %mul3A = arith.constant 16 : i32
    %mul3A_0 = arith.muli %arg0, %mul3A : i32
    %add3A = arith.addi %mul3A_0, %arg1 : i32
    %mul3A_1 = arith.constant 10000 : i32
    %mul3A_2 = arith.muli %add3A, %mul3A_1 : i32
    %add3A_3 = arith.constant 320000 : i32
    %add3A_4 = arith.addi %add3A_3, %mul3A_2 : i32
    %eq3A = arith.constant 0 : i32
    %eq3A_5 = arith.cmpi eq, %arg1, %eq3A : i32
    %convert_element_type3A = arith.extui %eq3A_5 : i1 to i32
    %cond3A = arith.constant 0 : i32
    %cond3A_6 = arith.cmpi ne, %convert_element_type3A, %cond3A : i32
    scf.if %cond3A_6 {
      "tpu.region"() ({
        %run_scoped3A = tpu.sem_alloc : memref<!tpu.dma_semaphore, #tpu.memory_space<semaphore_mem>>
        tpu.enqueue_dma source(%arg3 : memref<10000xf32, #tpu.memory_space<hbm>>) target(%arg11 : memref<10000xf32, #tpu.memory_space<vmem>>) target_semaphore(%run_scoped3A : memref<!tpu.dma_semaphore, #tpu.memory_space<semaphore_mem>>)
        tpu.wait_dma2 semaphore(%run_scoped3A : memref<!tpu.dma_semaphore, #tpu.memory_space<semaphore_mem>>) src(%arg3 : memref<10000xf32, #tpu.memory_space<hbm>>) dst(%arg11 : memref<10000xf32, #tpu.memory_space<vmem>>)
        tpu.yield
      }) : () -> ()
      "tpu.region"() ({
        %run_scoped3A = tpu.sem_alloc : memref<!tpu.dma_semaphore, #tpu.memory_space<semaphore_mem>>
        tpu.enqueue_dma source(%arg11 : memref<10000xf32, #tpu.memory_space<vmem>>) target(%arg12 : memref<10000xf32, #tpu.memory_space<vmem_shared>>) target_semaphore(%run_scoped3A : memref<!tpu.dma_semaphore, #tpu.memory_space<semaphore_mem>>)
        tpu.wait_dma2 semaphore(%run_scoped3A : memref<!tpu.dma_semaphore, #tpu.memory_space<semaphore_mem>>) src(%arg11 : memref<10000xf32, #tpu.memory_space<vmem>>) dst(%arg12 : memref<10000xf32, #tpu.memory_space<vmem_shared>>)
        tpu.yield
      }) : () -> ()
    } else {
    }
    %broadcast_in_dim3A = arith.constant 1.000000e+00 : f32
    %broadcast_in_dim3A_7 = vector.broadcast %broadcast_in_dim3A : f32 to vector<16xf32>
    %swap3A = arith.constant 0 : index
    %swap3A_8 = tpu.vector_load %arg10[%swap3A] {strides = array<i32>} : memref<128xf32, #tpu.memory_space<vmem>>, vector<16xf32>,
    %swap3A_9 = vector.shape_cast %swap3A_8 : vector<16xf32> to vector<16xf32>
    %swap3A_10 = vector.shape_cast %broadcast_in_dim3A_7 : vector<16xf32> to vector<16xf32>
    tpu.vector_store %arg10[%swap3A], %swap3A_10 {strides = array<i32>} : memref<128xf32, #tpu.memory_space<vmem>>, vector<16xf32>,
    %broadcast_in_dim3A_11 = arith.constant 1.000000e+00 : f32
    %broadcast_in_dim3A_12 = vector.broadcast %broadcast_in_dim3A_11 : f32 to vector<16xf32>
    %swap3A_13 = arith.constant 16 : index
    %swap3A_14 = tpu.vector_load %arg10[%swap3A_13] {strides = array<i32>} : memref<128xf32, #tpu.memory_space<vmem>>, vector<16xf32>,
    %swap3A_15 = vector.shape_cast %swap3A_14 : vector<16xf32> to vector<16xf32>
    %swap3A_16 = vector.shape_cast %broadcast_in_dim3A_12 : vector<16xf32> to vector<16xf32>
    tpu.vector_store %arg10[%swap3A_13], %swap3A_16 {strides = array<i32>} : memref<128xf32, #tpu.memory_space<vmem>>, vector<16xf32>,
    %broadcast_in_dim3A_17 = arith.constant 1.000000e+00 : f32
    %broadcast_in_dim3A_18 = vector.broadcast %broadcast_in_dim3A_17 : f32 to vector<16xf32>
    %swap3A_19 = arith.constant 32 : index
    %swap3A_20 = tpu.vector_load %arg10[%swap3A_19] {strides = array<i32>} : memref<128xf32, #tpu.memory_space<vmem>>, vector<16xf32>,
    %swap3A_21 = vector.shape_cast %swap3A_20 : vector<16xf32> to vector<16xf32>
    %swap3A_22 = vector.shape_cast %broadcast_in_dim3A_18 : vector<16xf32> to vector<16xf32>
    tpu.vector_store %arg10[%swap3A_19], %swap3A_22 {strides = array<i32>} : memref<128xf32, #tpu.memory_space<vmem>>, vector<16xf32>,
    %broadcast_in_dim3A_23 = arith.constant 1.000000e+00 : f32
    %broadcast_in_dim3A_24 = vector.broadcast %broadcast_in_dim3A_23 : f32 to vector<16xf32>
    %swap3A_25 = arith.constant 48 : index
    %swap3A_26 = tpu.vector_load %arg10[%swap3A_25] {strides = array<i32>} : memref<128xf32, #tpu.memory_space<vmem>>, vector<16xf32>,
    %swap3A_27 = vector.shape_cast %swap3A_26 : vector<16xf32> to vector<16xf32>
    %swap3A_28 = vector.shape_cast %broadcast_in_dim3A_24 : vector<16xf32> to vector<16xf32>
    tpu.vector_store %arg10[%swap3A_25], %swap3A_28 {strides = array<i32>} : memref<128xf32, #tpu.memory_space<vmem>>, vector<16xf32>,
    %broadcast_in_dim3A_29 = arith.constant 1.000000e+00 : f32
    %broadcast_in_dim3A_30 = vector.broadcast %broadcast_in_dim3A_29 : f32 to vector<16xf32>
    %swap3A_31 = arith.constant 64 : index
    %swap3A_32 = tpu.vector_load %arg10[%swap3A_31] {strides = array<i32>} : memref<128xf32, #tpu.memory_space<vmem>>, vector<16xf32>,
    %swap3A_33 = vector.shape_cast %swap3A_32 : vector<16xf32> to vector<16xf32>
    %swap3A_34 = vector.shape_cast %broadcast_in_dim3A_30 : vector<16xf32> to vector<16xf32>
    tpu.vector_store %arg10[%swap3A_31], %swap3A_34 {strides = array<i32>} : memref<128xf32, #tpu.memory_space<vmem>>, vector<16xf32>,
    %broadcast_in_dim3A_35 = arith.constant 1.000000e+00 : f32
    %broadcast_in_dim3A_36 = vector.broadcast %broadcast_in_dim3A_35 : f32 to vector<16xf32>
    %swap3A_37 = arith.constant 80 : index
    %swap3A_38 = tpu.vector_load %arg10[%swap3A_37] {strides = array<i32>} : memref<128xf32, #tpu.memory_space<vmem>>, vector<16xf32>,
    %swap3A_39 = vector.shape_cast %swap3A_38 : vector<16xf32> to vector<16xf32>
    %swap3A_40 = vector.shape_cast %broadcast_in_dim3A_36 : vector<16xf32> to vector<16xf32>
    tpu.vector_store %arg10[%swap3A_37], %swap3A_40 {strides = array<i32>} : memref<128xf32, #tpu.memory_space<vmem>>, vector<16xf32>,
    %broadcast_in_dim3A_41 = arith.constant 1.000000e+00 : f32
    %broadcast_in_dim3A_42 = vector.broadcast %broadcast_in_dim3A_41 : f32 to vector<16xf32>
    %swap3A_43 = arith.constant 96 : index
    %swap3A_44 = tpu.vector_load %arg10[%swap3A_43] {strides = array<i32>} : memref<128xf32, #tpu.memory_space<vmem>>, vector<16xf32>,
    %swap3A_45 = vector.shape_cast %swap3A_44 : vector<16xf32> to vector<16xf32>
    %swap3A_46 = vector.shape_cast %broadcast_in_dim3A_42 : vector<16xf32> to vector<16xf32>
    tpu.vector_store %arg10[%swap3A_43], %swap3A_46 {strides = array<i32>} : memref<128xf32, #tpu.memory_space<vmem>>, vector<16xf32>,
    %broadcast_in_dim3A_47 = arith.constant 1.000000e+00 : f32
    %broadcast_in_dim3A_48 = vector.broadcast %broadcast_in_dim3A_47 : f32 to vector<16xf32>
    %swap3A_49 = arith.constant 112 : index
    %swap3A_50 = tpu.vector_load %arg10[%swap3A_49] {strides = array<i32>} : memref<128xf32, #tpu.memory_space<vmem>>, vector<16xf32>,
    %swap3A_51 = vector.shape_cast %swap3A_50 : vector<16xf32> to vector<16xf32>
    %swap3A_52 = vector.shape_cast %broadcast_in_dim3A_48 : vector<16xf32> to vector<16xf32>
    tpu.vector_store %arg10[%swap3A_49], %swap3A_52 {strides = array<i32>} : memref<128xf32, #tpu.memory_space<vmem>>, vector<16xf32>,
    %barrier3A = arith.constant 0 : index
    tpu.barrier barrier_id(%barrier3A)
    %add3A_53 = arith.constant 0 : i32
    %add3A_54 = arith.addi %add3A_4, %add3A_53 : i32
    %multiple_of3A = tpu.assume_multiple %add3A_54, 8 : i32
    %dma_start3A = tpu.memref_slice %arg2[%multiple_of3A] : memref<640000xi32, #tpu.memory_space<hbm>> -> memref<128xi32, #tpu.memory_space<hbm>>
    %dma_start3A_55 = tpu.memref_slice %arg2[%multiple_of3A] : memref<640000xi32, #tpu.memory_space<hbm>> -> memref<128xi32, #tpu.memory_space<hbm>>
    tpu.enqueue_dma source(%dma_start3A_55 : memref<128xi32, #tpu.memory_space<hbm>>) target(%arg5 : memref<128xi32, #tpu.memory_space<vmem>>) target_semaphore(%arg13 : memref<!tpu.dma_semaphore, #tpu.memory_space<semaphore_mem>>)
    %add3A_56 = arith.constant 128 : i32
    %add3A_57 = arith.addi %add3A_4, %add3A_56 : i32
    %multiple_of3A_58 = tpu.assume_multiple %add3A_57, 8 : i32
    %dma_start3A_59 = tpu.memref_slice %arg2[%multiple_of3A_58] : memref<640000xi32, #tpu.memory_space<hbm>> -> memref<128xi32, #tpu.memory_space<hbm>>
    %dma_start3A_60 = tpu.memref_slice %arg2[%multiple_of3A_58] : memref<640000xi32, #tpu.memory_space<hbm>> -> memref<128xi32, #tpu.memory_space<hbm>>
    tpu.enqueue_dma source(%dma_start3A_60 : memref<128xi32, #tpu.memory_space<hbm>>) target(%arg6 : memref<128xi32, #tpu.memory_space<vmem>>) target_semaphore(%arg14 : memref<!tpu.dma_semaphore, #tpu.memory_space<semaphore_mem>>)
    %dma_wait3A = arith.constant 0 : i32
    %dma_wait3A_61 = tpu.memref_slice %arg2[%dma_wait3A] : memref<640000xi32, #tpu.memory_space<hbm>> -> memref<128xi32, #tpu.memory_space<hbm>>
    %dma_wait3A_62 = arith.constant 0 : i32
    %dma_wait3A_63 = tpu.memref_slice %arg2[%dma_wait3A_62] : memref<640000xi32, #tpu.memory_space<hbm>> -> memref<128xi32, #tpu.memory_space<hbm>>
    tpu.wait_dma2 semaphore(%arg13 : memref<!tpu.dma_semaphore, #tpu.memory_space<semaphore_mem>>) src(%dma_wait3A_63 : memref<128xi32, #tpu.memory_space<hbm>>) dst(%arg5 : memref<128xi32, #tpu.memory_space<vmem>>)
    %dma_start3A_64 = arith.constant 0 : i32
    %dma_start3A_65 = tpu.memref_slice %arg12[%dma_start3A_64] : memref<10000xf32, #tpu.memory_space<vmem_shared>> -> memref<10000xf32, #tpu.memory_space<vmem_shared>>
    tpu.enqueue_indirect_dma source(%arg10 : memref<128xf32, #tpu.memory_space<vmem>>) target(%dma_start3A_65 : memref<10000xf32, #tpu.memory_space<vmem_shared>>) offsets(%arg5 : memref<128xi32, #tpu.memory_space<vmem>>) semaphore(%arg17 : memref<!tpu.dma_semaphore, #tpu.memory_space<semaphore_mem>>) {add = true}
    %add3A_66 = arith.constant 256 : i32
    %add3A_67 = arith.addi %add3A_4, %add3A_66 : i32
    %multiple_of3A_68 = tpu.assume_multiple %add3A_67, 8 : i32
    %dma_start3A_69 = tpu.memref_slice %arg2[%multiple_of3A_68] : memref<640000xi32, #tpu.memory_space<hbm>> -> memref<128xi32, #tpu.memory_space<hbm>>
    %dma_start3A_70 = tpu.memref_slice %arg2[%multiple_of3A_68] : memref<640000xi32, #tpu.memory_space<hbm>> -> memref<128xi32, #tpu.memory_space<hbm>>
    tpu.enqueue_dma source(%dma_start3A_70 : memref<128xi32, #tpu.memory_space<hbm>>) target(%arg7 : memref<128xi32, #tpu.memory_space<vmem>>) target_semaphore(%arg15 : memref<!tpu.dma_semaphore, #tpu.memory_space<semaphore_mem>>)
    %dma_wait3A_71 = arith.constant 0 : i32
    %dma_wait3A_72 = tpu.memref_slice %arg2[%dma_wait3A_71] : memref<640000xi32, #tpu.memory_space<hbm>> -> memref<128xi32, #tpu.memory_space<hbm>>
    %dma_wait3A_73 = arith.constant 0 : i32
    %dma_wait3A_74 = tpu.memref_slice %arg2[%dma_wait3A_73] : memref<640000xi32, #tpu.memory_space<hbm>> -> memref<128xi32, #tpu.memory_space<hbm>>
    tpu.wait_dma2 semaphore(%arg14 : memref<!tpu.dma_semaphore, #tpu.memory_space<semaphore_mem>>) src(%dma_wait3A_74 : memref<128xi32, #tpu.memory_space<hbm>>) dst(%arg6 : memref<128xi32, #tpu.memory_space<vmem>>)
    %dma_start3A_75 = arith.constant 0 : i32
    %dma_start3A_76 = tpu.memref_slice %arg12[%dma_start3A_75] : memref<10000xf32, #tpu.memory_space<vmem_shared>> -> memref<10000xf32, #tpu.memory_space<vmem_shared>>
    tpu.enqueue_indirect_dma source(%arg10 : memref<128xf32, #tpu.memory_space<vmem>>) target(%dma_start3A_76 : memref<10000xf32, #tpu.memory_space<vmem_shared>>) offsets(%arg6 : memref<128xi32, #tpu.memory_space<vmem>>) semaphore(%arg18 : memref<!tpu.dma_semaphore, #tpu.memory_space<semaphore_mem>>) {add = true}
    %add3A_77 = arith.constant 384 : i32
    %add3A_78 = arith.addi %add3A_4, %add3A_77 : i32
    %multiple_of3A_79 = tpu.assume_multiple %add3A_78, 8 : i32
    %dma_start3A_80 = tpu.memref_slice %arg2[%multiple_of3A_79] : memref<640000xi32, #tpu.memory_space<hbm>> -> memref<128xi32, #tpu.memory_space<hbm>>
    %dma_start3A_81 = tpu.memref_slice %arg2[%multiple_of3A_79] : memref<640000xi32, #tpu.memory_space<hbm>> -> memref<128xi32, #tpu.memory_space<hbm>>
    tpu.enqueue_dma source(%dma_start3A_81 : memref<128xi32, #tpu.memory_space<hbm>>) target(%arg8 : memref<128xi32, #tpu.memory_space<vmem>>) target_semaphore(%arg16 : memref<!tpu.dma_semaphore, #tpu.memory_space<semaphore_mem>>)
    %scan3A = arith.constant 0 : i32
    %scan3A_82 = arith.constant 0 : i32
    %scan3A_83 = arith.constant 18 : i32
    %scan3A_84 = arith.addi %scan3A_82, %scan3A_83 : i32
    %scan3A_85 = arith.constant 1 : i32
    scf.for %scan3A_142 = %scan3A_82 to %scan3A_84 step %scan3A_85  : i32 {
      %mul3A_143 = arith.constant 4 : i32
      %mul3A_144 = arith.muli %mul3A_143, %scan3A_142 : i32
      %add3A_145 = arith.constant 2 : i32
      %add3A_146 = arith.addi %mul3A_144, %add3A_145 : i32
      %dma_wait3A_147 = arith.constant 0 : i32
      %dma_wait3A_148 = tpu.memref_slice %arg2[%dma_wait3A_147] : memref<640000xi32, #tpu.memory_space<hbm>> -> memref<128xi32, #tpu.memory_space<hbm>>
      %dma_wait3A_149 = arith.constant 0 : i32
      %dma_wait3A_150 = tpu.memref_slice %arg2[%dma_wait3A_149] : memref<640000xi32, #tpu.memory_space<hbm>> -> memref<128xi32, #tpu.memory_space<hbm>>
      tpu.wait_dma2 semaphore(%arg15 : memref<!tpu.dma_semaphore, #tpu.memory_space<semaphore_mem>>) src(%dma_wait3A_150 : memref<128xi32, #tpu.memory_space<hbm>>) dst(%arg7 : memref<128xi32, #tpu.memory_space<vmem>>)
      %dma_wait3A_151 = arith.constant 0 : i32
      %dma_wait3A_152 = tpu.memref_slice %arg12[%dma_wait3A_151] : memref<10000xf32, #tpu.memory_space<vmem_shared>> -> memref<10000xf32, #tpu.memory_space<vmem_shared>>
      tpu.wait_indirect_dma semaphore(%arg17 : memref<!tpu.dma_semaphore, #tpu.memory_space<semaphore_mem>>) src(%arg10 : memref<128xf32, #tpu.memory_space<vmem>>) dst(%dma_wait3A_152 : memref<10000xf32, #tpu.memory_space<vmem_shared>>)
      %dma_start3A_153 = arith.constant 0 : i32
      %dma_start3A_154 = tpu.memref_slice %arg12[%dma_start3A_153] : memref<10000xf32, #tpu.memory_space<vmem_shared>> -> memref<10000xf32, #tpu.memory_space<vmem_shared>>
      tpu.enqueue_indirect_dma source(%arg10 : memref<128xf32, #tpu.memory_space<vmem>>) target(%dma_start3A_154 : memref<10000xf32, #tpu.memory_space<vmem_shared>>) offsets(%arg7 : memref<128xi32, #tpu.memory_space<vmem>>) semaphore(%arg19 : memref<!tpu.dma_semaphore, #tpu.memory_space<semaphore_mem>>) {add = true}
      %add3A_155 = arith.constant 2 : i32
      %add3A_156 = arith.addi %add3A_146, %add3A_155 : i32
      %mul3A_157 = arith.constant 128 : i32
      %mul3A_158 = arith.muli %add3A_156, %mul3A_157 : i32
      %add3A_159 = arith.addi %add3A_4, %mul3A_158 : i32
      %multiple_of3A_160 = tpu.assume_multiple %add3A_159, 8 : i32
      %dma_start3A_161 = tpu.memref_slice %arg2[%multiple_of3A_160] : memref<640000xi32, #tpu.memory_space<hbm>> -> memref<128xi32, #tpu.memory_space<hbm>>
      %dma_start3A_162 = tpu.memref_slice %arg2[%multiple_of3A_160] : memref<640000xi32, #tpu.memory_space<hbm>> -> memref<128xi32, #tpu.memory_space<hbm>>
      tpu.enqueue_dma source(%dma_start3A_162 : memref<128xi32, #tpu.memory_space<hbm>>) target(%arg5 : memref<128xi32, #tpu.memory_space<vmem>>) target_semaphore(%arg13 : memref<!tpu.dma_semaphore, #tpu.memory_space<semaphore_mem>>)
      %add3A_163 = arith.constant 1 : i32
      %add3A_164 = arith.addi %add3A_146, %add3A_163 : i32
      %dma_wait3A_165 = arith.constant 0 : i32
      %dma_wait3A_166 = tpu.memref_slice %arg2[%dma_wait3A_165] : memref<640000xi32, #tpu.memory_space<hbm>> -> memref<128xi32, #tpu.memory_space<hbm>>
      %dma_wait3A_167 = arith.constant 0 : i32
      %dma_wait3A_168 = tpu.memref_slice %arg2[%dma_wait3A_167] : memref<640000xi32, #tpu.memory_space<hbm>> -> memref<128xi32, #tpu.memory_space<hbm>>
      tpu.wait_dma2 semaphore(%arg16 : memref<!tpu.dma_semaphore, #tpu.memory_space<semaphore_mem>>) src(%dma_wait3A_168 : memref<128xi32, #tpu.memory_space<hbm>>) dst(%arg8 : memref<128xi32, #tpu.memory_space<vmem>>)
      %dma_wait3A_169 = arith.constant 0 : i32
      %dma_wait3A_170 = tpu.memref_slice %arg12[%dma_wait3A_169] : memref<10000xf32, #tpu.memory_space<vmem_shared>> -> memref<10000xf32, #tpu.memory_space<vmem_shared>>
      tpu.wait_indirect_dma semaphore(%arg18 : memref<!tpu.dma_semaphore, #tpu.memory_space<semaphore_mem>>) src(%arg10 : memref<128xf32, #tpu.memory_space<vmem>>) dst(%dma_wait3A_170 : memref<10000xf32, #tpu.memory_space<vmem_shared>>)
      %dma_start3A_171 = arith.constant 0 : i32
      %dma_start3A_172 = tpu.memref_slice %arg12[%dma_start3A_171] : memref<10000xf32, #tpu.memory_space<vmem_shared>> -> memref<10000xf32, #tpu.memory_space<vmem_shared>>
      tpu.enqueue_indirect_dma source(%arg10 : memref<128xf32, #tpu.memory_space<vmem>>) target(%dma_start3A_172 : memref<10000xf32, #tpu.memory_space<vmem_shared>>) offsets(%arg8 : memref<128xi32, #tpu.memory_space<vmem>>) semaphore(%arg20 : memref<!tpu.dma_semaphore, #tpu.memory_space<semaphore_mem>>) {add = true}
      %add3A_173 = arith.constant 2 : i32
      %add3A_174 = arith.addi %add3A_164, %add3A_173 : i32
      %mul3A_175 = arith.constant 128 : i32
      %mul3A_176 = arith.muli %add3A_174, %mul3A_175 : i32
      %add3A_177 = arith.addi %add3A_4, %mul3A_176 : i32
      %multiple_of3A_178 = tpu.assume_multiple %add3A_177, 8 : i32
      %dma_start3A_179 = tpu.memref_slice %arg2[%multiple_of3A_178] : memref<640000xi32, #tpu.memory_space<hbm>> -> memref<128xi32, #tpu.memory_space<hbm>>
      %dma_start3A_180 = tpu.memref_slice %arg2[%multiple_of3A_178] : memref<640000xi32, #tpu.memory_space<hbm>> -> memref<128xi32, #tpu.memory_space<hbm>>
      tpu.enqueue_dma source(%dma_start3A_180 : memref<128xi32, #tpu.memory_space<hbm>>) target(%arg6 : memref<128xi32, #tpu.memory_space<vmem>>) target_semaphore(%arg14 : memref<!tpu.dma_semaphore, #tpu.memory_space<semaphore_mem>>)
      %add3A_181 = arith.constant 2 : i32
      %add3A_182 = arith.addi %add3A_146, %add3A_181 : i32
      %dma_wait3A_183 = arith.constant 0 : i32
      %dma_wait3A_184 = tpu.memref_slice %arg2[%dma_wait3A_183] : memref<640000xi32, #tpu.memory_space<hbm>> -> memref<128xi32, #tpu.memory_space<hbm>>
      %dma_wait3A_185 = arith.constant 0 : i32
      %dma_wait3A_186 = tpu.memref_slice %arg2[%dma_wait3A_185] : memref<640000xi32, #tpu.memory_space<hbm>> -> memref<128xi32, #tpu.memory_space<hbm>>
      tpu.wait_dma2 semaphore(%arg13 : memref<!tpu.dma_semaphore, #tpu.memory_space<semaphore_mem>>) src(%dma_wait3A_186 : memref<128xi32, #tpu.memory_space<hbm>>) dst(%arg5 : memref<128xi32, #tpu.memory_space<vmem>>)
      %dma_wait3A_187 = arith.constant 0 : i32
      %dma_wait3A_188 = tpu.memref_slice %arg12[%dma_wait3A_187] : memref<10000xf32, #tpu.memory_space<vmem_shared>> -> memref<10000xf32, #tpu.memory_space<vmem_shared>>
      tpu.wait_indirect_dma semaphore(%arg19 : memref<!tpu.dma_semaphore, #tpu.memory_space<semaphore_mem>>) src(%arg10 : memref<128xf32, #tpu.memory_space<vmem>>) dst(%dma_wait3A_188 : memref<10000xf32, #tpu.memory_space<vmem_shared>>)
      %dma_start3A_189 = arith.constant 0 : i32
      %dma_start3A_190 = tpu.memref_slice %arg12[%dma_start3A_189] : memref<10000xf32, #tpu.memory_space<vmem_shared>> -> memref<10000xf32, #tpu.memory_space<vmem_shared>>
      tpu.enqueue_indirect_dma source(%arg10 : memref<128xf32, #tpu.memory_space<vmem>>) target(%dma_start3A_190 : memref<10000xf32, #tpu.memory_space<vmem_shared>>) offsets(%arg5 : memref<128xi32, #tpu.memory_space<vmem>>) semaphore(%arg17 : memref<!tpu.dma_semaphore, #tpu.memory_space<semaphore_mem>>) {add = true}
      %add3A_191 = arith.constant 2 : i32
      %add3A_192 = arith.addi %add3A_182, %add3A_191 : i32
      %mul3A_193 = arith.constant 128 : i32
      %mul3A_194 = arith.muli %add3A_192, %mul3A_193 : i32
      %add3A_195 = arith.addi %add3A_4, %mul3A_194 : i32
      %multiple_of3A_196 = tpu.assume_multiple %add3A_195, 8 : i32
      %dma_start3A_197 = tpu.memref_slice %arg2[%multiple_of3A_196] : memref<640000xi32, #tpu.memory_space<hbm>> -> memref<128xi32, #tpu.memory_space<hbm>>
      %dma_start3A_198 = tpu.memref_slice %arg2[%multiple_of3A_196] : memref<640000xi32, #tpu.memory_space<hbm>> -> memref<128xi32, #tpu.memory_space<hbm>>
      tpu.enqueue_dma source(%dma_start3A_198 : memref<128xi32, #tpu.memory_space<hbm>>) target(%arg7 : memref<128xi32, #tpu.memory_space<vmem>>) target_semaphore(%arg15 : memref<!tpu.dma_semaphore, #tpu.memory_space<semaphore_mem>>)
      %add3A_199 = arith.constant 3 : i32
      %add3A_200 = arith.addi %add3A_146, %add3A_199 : i32
      %dma_wait3A_201 = arith.constant 0 : i32
      %dma_wait3A_202 = tpu.memref_slice %arg2[%dma_wait3A_201] : memref<640000xi32, #tpu.memory_space<hbm>> -> memref<128xi32, #tpu.memory_space<hbm>>
      %dma_wait3A_203 = arith.constant 0 : i32
      %dma_wait3A_204 = tpu.memref_slice %arg2[%dma_wait3A_203] : memref<640000xi32, #tpu.memory_space<hbm>> -> memref<128xi32, #tpu.memory_space<hbm>>
      tpu.wait_dma2 semaphore(%arg14 : memref<!tpu.dma_semaphore, #tpu.memory_space<semaphore_mem>>) src(%dma_wait3A_204 : memref<128xi32, #tpu.memory_space<hbm>>) dst(%arg6 : memref<128xi32, #tpu.memory_space<vmem>>)
      %dma_wait3A_205 = arith.constant 0 : i32
      %dma_wait3A_206 = tpu.memref_slice %arg12[%dma_wait3A_205] : memref<10000xf32, #tpu.memory_space<vmem_shared>> -> memref<10000xf32, #tpu.memory_space<vmem_shared>>
      tpu.wait_indirect_dma semaphore(%arg20 : memref<!tpu.dma_semaphore, #tpu.memory_space<semaphore_mem>>) src(%arg10 : memref<128xf32, #tpu.memory_space<vmem>>) dst(%dma_wait3A_206 : memref<10000xf32, #tpu.memory_space<vmem_shared>>)
      %dma_start3A_207 = arith.constant 0 : i32
      %dma_start3A_208 = tpu.memref_slice %arg12[%dma_start3A_207] : memref<10000xf32, #tpu.memory_space<vmem_shared>> -> memref<10000xf32, #tpu.memory_space<vmem_shared>>
      tpu.enqueue_indirect_dma source(%arg10 : memref<128xf32, #tpu.memory_space<vmem>>) target(%dma_start3A_208 : memref<10000xf32, #tpu.memory_space<vmem_shared>>) offsets(%arg6 : memref<128xi32, #tpu.memory_space<vmem>>) semaphore(%arg18 : memref<!tpu.dma_semaphore, #tpu.memory_space<semaphore_mem>>) {add = true}
      %add3A_209 = arith.constant 2 : i32
      %add3A_210 = arith.addi %add3A_200, %add3A_209 : i32
      %mul3A_211 = arith.constant 128 : i32
      %mul3A_212 = arith.muli %add3A_210, %mul3A_211 : i32
      %add3A_213 = arith.addi %add3A_4, %mul3A_212 : i32
      %multiple_of3A_214 = tpu.assume_multiple %add3A_213, 8 : i32
      %dma_start3A_215 = tpu.memref_slice %arg2[%multiple_of3A_214] : memref<640000xi32, #tpu.memory_space<hbm>> -> memref<128xi32, #tpu.memory_space<hbm>>
      %dma_start3A_216 = tpu.memref_slice %arg2[%multiple_of3A_214] : memref<640000xi32, #tpu.memory_space<hbm>> -> memref<128xi32, #tpu.memory_space<hbm>>
      tpu.enqueue_dma source(%dma_start3A_216 : memref<128xi32, #tpu.memory_space<hbm>>) target(%arg8 : memref<128xi32, #tpu.memory_space<vmem>>) target_semaphore(%arg16 : memref<!tpu.dma_semaphore, #tpu.memory_space<semaphore_mem>>)
    }
    %scan3A_86 = arith.constant 18 : i32
    %dma_wait3A_87 = arith.constant 0 : i32
    %dma_wait3A_88 = tpu.memref_slice %arg2[%dma_wait3A_87] : memref<640000xi32, #tpu.memory_space<hbm>> -> memref<128xi32, #tpu.memory_space<hbm>>
    %dma_wait3A_89 = arith.constant 0 : i32
    %dma_wait3A_90 = tpu.memref_slice %arg2[%dma_wait3A_89] : memref<640000xi32, #tpu.memory_space<hbm>> -> memref<128xi32, #tpu.memory_space<hbm>>
    tpu.wait_dma2 semaphore(%arg15 : memref<!tpu.dma_semaphore, #tpu.memory_space<semaphore_mem>>) src(%dma_wait3A_90 : memref<128xi32, #tpu.memory_space<hbm>>) dst(%arg7 : memref<128xi32, #tpu.memory_space<vmem>>)
    %dma_wait3A_91 = arith.constant 0 : i32
    %dma_wait3A_92 = tpu.memref_slice %arg12[%dma_wait3A_91] : memref<10000xf32, #tpu.memory_space<vmem_shared>> -> memref<10000xf32, #tpu.memory_space<vmem_shared>>
    tpu.wait_indirect_dma semaphore(%arg17 : memref<!tpu.dma_semaphore, #tpu.memory_space<semaphore_mem>>) src(%arg10 : memref<128xf32, #tpu.memory_space<vmem>>) dst(%dma_wait3A_92 : memref<10000xf32, #tpu.memory_space<vmem_shared>>)
    %dma_start3A_93 = arith.constant 0 : i32
    %dma_start3A_94 = tpu.memref_slice %arg12[%dma_start3A_93] : memref<10000xf32, #tpu.memory_space<vmem_shared>> -> memref<10000xf32, #tpu.memory_space<vmem_shared>>
    tpu.enqueue_indirect_dma source(%arg10 : memref<128xf32, #tpu.memory_space<vmem>>) target(%dma_start3A_94 : memref<10000xf32, #tpu.memory_space<vmem_shared>>) offsets(%arg7 : memref<128xi32, #tpu.memory_space<vmem>>) semaphore(%arg19 : memref<!tpu.dma_semaphore, #tpu.memory_space<semaphore_mem>>) {add = true}
    %add3A_95 = arith.constant 9728 : i32
    %add3A_96 = arith.addi %add3A_4, %add3A_95 : i32
    %multiple_of3A_97 = tpu.assume_multiple %add3A_96, 8 : i32
    %dma_start3A_98 = tpu.memref_slice %arg2[%multiple_of3A_97] : memref<640000xi32, #tpu.memory_space<hbm>> -> memref<128xi32, #tpu.memory_space<hbm>>
    %dma_start3A_99 = tpu.memref_slice %arg2[%multiple_of3A_97] : memref<640000xi32, #tpu.memory_space<hbm>> -> memref<128xi32, #tpu.memory_space<hbm>>
    tpu.enqueue_dma source(%dma_start3A_99 : memref<128xi32, #tpu.memory_space<hbm>>) target(%arg5 : memref<128xi32, #tpu.memory_space<vmem>>) target_semaphore(%arg13 : memref<!tpu.dma_semaphore, #tpu.memory_space<semaphore_mem>>)
    %dma_wait3A_100 = arith.constant 0 : i32
    %dma_wait3A_101 = tpu.memref_slice %arg2[%dma_wait3A_100] : memref<640000xi32, #tpu.memory_space<hbm>> -> memref<128xi32, #tpu.memory_space<hbm>>
    %dma_wait3A_102 = arith.constant 0 : i32
    %dma_wait3A_103 = tpu.memref_slice %arg2[%dma_wait3A_102] : memref<640000xi32, #tpu.memory_space<hbm>> -> memref<128xi32, #tpu.memory_space<hbm>>
    tpu.wait_dma2 semaphore(%arg16 : memref<!tpu.dma_semaphore, #tpu.memory_space<semaphore_mem>>) src(%dma_wait3A_103 : memref<128xi32, #tpu.memory_space<hbm>>) dst(%arg8 : memref<128xi32, #tpu.memory_space<vmem>>)
    %dma_wait3A_104 = arith.constant 0 : i32
    %dma_wait3A_105 = tpu.memref_slice %arg12[%dma_wait3A_104] : memref<10000xf32, #tpu.memory_space<vmem_shared>> -> memref<10000xf32, #tpu.memory_space<vmem_shared>>
    tpu.wait_indirect_dma semaphore(%arg18 : memref<!tpu.dma_semaphore, #tpu.memory_space<semaphore_mem>>) src(%arg10 : memref<128xf32, #tpu.memory_space<vmem>>) dst(%dma_wait3A_105 : memref<10000xf32, #tpu.memory_space<vmem_shared>>)
    %dma_start3A_106 = arith.constant 0 : i32
    %dma_start3A_107 = tpu.memref_slice %arg12[%dma_start3A_106] : memref<10000xf32, #tpu.memory_space<vmem_shared>> -> memref<10000xf32, #tpu.memory_space<vmem_shared>>
    tpu.enqueue_indirect_dma source(%arg10 : memref<128xf32, #tpu.memory_space<vmem>>) target(%dma_start3A_107 : memref<10000xf32, #tpu.memory_space<vmem_shared>>) offsets(%arg8 : memref<128xi32, #tpu.memory_space<vmem>>) semaphore(%arg20 : memref<!tpu.dma_semaphore, #tpu.memory_space<semaphore_mem>>) {add = true}
    %add3A_108 = arith.constant 9856 : i32
    %add3A_109 = arith.addi %add3A_4, %add3A_108 : i32
    %multiple_of3A_110 = tpu.assume_multiple %add3A_109, 8 : i32
    %dma_start3A_111 = tpu.memref_slice %arg2[%multiple_of3A_110] : memref<640000xi32, #tpu.memory_space<hbm>> -> memref<128xi32, #tpu.memory_space<hbm>>
    %dma_start3A_112 = tpu.memref_slice %arg2[%multiple_of3A_110] : memref<640000xi32, #tpu.memory_space<hbm>> -> memref<128xi32, #tpu.memory_space<hbm>>
    tpu.enqueue_dma source(%dma_start3A_112 : memref<128xi32, #tpu.memory_space<hbm>>) target(%arg6 : memref<128xi32, #tpu.memory_space<vmem>>) target_semaphore(%arg14 : memref<!tpu.dma_semaphore, #tpu.memory_space<semaphore_mem>>)
    %dma_wait3A_113 = arith.constant 0 : i32
    %dma_wait3A_114 = tpu.memref_slice %arg2[%dma_wait3A_113] : memref<640000xi32, #tpu.memory_space<hbm>> -> memref<128xi32, #tpu.memory_space<hbm>>
    %dma_wait3A_115 = arith.constant 0 : i32
    %dma_wait3A_116 = tpu.memref_slice %arg2[%dma_wait3A_115] : memref<640000xi32, #tpu.memory_space<hbm>> -> memref<128xi32, #tpu.memory_space<hbm>>
    tpu.wait_dma2 semaphore(%arg13 : memref<!tpu.dma_semaphore, #tpu.memory_space<semaphore_mem>>) src(%dma_wait3A_116 : memref<128xi32, #tpu.memory_space<hbm>>) dst(%arg5 : memref<128xi32, #tpu.memory_space<vmem>>)
    %dma_wait3A_117 = arith.constant 0 : i32
    %dma_wait3A_118 = tpu.memref_slice %arg12[%dma_wait3A_117] : memref<10000xf32, #tpu.memory_space<vmem_shared>> -> memref<10000xf32, #tpu.memory_space<vmem_shared>>
    tpu.wait_indirect_dma semaphore(%arg19 : memref<!tpu.dma_semaphore, #tpu.memory_space<semaphore_mem>>) src(%arg10 : memref<128xf32, #tpu.memory_space<vmem>>) dst(%dma_wait3A_118 : memref<10000xf32, #tpu.memory_space<vmem_shared>>)
    %dma_start3A_119 = arith.constant 0 : i32
    %dma_start3A_120 = tpu.memref_slice %arg12[%dma_start3A_119] : memref<10000xf32, #tpu.memory_space<vmem_shared>> -> memref<10000xf32, #tpu.memory_space<vmem_shared>>
    tpu.enqueue_indirect_dma source(%arg10 : memref<128xf32, #tpu.memory_space<vmem>>) target(%dma_start3A_120 : memref<10000xf32, #tpu.memory_space<vmem_shared>>) offsets(%arg5 : memref<128xi32, #tpu.memory_space<vmem>>) semaphore(%arg17 : memref<!tpu.dma_semaphore, #tpu.memory_space<semaphore_mem>>) {add = true}
    %dma_wait3A_121 = arith.constant 0 : i32
    %dma_wait3A_122 = tpu.memref_slice %arg2[%dma_wait3A_121] : memref<640000xi32, #tpu.memory_space<hbm>> -> memref<128xi32, #tpu.memory_space<hbm>>
    %dma_wait3A_123 = arith.constant 0 : i32
    %dma_wait3A_124 = tpu.memref_slice %arg2[%dma_wait3A_123] : memref<640000xi32, #tpu.memory_space<hbm>> -> memref<128xi32, #tpu.memory_space<hbm>>
    tpu.wait_dma2 semaphore(%arg14 : memref<!tpu.dma_semaphore, #tpu.memory_space<semaphore_mem>>) src(%dma_wait3A_124 : memref<128xi32, #tpu.memory_space<hbm>>) dst(%arg6 : memref<128xi32, #tpu.memory_space<vmem>>)
    %dma_wait3A_125 = arith.constant 0 : i32
    %dma_wait3A_126 = tpu.memref_slice %arg12[%dma_wait3A_125] : memref<10000xf32, #tpu.memory_space<vmem_shared>> -> memref<10000xf32, #tpu.memory_space<vmem_shared>>
    tpu.wait_indirect_dma semaphore(%arg20 : memref<!tpu.dma_semaphore, #tpu.memory_space<semaphore_mem>>) src(%arg10 : memref<128xf32, #tpu.memory_space<vmem>>) dst(%dma_wait3A_126 : memref<10000xf32, #tpu.memory_space<vmem_shared>>)
    %dma_start3A_127 = arith.constant 0 : i32
    %dma_start3A_128 = tpu.memref_slice %arg12[%dma_start3A_127] : memref<10000xf32, #tpu.memory_space<vmem_shared>> -> memref<10000xf32, #tpu.memory_space<vmem_shared>>
    tpu.enqueue_indirect_dma source(%arg10 : memref<128xf32, #tpu.memory_space<vmem>>) target(%dma_start3A_128 : memref<10000xf32, #tpu.memory_space<vmem_shared>>) offsets(%arg6 : memref<128xi32, #tpu.memory_space<vmem>>) semaphore(%arg18 : memref<!tpu.dma_semaphore, #tpu.memory_space<semaphore_mem>>) {add = true}
    %dma_wait3A_129 = arith.constant 0 : i32
    %dma_wait3A_130 = tpu.memref_slice %arg12[%dma_wait3A_129] : memref<10000xf32, #tpu.memory_space<vmem_shared>> -> memref<10000xf32, #tpu.memory_space<vmem_shared>>
    tpu.wait_indirect_dma semaphore(%arg17 : memref<!tpu.dma_semaphore, #tpu.memory_space<semaphore_mem>>) src(%arg10 : memref<128xf32, #tpu.memory_space<vmem>>) dst(%dma_wait3A_130 : memref<10000xf32, #tpu.memory_space<vmem_shared>>)
    %dma_wait3A_131 = arith.constant 0 : i32
    %dma_wait3A_132 = tpu.memref_slice %arg12[%dma_wait3A_131] : memref<10000xf32, #tpu.memory_space<vmem_shared>> -> memref<10000xf32, #tpu.memory_space<vmem_shared>>
    tpu.wait_indirect_dma semaphore(%arg18 : memref<!tpu.dma_semaphore, #tpu.memory_space<semaphore_mem>>) src(%arg10 : memref<128xf32, #tpu.memory_space<vmem>>) dst(%dma_wait3A_132 : memref<10000xf32, #tpu.memory_space<vmem_shared>>)
    %add3A_133 = arith.constant 9984 : i32
    %add3A_134 = arith.addi %add3A_4, %add3A_133 : i32
    %multiple_of3A_135 = tpu.assume_multiple %add3A_134, 8 : i32
    "tpu.region"() ({
      %run_scoped3A = tpu.sem_alloc : memref<!tpu.dma_semaphore, #tpu.memory_space<semaphore_mem>>
      %dma_start3A_142 = tpu.memref_slice %arg2[%multiple_of3A_135] : memref<640000xi32, #tpu.memory_space<hbm>> -> memref<16xi32, #tpu.memory_space<hbm>>
      %dma_start3A_143 = tpu.memref_slice %arg2[%multiple_of3A_135] : memref<640000xi32, #tpu.memory_space<hbm>> -> memref<16xi32, #tpu.memory_space<hbm>>
      tpu.enqueue_dma source(%dma_start3A_143 : memref<16xi32, #tpu.memory_space<hbm>>) target(%arg9 : memref<16xi32, #tpu.memory_space<vmem>>) target_semaphore(%run_scoped3A : memref<!tpu.dma_semaphore, #tpu.memory_space<semaphore_mem>>)
      %dma_wait3A_144 = tpu.memref_slice %arg2[%multiple_of3A_135] : memref<640000xi32, #tpu.memory_space<hbm>> -> memref<16xi32, #tpu.memory_space<hbm>>
      %dma_wait3A_145 = tpu.memref_slice %arg2[%multiple_of3A_135] : memref<640000xi32, #tpu.memory_space<hbm>> -> memref<16xi32, #tpu.memory_space<hbm>>
      tpu.wait_dma2 semaphore(%run_scoped3A : memref<!tpu.dma_semaphore, #tpu.memory_space<semaphore_mem>>) src(%dma_wait3A_145 : memref<16xi32, #tpu.memory_space<hbm>>) dst(%arg9 : memref<16xi32, #tpu.memory_space<vmem>>)
      tpu.yield
    }) : () -> ()
    "tpu.region"() ({
      %run_scoped3A = tpu.sem_alloc : memref<!tpu.dma_semaphore, #tpu.memory_space<semaphore_mem>>
      %dma_start3A_142 = arith.constant 0 : i32
      %dma_start3A_143 = tpu.memref_slice %arg10[%dma_start3A_142] : memref<128xf32, #tpu.memory_space<vmem>> -> memref<16xf32, #tpu.memory_space<vmem>>
      %dma_start3A_144 = arith.constant 0 : i32
      %dma_start3A_145 = tpu.memref_slice %arg12[%dma_start3A_144] : memref<10000xf32, #tpu.memory_space<vmem_shared>> -> memref<10000xf32, #tpu.memory_space<vmem_shared>>
      tpu.enqueue_indirect_dma source(%dma_start3A_143 : memref<16xf32, #tpu.memory_space<vmem>>) target(%dma_start3A_145 : memref<10000xf32, #tpu.memory_space<vmem_shared>>) offsets(%arg9 : memref<16xi32, #tpu.memory_space<vmem>>) semaphore(%run_scoped3A : memref<!tpu.dma_semaphore, #tpu.memory_space<semaphore_mem>>) {add = true}
      %dma_wait3A_146 = arith.constant 0 : i32
      %dma_wait3A_147 = tpu.memref_slice %arg10[%dma_wait3A_146] : memref<128xf32, #tpu.memory_space<vmem>> -> memref<16xf32, #tpu.memory_space<vmem>>
      %dma_wait3A_148 = arith.constant 0 : i32
      %dma_wait3A_149 = tpu.memref_slice %arg12[%dma_wait3A_148] : memref<10000xf32, #tpu.memory_space<vmem_shared>> -> memref<10000xf32, #tpu.memory_space<vmem_shared>>
      tpu.wait_indirect_dma semaphore(%run_scoped3A : memref<!tpu.dma_semaphore, #tpu.memory_space<semaphore_mem>>) src(%dma_wait3A_147 : memref<16xf32, #tpu.memory_space<vmem>>) dst(%dma_wait3A_149 : memref<10000xf32, #tpu.memory_space<vmem_shared>>)
      tpu.yield
    }) : () -> ()
    %barrier3A_136 = arith.constant 0 : index
    tpu.barrier barrier_id(%barrier3A_136)
    %eq3A_137 = arith.constant 0 : i32
    %eq3A_138 = arith.cmpi eq, %arg1, %eq3A_137 : i32
    %convert_element_type3A_139 = arith.extui %eq3A_138 : i1 to i32
    %cond3A_140 = arith.constant 0 : i32
    %cond3A_141 = arith.cmpi ne, %convert_element_type3A_139, %cond3A_140 : i32
    scf.if %cond3A_141 {
      %mul3A_142 = arith.constant 10000 : i32
      %mul3A_143 = arith.muli %arg0, %mul3A_142 : i32
      %multiple_of3A_144 = tpu.assume_multiple %mul3A_143, 8 : i32
      "tpu.region"() ({
        %run_scoped3A = tpu.sem_alloc : memref<!tpu.dma_semaphore, #tpu.memory_space<semaphore_mem>>
        tpu.enqueue_dma source(%arg12 : memref<10000xf32, #tpu.memory_space<vmem_shared>>) target(%arg11 : memref<10000xf32, #tpu.memory_space<vmem>>) target_semaphore(%run_scoped3A : memref<!tpu.dma_semaphore, #tpu.memory_space<semaphore_mem>>)
        tpu.wait_dma2 semaphore(%run_scoped3A : memref<!tpu.dma_semaphore, #tpu.memory_space<semaphore_mem>>) src(%arg12 : memref<10000xf32, #tpu.memory_space<vmem_shared>>) dst(%arg11 : memref<10000xf32, #tpu.memory_space<vmem>>)
        tpu.yield
      }) : () -> ()
      "tpu.region"() ({
        %run_scoped3A = tpu.sem_alloc : memref<!tpu.dma_semaphore, #tpu.memory_space<semaphore_mem>>
        %dma_start3A_145 = tpu.memref_slice %arg4[%multiple_of3A_144] : memref<20000xf32, #tpu.memory_space<hbm>> -> memref<10000xf32, #tpu.memory_space<hbm>>
        %dma_start3A_146 = tpu.memref_slice %arg4[%multiple_of3A_144] : memref<20000xf32, #tpu.memory_space<hbm>> -> memref<10000xf32, #tpu.memory_space<hbm>>
        tpu.enqueue_dma source(%arg11 : memref<10000xf32, #tpu.memory_space<vmem>>) target(%dma_start3A_146 : memref<10000xf32, #tpu.memory_space<hbm>>) target_semaphore(%run_scoped3A : memref<!tpu.dma_semaphore, #tpu.memory_space<semaphore_mem>>)
        %dma_wait3A_147 = tpu.memref_slice %arg4[%multiple_of3A_144] : memref<20000xf32, #tpu.memory_space<hbm>> -> memref<10000xf32, #tpu.memory_space<hbm>>
        %dma_wait3A_148 = tpu.memref_slice %arg4[%multiple_of3A_144] : memref<20000xf32, #tpu.memory_space<hbm>> -> memref<10000xf32, #tpu.memory_space<hbm>>
        tpu.wait_dma2 semaphore(%run_scoped3A : memref<!tpu.dma_semaphore, #tpu.memory_space<semaphore_mem>>) src(%arg11 : memref<10000xf32, #tpu.memory_space<vmem>>) dst(%dma_wait3A_148 : memref<10000xf32, #tpu.memory_space<hbm>>)
        tpu.yield
      }) : () -> ()
    } else {
    }
    return
  }
}

#map = affine_map<(d0, d1) -> (0, 0)>
#map1 = affine_map<(d0, d1) -> (0)>
#map2 = affine_map<(d0, d1) -> (0, 0, 0)>
module attributes {stable_mosaic.version = 14 : i64} {
  func.func @scatter(%arg0: i32, %arg1: i32, %arg2: memref<10000x128xf32, #tpu.memory_space<hbm>>, %arg3: memref<640000xi32, #tpu.memory_space<hbm>>, %arg4: memref<2x10000x128xf32, #tpu.memory_space<hbm>>, %arg5: memref<128xi32, #tpu.memory_space<vmem>>, %arg6: memref<128xi32, #tpu.memory_space<vmem>>, %arg7: memref<128xi32, #tpu.memory_space<vmem>>, %arg8: memref<128xi32, #tpu.memory_space<vmem>>, %arg9: memref<128xi32, #tpu.memory_space<vmem>>, %arg10: memref<128xi32, #tpu.memory_space<vmem>>, %arg11: memref<16xi32, #tpu.memory_space<vmem>>, %arg12: memref<128x128xf32, #tpu.memory_space<vmem>>, %arg13: memref<128x128xf32, #tpu.memory_space<vmem>>, %arg14: memref<128x128xf32, #tpu.memory_space<vmem>>, %arg15: memref<10000x128xf32, #tpu.memory_space<vmem_shared>>, %arg16: memref<!tpu.dma_semaphore, #tpu.memory_space<semaphore_mem>>, %arg17: memref<!tpu.dma_semaphore, #tpu.memory_space<semaphore_mem>>, %arg18: memref<!tpu.dma_semaphore, #tpu.memory_space<semaphore_mem>>, %arg19: memref<!tpu.dma_semaphore, #tpu.memory_space<semaphore_mem>>, %arg20: memref<!tpu.dma_semaphore, #tpu.memory_space<semaphore_mem>>, %arg21: memref<!tpu.dma_semaphore, #tpu.memory_space<semaphore_mem>>, %arg22: memref<!tpu.dma_semaphore, #tpu.memory_space<semaphore_mem>>, %arg23: memref<!tpu.dma_semaphore, #tpu.memory_space<semaphore_mem>>, %arg24: memref<!tpu.dma_semaphore, #tpu.memory_space<semaphore_mem>>, %arg25: memref<!tpu.dma_semaphore, #tpu.memory_space<semaphore_mem>>, %arg26: memref<!tpu.dma_semaphore, #tpu.memory_space<semaphore_mem>>, %arg27: memref<!tpu.dma_semaphore, #tpu.memory_space<semaphore_mem>>) attributes {dimension_semantics = [#tpu.dimension_semantics<core_parallel>, #tpu.dimension_semantics<subcore_parallel>], iteration_bounds = array<i64: 2, 16>, scalar_prefetch = 0 : i64, scratch_operands = 23 : i64, tpu.core_type = #tpu.core_type<sc_vector_subcore>, window_params = [{transform_indices = #map}, {transform_indices = #map1}, {transform_indices = #map2}]} {
    %mul3A = arith.constant 16 : i32
    %mul3A_0 = arith.muli %arg0, %mul3A : i32
    %add3A = arith.addi %mul3A_0, %arg1 : i32
    %mul3A_1 = arith.constant 10000 : i32
    %mul3A_2 = arith.muli %add3A, %mul3A_1 : i32
    %lt3A = arith.constant 15 : i32
    %lt3A_3 = arith.cmpi slt, %arg1, %lt3A : i32
    %convert_element_type3A = arith.extui %lt3A_3 : i1 to i32
    %cond3A = arith.constant 0 : i32
    %cond3A_4 = arith.cmpi ne, %convert_element_type3A, %cond3A : i32
    scf.if %cond3A_4 {
      %mul3A_231 = arith.constant 640 : i32
      %mul3A_232 = arith.muli %arg1, %mul3A_231 : i32
      %multiple_of3A_233 = tpu.assume_multiple %mul3A_232, 16 : i32
      "tpu.region"() ({
        %run_scoped3A = tpu.sem_alloc : memref<!tpu.dma_semaphore, #tpu.memory_space<semaphore_mem>>
        %dma_start3A_234 = arith.constant 0 : i32
        %dma_start3A_235 = tpu.memref_slice %arg15[%multiple_of3A_233, %dma_start3A_234] : memref<10000x128xf32, #tpu.memory_space<vmem_shared>> -> memref<640x128xf32, #tpu.memory_space<vmem_shared>>
        %dma_start3A_236 = arith.constant 0 : i32
        %dma_start3A_237 = tpu.memref_slice %arg2[%multiple_of3A_233, %dma_start3A_236] : memref<10000x128xf32, #tpu.memory_space<hbm>> -> memref<640x128xf32, #tpu.memory_space<hbm>>
        tpu.enqueue_dma source(%dma_start3A_237 : memref<640x128xf32, #tpu.memory_space<hbm>>) target(%dma_start3A_235 : memref<640x128xf32, #tpu.memory_space<vmem_shared>>) target_semaphore(%run_scoped3A : memref<!tpu.dma_semaphore, #tpu.memory_space<semaphore_mem>>)
        %dma_wait3A_238 = arith.constant 0 : i32
        %dma_wait3A_239 = tpu.memref_slice %arg15[%multiple_of3A_233, %dma_wait3A_238] : memref<10000x128xf32, #tpu.memory_space<vmem_shared>> -> memref<640x128xf32, #tpu.memory_space<vmem_shared>>
        %dma_wait3A_240 = arith.constant 0 : i32
        %dma_wait3A_241 = tpu.memref_slice %arg2[%multiple_of3A_233, %dma_wait3A_240] : memref<10000x128xf32, #tpu.memory_space<hbm>> -> memref<640x128xf32, #tpu.memory_space<hbm>>
        tpu.wait_dma2 semaphore(%run_scoped3A : memref<!tpu.dma_semaphore, #tpu.memory_space<semaphore_mem>>) src(%dma_wait3A_241 : memref<640x128xf32, #tpu.memory_space<hbm>>) dst(%dma_wait3A_239 : memref<640x128xf32, #tpu.memory_space<vmem_shared>>)
        tpu.yield
      }) : () -> ()
    } else {
    }
    %eq3A = arith.constant 15 : i32
    %eq3A_5 = arith.cmpi eq, %arg1, %eq3A : i32
    %convert_element_type3A_6 = arith.extui %eq3A_5 : i1 to i32
    %cond3A_7 = arith.constant 0 : i32
    %cond3A_8 = arith.cmpi ne, %convert_element_type3A_6, %cond3A_7 : i32
    scf.if %cond3A_8 {
      "tpu.region"() ({
        %run_scoped3A = tpu.sem_alloc : memref<!tpu.dma_semaphore, #tpu.memory_space<semaphore_mem>>
        %dma_start3A_231 = arith.constant 9600 : i32
        %dma_start3A_232 = arith.constant 0 : i32
        %dma_start3A_233 = tpu.memref_slice %arg15[%dma_start3A_231, %dma_start3A_232] : memref<10000x128xf32, #tpu.memory_space<vmem_shared>> -> memref<400x128xf32, #tpu.memory_space<vmem_shared>>
        %dma_start3A_234 = arith.constant 9600 : i32
        %dma_start3A_235 = arith.constant 0 : i32
        %dma_start3A_236 = tpu.memref_slice %arg2[%dma_start3A_234, %dma_start3A_235] : memref<10000x128xf32, #tpu.memory_space<hbm>> -> memref<400x128xf32, #tpu.memory_space<hbm>>
        tpu.enqueue_dma source(%dma_start3A_236 : memref<400x128xf32, #tpu.memory_space<hbm>>) target(%dma_start3A_233 : memref<400x128xf32, #tpu.memory_space<vmem_shared>>) target_semaphore(%run_scoped3A : memref<!tpu.dma_semaphore, #tpu.memory_space<semaphore_mem>>)
        %dma_wait3A_237 = arith.constant 9600 : i32
        %dma_wait3A_238 = arith.constant 0 : i32
        %dma_wait3A_239 = tpu.memref_slice %arg15[%dma_wait3A_237, %dma_wait3A_238] : memref<10000x128xf32, #tpu.memory_space<vmem_shared>> -> memref<400x128xf32, #tpu.memory_space<vmem_shared>>
        %dma_wait3A_240 = arith.constant 9600 : i32
        %dma_wait3A_241 = arith.constant 0 : i32
        %dma_wait3A_242 = tpu.memref_slice %arg2[%dma_wait3A_240, %dma_wait3A_241] : memref<10000x128xf32, #tpu.memory_space<hbm>> -> memref<400x128xf32, #tpu.memory_space<hbm>>
        tpu.wait_dma2 semaphore(%run_scoped3A : memref<!tpu.dma_semaphore, #tpu.memory_space<semaphore_mem>>) src(%dma_wait3A_242 : memref<400x128xf32, #tpu.memory_space<hbm>>) dst(%dma_wait3A_239 : memref<400x128xf32, #tpu.memory_space<vmem_shared>>)
        tpu.yield
      }) : () -> ()
    } else {
    }
    %barrier3A = arith.constant 0 : index
    tpu.barrier barrier_id(%barrier3A)
    %add3A_9 = arith.constant 0 : i32
    %add3A_10 = arith.addi %mul3A_2, %add3A_9 : i32
    %multiple_of3A = tpu.assume_multiple %add3A_10, 8 : i32
    %dma_start3A = tpu.memref_slice %arg3[%multiple_of3A] : memref<640000xi32, #tpu.memory_space<hbm>> -> memref<128xi32, #tpu.memory_space<hbm>>
    %dma_start3A_11 = tpu.memref_slice %arg3[%multiple_of3A] : memref<640000xi32, #tpu.memory_space<hbm>> -> memref<128xi32, #tpu.memory_space<hbm>>
    tpu.enqueue_dma source(%dma_start3A_11 : memref<128xi32, #tpu.memory_space<hbm>>) target(%arg5 : memref<128xi32, #tpu.memory_space<vmem>>) target_semaphore(%arg16 : memref<!tpu.dma_semaphore, #tpu.memory_space<semaphore_mem>>)
    %add3A_12 = arith.constant 320000 : i32
    %add3A_13 = arith.addi %add3A_12, %mul3A_2 : i32
    %add3A_14 = arith.constant 0 : i32
    %add3A_15 = arith.addi %add3A_13, %add3A_14 : i32
    %multiple_of3A_16 = tpu.assume_multiple %add3A_15, 8 : i32
    %dma_start3A_17 = tpu.memref_slice %arg3[%multiple_of3A_16] : memref<640000xi32, #tpu.memory_space<hbm>> -> memref<128xi32, #tpu.memory_space<hbm>>
    %dma_start3A_18 = tpu.memref_slice %arg3[%multiple_of3A_16] : memref<640000xi32, #tpu.memory_space<hbm>> -> memref<128xi32, #tpu.memory_space<hbm>>
    tpu.enqueue_dma source(%dma_start3A_18 : memref<128xi32, #tpu.memory_space<hbm>>) target(%arg8 : memref<128xi32, #tpu.memory_space<vmem>>) target_semaphore(%arg19 : memref<!tpu.dma_semaphore, #tpu.memory_space<semaphore_mem>>)
    %dma_wait3A = arith.constant 0 : i32
    %dma_wait3A_19 = tpu.memref_slice %arg3[%dma_wait3A] : memref<640000xi32, #tpu.memory_space<hbm>> -> memref<128xi32, #tpu.memory_space<hbm>>
    %dma_wait3A_20 = arith.constant 0 : i32
    %dma_wait3A_21 = tpu.memref_slice %arg3[%dma_wait3A_20] : memref<640000xi32, #tpu.memory_space<hbm>> -> memref<128xi32, #tpu.memory_space<hbm>>
    tpu.wait_dma2 semaphore(%arg16 : memref<!tpu.dma_semaphore, #tpu.memory_space<semaphore_mem>>) src(%dma_wait3A_21 : memref<128xi32, #tpu.memory_space<hbm>>) dst(%arg5 : memref<128xi32, #tpu.memory_space<vmem>>)
    %dma_start3A_22 = arith.constant 0 : i32
    %dma_start3A_23 = arith.constant 0 : i32
    %dma_start3A_24 = tpu.memref_slice %arg2[%dma_start3A_22, %dma_start3A_23] : memref<10000x128xf32, #tpu.memory_space<hbm>> -> memref<10000x128xf32, #tpu.memory_space<hbm>>
    tpu.enqueue_indirect_dma source(%dma_start3A_24 : memref<10000x128xf32, #tpu.memory_space<hbm>>) target(%arg12 : memref<128x128xf32, #tpu.memory_space<vmem>>) offsets(%arg5 : memref<128xi32, #tpu.memory_space<vmem>>) semaphore(%arg22 : memref<!tpu.dma_semaphore, #tpu.memory_space<semaphore_mem>>)
    %add3A_25 = arith.constant 128 : i32
    %add3A_26 = arith.addi %mul3A_2, %add3A_25 : i32
    %multiple_of3A_27 = tpu.assume_multiple %add3A_26, 8 : i32
    %dma_start3A_28 = tpu.memref_slice %arg3[%multiple_of3A_27] : memref<640000xi32, #tpu.memory_space<hbm>> -> memref<128xi32, #tpu.memory_space<hbm>>
    %dma_start3A_29 = tpu.memref_slice %arg3[%multiple_of3A_27] : memref<640000xi32, #tpu.memory_space<hbm>> -> memref<128xi32, #tpu.memory_space<hbm>>
    tpu.enqueue_dma source(%dma_start3A_29 : memref<128xi32, #tpu.memory_space<hbm>>) target(%arg6 : memref<128xi32, #tpu.memory_space<vmem>>) target_semaphore(%arg17 : memref<!tpu.dma_semaphore, #tpu.memory_space<semaphore_mem>>)
    %add3A_30 = arith.constant 256 : i32
    %add3A_31 = arith.addi %mul3A_2, %add3A_30 : i32
    %multiple_of3A_32 = tpu.assume_multiple %add3A_31, 8 : i32
    %dma_start3A_33 = tpu.memref_slice %arg3[%multiple_of3A_32] : memref<640000xi32, #tpu.memory_space<hbm>> -> memref<128xi32, #tpu.memory_space<hbm>>
    %dma_start3A_34 = tpu.memref_slice %arg3[%multiple_of3A_32] : memref<640000xi32, #tpu.memory_space<hbm>> -> memref<128xi32, #tpu.memory_space<hbm>>
    tpu.enqueue_dma source(%dma_start3A_34 : memref<128xi32, #tpu.memory_space<hbm>>) target(%arg7 : memref<128xi32, #tpu.memory_space<vmem>>) target_semaphore(%arg18 : memref<!tpu.dma_semaphore, #tpu.memory_space<semaphore_mem>>)
    %dma_wait3A_35 = arith.constant 0 : i32
    %dma_wait3A_36 = arith.constant 0 : i32
    %dma_wait3A_37 = tpu.memref_slice %arg2[%dma_wait3A_35, %dma_wait3A_36] : memref<10000x128xf32, #tpu.memory_space<hbm>> -> memref<128x128xf32, #tpu.memory_space<hbm>>
    %dma_wait3A_38 = arith.constant 0 : i32
    %dma_wait3A_39 = arith.constant 0 : i32
    %dma_wait3A_40 = tpu.memref_slice %arg2[%dma_wait3A_38, %dma_wait3A_39] : memref<10000x128xf32, #tpu.memory_space<hbm>> -> memref<128x128xf32, #tpu.memory_space<hbm>>
    tpu.wait_dma2 semaphore(%arg22 : memref<!tpu.dma_semaphore, #tpu.memory_space<semaphore_mem>>) src(%dma_wait3A_40 : memref<128x128xf32, #tpu.memory_space<hbm>>) dst(%arg12 : memref<128x128xf32, #tpu.memory_space<vmem>>)
    %dma_wait3A_41 = arith.constant 0 : i32
    %dma_wait3A_42 = tpu.memref_slice %arg3[%dma_wait3A_41] : memref<640000xi32, #tpu.memory_space<hbm>> -> memref<128xi32, #tpu.memory_space<hbm>>
    %dma_wait3A_43 = arith.constant 0 : i32
    %dma_wait3A_44 = tpu.memref_slice %arg3[%dma_wait3A_43] : memref<640000xi32, #tpu.memory_space<hbm>> -> memref<128xi32, #tpu.memory_space<hbm>>
    tpu.wait_dma2 semaphore(%arg17 : memref<!tpu.dma_semaphore, #tpu.memory_space<semaphore_mem>>) src(%dma_wait3A_44 : memref<128xi32, #tpu.memory_space<hbm>>) dst(%arg6 : memref<128xi32, #tpu.memory_space<vmem>>)
    %dma_start3A_45 = arith.constant 0 : i32
    %dma_start3A_46 = arith.constant 0 : i32
    %dma_start3A_47 = tpu.memref_slice %arg2[%dma_start3A_45, %dma_start3A_46] : memref<10000x128xf32, #tpu.memory_space<hbm>> -> memref<10000x128xf32, #tpu.memory_space<hbm>>
    tpu.enqueue_indirect_dma source(%dma_start3A_47 : memref<10000x128xf32, #tpu.memory_space<hbm>>) target(%arg13 : memref<128x128xf32, #tpu.memory_space<vmem>>) offsets(%arg6 : memref<128xi32, #tpu.memory_space<vmem>>) semaphore(%arg23 : memref<!tpu.dma_semaphore, #tpu.memory_space<semaphore_mem>>)
    %add3A_48 = arith.constant 384 : i32
    %add3A_49 = arith.addi %mul3A_2, %add3A_48 : i32
    %multiple_of3A_50 = tpu.assume_multiple %add3A_49, 8 : i32
    %dma_start3A_51 = tpu.memref_slice %arg3[%multiple_of3A_50] : memref<640000xi32, #tpu.memory_space<hbm>> -> memref<128xi32, #tpu.memory_space<hbm>>
    %dma_start3A_52 = tpu.memref_slice %arg3[%multiple_of3A_50] : memref<640000xi32, #tpu.memory_space<hbm>> -> memref<128xi32, #tpu.memory_space<hbm>>
    tpu.enqueue_dma source(%dma_start3A_52 : memref<128xi32, #tpu.memory_space<hbm>>) target(%arg5 : memref<128xi32, #tpu.memory_space<vmem>>) target_semaphore(%arg16 : memref<!tpu.dma_semaphore, #tpu.memory_space<semaphore_mem>>)
    %add3A_53 = arith.constant 320000 : i32
    %add3A_54 = arith.addi %add3A_53, %mul3A_2 : i32
    %add3A_55 = arith.constant 128 : i32
    %add3A_56 = arith.addi %add3A_54, %add3A_55 : i32
    %multiple_of3A_57 = tpu.assume_multiple %add3A_56, 8 : i32
    %dma_start3A_58 = tpu.memref_slice %arg3[%multiple_of3A_57] : memref<640000xi32, #tpu.memory_space<hbm>> -> memref<128xi32, #tpu.memory_space<hbm>>
    %dma_start3A_59 = tpu.memref_slice %arg3[%multiple_of3A_57] : memref<640000xi32, #tpu.memory_space<hbm>> -> memref<128xi32, #tpu.memory_space<hbm>>
    tpu.enqueue_dma source(%dma_start3A_59 : memref<128xi32, #tpu.memory_space<hbm>>) target(%arg9 : memref<128xi32, #tpu.memory_space<vmem>>) target_semaphore(%arg20 : memref<!tpu.dma_semaphore, #tpu.memory_space<semaphore_mem>>)
    %dma_wait3A_60 = arith.constant 0 : i32
    %dma_wait3A_61 = tpu.memref_slice %arg3[%dma_wait3A_60] : memref<640000xi32, #tpu.memory_space<hbm>> -> memref<128xi32, #tpu.memory_space<hbm>>
    %dma_wait3A_62 = arith.constant 0 : i32
    %dma_wait3A_63 = tpu.memref_slice %arg3[%dma_wait3A_62] : memref<640000xi32, #tpu.memory_space<hbm>> -> memref<128xi32, #tpu.memory_space<hbm>>
    tpu.wait_dma2 semaphore(%arg19 : memref<!tpu.dma_semaphore, #tpu.memory_space<semaphore_mem>>) src(%dma_wait3A_63 : memref<128xi32, #tpu.memory_space<hbm>>) dst(%arg8 : memref<128xi32, #tpu.memory_space<vmem>>)
    %dma_start3A_64 = arith.constant 0 : i32
    %dma_start3A_65 = arith.constant 0 : i32
    %dma_start3A_66 = tpu.memref_slice %arg15[%dma_start3A_64, %dma_start3A_65] : memref<10000x128xf32, #tpu.memory_space<vmem_shared>> -> memref<10000x128xf32, #tpu.memory_space<vmem_shared>>
    tpu.enqueue_indirect_dma source(%arg12 : memref<128x128xf32, #tpu.memory_space<vmem>>) target(%dma_start3A_66 : memref<10000x128xf32, #tpu.memory_space<vmem_shared>>) offsets(%arg8 : memref<128xi32, #tpu.memory_space<vmem>>) semaphore(%arg25 : memref<!tpu.dma_semaphore, #tpu.memory_space<semaphore_mem>>) {add = true}
    %dma_wait3A_67 = arith.constant 0 : i32
    %dma_wait3A_68 = arith.constant 0 : i32
    %dma_wait3A_69 = tpu.memref_slice %arg2[%dma_wait3A_67, %dma_wait3A_68] : memref<10000x128xf32, #tpu.memory_space<hbm>> -> memref<128x128xf32, #tpu.memory_space<hbm>>
    %dma_wait3A_70 = arith.constant 0 : i32
    %dma_wait3A_71 = arith.constant 0 : i32
    %dma_wait3A_72 = tpu.memref_slice %arg2[%dma_wait3A_70, %dma_wait3A_71] : memref<10000x128xf32, #tpu.memory_space<hbm>> -> memref<128x128xf32, #tpu.memory_space<hbm>>
    tpu.wait_dma2 semaphore(%arg23 : memref<!tpu.dma_semaphore, #tpu.memory_space<semaphore_mem>>) src(%dma_wait3A_72 : memref<128x128xf32, #tpu.memory_space<hbm>>) dst(%arg13 : memref<128x128xf32, #tpu.memory_space<vmem>>)
    %dma_wait3A_73 = arith.constant 0 : i32
    %dma_wait3A_74 = tpu.memref_slice %arg3[%dma_wait3A_73] : memref<640000xi32, #tpu.memory_space<hbm>> -> memref<128xi32, #tpu.memory_space<hbm>>
    %dma_wait3A_75 = arith.constant 0 : i32
    %dma_wait3A_76 = tpu.memref_slice %arg3[%dma_wait3A_75] : memref<640000xi32, #tpu.memory_space<hbm>> -> memref<128xi32, #tpu.memory_space<hbm>>
    tpu.wait_dma2 semaphore(%arg18 : memref<!tpu.dma_semaphore, #tpu.memory_space<semaphore_mem>>) src(%dma_wait3A_76 : memref<128xi32, #tpu.memory_space<hbm>>) dst(%arg7 : memref<128xi32, #tpu.memory_space<vmem>>)
    %dma_start3A_77 = arith.constant 0 : i32
    %dma_start3A_78 = arith.constant 0 : i32
    %dma_start3A_79 = tpu.memref_slice %arg2[%dma_start3A_77, %dma_start3A_78] : memref<10000x128xf32, #tpu.memory_space<hbm>> -> memref<10000x128xf32, #tpu.memory_space<hbm>>
    tpu.enqueue_indirect_dma source(%dma_start3A_79 : memref<10000x128xf32, #tpu.memory_space<hbm>>) target(%arg14 : memref<128x128xf32, #tpu.memory_space<vmem>>) offsets(%arg7 : memref<128xi32, #tpu.memory_space<vmem>>) semaphore(%arg24 : memref<!tpu.dma_semaphore, #tpu.memory_space<semaphore_mem>>)
    %add3A_80 = arith.constant 512 : i32
    %add3A_81 = arith.addi %mul3A_2, %add3A_80 : i32
    %multiple_of3A_82 = tpu.assume_multiple %add3A_81, 8 : i32
    %dma_start3A_83 = tpu.memref_slice %arg3[%multiple_of3A_82] : memref<640000xi32, #tpu.memory_space<hbm>> -> memref<128xi32, #tpu.memory_space<hbm>>
    %dma_start3A_84 = tpu.memref_slice %arg3[%multiple_of3A_82] : memref<640000xi32, #tpu.memory_space<hbm>> -> memref<128xi32, #tpu.memory_space<hbm>>
    tpu.enqueue_dma source(%dma_start3A_84 : memref<128xi32, #tpu.memory_space<hbm>>) target(%arg6 : memref<128xi32, #tpu.memory_space<vmem>>) target_semaphore(%arg17 : memref<!tpu.dma_semaphore, #tpu.memory_space<semaphore_mem>>)
    %add3A_85 = arith.constant 320000 : i32
    %add3A_86 = arith.addi %add3A_85, %mul3A_2 : i32
    %add3A_87 = arith.constant 256 : i32
    %add3A_88 = arith.addi %add3A_86, %add3A_87 : i32
    %multiple_of3A_89 = tpu.assume_multiple %add3A_88, 8 : i32
    %dma_start3A_90 = tpu.memref_slice %arg3[%multiple_of3A_89] : memref<640000xi32, #tpu.memory_space<hbm>> -> memref<128xi32, #tpu.memory_space<hbm>>
    %dma_start3A_91 = tpu.memref_slice %arg3[%multiple_of3A_89] : memref<640000xi32, #tpu.memory_space<hbm>> -> memref<128xi32, #tpu.memory_space<hbm>>
    tpu.enqueue_dma source(%dma_start3A_91 : memref<128xi32, #tpu.memory_space<hbm>>) target(%arg10 : memref<128xi32, #tpu.memory_space<vmem>>) target_semaphore(%arg21 : memref<!tpu.dma_semaphore, #tpu.memory_space<semaphore_mem>>)
    %dma_wait3A_92 = arith.constant 0 : i32
    %dma_wait3A_93 = tpu.memref_slice %arg3[%dma_wait3A_92] : memref<640000xi32, #tpu.memory_space<hbm>> -> memref<128xi32, #tpu.memory_space<hbm>>
    %dma_wait3A_94 = arith.constant 0 : i32
    %dma_wait3A_95 = tpu.memref_slice %arg3[%dma_wait3A_94] : memref<640000xi32, #tpu.memory_space<hbm>> -> memref<128xi32, #tpu.memory_space<hbm>>
    tpu.wait_dma2 semaphore(%arg20 : memref<!tpu.dma_semaphore, #tpu.memory_space<semaphore_mem>>) src(%dma_wait3A_95 : memref<128xi32, #tpu.memory_space<hbm>>) dst(%arg9 : memref<128xi32, #tpu.memory_space<vmem>>)
    %dma_start3A_96 = arith.constant 0 : i32
    %dma_start3A_97 = arith.constant 0 : i32
    %dma_start3A_98 = tpu.memref_slice %arg15[%dma_start3A_96, %dma_start3A_97] : memref<10000x128xf32, #tpu.memory_space<vmem_shared>> -> memref<10000x128xf32, #tpu.memory_space<vmem_shared>>
    tpu.enqueue_indirect_dma source(%arg13 : memref<128x128xf32, #tpu.memory_space<vmem>>) target(%dma_start3A_98 : memref<10000x128xf32, #tpu.memory_space<vmem_shared>>) offsets(%arg9 : memref<128xi32, #tpu.memory_space<vmem>>) semaphore(%arg26 : memref<!tpu.dma_semaphore, #tpu.memory_space<semaphore_mem>>) {add = true}
    %scan3A = arith.constant 0 : i32
    %scan3A_99 = arith.constant 0 : i32
    %scan3A_100 = arith.constant 24 : i32
    %scan3A_101 = arith.addi %scan3A_99, %scan3A_100 : i32
    %scan3A_102 = arith.constant 1 : i32
    scf.for %scan3A_231 = %scan3A_99 to %scan3A_101 step %scan3A_102  : i32 {
      %mul3A_232 = arith.constant 3 : i32
      %mul3A_233 = arith.muli %mul3A_232, %scan3A_231 : i32
      %add3A_234 = arith.constant 2 : i32
      %add3A_235 = arith.addi %mul3A_233, %add3A_234 : i32
      %dma_wait3A_236 = arith.constant 0 : i32
      %dma_wait3A_237 = arith.constant 0 : i32
      %dma_wait3A_238 = tpu.memref_slice %arg2[%dma_wait3A_236, %dma_wait3A_237] : memref<10000x128xf32, #tpu.memory_space<hbm>> -> memref<128x128xf32, #tpu.memory_space<hbm>>
      %dma_wait3A_239 = arith.constant 0 : i32
      %dma_wait3A_240 = arith.constant 0 : i32
      %dma_wait3A_241 = tpu.memref_slice %arg2[%dma_wait3A_239, %dma_wait3A_240] : memref<10000x128xf32, #tpu.memory_space<hbm>> -> memref<128x128xf32, #tpu.memory_space<hbm>>
      tpu.wait_dma2 semaphore(%arg24 : memref<!tpu.dma_semaphore, #tpu.memory_space<semaphore_mem>>) src(%dma_wait3A_241 : memref<128x128xf32, #tpu.memory_space<hbm>>) dst(%arg14 : memref<128x128xf32, #tpu.memory_space<vmem>>)
      %dma_wait3A_242 = arith.constant 0 : i32
      %dma_wait3A_243 = tpu.memref_slice %arg3[%dma_wait3A_242] : memref<640000xi32, #tpu.memory_space<hbm>> -> memref<128xi32, #tpu.memory_space<hbm>>
      %dma_wait3A_244 = arith.constant 0 : i32
      %dma_wait3A_245 = tpu.memref_slice %arg3[%dma_wait3A_244] : memref<640000xi32, #tpu.memory_space<hbm>> -> memref<128xi32, #tpu.memory_space<hbm>>
      tpu.wait_dma2 semaphore(%arg16 : memref<!tpu.dma_semaphore, #tpu.memory_space<semaphore_mem>>) src(%dma_wait3A_245 : memref<128xi32, #tpu.memory_space<hbm>>) dst(%arg5 : memref<128xi32, #tpu.memory_space<vmem>>)
      %dma_wait3A_246 = arith.constant 0 : i32
      %dma_wait3A_247 = arith.constant 0 : i32
      %dma_wait3A_248 = tpu.memref_slice %arg15[%dma_wait3A_246, %dma_wait3A_247] : memref<10000x128xf32, #tpu.memory_space<vmem_shared>> -> memref<10000x128xf32, #tpu.memory_space<vmem_shared>>
      tpu.wait_indirect_dma semaphore(%arg25 : memref<!tpu.dma_semaphore, #tpu.memory_space<semaphore_mem>>) src(%arg12 : memref<128x128xf32, #tpu.memory_space<vmem>>) dst(%dma_wait3A_248 : memref<10000x128xf32, #tpu.memory_space<vmem_shared>>)
      %dma_start3A_249 = arith.constant 0 : i32
      %dma_start3A_250 = arith.constant 0 : i32
      %dma_start3A_251 = tpu.memref_slice %arg2[%dma_start3A_249, %dma_start3A_250] : memref<10000x128xf32, #tpu.memory_space<hbm>> -> memref<10000x128xf32, #tpu.memory_space<hbm>>
      tpu.enqueue_indirect_dma source(%dma_start3A_251 : memref<10000x128xf32, #tpu.memory_space<hbm>>) target(%arg12 : memref<128x128xf32, #tpu.memory_space<vmem>>) offsets(%arg5 : memref<128xi32, #tpu.memory_space<vmem>>) semaphore(%arg22 : memref<!tpu.dma_semaphore, #tpu.memory_space<semaphore_mem>>)
      %add3A_252 = arith.constant 3 : i32
      %add3A_253 = arith.addi %add3A_235, %add3A_252 : i32
      %mul3A_254 = arith.constant 128 : i32
      %mul3A_255 = arith.muli %add3A_253, %mul3A_254 : i32
      %add3A_256 = arith.addi %mul3A_2, %mul3A_255 : i32
      %multiple_of3A_257 = tpu.assume_multiple %add3A_256, 8 : i32
      %dma_start3A_258 = tpu.memref_slice %arg3[%multiple_of3A_257] : memref<640000xi32, #tpu.memory_space<hbm>> -> memref<128xi32, #tpu.memory_space<hbm>>
      %dma_start3A_259 = tpu.memref_slice %arg3[%multiple_of3A_257] : memref<640000xi32, #tpu.memory_space<hbm>> -> memref<128xi32, #tpu.memory_space<hbm>>
      tpu.enqueue_dma source(%dma_start3A_259 : memref<128xi32, #tpu.memory_space<hbm>>) target(%arg7 : memref<128xi32, #tpu.memory_space<vmem>>) target_semaphore(%arg18 : memref<!tpu.dma_semaphore, #tpu.memory_space<semaphore_mem>>)
      %add3A_260 = arith.constant 1 : i32
      %add3A_261 = arith.addi %add3A_235, %add3A_260 : i32
      %add3A_262 = arith.constant 320000 : i32
      %add3A_263 = arith.addi %add3A_262, %mul3A_2 : i32
      %mul3A_264 = arith.constant 128 : i32
      %mul3A_265 = arith.muli %add3A_261, %mul3A_264 : i32
      %add3A_266 = arith.addi %add3A_263, %mul3A_265 : i32
      %multiple_of3A_267 = tpu.assume_multiple %add3A_266, 8 : i32
      %dma_start3A_268 = tpu.memref_slice %arg3[%multiple_of3A_267] : memref<640000xi32, #tpu.memory_space<hbm>> -> memref<128xi32, #tpu.memory_space<hbm>>
      %dma_start3A_269 = tpu.memref_slice %arg3[%multiple_of3A_267] : memref<640000xi32, #tpu.memory_space<hbm>> -> memref<128xi32, #tpu.memory_space<hbm>>
      tpu.enqueue_dma source(%dma_start3A_269 : memref<128xi32, #tpu.memory_space<hbm>>) target(%arg8 : memref<128xi32, #tpu.memory_space<vmem>>) target_semaphore(%arg19 : memref<!tpu.dma_semaphore, #tpu.memory_space<semaphore_mem>>)
      %dma_wait3A_270 = arith.constant 0 : i32
      %dma_wait3A_271 = tpu.memref_slice %arg3[%dma_wait3A_270] : memref<640000xi32, #tpu.memory_space<hbm>> -> memref<128xi32, #tpu.memory_space<hbm>>
      %dma_wait3A_272 = arith.constant 0 : i32
      %dma_wait3A_273 = tpu.memref_slice %arg3[%dma_wait3A_272] : memref<640000xi32, #tpu.memory_space<hbm>> -> memref<128xi32, #tpu.memory_space<hbm>>
      tpu.wait_dma2 semaphore(%arg21 : memref<!tpu.dma_semaphore, #tpu.memory_space<semaphore_mem>>) src(%dma_wait3A_273 : memref<128xi32, #tpu.memory_space<hbm>>) dst(%arg10 : memref<128xi32, #tpu.memory_space<vmem>>)
      %dma_start3A_274 = arith.constant 0 : i32
      %dma_start3A_275 = arith.constant 0 : i32
      %dma_start3A_276 = tpu.memref_slice %arg15[%dma_start3A_274, %dma_start3A_275] : memref<10000x128xf32, #tpu.memory_space<vmem_shared>> -> memref<10000x128xf32, #tpu.memory_space<vmem_shared>>
      tpu.enqueue_indirect_dma source(%arg14 : memref<128x128xf32, #tpu.memory_space<vmem>>) target(%dma_start3A_276 : memref<10000x128xf32, #tpu.memory_space<vmem_shared>>) offsets(%arg10 : memref<128xi32, #tpu.memory_space<vmem>>) semaphore(%arg27 : memref<!tpu.dma_semaphore, #tpu.memory_space<semaphore_mem>>) {add = true}
      %add3A_277 = arith.constant 1 : i32
      %add3A_278 = arith.addi %add3A_235, %add3A_277 : i32
      %dma_wait3A_279 = arith.constant 0 : i32
      %dma_wait3A_280 = arith.constant 0 : i32
      %dma_wait3A_281 = tpu.memref_slice %arg2[%dma_wait3A_279, %dma_wait3A_280] : memref<10000x128xf32, #tpu.memory_space<hbm>> -> memref<128x128xf32, #tpu.memory_space<hbm>>
      %dma_wait3A_282 = arith.constant 0 : i32
      %dma_wait3A_283 = arith.constant 0 : i32
      %dma_wait3A_284 = tpu.memref_slice %arg2[%dma_wait3A_282, %dma_wait3A_283] : memref<10000x128xf32, #tpu.memory_space<hbm>> -> memref<128x128xf32, #tpu.memory_space<hbm>>
      tpu.wait_dma2 semaphore(%arg22 : memref<!tpu.dma_semaphore, #tpu.memory_space<semaphore_mem>>) src(%dma_wait3A_284 : memref<128x128xf32, #tpu.memory_space<hbm>>) dst(%arg12 : memref<128x128xf32, #tpu.memory_space<vmem>>)
      %dma_wait3A_285 = arith.constant 0 : i32
      %dma_wait3A_286 = tpu.memref_slice %arg3[%dma_wait3A_285] : memref<640000xi32, #tpu.memory_space<hbm>> -> memref<128xi32, #tpu.memory_space<hbm>>
      %dma_wait3A_287 = arith.constant 0 : i32
      %dma_wait3A_288 = tpu.memref_slice %arg3[%dma_wait3A_287] : memref<640000xi32, #tpu.memory_space<hbm>> -> memref<128xi32, #tpu.memory_space<hbm>>
      tpu.wait_dma2 semaphore(%arg17 : memref<!tpu.dma_semaphore, #tpu.memory_space<semaphore_mem>>) src(%dma_wait3A_288 : memref<128xi32, #tpu.memory_space<hbm>>) dst(%arg6 : memref<128xi32, #tpu.memory_space<vmem>>)
      %dma_wait3A_289 = arith.constant 0 : i32
      %dma_wait3A_290 = arith.constant 0 : i32
      %dma_wait3A_291 = tpu.memref_slice %arg15[%dma_wait3A_289, %dma_wait3A_290] : memref<10000x128xf32, #tpu.memory_space<vmem_shared>> -> memref<10000x128xf32, #tpu.memory_space<vmem_shared>>
      tpu.wait_indirect_dma semaphore(%arg26 : memref<!tpu.dma_semaphore, #tpu.memory_space<semaphore_mem>>) src(%arg13 : memref<128x128xf32, #tpu.memory_space<vmem>>) dst(%dma_wait3A_291 : memref<10000x128xf32, #tpu.memory_space<vmem_shared>>)
      %dma_start3A_292 = arith.constant 0 : i32
      %dma_start3A_293 = arith.constant 0 : i32
      %dma_start3A_294 = tpu.memref_slice %arg2[%dma_start3A_292, %dma_start3A_293] : memref<10000x128xf32, #tpu.memory_space<hbm>> -> memref<10000x128xf32, #tpu.memory_space<hbm>>
      tpu.enqueue_indirect_dma source(%dma_start3A_294 : memref<10000x128xf32, #tpu.memory_space<hbm>>) target(%arg13 : memref<128x128xf32, #tpu.memory_space<vmem>>) offsets(%arg6 : memref<128xi32, #tpu.memory_space<vmem>>) semaphore(%arg23 : memref<!tpu.dma_semaphore, #tpu.memory_space<semaphore_mem>>)
      %add3A_295 = arith.constant 3 : i32
      %add3A_296 = arith.addi %add3A_278, %add3A_295 : i32
      %mul3A_297 = arith.constant 128 : i32
      %mul3A_298 = arith.muli %add3A_296, %mul3A_297 : i32
      %add3A_299 = arith.addi %mul3A_2, %mul3A_298 : i32
      %multiple_of3A_300 = tpu.assume_multiple %add3A_299, 8 : i32
      %dma_start3A_301 = tpu.memref_slice %arg3[%multiple_of3A_300] : memref<640000xi32, #tpu.memory_space<hbm>> -> memref<128xi32, #tpu.memory_space<hbm>>
      %dma_start3A_302 = tpu.memref_slice %arg3[%multiple_of3A_300] : memref<640000xi32, #tpu.memory_space<hbm>> -> memref<128xi32, #tpu.memory_space<hbm>>
      tpu.enqueue_dma source(%dma_start3A_302 : memref<128xi32, #tpu.memory_space<hbm>>) target(%arg5 : memref<128xi32, #tpu.memory_space<vmem>>) target_semaphore(%arg16 : memref<!tpu.dma_semaphore, #tpu.memory_space<semaphore_mem>>)
      %add3A_303 = arith.constant 1 : i32
      %add3A_304 = arith.addi %add3A_278, %add3A_303 : i32
      %add3A_305 = arith.constant 320000 : i32
      %add3A_306 = arith.addi %add3A_305, %mul3A_2 : i32
      %mul3A_307 = arith.constant 128 : i32
      %mul3A_308 = arith.muli %add3A_304, %mul3A_307 : i32
      %add3A_309 = arith.addi %add3A_306, %mul3A_308 : i32
      %multiple_of3A_310 = tpu.assume_multiple %add3A_309, 8 : i32
      %dma_start3A_311 = tpu.memref_slice %arg3[%multiple_of3A_310] : memref<640000xi32, #tpu.memory_space<hbm>> -> memref<128xi32, #tpu.memory_space<hbm>>
      %dma_start3A_312 = tpu.memref_slice %arg3[%multiple_of3A_310] : memref<640000xi32, #tpu.memory_space<hbm>> -> memref<128xi32, #tpu.memory_space<hbm>>
      tpu.enqueue_dma source(%dma_start3A_312 : memref<128xi32, #tpu.memory_space<hbm>>) target(%arg9 : memref<128xi32, #tpu.memory_space<vmem>>) target_semaphore(%arg20 : memref<!tpu.dma_semaphore, #tpu.memory_space<semaphore_mem>>)
      %dma_wait3A_313 = arith.constant 0 : i32
      %dma_wait3A_314 = tpu.memref_slice %arg3[%dma_wait3A_313] : memref<640000xi32, #tpu.memory_space<hbm>> -> memref<128xi32, #tpu.memory_space<hbm>>
      %dma_wait3A_315 = arith.constant 0 : i32
      %dma_wait3A_316 = tpu.memref_slice %arg3[%dma_wait3A_315] : memref<640000xi32, #tpu.memory_space<hbm>> -> memref<128xi32, #tpu.memory_space<hbm>>
      tpu.wait_dma2 semaphore(%arg19 : memref<!tpu.dma_semaphore, #tpu.memory_space<semaphore_mem>>) src(%dma_wait3A_316 : memref<128xi32, #tpu.memory_space<hbm>>) dst(%arg8 : memref<128xi32, #tpu.memory_space<vmem>>)
      %dma_start3A_317 = arith.constant 0 : i32
      %dma_start3A_318 = arith.constant 0 : i32
      %dma_start3A_319 = tpu.memref_slice %arg15[%dma_start3A_317, %dma_start3A_318] : memref<10000x128xf32, #tpu.memory_space<vmem_shared>> -> memref<10000x128xf32, #tpu.memory_space<vmem_shared>>
      tpu.enqueue_indirect_dma source(%arg12 : memref<128x128xf32, #tpu.memory_space<vmem>>) target(%dma_start3A_319 : memref<10000x128xf32, #tpu.memory_space<vmem_shared>>) offsets(%arg8 : memref<128xi32, #tpu.memory_space<vmem>>) semaphore(%arg25 : memref<!tpu.dma_semaphore, #tpu.memory_space<semaphore_mem>>) {add = true}
      %add3A_320 = arith.constant 2 : i32
      %add3A_321 = arith.addi %add3A_235, %add3A_320 : i32
      %dma_wait3A_322 = arith.constant 0 : i32
      %dma_wait3A_323 = arith.constant 0 : i32
      %dma_wait3A_324 = tpu.memref_slice %arg2[%dma_wait3A_322, %dma_wait3A_323] : memref<10000x128xf32, #tpu.memory_space<hbm>> -> memref<128x128xf32, #tpu.memory_space<hbm>>
      %dma_wait3A_325 = arith.constant 0 : i32
      %dma_wait3A_326 = arith.constant 0 : i32
      %dma_wait3A_327 = tpu.memref_slice %arg2[%dma_wait3A_325, %dma_wait3A_326] : memref<10000x128xf32, #tpu.memory_space<hbm>> -> memref<128x128xf32, #tpu.memory_space<hbm>>
      tpu.wait_dma2 semaphore(%arg23 : memref<!tpu.dma_semaphore, #tpu.memory_space<semaphore_mem>>) src(%dma_wait3A_327 : memref<128x128xf32, #tpu.memory_space<hbm>>) dst(%arg13 : memref<128x128xf32, #tpu.memory_space<vmem>>)
      %dma_wait3A_328 = arith.constant 0 : i32
      %dma_wait3A_329 = tpu.memref_slice %arg3[%dma_wait3A_328] : memref<640000xi32, #tpu.memory_space<hbm>> -> memref<128xi32, #tpu.memory_space<hbm>>
      %dma_wait3A_330 = arith.constant 0 : i32
      %dma_wait3A_331 = tpu.memref_slice %arg3[%dma_wait3A_330] : memref<640000xi32, #tpu.memory_space<hbm>> -> memref<128xi32, #tpu.memory_space<hbm>>
      tpu.wait_dma2 semaphore(%arg18 : memref<!tpu.dma_semaphore, #tpu.memory_space<semaphore_mem>>) src(%dma_wait3A_331 : memref<128xi32, #tpu.memory_space<hbm>>) dst(%arg7 : memref<128xi32, #tpu.memory_space<vmem>>)
      %dma_wait3A_332 = arith.constant 0 : i32
      %dma_wait3A_333 = arith.constant 0 : i32
      %dma_wait3A_334 = tpu.memref_slice %arg15[%dma_wait3A_332, %dma_wait3A_333] : memref<10000x128xf32, #tpu.memory_space<vmem_shared>> -> memref<10000x128xf32, #tpu.memory_space<vmem_shared>>
      tpu.wait_indirect_dma semaphore(%arg27 : memref<!tpu.dma_semaphore, #tpu.memory_space<semaphore_mem>>) src(%arg14 : memref<128x128xf32, #tpu.memory_space<vmem>>) dst(%dma_wait3A_334 : memref<10000x128xf32, #tpu.memory_space<vmem_shared>>)
      %dma_start3A_335 = arith.constant 0 : i32
      %dma_start3A_336 = arith.constant 0 : i32
      %dma_start3A_337 = tpu.memref_slice %arg2[%dma_start3A_335, %dma_start3A_336] : memref<10000x128xf32, #tpu.memory_space<hbm>> -> memref<10000x128xf32, #tpu.memory_space<hbm>>
      tpu.enqueue_indirect_dma source(%dma_start3A_337 : memref<10000x128xf32, #tpu.memory_space<hbm>>) target(%arg14 : memref<128x128xf32, #tpu.memory_space<vmem>>) offsets(%arg7 : memref<128xi32, #tpu.memory_space<vmem>>) semaphore(%arg24 : memref<!tpu.dma_semaphore, #tpu.memory_space<semaphore_mem>>)
      %add3A_338 = arith.constant 3 : i32
      %add3A_339 = arith.addi %add3A_321, %add3A_338 : i32
      %mul3A_340 = arith.constant 128 : i32
      %mul3A_341 = arith.muli %add3A_339, %mul3A_340 : i32
      %add3A_342 = arith.addi %mul3A_2, %mul3A_341 : i32
      %multiple_of3A_343 = tpu.assume_multiple %add3A_342, 8 : i32
      %dma_start3A_344 = tpu.memref_slice %arg3[%multiple_of3A_343] : memref<640000xi32, #tpu.memory_space<hbm>> -> memref<128xi32, #tpu.memory_space<hbm>>
      %dma_start3A_345 = tpu.memref_slice %arg3[%multiple_of3A_343] : memref<640000xi32, #tpu.memory_space<hbm>> -> memref<128xi32, #tpu.memory_space<hbm>>
      tpu.enqueue_dma source(%dma_start3A_345 : memref<128xi32, #tpu.memory_space<hbm>>) target(%arg6 : memref<128xi32, #tpu.memory_space<vmem>>) target_semaphore(%arg17 : memref<!tpu.dma_semaphore, #tpu.memory_space<semaphore_mem>>)
      %add3A_346 = arith.constant 1 : i32
      %add3A_347 = arith.addi %add3A_321, %add3A_346 : i32
      %add3A_348 = arith.constant 320000 : i32
      %add3A_349 = arith.addi %add3A_348, %mul3A_2 : i32
      %mul3A_350 = arith.constant 128 : i32
      %mul3A_351 = arith.muli %add3A_347, %mul3A_350 : i32
      %add3A_352 = arith.addi %add3A_349, %mul3A_351 : i32
      %multiple_of3A_353 = tpu.assume_multiple %add3A_352, 8 : i32
      %dma_start3A_354 = tpu.memref_slice %arg3[%multiple_of3A_353] : memref<640000xi32, #tpu.memory_space<hbm>> -> memref<128xi32, #tpu.memory_space<hbm>>
      %dma_start3A_355 = tpu.memref_slice %arg3[%multiple_of3A_353] : memref<640000xi32, #tpu.memory_space<hbm>> -> memref<128xi32, #tpu.memory_space<hbm>>
      tpu.enqueue_dma source(%dma_start3A_355 : memref<128xi32, #tpu.memory_space<hbm>>) target(%arg10 : memref<128xi32, #tpu.memory_space<vmem>>) target_semaphore(%arg21 : memref<!tpu.dma_semaphore, #tpu.memory_space<semaphore_mem>>)
      %dma_wait3A_356 = arith.constant 0 : i32
      %dma_wait3A_357 = tpu.memref_slice %arg3[%dma_wait3A_356] : memref<640000xi32, #tpu.memory_space<hbm>> -> memref<128xi32, #tpu.memory_space<hbm>>
      %dma_wait3A_358 = arith.constant 0 : i32
      %dma_wait3A_359 = tpu.memref_slice %arg3[%dma_wait3A_358] : memref<640000xi32, #tpu.memory_space<hbm>> -> memref<128xi32, #tpu.memory_space<hbm>>
      tpu.wait_dma2 semaphore(%arg20 : memref<!tpu.dma_semaphore, #tpu.memory_space<semaphore_mem>>) src(%dma_wait3A_359 : memref<128xi32, #tpu.memory_space<hbm>>) dst(%arg9 : memref<128xi32, #tpu.memory_space<vmem>>)
      %dma_start3A_360 = arith.constant 0 : i32
      %dma_start3A_361 = arith.constant 0 : i32
      %dma_start3A_362 = tpu.memref_slice %arg15[%dma_start3A_360, %dma_start3A_361] : memref<10000x128xf32, #tpu.memory_space<vmem_shared>> -> memref<10000x128xf32, #tpu.memory_space<vmem_shared>>
      tpu.enqueue_indirect_dma source(%arg13 : memref<128x128xf32, #tpu.memory_space<vmem>>) target(%dma_start3A_362 : memref<10000x128xf32, #tpu.memory_space<vmem_shared>>) offsets(%arg9 : memref<128xi32, #tpu.memory_space<vmem>>) semaphore(%arg26 : memref<!tpu.dma_semaphore, #tpu.memory_space<semaphore_mem>>) {add = true}
    }
    %scan3A_103 = arith.constant 24 : i32
    %dma_wait3A_104 = arith.constant 0 : i32
    %dma_wait3A_105 = arith.constant 0 : i32
    %dma_wait3A_106 = tpu.memref_slice %arg2[%dma_wait3A_104, %dma_wait3A_105] : memref<10000x128xf32, #tpu.memory_space<hbm>> -> memref<128x128xf32, #tpu.memory_space<hbm>>
    %dma_wait3A_107 = arith.constant 0 : i32
    %dma_wait3A_108 = arith.constant 0 : i32
    %dma_wait3A_109 = tpu.memref_slice %arg2[%dma_wait3A_107, %dma_wait3A_108] : memref<10000x128xf32, #tpu.memory_space<hbm>> -> memref<128x128xf32, #tpu.memory_space<hbm>>
    tpu.wait_dma2 semaphore(%arg24 : memref<!tpu.dma_semaphore, #tpu.memory_space<semaphore_mem>>) src(%dma_wait3A_109 : memref<128x128xf32, #tpu.memory_space<hbm>>) dst(%arg14 : memref<128x128xf32, #tpu.memory_space<vmem>>)
    %dma_wait3A_110 = arith.constant 0 : i32
    %dma_wait3A_111 = tpu.memref_slice %arg3[%dma_wait3A_110] : memref<640000xi32, #tpu.memory_space<hbm>> -> memref<128xi32, #tpu.memory_space<hbm>>
    %dma_wait3A_112 = arith.constant 0 : i32
    %dma_wait3A_113 = tpu.memref_slice %arg3[%dma_wait3A_112] : memref<640000xi32, #tpu.memory_space<hbm>> -> memref<128xi32, #tpu.memory_space<hbm>>
    tpu.wait_dma2 semaphore(%arg16 : memref<!tpu.dma_semaphore, #tpu.memory_space<semaphore_mem>>) src(%dma_wait3A_113 : memref<128xi32, #tpu.memory_space<hbm>>) dst(%arg5 : memref<128xi32, #tpu.memory_space<vmem>>)
    %dma_wait3A_114 = arith.constant 0 : i32
    %dma_wait3A_115 = arith.constant 0 : i32
    %dma_wait3A_116 = tpu.memref_slice %arg15[%dma_wait3A_114, %dma_wait3A_115] : memref<10000x128xf32, #tpu.memory_space<vmem_shared>> -> memref<10000x128xf32, #tpu.memory_space<vmem_shared>>
    tpu.wait_indirect_dma semaphore(%arg25 : memref<!tpu.dma_semaphore, #tpu.memory_space<semaphore_mem>>) src(%arg12 : memref<128x128xf32, #tpu.memory_space<vmem>>) dst(%dma_wait3A_116 : memref<10000x128xf32, #tpu.memory_space<vmem_shared>>)
    %dma_start3A_117 = arith.constant 0 : i32
    %dma_start3A_118 = arith.constant 0 : i32
    %dma_start3A_119 = tpu.memref_slice %arg2[%dma_start3A_117, %dma_start3A_118] : memref<10000x128xf32, #tpu.memory_space<hbm>> -> memref<10000x128xf32, #tpu.memory_space<hbm>>
    tpu.enqueue_indirect_dma source(%dma_start3A_119 : memref<10000x128xf32, #tpu.memory_space<hbm>>) target(%arg12 : memref<128x128xf32, #tpu.memory_space<vmem>>) offsets(%arg5 : memref<128xi32, #tpu.memory_space<vmem>>) semaphore(%arg22 : memref<!tpu.dma_semaphore, #tpu.memory_space<semaphore_mem>>)
    %add3A_120 = arith.constant 9856 : i32
    %add3A_121 = arith.addi %mul3A_2, %add3A_120 : i32
    %multiple_of3A_122 = tpu.assume_multiple %add3A_121, 8 : i32
    %dma_start3A_123 = tpu.memref_slice %arg3[%multiple_of3A_122] : memref<640000xi32, #tpu.memory_space<hbm>> -> memref<128xi32, #tpu.memory_space<hbm>>
    %dma_start3A_124 = tpu.memref_slice %arg3[%multiple_of3A_122] : memref<640000xi32, #tpu.memory_space<hbm>> -> memref<128xi32, #tpu.memory_space<hbm>>
    tpu.enqueue_dma source(%dma_start3A_124 : memref<128xi32, #tpu.memory_space<hbm>>) target(%arg7 : memref<128xi32, #tpu.memory_space<vmem>>) target_semaphore(%arg18 : memref<!tpu.dma_semaphore, #tpu.memory_space<semaphore_mem>>)
    %add3A_125 = arith.constant 320000 : i32
    %add3A_126 = arith.addi %add3A_125, %mul3A_2 : i32
    %add3A_127 = arith.constant 9600 : i32
    %add3A_128 = arith.addi %add3A_126, %add3A_127 : i32
    %multiple_of3A_129 = tpu.assume_multiple %add3A_128, 8 : i32
    %dma_start3A_130 = tpu.memref_slice %arg3[%multiple_of3A_129] : memref<640000xi32, #tpu.memory_space<hbm>> -> memref<128xi32, #tpu.memory_space<hbm>>
    %dma_start3A_131 = tpu.memref_slice %arg3[%multiple_of3A_129] : memref<640000xi32, #tpu.memory_space<hbm>> -> memref<128xi32, #tpu.memory_space<hbm>>
    tpu.enqueue_dma source(%dma_start3A_131 : memref<128xi32, #tpu.memory_space<hbm>>) target(%arg8 : memref<128xi32, #tpu.memory_space<vmem>>) target_semaphore(%arg19 : memref<!tpu.dma_semaphore, #tpu.memory_space<semaphore_mem>>)
    %dma_wait3A_132 = arith.constant 0 : i32
    %dma_wait3A_133 = tpu.memref_slice %arg3[%dma_wait3A_132] : memref<640000xi32, #tpu.memory_space<hbm>> -> memref<128xi32, #tpu.memory_space<hbm>>
    %dma_wait3A_134 = arith.constant 0 : i32
    %dma_wait3A_135 = tpu.memref_slice %arg3[%dma_wait3A_134] : memref<640000xi32, #tpu.memory_space<hbm>> -> memref<128xi32, #tpu.memory_space<hbm>>
    tpu.wait_dma2 semaphore(%arg21 : memref<!tpu.dma_semaphore, #tpu.memory_space<semaphore_mem>>) src(%dma_wait3A_135 : memref<128xi32, #tpu.memory_space<hbm>>) dst(%arg10 : memref<128xi32, #tpu.memory_space<vmem>>)
    %dma_start3A_136 = arith.constant 0 : i32
    %dma_start3A_137 = arith.constant 0 : i32
    %dma_start3A_138 = tpu.memref_slice %arg15[%dma_start3A_136, %dma_start3A_137] : memref<10000x128xf32, #tpu.memory_space<vmem_shared>> -> memref<10000x128xf32, #tpu.memory_space<vmem_shared>>
    tpu.enqueue_indirect_dma source(%arg14 : memref<128x128xf32, #tpu.memory_space<vmem>>) target(%dma_start3A_138 : memref<10000x128xf32, #tpu.memory_space<vmem_shared>>) offsets(%arg10 : memref<128xi32, #tpu.memory_space<vmem>>) semaphore(%arg27 : memref<!tpu.dma_semaphore, #tpu.memory_space<semaphore_mem>>) {add = true}
    %dma_wait3A_139 = arith.constant 0 : i32
    %dma_wait3A_140 = arith.constant 0 : i32
    %dma_wait3A_141 = tpu.memref_slice %arg2[%dma_wait3A_139, %dma_wait3A_140] : memref<10000x128xf32, #tpu.memory_space<hbm>> -> memref<128x128xf32, #tpu.memory_space<hbm>>
    %dma_wait3A_142 = arith.constant 0 : i32
    %dma_wait3A_143 = arith.constant 0 : i32
    %dma_wait3A_144 = tpu.memref_slice %arg2[%dma_wait3A_142, %dma_wait3A_143] : memref<10000x128xf32, #tpu.memory_space<hbm>> -> memref<128x128xf32, #tpu.memory_space<hbm>>
    tpu.wait_dma2 semaphore(%arg22 : memref<!tpu.dma_semaphore, #tpu.memory_space<semaphore_mem>>) src(%dma_wait3A_144 : memref<128x128xf32, #tpu.memory_space<hbm>>) dst(%arg12 : memref<128x128xf32, #tpu.memory_space<vmem>>)
    %dma_wait3A_145 = arith.constant 0 : i32
    %dma_wait3A_146 = tpu.memref_slice %arg3[%dma_wait3A_145] : memref<640000xi32, #tpu.memory_space<hbm>> -> memref<128xi32, #tpu.memory_space<hbm>>
    %dma_wait3A_147 = arith.constant 0 : i32
    %dma_wait3A_148 = tpu.memref_slice %arg3[%dma_wait3A_147] : memref<640000xi32, #tpu.memory_space<hbm>> -> memref<128xi32, #tpu.memory_space<hbm>>
    tpu.wait_dma2 semaphore(%arg17 : memref<!tpu.dma_semaphore, #tpu.memory_space<semaphore_mem>>) src(%dma_wait3A_148 : memref<128xi32, #tpu.memory_space<hbm>>) dst(%arg6 : memref<128xi32, #tpu.memory_space<vmem>>)
    %dma_wait3A_149 = arith.constant 0 : i32
    %dma_wait3A_150 = arith.constant 0 : i32
    %dma_wait3A_151 = tpu.memref_slice %arg15[%dma_wait3A_149, %dma_wait3A_150] : memref<10000x128xf32, #tpu.memory_space<vmem_shared>> -> memref<10000x128xf32, #tpu.memory_space<vmem_shared>>
    tpu.wait_indirect_dma semaphore(%arg26 : memref<!tpu.dma_semaphore, #tpu.memory_space<semaphore_mem>>) src(%arg13 : memref<128x128xf32, #tpu.memory_space<vmem>>) dst(%dma_wait3A_151 : memref<10000x128xf32, #tpu.memory_space<vmem_shared>>)
    %dma_start3A_152 = arith.constant 0 : i32
    %dma_start3A_153 = arith.constant 0 : i32
    %dma_start3A_154 = tpu.memref_slice %arg2[%dma_start3A_152, %dma_start3A_153] : memref<10000x128xf32, #tpu.memory_space<hbm>> -> memref<10000x128xf32, #tpu.memory_space<hbm>>
    tpu.enqueue_indirect_dma source(%dma_start3A_154 : memref<10000x128xf32, #tpu.memory_space<hbm>>) target(%arg13 : memref<128x128xf32, #tpu.memory_space<vmem>>) offsets(%arg6 : memref<128xi32, #tpu.memory_space<vmem>>) semaphore(%arg23 : memref<!tpu.dma_semaphore, #tpu.memory_space<semaphore_mem>>)
    %add3A_155 = arith.constant 320000 : i32
    %add3A_156 = arith.addi %add3A_155, %mul3A_2 : i32
    %add3A_157 = arith.constant 9728 : i32
    %add3A_158 = arith.addi %add3A_156, %add3A_157 : i32
    %multiple_of3A_159 = tpu.assume_multiple %add3A_158, 8 : i32
    %dma_start3A_160 = tpu.memref_slice %arg3[%multiple_of3A_159] : memref<640000xi32, #tpu.memory_space<hbm>> -> memref<128xi32, #tpu.memory_space<hbm>>
    %dma_start3A_161 = tpu.memref_slice %arg3[%multiple_of3A_159] : memref<640000xi32, #tpu.memory_space<hbm>> -> memref<128xi32, #tpu.memory_space<hbm>>
    tpu.enqueue_dma source(%dma_start3A_161 : memref<128xi32, #tpu.memory_space<hbm>>) target(%arg9 : memref<128xi32, #tpu.memory_space<vmem>>) target_semaphore(%arg20 : memref<!tpu.dma_semaphore, #tpu.memory_space<semaphore_mem>>)
    %dma_wait3A_162 = arith.constant 0 : i32
    %dma_wait3A_163 = tpu.memref_slice %arg3[%dma_wait3A_162] : memref<640000xi32, #tpu.memory_space<hbm>> -> memref<128xi32, #tpu.memory_space<hbm>>
    %dma_wait3A_164 = arith.constant 0 : i32
    %dma_wait3A_165 = tpu.memref_slice %arg3[%dma_wait3A_164] : memref<640000xi32, #tpu.memory_space<hbm>> -> memref<128xi32, #tpu.memory_space<hbm>>
    tpu.wait_dma2 semaphore(%arg19 : memref<!tpu.dma_semaphore, #tpu.memory_space<semaphore_mem>>) src(%dma_wait3A_165 : memref<128xi32, #tpu.memory_space<hbm>>) dst(%arg8 : memref<128xi32, #tpu.memory_space<vmem>>)
    %dma_start3A_166 = arith.constant 0 : i32
    %dma_start3A_167 = arith.constant 0 : i32
    %dma_start3A_168 = tpu.memref_slice %arg15[%dma_start3A_166, %dma_start3A_167] : memref<10000x128xf32, #tpu.memory_space<vmem_shared>> -> memref<10000x128xf32, #tpu.memory_space<vmem_shared>>
    tpu.enqueue_indirect_dma source(%arg12 : memref<128x128xf32, #tpu.memory_space<vmem>>) target(%dma_start3A_168 : memref<10000x128xf32, #tpu.memory_space<vmem_shared>>) offsets(%arg8 : memref<128xi32, #tpu.memory_space<vmem>>) semaphore(%arg25 : memref<!tpu.dma_semaphore, #tpu.memory_space<semaphore_mem>>) {add = true}
    %dma_wait3A_169 = arith.constant 0 : i32
    %dma_wait3A_170 = arith.constant 0 : i32
    %dma_wait3A_171 = tpu.memref_slice %arg2[%dma_wait3A_169, %dma_wait3A_170] : memref<10000x128xf32, #tpu.memory_space<hbm>> -> memref<128x128xf32, #tpu.memory_space<hbm>>
    %dma_wait3A_172 = arith.constant 0 : i32
    %dma_wait3A_173 = arith.constant 0 : i32
    %dma_wait3A_174 = tpu.memref_slice %arg2[%dma_wait3A_172, %dma_wait3A_173] : memref<10000x128xf32, #tpu.memory_space<hbm>> -> memref<128x128xf32, #tpu.memory_space<hbm>>
    tpu.wait_dma2 semaphore(%arg23 : memref<!tpu.dma_semaphore, #tpu.memory_space<semaphore_mem>>) src(%dma_wait3A_174 : memref<128x128xf32, #tpu.memory_space<hbm>>) dst(%arg13 : memref<128x128xf32, #tpu.memory_space<vmem>>)
    %dma_wait3A_175 = arith.constant 0 : i32
    %dma_wait3A_176 = tpu.memref_slice %arg3[%dma_wait3A_175] : memref<640000xi32, #tpu.memory_space<hbm>> -> memref<128xi32, #tpu.memory_space<hbm>>
    %dma_wait3A_177 = arith.constant 0 : i32
    %dma_wait3A_178 = tpu.memref_slice %arg3[%dma_wait3A_177] : memref<640000xi32, #tpu.memory_space<hbm>> -> memref<128xi32, #tpu.memory_space<hbm>>
    tpu.wait_dma2 semaphore(%arg18 : memref<!tpu.dma_semaphore, #tpu.memory_space<semaphore_mem>>) src(%dma_wait3A_178 : memref<128xi32, #tpu.memory_space<hbm>>) dst(%arg7 : memref<128xi32, #tpu.memory_space<vmem>>)
    %dma_wait3A_179 = arith.constant 0 : i32
    %dma_wait3A_180 = arith.constant 0 : i32
    %dma_wait3A_181 = tpu.memref_slice %arg15[%dma_wait3A_179, %dma_wait3A_180] : memref<10000x128xf32, #tpu.memory_space<vmem_shared>> -> memref<10000x128xf32, #tpu.memory_space<vmem_shared>>
    tpu.wait_indirect_dma semaphore(%arg27 : memref<!tpu.dma_semaphore, #tpu.memory_space<semaphore_mem>>) src(%arg14 : memref<128x128xf32, #tpu.memory_space<vmem>>) dst(%dma_wait3A_181 : memref<10000x128xf32, #tpu.memory_space<vmem_shared>>)
    %dma_start3A_182 = arith.constant 0 : i32
    %dma_start3A_183 = arith.constant 0 : i32
    %dma_start3A_184 = tpu.memref_slice %arg2[%dma_start3A_182, %dma_start3A_183] : memref<10000x128xf32, #tpu.memory_space<hbm>> -> memref<10000x128xf32, #tpu.memory_space<hbm>>
    tpu.enqueue_indirect_dma source(%dma_start3A_184 : memref<10000x128xf32, #tpu.memory_space<hbm>>) target(%arg14 : memref<128x128xf32, #tpu.memory_space<vmem>>) offsets(%arg7 : memref<128xi32, #tpu.memory_space<vmem>>) semaphore(%arg24 : memref<!tpu.dma_semaphore, #tpu.memory_space<semaphore_mem>>)
    %add3A_185 = arith.constant 320000 : i32
    %add3A_186 = arith.addi %add3A_185, %mul3A_2 : i32
    %add3A_187 = arith.constant 9856 : i32
    %add3A_188 = arith.addi %add3A_186, %add3A_187 : i32
    %multiple_of3A_189 = tpu.assume_multiple %add3A_188, 8 : i32
    %dma_start3A_190 = tpu.memref_slice %arg3[%multiple_of3A_189] : memref<640000xi32, #tpu.memory_space<hbm>> -> memref<128xi32, #tpu.memory_space<hbm>>
    %dma_start3A_191 = tpu.memref_slice %arg3[%multiple_of3A_189] : memref<640000xi32, #tpu.memory_space<hbm>> -> memref<128xi32, #tpu.memory_space<hbm>>
    tpu.enqueue_dma source(%dma_start3A_191 : memref<128xi32, #tpu.memory_space<hbm>>) target(%arg10 : memref<128xi32, #tpu.memory_space<vmem>>) target_semaphore(%arg21 : memref<!tpu.dma_semaphore, #tpu.memory_space<semaphore_mem>>)
    %dma_wait3A_192 = arith.constant 0 : i32
    %dma_wait3A_193 = tpu.memref_slice %arg3[%dma_wait3A_192] : memref<640000xi32, #tpu.memory_space<hbm>> -> memref<128xi32, #tpu.memory_space<hbm>>
    %dma_wait3A_194 = arith.constant 0 : i32
    %dma_wait3A_195 = tpu.memref_slice %arg3[%dma_wait3A_194] : memref<640000xi32, #tpu.memory_space<hbm>> -> memref<128xi32, #tpu.memory_space<hbm>>
    tpu.wait_dma2 semaphore(%arg20 : memref<!tpu.dma_semaphore, #tpu.memory_space<semaphore_mem>>) src(%dma_wait3A_195 : memref<128xi32, #tpu.memory_space<hbm>>) dst(%arg9 : memref<128xi32, #tpu.memory_space<vmem>>)
    %dma_start3A_196 = arith.constant 0 : i32
    %dma_start3A_197 = arith.constant 0 : i32
    %dma_start3A_198 = tpu.memref_slice %arg15[%dma_start3A_196, %dma_start3A_197] : memref<10000x128xf32, #tpu.memory_space<vmem_shared>> -> memref<10000x128xf32, #tpu.memory_space<vmem_shared>>
    tpu.enqueue_indirect_dma source(%arg13 : memref<128x128xf32, #tpu.memory_space<vmem>>) target(%dma_start3A_198 : memref<10000x128xf32, #tpu.memory_space<vmem_shared>>) offsets(%arg9 : memref<128xi32, #tpu.memory_space<vmem>>) semaphore(%arg26 : memref<!tpu.dma_semaphore, #tpu.memory_space<semaphore_mem>>) {add = true}
    %dma_wait3A_199 = arith.constant 0 : i32
    %dma_wait3A_200 = arith.constant 0 : i32
    %dma_wait3A_201 = tpu.memref_slice %arg2[%dma_wait3A_199, %dma_wait3A_200] : memref<10000x128xf32, #tpu.memory_space<hbm>> -> memref<128x128xf32, #tpu.memory_space<hbm>>
    %dma_wait3A_202 = arith.constant 0 : i32
    %dma_wait3A_203 = arith.constant 0 : i32
    %dma_wait3A_204 = tpu.memref_slice %arg2[%dma_wait3A_202, %dma_wait3A_203] : memref<10000x128xf32, #tpu.memory_space<hbm>> -> memref<128x128xf32, #tpu.memory_space<hbm>>
    tpu.wait_dma2 semaphore(%arg24 : memref<!tpu.dma_semaphore, #tpu.memory_space<semaphore_mem>>) src(%dma_wait3A_204 : memref<128x128xf32, #tpu.memory_space<hbm>>) dst(%arg14 : memref<128x128xf32, #tpu.memory_space<vmem>>)
    %dma_wait3A_205 = arith.constant 0 : i32
    %dma_wait3A_206 = tpu.memref_slice %arg3[%dma_wait3A_205] : memref<640000xi32, #tpu.memory_space<hbm>> -> memref<128xi32, #tpu.memory_space<hbm>>
    %dma_wait3A_207 = arith.constant 0 : i32
    %dma_wait3A_208 = tpu.memref_slice %arg3[%dma_wait3A_207] : memref<640000xi32, #tpu.memory_space<hbm>> -> memref<128xi32, #tpu.memory_space<hbm>>
    tpu.wait_dma2 semaphore(%arg21 : memref<!tpu.dma_semaphore, #tpu.memory_space<semaphore_mem>>) src(%dma_wait3A_208 : memref<128xi32, #tpu.memory_space<hbm>>) dst(%arg10 : memref<128xi32, #tpu.memory_space<vmem>>)
    "tpu.region"() ({
      %run_scoped3A = tpu.sem_alloc : memref<!tpu.dma_semaphore, #tpu.memory_space<semaphore_mem>>
      %dma_start3A_231 = arith.constant 0 : i32
      %dma_start3A_232 = arith.constant 0 : i32
      %dma_start3A_233 = tpu.memref_slice %arg15[%dma_start3A_231, %dma_start3A_232] : memref<10000x128xf32, #tpu.memory_space<vmem_shared>> -> memref<10000x128xf32, #tpu.memory_space<vmem_shared>>
      tpu.enqueue_indirect_dma source(%arg14 : memref<128x128xf32, #tpu.memory_space<vmem>>) target(%dma_start3A_233 : memref<10000x128xf32, #tpu.memory_space<vmem_shared>>) offsets(%arg10 : memref<128xi32, #tpu.memory_space<vmem>>) semaphore(%run_scoped3A : memref<!tpu.dma_semaphore, #tpu.memory_space<semaphore_mem>>) {add = true}
      %dma_wait3A_234 = arith.constant 0 : i32
      %dma_wait3A_235 = arith.constant 0 : i32
      %dma_wait3A_236 = tpu.memref_slice %arg15[%dma_wait3A_234, %dma_wait3A_235] : memref<10000x128xf32, #tpu.memory_space<vmem_shared>> -> memref<10000x128xf32, #tpu.memory_space<vmem_shared>>
      tpu.wait_indirect_dma semaphore(%run_scoped3A : memref<!tpu.dma_semaphore, #tpu.memory_space<semaphore_mem>>) src(%arg14 : memref<128x128xf32, #tpu.memory_space<vmem>>) dst(%dma_wait3A_236 : memref<10000x128xf32, #tpu.memory_space<vmem_shared>>)
      tpu.yield
    }) : () -> ()
    %dma_wait3A_209 = arith.constant 0 : i32
    %dma_wait3A_210 = arith.constant 0 : i32
    %dma_wait3A_211 = tpu.memref_slice %arg15[%dma_wait3A_209, %dma_wait3A_210] : memref<10000x128xf32, #tpu.memory_space<vmem_shared>> -> memref<10000x128xf32, #tpu.memory_space<vmem_shared>>
    tpu.wait_indirect_dma semaphore(%arg25 : memref<!tpu.dma_semaphore, #tpu.memory_space<semaphore_mem>>) src(%arg12 : memref<128x128xf32, #tpu.memory_space<vmem>>) dst(%dma_wait3A_211 : memref<10000x128xf32, #tpu.memory_space<vmem_shared>>)
    %dma_wait3A_212 = arith.constant 0 : i32
    %dma_wait3A_213 = arith.constant 0 : i32
    %dma_wait3A_214 = tpu.memref_slice %arg15[%dma_wait3A_212, %dma_wait3A_213] : memref<10000x128xf32, #tpu.memory_space<vmem_shared>> -> memref<10000x128xf32, #tpu.memory_space<vmem_shared>>
    tpu.wait_indirect_dma semaphore(%arg26 : memref<!tpu.dma_semaphore, #tpu.memory_space<semaphore_mem>>) src(%arg13 : memref<128x128xf32, #tpu.memory_space<vmem>>) dst(%dma_wait3A_214 : memref<10000x128xf32, #tpu.memory_space<vmem_shared>>)
    %add3A_215 = arith.constant 9984 : i32
    %add3A_216 = arith.addi %mul3A_2, %add3A_215 : i32
    %multiple_of3A_217 = tpu.assume_multiple %add3A_216, 8 : i32
    "tpu.region"() ({
      %run_scoped3A = tpu.sem_alloc : memref<!tpu.dma_semaphore, #tpu.memory_space<semaphore_mem>>
      %dma_start3A_231 = arith.constant 0 : i32
      %dma_start3A_232 = tpu.memref_slice %arg5[%dma_start3A_231] : memref<128xi32, #tpu.memory_space<vmem>> -> memref<16xi32, #tpu.memory_space<vmem>>
      %dma_start3A_233 = tpu.memref_slice %arg3[%multiple_of3A_217] : memref<640000xi32, #tpu.memory_space<hbm>> -> memref<16xi32, #tpu.memory_space<hbm>>
      %dma_start3A_234 = arith.constant 0 : i32
      %dma_start3A_235 = tpu.memref_slice %arg5[%dma_start3A_234] : memref<128xi32, #tpu.memory_space<vmem>> -> memref<16xi32, #tpu.memory_space<vmem>>
      %dma_start3A_236 = tpu.memref_slice %arg3[%multiple_of3A_217] : memref<640000xi32, #tpu.memory_space<hbm>> -> memref<16xi32, #tpu.memory_space<hbm>>
      tpu.enqueue_dma source(%dma_start3A_236 : memref<16xi32, #tpu.memory_space<hbm>>) target(%dma_start3A_235 : memref<16xi32, #tpu.memory_space<vmem>>) target_semaphore(%run_scoped3A : memref<!tpu.dma_semaphore, #tpu.memory_space<semaphore_mem>>)
      %dma_wait3A_237 = arith.constant 0 : i32
      %dma_wait3A_238 = tpu.memref_slice %arg5[%dma_wait3A_237] : memref<128xi32, #tpu.memory_space<vmem>> -> memref<16xi32, #tpu.memory_space<vmem>>
      %dma_wait3A_239 = tpu.memref_slice %arg3[%multiple_of3A_217] : memref<640000xi32, #tpu.memory_space<hbm>> -> memref<16xi32, #tpu.memory_space<hbm>>
      %dma_wait3A_240 = arith.constant 0 : i32
      %dma_wait3A_241 = tpu.memref_slice %arg5[%dma_wait3A_240] : memref<128xi32, #tpu.memory_space<vmem>> -> memref<16xi32, #tpu.memory_space<vmem>>
      %dma_wait3A_242 = tpu.memref_slice %arg3[%multiple_of3A_217] : memref<640000xi32, #tpu.memory_space<hbm>> -> memref<16xi32, #tpu.memory_space<hbm>>
      tpu.wait_dma2 semaphore(%run_scoped3A : memref<!tpu.dma_semaphore, #tpu.memory_space<semaphore_mem>>) src(%dma_wait3A_242 : memref<16xi32, #tpu.memory_space<hbm>>) dst(%dma_wait3A_241 : memref<16xi32, #tpu.memory_space<vmem>>)
      tpu.yield
    }) : () -> ()
    %add3A_218 = arith.constant 320000 : i32
    %add3A_219 = arith.addi %add3A_218, %multiple_of3A_217 : i32
    "tpu.region"() ({
      %run_scoped3A = tpu.sem_alloc : memref<!tpu.dma_semaphore, #tpu.memory_space<semaphore_mem>>
      %dma_start3A_231 = tpu.memref_slice %arg3[%add3A_219] : memref<640000xi32, #tpu.memory_space<hbm>> -> memref<16xi32, #tpu.memory_space<hbm>>
      %dma_start3A_232 = tpu.memref_slice %arg3[%add3A_219] : memref<640000xi32, #tpu.memory_space<hbm>> -> memref<16xi32, #tpu.memory_space<hbm>>
      tpu.enqueue_dma source(%dma_start3A_232 : memref<16xi32, #tpu.memory_space<hbm>>) target(%arg11 : memref<16xi32, #tpu.memory_space<vmem>>) target_semaphore(%run_scoped3A : memref<!tpu.dma_semaphore, #tpu.memory_space<semaphore_mem>>)
      %dma_wait3A_233 = tpu.memref_slice %arg3[%add3A_219] : memref<640000xi32, #tpu.memory_space<hbm>> -> memref<16xi32, #tpu.memory_space<hbm>>
      %dma_wait3A_234 = tpu.memref_slice %arg3[%add3A_219] : memref<640000xi32, #tpu.memory_space<hbm>> -> memref<16xi32, #tpu.memory_space<hbm>>
      tpu.wait_dma2 semaphore(%run_scoped3A : memref<!tpu.dma_semaphore, #tpu.memory_space<semaphore_mem>>) src(%dma_wait3A_234 : memref<16xi32, #tpu.memory_space<hbm>>) dst(%arg11 : memref<16xi32, #tpu.memory_space<vmem>>)
      tpu.yield
    }) : () -> ()
    "tpu.region"() ({
      %run_scoped3A = tpu.sem_alloc : memref<!tpu.dma_semaphore, #tpu.memory_space<semaphore_mem>>
      %dma_start3A_231 = arith.constant 0 : i32
      %dma_start3A_232 = arith.constant 0 : i32
      %dma_start3A_233 = tpu.memref_slice %arg12[%dma_start3A_231, %dma_start3A_232] : memref<128x128xf32, #tpu.memory_space<vmem>> -> memref<16x128xf32, #tpu.memory_space<vmem>>
      %dma_start3A_234 = arith.constant 0 : i32
      %dma_start3A_235 = tpu.memref_slice %arg5[%dma_start3A_234] : memref<128xi32, #tpu.memory_space<vmem>> -> memref<16xi32, #tpu.memory_space<vmem>>
      %dma_start3A_236 = arith.constant 0 : i32
      %dma_start3A_237 = arith.constant 0 : i32
      %dma_start3A_238 = tpu.memref_slice %arg2[%dma_start3A_236, %dma_start3A_237] : memref<10000x128xf32, #tpu.memory_space<hbm>> -> memref<10000x128xf32, #tpu.memory_space<hbm>>
      tpu.enqueue_indirect_dma source(%dma_start3A_238 : memref<10000x128xf32, #tpu.memory_space<hbm>>) target(%dma_start3A_233 : memref<16x128xf32, #tpu.memory_space<vmem>>) offsets(%dma_start3A_235 : memref<16xi32, #tpu.memory_space<vmem>>) semaphore(%run_scoped3A : memref<!tpu.dma_semaphore, #tpu.memory_space<semaphore_mem>>)
      %dma_wait3A_239 = arith.constant 0 : i32
      %dma_wait3A_240 = arith.constant 0 : i32
      %dma_wait3A_241 = tpu.memref_slice %arg12[%dma_wait3A_239, %dma_wait3A_240] : memref<128x128xf32, #tpu.memory_space<vmem>> -> memref<16x128xf32, #tpu.memory_space<vmem>>
      %dma_wait3A_242 = arith.constant 0 : i32
      %dma_wait3A_243 = tpu.memref_slice %arg5[%dma_wait3A_242] : memref<128xi32, #tpu.memory_space<vmem>> -> memref<16xi32, #tpu.memory_space<vmem>>
      %dma_wait3A_244 = arith.constant 0 : i32
      %dma_wait3A_245 = arith.constant 0 : i32
      %dma_wait3A_246 = tpu.memref_slice %arg2[%dma_wait3A_244, %dma_wait3A_245] : memref<10000x128xf32, #tpu.memory_space<hbm>> -> memref<10000x128xf32, #tpu.memory_space<hbm>>
      tpu.wait_indirect_dma semaphore(%run_scoped3A : memref<!tpu.dma_semaphore, #tpu.memory_space<semaphore_mem>>) src(%dma_wait3A_246 : memref<10000x128xf32, #tpu.memory_space<hbm>>) dst(%dma_wait3A_241 : memref<16x128xf32, #tpu.memory_space<vmem>>)
      tpu.yield
    }) : () -> ()
    "tpu.region"() ({
      %run_scoped3A = tpu.sem_alloc : memref<!tpu.dma_semaphore, #tpu.memory_space<semaphore_mem>>
      %dma_start3A_231 = arith.constant 0 : i32
      %dma_start3A_232 = arith.constant 0 : i32
      %dma_start3A_233 = tpu.memref_slice %arg12[%dma_start3A_231, %dma_start3A_232] : memref<128x128xf32, #tpu.memory_space<vmem>> -> memref<16x128xf32, #tpu.memory_space<vmem>>
      %dma_start3A_234 = arith.constant 0 : i32
      %dma_start3A_235 = arith.constant 0 : i32
      %dma_start3A_236 = tpu.memref_slice %arg15[%dma_start3A_234, %dma_start3A_235] : memref<10000x128xf32, #tpu.memory_space<vmem_shared>> -> memref<10000x128xf32, #tpu.memory_space<vmem_shared>>
      tpu.enqueue_indirect_dma source(%dma_start3A_233 : memref<16x128xf32, #tpu.memory_space<vmem>>) target(%dma_start3A_236 : memref<10000x128xf32, #tpu.memory_space<vmem_shared>>) offsets(%arg11 : memref<16xi32, #tpu.memory_space<vmem>>) semaphore(%run_scoped3A : memref<!tpu.dma_semaphore, #tpu.memory_space<semaphore_mem>>) {add = true}
      %dma_wait3A_237 = arith.constant 0 : i32
      %dma_wait3A_238 = arith.constant 0 : i32
      %dma_wait3A_239 = tpu.memref_slice %arg12[%dma_wait3A_237, %dma_wait3A_238] : memref<128x128xf32, #tpu.memory_space<vmem>> -> memref<16x128xf32, #tpu.memory_space<vmem>>
      %dma_wait3A_240 = arith.constant 0 : i32
      %dma_wait3A_241 = arith.constant 0 : i32
      %dma_wait3A_242 = tpu.memref_slice %arg15[%dma_wait3A_240, %dma_wait3A_241] : memref<10000x128xf32, #tpu.memory_space<vmem_shared>> -> memref<10000x128xf32, #tpu.memory_space<vmem_shared>>
      tpu.wait_indirect_dma semaphore(%run_scoped3A : memref<!tpu.dma_semaphore, #tpu.memory_space<semaphore_mem>>) src(%dma_wait3A_239 : memref<16x128xf32, #tpu.memory_space<vmem>>) dst(%dma_wait3A_242 : memref<10000x128xf32, #tpu.memory_space<vmem_shared>>)
      tpu.yield
    }) : () -> ()
    %barrier3A_220 = arith.constant 0 : index
    tpu.barrier barrier_id(%barrier3A_220)
    %lt3A_221 = arith.constant 15 : i32
    %lt3A_222 = arith.cmpi slt, %arg1, %lt3A_221 : i32
    %convert_element_type3A_223 = arith.extui %lt3A_222 : i1 to i32
    %cond3A_224 = arith.constant 0 : i32
    %cond3A_225 = arith.cmpi ne, %convert_element_type3A_223, %cond3A_224 : i32
    scf.if %cond3A_225 {
      %mul3A_231 = arith.constant 640 : i32
      %mul3A_232 = arith.muli %arg1, %mul3A_231 : i32
      %multiple_of3A_233 = tpu.assume_multiple %mul3A_232, 16 : i32
      "tpu.region"() ({
        %run_scoped3A = tpu.sem_alloc : memref<!tpu.dma_semaphore, #tpu.memory_space<semaphore_mem>>
        %dma_start3A_234 = arith.constant 0 : i32
        %dma_start3A_235 = tpu.memref_slice %arg4[%arg0, %multiple_of3A_233, %dma_start3A_234] : memref<2x10000x128xf32, #tpu.memory_space<hbm>> -> memref<1x640x128xf32, #tpu.memory_space<hbm>>
        %dma_start3A_236 = tpu.memref_squeeze %dma_start3A_235 : memref<1x640x128xf32, #tpu.memory_space<hbm>> -> memref<640x128xf32, #tpu.memory_space<hbm>>
        %dma_start3A_237 = arith.constant 0 : i32
        %dma_start3A_238 = tpu.memref_slice %arg15[%multiple_of3A_233, %dma_start3A_237] : memref<10000x128xf32, #tpu.memory_space<vmem_shared>> -> memref<640x128xf32, #tpu.memory_space<vmem_shared>>
        tpu.enqueue_dma source(%dma_start3A_238 : memref<640x128xf32, #tpu.memory_space<vmem_shared>>) target(%dma_start3A_236 : memref<640x128xf32, #tpu.memory_space<hbm>>) target_semaphore(%run_scoped3A : memref<!tpu.dma_semaphore, #tpu.memory_space<semaphore_mem>>)
        %dma_wait3A_239 = arith.constant 0 : i32
        %dma_wait3A_240 = tpu.memref_slice %arg4[%arg0, %multiple_of3A_233, %dma_wait3A_239] : memref<2x10000x128xf32, #tpu.memory_space<hbm>> -> memref<1x640x128xf32, #tpu.memory_space<hbm>>
        %dma_wait3A_241 = tpu.memref_squeeze %dma_wait3A_240 : memref<1x640x128xf32, #tpu.memory_space<hbm>> -> memref<640x128xf32, #tpu.memory_space<hbm>>
        %dma_wait3A_242 = arith.constant 0 : i32
        %dma_wait3A_243 = tpu.memref_slice %arg15[%multiple_of3A_233, %dma_wait3A_242] : memref<10000x128xf32, #tpu.memory_space<vmem_shared>> -> memref<640x128xf32, #tpu.memory_space<vmem_shared>>
        tpu.wait_dma2 semaphore(%run_scoped3A : memref<!tpu.dma_semaphore, #tpu.memory_space<semaphore_mem>>) src(%dma_wait3A_243 : memref<640x128xf32, #tpu.memory_space<vmem_shared>>) dst(%dma_wait3A_241 : memref<640x128xf32, #tpu.memory_space<hbm>>)
        tpu.yield
      }) : () -> ()
    } else {
    }
    %eq3A_226 = arith.constant 15 : i32
    %eq3A_227 = arith.cmpi eq, %arg1, %eq3A_226 : i32
    %convert_element_type3A_228 = arith.extui %eq3A_227 : i1 to i32
    %cond3A_229 = arith.constant 0 : i32
    %cond3A_230 = arith.cmpi ne, %convert_element_type3A_228, %cond3A_229 : i32
    scf.if %cond3A_230 {
      "tpu.region"() ({
        %run_scoped3A = tpu.sem_alloc : memref<!tpu.dma_semaphore, #tpu.memory_space<semaphore_mem>>
        %dma_start3A_231 = arith.constant 9600 : i32
        %dma_start3A_232 = arith.constant 0 : i32
        %dma_start3A_233 = tpu.memref_slice %arg4[%arg0, %dma_start3A_231, %dma_start3A_232] : memref<2x10000x128xf32, #tpu.memory_space<hbm>> -> memref<1x400x128xf32, #tpu.memory_space<hbm>>
        %dma_start3A_234 = tpu.memref_squeeze %dma_start3A_233 : memref<1x400x128xf32, #tpu.memory_space<hbm>> -> memref<400x128xf32, #tpu.memory_space<hbm>>
        %dma_start3A_235 = arith.constant 9600 : i32
        %dma_start3A_236 = arith.constant 0 : i32
        %dma_start3A_237 = tpu.memref_slice %arg15[%dma_start3A_235, %dma_start3A_236] : memref<10000x128xf32, #tpu.memory_space<vmem_shared>> -> memref<400x128xf32, #tpu.memory_space<vmem_shared>>
        tpu.enqueue_dma source(%dma_start3A_237 : memref<400x128xf32, #tpu.memory_space<vmem_shared>>) target(%dma_start3A_234 : memref<400x128xf32, #tpu.memory_space<hbm>>) target_semaphore(%run_scoped3A : memref<!tpu.dma_semaphore, #tpu.memory_space<semaphore_mem>>)
        %dma_wait3A_238 = arith.constant 9600 : i32
        %dma_wait3A_239 = arith.constant 0 : i32
        %dma_wait3A_240 = tpu.memref_slice %arg4[%arg0, %dma_wait3A_238, %dma_wait3A_239] : memref<2x10000x128xf32, #tpu.memory_space<hbm>> -> memref<1x400x128xf32, #tpu.memory_space<hbm>>
        %dma_wait3A_241 = tpu.memref_squeeze %dma_wait3A_240 : memref<1x400x128xf32, #tpu.memory_space<hbm>> -> memref<400x128xf32, #tpu.memory_space<hbm>>
        %dma_wait3A_242 = arith.constant 9600 : i32
        %dma_wait3A_243 = arith.constant 0 : i32
        %dma_wait3A_244 = tpu.memref_slice %arg15[%dma_wait3A_242, %dma_wait3A_243] : memref<10000x128xf32, #tpu.memory_space<vmem_shared>> -> memref<400x128xf32, #tpu.memory_space<vmem_shared>>
        tpu.wait_dma2 semaphore(%run_scoped3A : memref<!tpu.dma_semaphore, #tpu.memory_space<semaphore_mem>>) src(%dma_wait3A_244 : memref<400x128xf32, #tpu.memory_space<vmem_shared>>) dst(%dma_wait3A_241 : memref<400x128xf32, #tpu.memory_space<hbm>>)
        tpu.yield
      }) : () -> ()
    } else {
    }
    return
  }
}

#map = affine_map<(d0, d1) -> (0, 0)>
#map1 = affine_map<(d0, d1) -> (0)>
#map2 = affine_map<(d0, d1) -> (0, 0, 0)>
module attributes {stable_mosaic.version = 14 : i64} {
  func.func @scatter(%arg0: i32, %arg1: i32, %arg2: memref<10000x128xf32, #tpu.memory_space<hbm>>, %arg3: memref<640000xi32, #tpu.memory_space<hbm>>, %arg4: memref<2x10000x128xf32, #tpu.memory_space<hbm>>, %arg5: memref<128xi32, #tpu.memory_space<vmem>>, %arg6: memref<128xi32, #tpu.memory_space<vmem>>, %arg7: memref<128xi32, #tpu.memory_space<vmem>>, %arg8: memref<128xi32, #tpu.memory_space<vmem>>, %arg9: memref<128xi32, #tpu.memory_space<vmem>>, %arg10: memref<128xi32, #tpu.memory_space<vmem>>, %arg11: memref<16xi32, #tpu.memory_space<vmem>>, %arg12: memref<128x128xf32, #tpu.memory_space<vmem>>, %arg13: memref<128x128xf32, #tpu.memory_space<vmem>>, %arg14: memref<128x128xf32, #tpu.memory_space<vmem>>, %arg15: memref<10000x128xf32, #tpu.memory_space<vmem_shared>>, %arg16: memref<!tpu.dma_semaphore, #tpu.memory_space<semaphore_mem>>, %arg17: memref<!tpu.dma_semaphore, #tpu.memory_space<semaphore_mem>>, %arg18: memref<!tpu.dma_semaphore, #tpu.memory_space<semaphore_mem>>, %arg19: memref<!tpu.dma_semaphore, #tpu.memory_space<semaphore_mem>>, %arg20: memref<!tpu.dma_semaphore, #tpu.memory_space<semaphore_mem>>, %arg21: memref<!tpu.dma_semaphore, #tpu.memory_space<semaphore_mem>>, %arg22: memref<!tpu.dma_semaphore, #tpu.memory_space<semaphore_mem>>, %arg23: memref<!tpu.dma_semaphore, #tpu.memory_space<semaphore_mem>>, %arg24: memref<!tpu.dma_semaphore, #tpu.memory_space<semaphore_mem>>, %arg25: memref<!tpu.dma_semaphore, #tpu.memory_space<semaphore_mem>>, %arg26: memref<!tpu.dma_semaphore, #tpu.memory_space<semaphore_mem>>, %arg27: memref<!tpu.dma_semaphore, #tpu.memory_space<semaphore_mem>>) attributes {dimension_semantics = [#tpu.dimension_semantics<core_parallel>, #tpu.dimension_semantics<subcore_parallel>], iteration_bounds = array<i64: 2, 16>, scalar_prefetch = 0 : i64, scratch_operands = 23 : i64, tpu.core_type = #tpu.core_type<sc_vector_subcore>, window_params = [{transform_indices = #map}, {transform_indices = #map1}, {transform_indices = #map2}]} {
    %mul3A = arith.constant 16 : i32
    %mul3A_0 = arith.muli %arg0, %mul3A : i32
    %add3A = arith.addi %mul3A_0, %arg1 : i32
    %mul3A_1 = arith.constant 10000 : i32
    %mul3A_2 = arith.muli %add3A, %mul3A_1 : i32
    %lt3A = arith.constant 15 : i32
    %lt3A_3 = arith.cmpi slt, %arg1, %lt3A : i32
    %convert_element_type3A = arith.extui %lt3A_3 : i1 to i32
    %cond3A = arith.constant 0 : i32
    %cond3A_4 = arith.cmpi ne, %convert_element_type3A, %cond3A : i32
    scf.if %cond3A_4 {
      %mul3A_231 = arith.constant 640 : i32
      %mul3A_232 = arith.muli %arg1, %mul3A_231 : i32
      %multiple_of3A_233 = tpu.assume_multiple %mul3A_232, 16 : i32
      "tpu.region"() ({
        %run_scoped3A = tpu.sem_alloc : memref<!tpu.dma_semaphore, #tpu.memory_space<semaphore_mem>>
        %dma_start3A_234 = arith.constant 0 : i32
        %dma_start3A_235 = tpu.memref_slice %arg15[%multiple_of3A_233, %dma_start3A_234] : memref<10000x128xf32, #tpu.memory_space<vmem_shared>> -> memref<640x128xf32, #tpu.memory_space<vmem_shared>>
        %dma_start3A_236 = arith.constant 0 : i32
        %dma_start3A_237 = tpu.memref_slice %arg2[%multiple_of3A_233, %dma_start3A_236] : memref<10000x128xf32, #tpu.memory_space<hbm>> -> memref<640x128xf32, #tpu.memory_space<hbm>>
        tpu.enqueue_dma source(%dma_start3A_237 : memref<640x128xf32, #tpu.memory_space<hbm>>) target(%dma_start3A_235 : memref<640x128xf32, #tpu.memory_space<vmem_shared>>) target_semaphore(%run_scoped3A : memref<!tpu.dma_semaphore, #tpu.memory_space<semaphore_mem>>)
        %dma_wait3A_238 = arith.constant 0 : i32
        %dma_wait3A_239 = tpu.memref_slice %arg15[%multiple_of3A_233, %dma_wait3A_238] : memref<10000x128xf32, #tpu.memory_space<vmem_shared>> -> memref<640x128xf32, #tpu.memory_space<vmem_shared>>
        %dma_wait3A_240 = arith.constant 0 : i32
        %dma_wait3A_241 = tpu.memref_slice %arg2[%multiple_of3A_233, %dma_wait3A_240] : memref<10000x128xf32, #tpu.memory_space<hbm>> -> memref<640x128xf32, #tpu.memory_space<hbm>>
        tpu.wait_dma2 semaphore(%run_scoped3A : memref<!tpu.dma_semaphore, #tpu.memory_space<semaphore_mem>>) src(%dma_wait3A_241 : memref<640x128xf32, #tpu.memory_space<hbm>>) dst(%dma_wait3A_239 : memref<640x128xf32, #tpu.memory_space<vmem_shared>>)
        tpu.yield
      }) : () -> ()
    } else {
    }
    %eq3A = arith.constant 15 : i32
    %eq3A_5 = arith.cmpi eq, %arg1, %eq3A : i32
    %convert_element_type3A_6 = arith.extui %eq3A_5 : i1 to i32
    %cond3A_7 = arith.constant 0 : i32
    %cond3A_8 = arith.cmpi ne, %convert_element_type3A_6, %cond3A_7 : i32
    scf.if %cond3A_8 {
      "tpu.region"() ({
        %run_scoped3A = tpu.sem_alloc : memref<!tpu.dma_semaphore, #tpu.memory_space<semaphore_mem>>
        %dma_start3A_231 = arith.constant 9600 : i32
        %dma_start3A_232 = arith.constant 0 : i32
        %dma_start3A_233 = tpu.memref_slice %arg15[%dma_start3A_231, %dma_start3A_232] : memref<10000x128xf32, #tpu.memory_space<vmem_shared>> -> memref<400x128xf32, #tpu.memory_space<vmem_shared>>
        %dma_start3A_234 = arith.constant 9600 : i32
        %dma_start3A_235 = arith.constant 0 : i32
        %dma_start3A_236 = tpu.memref_slice %arg2[%dma_start3A_234, %dma_start3A_235] : memref<10000x128xf32, #tpu.memory_space<hbm>> -> memref<400x128xf32, #tpu.memory_space<hbm>>
        tpu.enqueue_dma source(%dma_start3A_236 : memref<400x128xf32, #tpu.memory_space<hbm>>) target(%dma_start3A_233 : memref<400x128xf32, #tpu.memory_space<vmem_shared>>) target_semaphore(%run_scoped3A : memref<!tpu.dma_semaphore, #tpu.memory_space<semaphore_mem>>)
        %dma_wait3A_237 = arith.constant 9600 : i32
        %dma_wait3A_238 = arith.constant 0 : i32
        %dma_wait3A_239 = tpu.memref_slice %arg15[%dma_wait3A_237, %dma_wait3A_238] : memref<10000x128xf32, #tpu.memory_space<vmem_shared>> -> memref<400x128xf32, #tpu.memory_space<vmem_shared>>
        %dma_wait3A_240 = arith.constant 9600 : i32
        %dma_wait3A_241 = arith.constant 0 : i32
        %dma_wait3A_242 = tpu.memref_slice %arg2[%dma_wait3A_240, %dma_wait3A_241] : memref<10000x128xf32, #tpu.memory_space<hbm>> -> memref<400x128xf32, #tpu.memory_space<hbm>>
        tpu.wait_dma2 semaphore(%run_scoped3A : memref<!tpu.dma_semaphore, #tpu.memory_space<semaphore_mem>>) src(%dma_wait3A_242 : memref<400x128xf32, #tpu.memory_space<hbm>>) dst(%dma_wait3A_239 : memref<400x128xf32, #tpu.memory_space<vmem_shared>>)
        tpu.yield
      }) : () -> ()
    } else {
    }
    %barrier3A = arith.constant 0 : index
    tpu.barrier barrier_id(%barrier3A)
    %add3A_9 = arith.constant 0 : i32
    %add3A_10 = arith.addi %mul3A_2, %add3A_9 : i32
    %multiple_of3A = tpu.assume_multiple %add3A_10, 8 : i32
    %dma_start3A = tpu.memref_slice %arg3[%multiple_of3A] : memref<640000xi32, #tpu.memory_space<hbm>> -> memref<128xi32, #tpu.memory_space<hbm>>
    %dma_start3A_11 = tpu.memref_slice %arg3[%multiple_of3A] : memref<640000xi32, #tpu.memory_space<hbm>> -> memref<128xi32, #tpu.memory_space<hbm>>
    tpu.enqueue_dma source(%dma_start3A_11 : memref<128xi32, #tpu.memory_space<hbm>>) target(%arg5 : memref<128xi32, #tpu.memory_space<vmem>>) target_semaphore(%arg16 : memref<!tpu.dma_semaphore, #tpu.memory_space<semaphore_mem>>)
    %add3A_12 = arith.constant 320000 : i32
    %add3A_13 = arith.addi %add3A_12, %mul3A_2 : i32
    %add3A_14 = arith.constant 0 : i32
    %add3A_15 = arith.addi %add3A_13, %add3A_14 : i32
    %multiple_of3A_16 = tpu.assume_multiple %add3A_15, 8 : i32
    %dma_start3A_17 = tpu.memref_slice %arg3[%multiple_of3A_16] : memref<640000xi32, #tpu.memory_space<hbm>> -> memref<128xi32, #tpu.memory_space<hbm>>
    %dma_start3A_18 = tpu.memref_slice %arg3[%multiple_of3A_16] : memref<640000xi32, #tpu.memory_space<hbm>> -> memref<128xi32, #tpu.memory_space<hbm>>
    tpu.enqueue_dma source(%dma_start3A_18 : memref<128xi32, #tpu.memory_space<hbm>>) target(%arg8 : memref<128xi32, #tpu.memory_space<vmem>>) target_semaphore(%arg19 : memref<!tpu.dma_semaphore, #tpu.memory_space<semaphore_mem>>)
    %dma_wait3A = arith.constant 0 : i32
    %dma_wait3A_19 = tpu.memref_slice %arg3[%dma_wait3A] : memref<640000xi32, #tpu.memory_space<hbm>> -> memref<128xi32, #tpu.memory_space<hbm>>
    %dma_wait3A_20 = arith.constant 0 : i32
    %dma_wait3A_21 = tpu.memref_slice %arg3[%dma_wait3A_20] : memref<640000xi32, #tpu.memory_space<hbm>> -> memref<128xi32, #tpu.memory_space<hbm>>
    tpu.wait_dma2 semaphore(%arg16 : memref<!tpu.dma_semaphore, #tpu.memory_space<semaphore_mem>>) src(%dma_wait3A_21 : memref<128xi32, #tpu.memory_space<hbm>>) dst(%arg5 : memref<128xi32, #tpu.memory_space<vmem>>)
    %dma_start3A_22 = arith.constant 0 : i32
    %dma_start3A_23 = arith.constant 0 : i32
    %dma_start3A_24 = tpu.memref_slice %arg2[%dma_start3A_22, %dma_start3A_23] : memref<10000x128xf32, #tpu.memory_space<hbm>> -> memref<10000x128xf32, #tpu.memory_space<hbm>>
    tpu.enqueue_indirect_dma source(%dma_start3A_24 : memref<10000x128xf32, #tpu.memory_space<hbm>>) target(%arg12 : memref<128x128xf32, #tpu.memory_space<vmem>>) offsets(%arg5 : memref<128xi32, #tpu.memory_space<vmem>>) semaphore(%arg22 : memref<!tpu.dma_semaphore, #tpu.memory_space<semaphore_mem>>)
    %add3A_25 = arith.constant 128 : i32
    %add3A_26 = arith.addi %mul3A_2, %add3A_25 : i32
    %multiple_of3A_27 = tpu.assume_multiple %add3A_26, 8 : i32
    %dma_start3A_28 = tpu.memref_slice %arg3[%multiple_of3A_27] : memref<640000xi32, #tpu.memory_space<hbm>> -> memref<128xi32, #tpu.memory_space<hbm>>
    %dma_start3A_29 = tpu.memref_slice %arg3[%multiple_of3A_27] : memref<640000xi32, #tpu.memory_space<hbm>> -> memref<128xi32, #tpu.memory_space<hbm>>
    tpu.enqueue_dma source(%dma_start3A_29 : memref<128xi32, #tpu.memory_space<hbm>>) target(%arg6 : memref<128xi32, #tpu.memory_space<vmem>>) target_semaphore(%arg17 : memref<!tpu.dma_semaphore, #tpu.memory_space<semaphore_mem>>)
    %add3A_30 = arith.constant 256 : i32
    %add3A_31 = arith.addi %mul3A_2, %add3A_30 : i32
    %multiple_of3A_32 = tpu.assume_multiple %add3A_31, 8 : i32
    %dma_start3A_33 = tpu.memref_slice %arg3[%multiple_of3A_32] : memref<640000xi32, #tpu.memory_space<hbm>> -> memref<128xi32, #tpu.memory_space<hbm>>
    %dma_start3A_34 = tpu.memref_slice %arg3[%multiple_of3A_32] : memref<640000xi32, #tpu.memory_space<hbm>> -> memref<128xi32, #tpu.memory_space<hbm>>
    tpu.enqueue_dma source(%dma_start3A_34 : memref<128xi32, #tpu.memory_space<hbm>>) target(%arg7 : memref<128xi32, #tpu.memory_space<vmem>>) target_semaphore(%arg18 : memref<!tpu.dma_semaphore, #tpu.memory_space<semaphore_mem>>)
    %dma_wait3A_35 = arith.constant 0 : i32
    %dma_wait3A_36 = arith.constant 0 : i32
    %dma_wait3A_37 = tpu.memref_slice %arg2[%dma_wait3A_35, %dma_wait3A_36] : memref<10000x128xf32, #tpu.memory_space<hbm>> -> memref<128x128xf32, #tpu.memory_space<hbm>>
    %dma_wait3A_38 = arith.constant 0 : i32
    %dma_wait3A_39 = arith.constant 0 : i32
    %dma_wait3A_40 = tpu.memref_slice %arg2[%dma_wait3A_38, %dma_wait3A_39] : memref<10000x128xf32, #tpu.memory_space<hbm>> -> memref<128x128xf32, #tpu.memory_space<hbm>>
    tpu.wait_dma2 semaphore(%arg22 : memref<!tpu.dma_semaphore, #tpu.memory_space<semaphore_mem>>) src(%dma_wait3A_40 : memref<128x128xf32, #tpu.memory_space<hbm>>) dst(%arg12 : memref<128x128xf32, #tpu.memory_space<vmem>>)
    %dma_wait3A_41 = arith.constant 0 : i32
    %dma_wait3A_42 = tpu.memref_slice %arg3[%dma_wait3A_41] : memref<640000xi32, #tpu.memory_space<hbm>> -> memref<128xi32, #tpu.memory_space<hbm>>
    %dma_wait3A_43 = arith.constant 0 : i32
    %dma_wait3A_44 = tpu.memref_slice %arg3[%dma_wait3A_43] : memref<640000xi32, #tpu.memory_space<hbm>> -> memref<128xi32, #tpu.memory_space<hbm>>
    tpu.wait_dma2 semaphore(%arg17 : memref<!tpu.dma_semaphore, #tpu.memory_space<semaphore_mem>>) src(%dma_wait3A_44 : memref<128xi32, #tpu.memory_space<hbm>>) dst(%arg6 : memref<128xi32, #tpu.memory_space<vmem>>)
    %dma_start3A_45 = arith.constant 0 : i32
    %dma_start3A_46 = arith.constant 0 : i32
    %dma_start3A_47 = tpu.memref_slice %arg2[%dma_start3A_45, %dma_start3A_46] : memref<10000x128xf32, #tpu.memory_space<hbm>> -> memref<10000x128xf32, #tpu.memory_space<hbm>>
    tpu.enqueue_indirect_dma source(%dma_start3A_47 : memref<10000x128xf32, #tpu.memory_space<hbm>>) target(%arg13 : memref<128x128xf32, #tpu.memory_space<vmem>>) offsets(%arg6 : memref<128xi32, #tpu.memory_space<vmem>>) semaphore(%arg23 : memref<!tpu.dma_semaphore, #tpu.memory_space<semaphore_mem>>)
    %add3A_48 = arith.constant 384 : i32
    %add3A_49 = arith.addi %mul3A_2, %add3A_48 : i32
    %multiple_of3A_50 = tpu.assume_multiple %add3A_49, 8 : i32
    %dma_start3A_51 = tpu.memref_slice %arg3[%multiple_of3A_50] : memref<640000xi32, #tpu.memory_space<hbm>> -> memref<128xi32, #tpu.memory_space<hbm>>
    %dma_start3A_52 = tpu.memref_slice %arg3[%multiple_of3A_50] : memref<640000xi32, #tpu.memory_space<hbm>> -> memref<128xi32, #tpu.memory_space<hbm>>
    tpu.enqueue_dma source(%dma_start3A_52 : memref<128xi32, #tpu.memory_space<hbm>>) target(%arg5 : memref<128xi32, #tpu.memory_space<vmem>>) target_semaphore(%arg16 : memref<!tpu.dma_semaphore, #tpu.memory_space<semaphore_mem>>)
    %add3A_53 = arith.constant 320000 : i32
    %add3A_54 = arith.addi %add3A_53, %mul3A_2 : i32
    %add3A_55 = arith.constant 128 : i32
    %add3A_56 = arith.addi %add3A_54, %add3A_55 : i32
    %multiple_of3A_57 = tpu.assume_multiple %add3A_56, 8 : i32
    %dma_start3A_58 = tpu.memref_slice %arg3[%multiple_of3A_57] : memref<640000xi32, #tpu.memory_space<hbm>> -> memref<128xi32, #tpu.memory_space<hbm>>
    %dma_start3A_59 = tpu.memref_slice %arg3[%multiple_of3A_57] : memref<640000xi32, #tpu.memory_space<hbm>> -> memref<128xi32, #tpu.memory_space<hbm>>
    tpu.enqueue_dma source(%dma_start3A_59 : memref<128xi32, #tpu.memory_space<hbm>>) target(%arg9 : memref<128xi32, #tpu.memory_space<vmem>>) target_semaphore(%arg20 : memref<!tpu.dma_semaphore, #tpu.memory_space<semaphore_mem>>)
    %dma_wait3A_60 = arith.constant 0 : i32
    %dma_wait3A_61 = tpu.memref_slice %arg3[%dma_wait3A_60] : memref<640000xi32, #tpu.memory_space<hbm>> -> memref<128xi32, #tpu.memory_space<hbm>>
    %dma_wait3A_62 = arith.constant 0 : i32
    %dma_wait3A_63 = tpu.memref_slice %arg3[%dma_wait3A_62] : memref<640000xi32, #tpu.memory_space<hbm>> -> memref<128xi32, #tpu.memory_space<hbm>>
    tpu.wait_dma2 semaphore(%arg19 : memref<!tpu.dma_semaphore, #tpu.memory_space<semaphore_mem>>) src(%dma_wait3A_63 : memref<128xi32, #tpu.memory_space<hbm>>) dst(%arg8 : memref<128xi32, #tpu.memory_space<vmem>>)
    %dma_start3A_64 = arith.constant 0 : i32
    %dma_start3A_65 = arith.constant 0 : i32
    %dma_start3A_66 = tpu.memref_slice %arg15[%dma_start3A_64, %dma_start3A_65] : memref<10000x128xf32, #tpu.memory_space<vmem_shared>> -> memref<10000x128xf32, #tpu.memory_space<vmem_shared>>
    tpu.enqueue_indirect_dma source(%arg12 : memref<128x128xf32, #tpu.memory_space<vmem>>) target(%dma_start3A_66 : memref<10000x128xf32, #tpu.memory_space<vmem_shared>>) offsets(%arg8 : memref<128xi32, #tpu.memory_space<vmem>>) semaphore(%arg25 : memref<!tpu.dma_semaphore, #tpu.memory_space<semaphore_mem>>) {add = true}
    %dma_wait3A_67 = arith.constant 0 : i32
    %dma_wait3A_68 = arith.constant 0 : i32
    %dma_wait3A_69 = tpu.memref_slice %arg2[%dma_wait3A_67, %dma_wait3A_68] : memref<10000x128xf32, #tpu.memory_space<hbm>> -> memref<128x128xf32, #tpu.memory_space<hbm>>
    %dma_wait3A_70 = arith.constant 0 : i32
    %dma_wait3A_71 = arith.constant 0 : i32
    %dma_wait3A_72 = tpu.memref_slice %arg2[%dma_wait3A_70, %dma_wait3A_71] : memref<10000x128xf32, #tpu.memory_space<hbm>> -> memref<128x128xf32, #tpu.memory_space<hbm>>
    tpu.wait_dma2 semaphore(%arg23 : memref<!tpu.dma_semaphore, #tpu.memory_space<semaphore_mem>>) src(%dma_wait3A_72 : memref<128x128xf32, #tpu.memory_space<hbm>>) dst(%arg13 : memref<128x128xf32, #tpu.memory_space<vmem>>)
    %dma_wait3A_73 = arith.constant 0 : i32
    %dma_wait3A_74 = tpu.memref_slice %arg3[%dma_wait3A_73] : memref<640000xi32, #tpu.memory_space<hbm>> -> memref<128xi32, #tpu.memory_space<hbm>>
    %dma_wait3A_75 = arith.constant 0 : i32
    %dma_wait3A_76 = tpu.memref_slice %arg3[%dma_wait3A_75] : memref<640000xi32, #tpu.memory_space<hbm>> -> memref<128xi32, #tpu.memory_space<hbm>>
    tpu.wait_dma2 semaphore(%arg18 : memref<!tpu.dma_semaphore, #tpu.memory_space<semaphore_mem>>) src(%dma_wait3A_76 : memref<128xi32, #tpu.memory_space<hbm>>) dst(%arg7 : memref<128xi32, #tpu.memory_space<vmem>>)
    %dma_start3A_77 = arith.constant 0 : i32
    %dma_start3A_78 = arith.constant 0 : i32
    %dma_start3A_79 = tpu.memref_slice %arg2[%dma_start3A_77, %dma_start3A_78] : memref<10000x128xf32, #tpu.memory_space<hbm>> -> memref<10000x128xf32, #tpu.memory_space<hbm>>
    tpu.enqueue_indirect_dma source(%dma_start3A_79 : memref<10000x128xf32, #tpu.memory_space<hbm>>) target(%arg14 : memref<128x128xf32, #tpu.memory_space<vmem>>) offsets(%arg7 : memref<128xi32, #tpu.memory_space<vmem>>) semaphore(%arg24 : memref<!tpu.dma_semaphore, #tpu.memory_space<semaphore_mem>>)
    %add3A_80 = arith.constant 512 : i32
    %add3A_81 = arith.addi %mul3A_2, %add3A_80 : i32
    %multiple_of3A_82 = tpu.assume_multiple %add3A_81, 8 : i32
    %dma_start3A_83 = tpu.memref_slice %arg3[%multiple_of3A_82] : memref<640000xi32, #tpu.memory_space<hbm>> -> memref<128xi32, #tpu.memory_space<hbm>>
    %dma_start3A_84 = tpu.memref_slice %arg3[%multiple_of3A_82] : memref<640000xi32, #tpu.memory_space<hbm>> -> memref<128xi32, #tpu.memory_space<hbm>>
    tpu.enqueue_dma source(%dma_start3A_84 : memref<128xi32, #tpu.memory_space<hbm>>) target(%arg6 : memref<128xi32, #tpu.memory_space<vmem>>) target_semaphore(%arg17 : memref<!tpu.dma_semaphore, #tpu.memory_space<semaphore_mem>>)
    %add3A_85 = arith.constant 320000 : i32
    %add3A_86 = arith.addi %add3A_85, %mul3A_2 : i32
    %add3A_87 = arith.constant 256 : i32
    %add3A_88 = arith.addi %add3A_86, %add3A_87 : i32
    %multiple_of3A_89 = tpu.assume_multiple %add3A_88, 8 : i32
    %dma_start3A_90 = tpu.memref_slice %arg3[%multiple_of3A_89] : memref<640000xi32, #tpu.memory_space<hbm>> -> memref<128xi32, #tpu.memory_space<hbm>>
    %dma_start3A_91 = tpu.memref_slice %arg3[%multiple_of3A_89] : memref<640000xi32, #tpu.memory_space<hbm>> -> memref<128xi32, #tpu.memory_space<hbm>>
    tpu.enqueue_dma source(%dma_start3A_91 : memref<128xi32, #tpu.memory_space<hbm>>) target(%arg10 : memref<128xi32, #tpu.memory_space<vmem>>) target_semaphore(%arg21 : memref<!tpu.dma_semaphore, #tpu.memory_space<semaphore_mem>>)
    %dma_wait3A_92 = arith.constant 0 : i32
    %dma_wait3A_93 = tpu.memref_slice %arg3[%dma_wait3A_92] : memref<640000xi32, #tpu.memory_space<hbm>> -> memref<128xi32, #tpu.memory_space<hbm>>
    %dma_wait3A_94 = arith.constant 0 : i32
    %dma_wait3A_95 = tpu.memref_slice %arg3[%dma_wait3A_94] : memref<640000xi32, #tpu.memory_space<hbm>> -> memref<128xi32, #tpu.memory_space<hbm>>
    tpu.wait_dma2 semaphore(%arg20 : memref<!tpu.dma_semaphore, #tpu.memory_space<semaphore_mem>>) src(%dma_wait3A_95 : memref<128xi32, #tpu.memory_space<hbm>>) dst(%arg9 : memref<128xi32, #tpu.memory_space<vmem>>)
    %dma_start3A_96 = arith.constant 0 : i32
    %dma_start3A_97 = arith.constant 0 : i32
    %dma_start3A_98 = tpu.memref_slice %arg15[%dma_start3A_96, %dma_start3A_97] : memref<10000x128xf32, #tpu.memory_space<vmem_shared>> -> memref<10000x128xf32, #tpu.memory_space<vmem_shared>>
    tpu.enqueue_indirect_dma source(%arg13 : memref<128x128xf32, #tpu.memory_space<vmem>>) target(%dma_start3A_98 : memref<10000x128xf32, #tpu.memory_space<vmem_shared>>) offsets(%arg9 : memref<128xi32, #tpu.memory_space<vmem>>) semaphore(%arg26 : memref<!tpu.dma_semaphore, #tpu.memory_space<semaphore_mem>>) {add = true}
    %scan3A = arith.constant 0 : i32
    %scan3A_99 = arith.constant 0 : i32
    %scan3A_100 = arith.constant 24 : i32
    %scan3A_101 = arith.addi %scan3A_99, %scan3A_100 : i32
    %scan3A_102 = arith.constant 1 : i32
    scf.for %scan3A_231 = %scan3A_99 to %scan3A_101 step %scan3A_102  : i32 {
      %mul3A_232 = arith.constant 3 : i32
      %mul3A_233 = arith.muli %mul3A_232, %scan3A_231 : i32
      %add3A_234 = arith.constant 2 : i32
      %add3A_235 = arith.addi %mul3A_233, %add3A_234 : i32
      %dma_wait3A_236 = arith.constant 0 : i32
      %dma_wait3A_237 = arith.constant 0 : i32
      %dma_wait3A_238 = tpu.memref_slice %arg2[%dma_wait3A_236, %dma_wait3A_237] : memref<10000x128xf32, #tpu.memory_space<hbm>> -> memref<128x128xf32, #tpu.memory_space<hbm>>
      %dma_wait3A_239 = arith.constant 0 : i32
      %dma_wait3A_240 = arith.constant 0 : i32
      %dma_wait3A_241 = tpu.memref_slice %arg2[%dma_wait3A_239, %dma_wait3A_240] : memref<10000x128xf32, #tpu.memory_space<hbm>> -> memref<128x128xf32, #tpu.memory_space<hbm>>
      tpu.wait_dma2 semaphore(%arg24 : memref<!tpu.dma_semaphore, #tpu.memory_space<semaphore_mem>>) src(%dma_wait3A_241 : memref<128x128xf32, #tpu.memory_space<hbm>>) dst(%arg14 : memref<128x128xf32, #tpu.memory_space<vmem>>)
      %dma_wait3A_242 = arith.constant 0 : i32
      %dma_wait3A_243 = tpu.memref_slice %arg3[%dma_wait3A_242] : memref<640000xi32, #tpu.memory_space<hbm>> -> memref<128xi32, #tpu.memory_space<hbm>>
      %dma_wait3A_244 = arith.constant 0 : i32
      %dma_wait3A_245 = tpu.memref_slice %arg3[%dma_wait3A_244] : memref<640000xi32, #tpu.memory_space<hbm>> -> memref<128xi32, #tpu.memory_space<hbm>>
      tpu.wait_dma2 semaphore(%arg16 : memref<!tpu.dma_semaphore, #tpu.memory_space<semaphore_mem>>) src(%dma_wait3A_245 : memref<128xi32, #tpu.memory_space<hbm>>) dst(%arg5 : memref<128xi32, #tpu.memory_space<vmem>>)
      %dma_wait3A_246 = arith.constant 0 : i32
      %dma_wait3A_247 = arith.constant 0 : i32
      %dma_wait3A_248 = tpu.memref_slice %arg15[%dma_wait3A_246, %dma_wait3A_247] : memref<10000x128xf32, #tpu.memory_space<vmem_shared>> -> memref<10000x128xf32, #tpu.memory_space<vmem_shared>>
      tpu.wait_indirect_dma semaphore(%arg25 : memref<!tpu.dma_semaphore, #tpu.memory_space<semaphore_mem>>) src(%arg12 : memref<128x128xf32, #tpu.memory_space<vmem>>) dst(%dma_wait3A_248 : memref<10000x128xf32, #tpu.memory_space<vmem_shared>>)
      %dma_start3A_249 = arith.constant 0 : i32
      %dma_start3A_250 = arith.constant 0 : i32
      %dma_start3A_251 = tpu.memref_slice %arg2[%dma_start3A_249, %dma_start3A_250] : memref<10000x128xf32, #tpu.memory_space<hbm>> -> memref<10000x128xf32, #tpu.memory_space<hbm>>
      tpu.enqueue_indirect_dma source(%dma_start3A_251 : memref<10000x128xf32, #tpu.memory_space<hbm>>) target(%arg12 : memref<128x128xf32, #tpu.memory_space<vmem>>) offsets(%arg5 : memref<128xi32, #tpu.memory_space<vmem>>) semaphore(%arg22 : memref<!tpu.dma_semaphore, #tpu.memory_space<semaphore_mem>>)
      %add3A_252 = arith.constant 3 : i32
      %add3A_253 = arith.addi %add3A_235, %add3A_252 : i32
      %mul3A_254 = arith.constant 128 : i32
      %mul3A_255 = arith.muli %add3A_253, %mul3A_254 : i32
      %add3A_256 = arith.addi %mul3A_2, %mul3A_255 : i32
      %multiple_of3A_257 = tpu.assume_multiple %add3A_256, 8 : i32
      %dma_start3A_258 = tpu.memref_slice %arg3[%multiple_of3A_257] : memref<640000xi32, #tpu.memory_space<hbm>> -> memref<128xi32, #tpu.memory_space<hbm>>
      %dma_start3A_259 = tpu.memref_slice %arg3[%multiple_of3A_257] : memref<640000xi32, #tpu.memory_space<hbm>> -> memref<128xi32, #tpu.memory_space<hbm>>
      tpu.enqueue_dma source(%dma_start3A_259 : memref<128xi32, #tpu.memory_space<hbm>>) target(%arg7 : memref<128xi32, #tpu.memory_space<vmem>>) target_semaphore(%arg18 : memref<!tpu.dma_semaphore, #tpu.memory_space<semaphore_mem>>)
      %add3A_260 = arith.constant 1 : i32
      %add3A_261 = arith.addi %add3A_235, %add3A_260 : i32
      %add3A_262 = arith.constant 320000 : i32
      %add3A_263 = arith.addi %add3A_262, %mul3A_2 : i32
      %mul3A_264 = arith.constant 128 : i32
      %mul3A_265 = arith.muli %add3A_261, %mul3A_264 : i32
      %add3A_266 = arith.addi %add3A_263, %mul3A_265 : i32
      %multiple_of3A_267 = tpu.assume_multiple %add3A_266, 8 : i32
      %dma_start3A_268 = tpu.memref_slice %arg3[%multiple_of3A_267] : memref<640000xi32, #tpu.memory_space<hbm>> -> memref<128xi32, #tpu.memory_space<hbm>>
      %dma_start3A_269 = tpu.memref_slice %arg3[%multiple_of3A_267] : memref<640000xi32, #tpu.memory_space<hbm>> -> memref<128xi32, #tpu.memory_space<hbm>>
      tpu.enqueue_dma source(%dma_start3A_269 : memref<128xi32, #tpu.memory_space<hbm>>) target(%arg8 : memref<128xi32, #tpu.memory_space<vmem>>) target_semaphore(%arg19 : memref<!tpu.dma_semaphore, #tpu.memory_space<semaphore_mem>>)
      %dma_wait3A_270 = arith.constant 0 : i32
      %dma_wait3A_271 = tpu.memref_slice %arg3[%dma_wait3A_270] : memref<640000xi32, #tpu.memory_space<hbm>> -> memref<128xi32, #tpu.memory_space<hbm>>
      %dma_wait3A_272 = arith.constant 0 : i32
      %dma_wait3A_273 = tpu.memref_slice %arg3[%dma_wait3A_272] : memref<640000xi32, #tpu.memory_space<hbm>> -> memref<128xi32, #tpu.memory_space<hbm>>
      tpu.wait_dma2 semaphore(%arg21 : memref<!tpu.dma_semaphore, #tpu.memory_space<semaphore_mem>>) src(%dma_wait3A_273 : memref<128xi32, #tpu.memory_space<hbm>>) dst(%arg10 : memref<128xi32, #tpu.memory_space<vmem>>)
      %dma_start3A_274 = arith.constant 0 : i32
      %dma_start3A_275 = arith.constant 0 : i32
      %dma_start3A_276 = tpu.memref_slice %arg15[%dma_start3A_274, %dma_start3A_275] : memref<10000x128xf32, #tpu.memory_space<vmem_shared>> -> memref<10000x128xf32, #tpu.memory_space<vmem_shared>>
      tpu.enqueue_indirect_dma source(%arg14 : memref<128x128xf32, #tpu.memory_space<vmem>>) target(%dma_start3A_276 : memref<10000x128xf32, #tpu.memory_space<vmem_shared>>) offsets(%arg10 : memref<128xi32, #tpu.memory_space<vmem>>) semaphore(%arg27 : memref<!tpu.dma_semaphore, #tpu.memory_space<semaphore_mem>>) {add = true}
      %add3A_277 = arith.constant 1 : i32
      %add3A_278 = arith.addi %add3A_235, %add3A_277 : i32
      %dma_wait3A_279 = arith.constant 0 : i32
      %dma_wait3A_280 = arith.constant 0 : i32
      %dma_wait3A_281 = tpu.memref_slice %arg2[%dma_wait3A_279, %dma_wait3A_280] : memref<10000x128xf32, #tpu.memory_space<hbm>> -> memref<128x128xf32, #tpu.memory_space<hbm>>
      %dma_wait3A_282 = arith.constant 0 : i32
      %dma_wait3A_283 = arith.constant 0 : i32
      %dma_wait3A_284 = tpu.memref_slice %arg2[%dma_wait3A_282, %dma_wait3A_283] : memref<10000x128xf32, #tpu.memory_space<hbm>> -> memref<128x128xf32, #tpu.memory_space<hbm>>
      tpu.wait_dma2 semaphore(%arg22 : memref<!tpu.dma_semaphore, #tpu.memory_space<semaphore_mem>>) src(%dma_wait3A_284 : memref<128x128xf32, #tpu.memory_space<hbm>>) dst(%arg12 : memref<128x128xf32, #tpu.memory_space<vmem>>)
      %dma_wait3A_285 = arith.constant 0 : i32
      %dma_wait3A_286 = tpu.memref_slice %arg3[%dma_wait3A_285] : memref<640000xi32, #tpu.memory_space<hbm>> -> memref<128xi32, #tpu.memory_space<hbm>>
      %dma_wait3A_287 = arith.constant 0 : i32
      %dma_wait3A_288 = tpu.memref_slice %arg3[%dma_wait3A_287] : memref<640000xi32, #tpu.memory_space<hbm>> -> memref<128xi32, #tpu.memory_space<hbm>>
      tpu.wait_dma2 semaphore(%arg17 : memref<!tpu.dma_semaphore, #tpu.memory_space<semaphore_mem>>) src(%dma_wait3A_288 : memref<128xi32, #tpu.memory_space<hbm>>) dst(%arg6 : memref<128xi32, #tpu.memory_space<vmem>>)
      %dma_wait3A_289 = arith.constant 0 : i32
      %dma_wait3A_290 = arith.constant 0 : i32
      %dma_wait3A_291 = tpu.memref_slice %arg15[%dma_wait3A_289, %dma_wait3A_290] : memref<10000x128xf32, #tpu.memory_space<vmem_shared>> -> memref<10000x128xf32, #tpu.memory_space<vmem_shared>>
      tpu.wait_indirect_dma semaphore(%arg26 : memref<!tpu.dma_semaphore, #tpu.memory_space<semaphore_mem>>) src(%arg13 : memref<128x128xf32, #tpu.memory_space<vmem>>) dst(%dma_wait3A_291 : memref<10000x128xf32, #tpu.memory_space<vmem_shared>>)
      %dma_start3A_292 = arith.constant 0 : i32
      %dma_start3A_293 = arith.constant 0 : i32
      %dma_start3A_294 = tpu.memref_slice %arg2[%dma_start3A_292, %dma_start3A_293] : memref<10000x128xf32, #tpu.memory_space<hbm>> -> memref<10000x128xf32, #tpu.memory_space<hbm>>
      tpu.enqueue_indirect_dma source(%dma_start3A_294 : memref<10000x128xf32, #tpu.memory_space<hbm>>) target(%arg13 : memref<128x128xf32, #tpu.memory_space<vmem>>) offsets(%arg6 : memref<128xi32, #tpu.memory_space<vmem>>) semaphore(%arg23 : memref<!tpu.dma_semaphore, #tpu.memory_space<semaphore_mem>>)
      %add3A_295 = arith.constant 3 : i32
      %add3A_296 = arith.addi %add3A_278, %add3A_295 : i32
      %mul3A_297 = arith.constant 128 : i32
      %mul3A_298 = arith.muli %add3A_296, %mul3A_297 : i32
      %add3A_299 = arith.addi %mul3A_2, %mul3A_298 : i32
      %multiple_of3A_300 = tpu.assume_multiple %add3A_299, 8 : i32
      %dma_start3A_301 = tpu.memref_slice %arg3[%multiple_of3A_300] : memref<640000xi32, #tpu.memory_space<hbm>> -> memref<128xi32, #tpu.memory_space<hbm>>
      %dma_start3A_302 = tpu.memref_slice %arg3[%multiple_of3A_300] : memref<640000xi32, #tpu.memory_space<hbm>> -> memref<128xi32, #tpu.memory_space<hbm>>
      tpu.enqueue_dma source(%dma_start3A_302 : memref<128xi32, #tpu.memory_space<hbm>>) target(%arg5 : memref<128xi32, #tpu.memory_space<vmem>>) target_semaphore(%arg16 : memref<!tpu.dma_semaphore, #tpu.memory_space<semaphore_mem>>)
      %add3A_303 = arith.constant 1 : i32
      %add3A_304 = arith.addi %add3A_278, %add3A_303 : i32
      %add3A_305 = arith.constant 320000 : i32
      %add3A_306 = arith.addi %add3A_305, %mul3A_2 : i32
      %mul3A_307 = arith.constant 128 : i32
      %mul3A_308 = arith.muli %add3A_304, %mul3A_307 : i32
      %add3A_309 = arith.addi %add3A_306, %mul3A_308 : i32
      %multiple_of3A_310 = tpu.assume_multiple %add3A_309, 8 : i32
      %dma_start3A_311 = tpu.memref_slice %arg3[%multiple_of3A_310] : memref<640000xi32, #tpu.memory_space<hbm>> -> memref<128xi32, #tpu.memory_space<hbm>>
      %dma_start3A_312 = tpu.memref_slice %arg3[%multiple_of3A_310] : memref<640000xi32, #tpu.memory_space<hbm>> -> memref<128xi32, #tpu.memory_space<hbm>>
      tpu.enqueue_dma source(%dma_start3A_312 : memref<128xi32, #tpu.memory_space<hbm>>) target(%arg9 : memref<128xi32, #tpu.memory_space<vmem>>) target_semaphore(%arg20 : memref<!tpu.dma_semaphore, #tpu.memory_space<semaphore_mem>>)
      %dma_wait3A_313 = arith.constant 0 : i32
      %dma_wait3A_314 = tpu.memref_slice %arg3[%dma_wait3A_313] : memref<640000xi32, #tpu.memory_space<hbm>> -> memref<128xi32, #tpu.memory_space<hbm>>
      %dma_wait3A_315 = arith.constant 0 : i32
      %dma_wait3A_316 = tpu.memref_slice %arg3[%dma_wait3A_315] : memref<640000xi32, #tpu.memory_space<hbm>> -> memref<128xi32, #tpu.memory_space<hbm>>
      tpu.wait_dma2 semaphore(%arg19 : memref<!tpu.dma_semaphore, #tpu.memory_space<semaphore_mem>>) src(%dma_wait3A_316 : memref<128xi32, #tpu.memory_space<hbm>>) dst(%arg8 : memref<128xi32, #tpu.memory_space<vmem>>)
      %dma_start3A_317 = arith.constant 0 : i32
      %dma_start3A_318 = arith.constant 0 : i32
      %dma_start3A_319 = tpu.memref_slice %arg15[%dma_start3A_317, %dma_start3A_318] : memref<10000x128xf32, #tpu.memory_space<vmem_shared>> -> memref<10000x128xf32, #tpu.memory_space<vmem_shared>>
      tpu.enqueue_indirect_dma source(%arg12 : memref<128x128xf32, #tpu.memory_space<vmem>>) target(%dma_start3A_319 : memref<10000x128xf32, #tpu.memory_space<vmem_shared>>) offsets(%arg8 : memref<128xi32, #tpu.memory_space<vmem>>) semaphore(%arg25 : memref<!tpu.dma_semaphore, #tpu.memory_space<semaphore_mem>>) {add = true}
      %add3A_320 = arith.constant 2 : i32
      %add3A_321 = arith.addi %add3A_235, %add3A_320 : i32
      %dma_wait3A_322 = arith.constant 0 : i32
      %dma_wait3A_323 = arith.constant 0 : i32
      %dma_wait3A_324 = tpu.memref_slice %arg2[%dma_wait3A_322, %dma_wait3A_323] : memref<10000x128xf32, #tpu.memory_space<hbm>> -> memref<128x128xf32, #tpu.memory_space<hbm>>
      %dma_wait3A_325 = arith.constant 0 : i32
      %dma_wait3A_326 = arith.constant 0 : i32
      %dma_wait3A_327 = tpu.memref_slice %arg2[%dma_wait3A_325, %dma_wait3A_326] : memref<10000x128xf32, #tpu.memory_space<hbm>> -> memref<128x128xf32, #tpu.memory_space<hbm>>
      tpu.wait_dma2 semaphore(%arg23 : memref<!tpu.dma_semaphore, #tpu.memory_space<semaphore_mem>>) src(%dma_wait3A_327 : memref<128x128xf32, #tpu.memory_space<hbm>>) dst(%arg13 : memref<128x128xf32, #tpu.memory_space<vmem>>)
      %dma_wait3A_328 = arith.constant 0 : i32
      %dma_wait3A_329 = tpu.memref_slice %arg3[%dma_wait3A_328] : memref<640000xi32, #tpu.memory_space<hbm>> -> memref<128xi32, #tpu.memory_space<hbm>>
      %dma_wait3A_330 = arith.constant 0 : i32
      %dma_wait3A_331 = tpu.memref_slice %arg3[%dma_wait3A_330] : memref<640000xi32, #tpu.memory_space<hbm>> -> memref<128xi32, #tpu.memory_space<hbm>>
      tpu.wait_dma2 semaphore(%arg18 : memref<!tpu.dma_semaphore, #tpu.memory_space<semaphore_mem>>) src(%dma_wait3A_331 : memref<128xi32, #tpu.memory_space<hbm>>) dst(%arg7 : memref<128xi32, #tpu.memory_space<vmem>>)
      %dma_wait3A_332 = arith.constant 0 : i32
      %dma_wait3A_333 = arith.constant 0 : i32
      %dma_wait3A_334 = tpu.memref_slice %arg15[%dma_wait3A_332, %dma_wait3A_333] : memref<10000x128xf32, #tpu.memory_space<vmem_shared>> -> memref<10000x128xf32, #tpu.memory_space<vmem_shared>>
      tpu.wait_indirect_dma semaphore(%arg27 : memref<!tpu.dma_semaphore, #tpu.memory_space<semaphore_mem>>) src(%arg14 : memref<128x128xf32, #tpu.memory_space<vmem>>) dst(%dma_wait3A_334 : memref<10000x128xf32, #tpu.memory_space<vmem_shared>>)
      %dma_start3A_335 = arith.constant 0 : i32
      %dma_start3A_336 = arith.constant 0 : i32
      %dma_start3A_337 = tpu.memref_slice %arg2[%dma_start3A_335, %dma_start3A_336] : memref<10000x128xf32, #tpu.memory_space<hbm>> -> memref<10000x128xf32, #tpu.memory_space<hbm>>
      tpu.enqueue_indirect_dma source(%dma_start3A_337 : memref<10000x128xf32, #tpu.memory_space<hbm>>) target(%arg14 : memref<128x128xf32, #tpu.memory_space<vmem>>) offsets(%arg7 : memref<128xi32, #tpu.memory_space<vmem>>) semaphore(%arg24 : memref<!tpu.dma_semaphore, #tpu.memory_space<semaphore_mem>>)
      %add3A_338 = arith.constant 3 : i32
      %add3A_339 = arith.addi %add3A_321, %add3A_338 : i32
      %mul3A_340 = arith.constant 128 : i32
      %mul3A_341 = arith.muli %add3A_339, %mul3A_340 : i32
      %add3A_342 = arith.addi %mul3A_2, %mul3A_341 : i32
      %multiple_of3A_343 = tpu.assume_multiple %add3A_342, 8 : i32
      %dma_start3A_344 = tpu.memref_slice %arg3[%multiple_of3A_343] : memref<640000xi32, #tpu.memory_space<hbm>> -> memref<128xi32, #tpu.memory_space<hbm>>
      %dma_start3A_345 = tpu.memref_slice %arg3[%multiple_of3A_343] : memref<640000xi32, #tpu.memory_space<hbm>> -> memref<128xi32, #tpu.memory_space<hbm>>
      tpu.enqueue_dma source(%dma_start3A_345 : memref<128xi32, #tpu.memory_space<hbm>>) target(%arg6 : memref<128xi32, #tpu.memory_space<vmem>>) target_semaphore(%arg17 : memref<!tpu.dma_semaphore, #tpu.memory_space<semaphore_mem>>)
      %add3A_346 = arith.constant 1 : i32
      %add3A_347 = arith.addi %add3A_321, %add3A_346 : i32
      %add3A_348 = arith.constant 320000 : i32
      %add3A_349 = arith.addi %add3A_348, %mul3A_2 : i32
      %mul3A_350 = arith.constant 128 : i32
      %mul3A_351 = arith.muli %add3A_347, %mul3A_350 : i32
      %add3A_352 = arith.addi %add3A_349, %mul3A_351 : i32
      %multiple_of3A_353 = tpu.assume_multiple %add3A_352, 8 : i32
      %dma_start3A_354 = tpu.memref_slice %arg3[%multiple_of3A_353] : memref<640000xi32, #tpu.memory_space<hbm>> -> memref<128xi32, #tpu.memory_space<hbm>>
      %dma_start3A_355 = tpu.memref_slice %arg3[%multiple_of3A_353] : memref<640000xi32, #tpu.memory_space<hbm>> -> memref<128xi32, #tpu.memory_space<hbm>>
      tpu.enqueue_dma source(%dma_start3A_355 : memref<128xi32, #tpu.memory_space<hbm>>) target(%arg10 : memref<128xi32, #tpu.memory_space<vmem>>) target_semaphore(%arg21 : memref<!tpu.dma_semaphore, #tpu.memory_space<semaphore_mem>>)
      %dma_wait3A_356 = arith.constant 0 : i32
      %dma_wait3A_357 = tpu.memref_slice %arg3[%dma_wait3A_356] : memref<640000xi32, #tpu.memory_space<hbm>> -> memref<128xi32, #tpu.memory_space<hbm>>
      %dma_wait3A_358 = arith.constant 0 : i32
      %dma_wait3A_359 = tpu.memref_slice %arg3[%dma_wait3A_358] : memref<640000xi32, #tpu.memory_space<hbm>> -> memref<128xi32, #tpu.memory_space<hbm>>
      tpu.wait_dma2 semaphore(%arg20 : memref<!tpu.dma_semaphore, #tpu.memory_space<semaphore_mem>>) src(%dma_wait3A_359 : memref<128xi32, #tpu.memory_space<hbm>>) dst(%arg9 : memref<128xi32, #tpu.memory_space<vmem>>)
      %dma_start3A_360 = arith.constant 0 : i32
      %dma_start3A_361 = arith.constant 0 : i32
      %dma_start3A_362 = tpu.memref_slice %arg15[%dma_start3A_360, %dma_start3A_361] : memref<10000x128xf32, #tpu.memory_space<vmem_shared>> -> memref<10000x128xf32, #tpu.memory_space<vmem_shared>>
      tpu.enqueue_indirect_dma source(%arg13 : memref<128x128xf32, #tpu.memory_space<vmem>>) target(%dma_start3A_362 : memref<10000x128xf32, #tpu.memory_space<vmem_shared>>) offsets(%arg9 : memref<128xi32, #tpu.memory_space<vmem>>) semaphore(%arg26 : memref<!tpu.dma_semaphore, #tpu.memory_space<semaphore_mem>>) {add = true}
    }
    %scan3A_103 = arith.constant 24 : i32
    %dma_wait3A_104 = arith.constant 0 : i32
    %dma_wait3A_105 = arith.constant 0 : i32
    %dma_wait3A_106 = tpu.memref_slice %arg2[%dma_wait3A_104, %dma_wait3A_105] : memref<10000x128xf32, #tpu.memory_space<hbm>> -> memref<128x128xf32, #tpu.memory_space<hbm>>
    %dma_wait3A_107 = arith.constant 0 : i32
    %dma_wait3A_108 = arith.constant 0 : i32
    %dma_wait3A_109 = tpu.memref_slice %arg2[%dma_wait3A_107, %dma_wait3A_108] : memref<10000x128xf32, #tpu.memory_space<hbm>> -> memref<128x128xf32, #tpu.memory_space<hbm>>
    tpu.wait_dma2 semaphore(%arg24 : memref<!tpu.dma_semaphore, #tpu.memory_space<semaphore_mem>>) src(%dma_wait3A_109 : memref<128x128xf32, #tpu.memory_space<hbm>>) dst(%arg14 : memref<128x128xf32, #tpu.memory_space<vmem>>)
    %dma_wait3A_110 = arith.constant 0 : i32
    %dma_wait3A_111 = tpu.memref_slice %arg3[%dma_wait3A_110] : memref<640000xi32, #tpu.memory_space<hbm>> -> memref<128xi32, #tpu.memory_space<hbm>>
    %dma_wait3A_112 = arith.constant 0 : i32
    %dma_wait3A_113 = tpu.memref_slice %arg3[%dma_wait3A_112] : memref<640000xi32, #tpu.memory_space<hbm>> -> memref<128xi32, #tpu.memory_space<hbm>>
    tpu.wait_dma2 semaphore(%arg16 : memref<!tpu.dma_semaphore, #tpu.memory_space<semaphore_mem>>) src(%dma_wait3A_113 : memref<128xi32, #tpu.memory_space<hbm>>) dst(%arg5 : memref<128xi32, #tpu.memory_space<vmem>>)
    %dma_wait3A_114 = arith.constant 0 : i32
    %dma_wait3A_115 = arith.constant 0 : i32
    %dma_wait3A_116 = tpu.memref_slice %arg15[%dma_wait3A_114, %dma_wait3A_115] : memref<10000x128xf32, #tpu.memory_space<vmem_shared>> -> memref<10000x128xf32, #tpu.memory_space<vmem_shared>>
    tpu.wait_indirect_dma semaphore(%arg25 : memref<!tpu.dma_semaphore, #tpu.memory_space<semaphore_mem>>) src(%arg12 : memref<128x128xf32, #tpu.memory_space<vmem>>) dst(%dma_wait3A_116 : memref<10000x128xf32, #tpu.memory_space<vmem_shared>>)
    %dma_start3A_117 = arith.constant 0 : i32
    %dma_start3A_118 = arith.constant 0 : i32
    %dma_start3A_119 = tpu.memref_slice %arg2[%dma_start3A_117, %dma_start3A_118] : memref<10000x128xf32, #tpu.memory_space<hbm>> -> memref<10000x128xf32, #tpu.memory_space<hbm>>
    tpu.enqueue_indirect_dma source(%dma_start3A_119 : memref<10000x128xf32, #tpu.memory_space<hbm>>) target(%arg12 : memref<128x128xf32, #tpu.memory_space<vmem>>) offsets(%arg5 : memref<128xi32, #tpu.memory_space<vmem>>) semaphore(%arg22 : memref<!tpu.dma_semaphore, #tpu.memory_space<semaphore_mem>>)
    %add3A_120 = arith.constant 9856 : i32
    %add3A_121 = arith.addi %mul3A_2, %add3A_120 : i32
    %multiple_of3A_122 = tpu.assume_multiple %add3A_121, 8 : i32
    %dma_start3A_123 = tpu.memref_slice %arg3[%multiple_of3A_122] : memref<640000xi32, #tpu.memory_space<hbm>> -> memref<128xi32, #tpu.memory_space<hbm>>
    %dma_start3A_124 = tpu.memref_slice %arg3[%multiple_of3A_122] : memref<640000xi32, #tpu.memory_space<hbm>> -> memref<128xi32, #tpu.memory_space<hbm>>
    tpu.enqueue_dma source(%dma_start3A_124 : memref<128xi32, #tpu.memory_space<hbm>>) target(%arg7 : memref<128xi32, #tpu.memory_space<vmem>>) target_semaphore(%arg18 : memref<!tpu.dma_semaphore, #tpu.memory_space<semaphore_mem>>)
    %add3A_125 = arith.constant 320000 : i32
    %add3A_126 = arith.addi %add3A_125, %mul3A_2 : i32
    %add3A_127 = arith.constant 9600 : i32
    %add3A_128 = arith.addi %add3A_126, %add3A_127 : i32
    %multiple_of3A_129 = tpu.assume_multiple %add3A_128, 8 : i32
    %dma_start3A_130 = tpu.memref_slice %arg3[%multiple_of3A_129] : memref<640000xi32, #tpu.memory_space<hbm>> -> memref<128xi32, #tpu.memory_space<hbm>>
    %dma_start3A_131 = tpu.memref_slice %arg3[%multiple_of3A_129] : memref<640000xi32, #tpu.memory_space<hbm>> -> memref<128xi32, #tpu.memory_space<hbm>>
    tpu.enqueue_dma source(%dma_start3A_131 : memref<128xi32, #tpu.memory_space<hbm>>) target(%arg8 : memref<128xi32, #tpu.memory_space<vmem>>) target_semaphore(%arg19 : memref<!tpu.dma_semaphore, #tpu.memory_space<semaphore_mem>>)
    %dma_wait3A_132 = arith.constant 0 : i32
    %dma_wait3A_133 = tpu.memref_slice %arg3[%dma_wait3A_132] : memref<640000xi32, #tpu.memory_space<hbm>> -> memref<128xi32, #tpu.memory_space<hbm>>
    %dma_wait3A_134 = arith.constant 0 : i32
    %dma_wait3A_135 = tpu.memref_slice %arg3[%dma_wait3A_134] : memref<640000xi32, #tpu.memory_space<hbm>> -> memref<128xi32, #tpu.memory_space<hbm>>
    tpu.wait_dma2 semaphore(%arg21 : memref<!tpu.dma_semaphore, #tpu.memory_space<semaphore_mem>>) src(%dma_wait3A_135 : memref<128xi32, #tpu.memory_space<hbm>>) dst(%arg10 : memref<128xi32, #tpu.memory_space<vmem>>)
    %dma_start3A_136 = arith.constant 0 : i32
    %dma_start3A_137 = arith.constant 0 : i32
    %dma_start3A_138 = tpu.memref_slice %arg15[%dma_start3A_136, %dma_start3A_137] : memref<10000x128xf32, #tpu.memory_space<vmem_shared>> -> memref<10000x128xf32, #tpu.memory_space<vmem_shared>>
    tpu.enqueue_indirect_dma source(%arg14 : memref<128x128xf32, #tpu.memory_space<vmem>>) target(%dma_start3A_138 : memref<10000x128xf32, #tpu.memory_space<vmem_shared>>) offsets(%arg10 : memref<128xi32, #tpu.memory_space<vmem>>) semaphore(%arg27 : memref<!tpu.dma_semaphore, #tpu.memory_space<semaphore_mem>>) {add = true}
    %dma_wait3A_139 = arith.constant 0 : i32
    %dma_wait3A_140 = arith.constant 0 : i32
    %dma_wait3A_141 = tpu.memref_slice %arg2[%dma_wait3A_139, %dma_wait3A_140] : memref<10000x128xf32, #tpu.memory_space<hbm>> -> memref<128x128xf32, #tpu.memory_space<hbm>>
    %dma_wait3A_142 = arith.constant 0 : i32
    %dma_wait3A_143 = arith.constant 0 : i32
    %dma_wait3A_144 = tpu.memref_slice %arg2[%dma_wait3A_142, %dma_wait3A_143] : memref<10000x128xf32, #tpu.memory_space<hbm>> -> memref<128x128xf32, #tpu.memory_space<hbm>>
    tpu.wait_dma2 semaphore(%arg22 : memref<!tpu.dma_semaphore, #tpu.memory_space<semaphore_mem>>) src(%dma_wait3A_144 : memref<128x128xf32, #tpu.memory_space<hbm>>) dst(%arg12 : memref<128x128xf32, #tpu.memory_space<vmem>>)
    %dma_wait3A_145 = arith.constant 0 : i32
    %dma_wait3A_146 = tpu.memref_slice %arg3[%dma_wait3A_145] : memref<640000xi32, #tpu.memory_space<hbm>> -> memref<128xi32, #tpu.memory_space<hbm>>
    %dma_wait3A_147 = arith.constant 0 : i32
    %dma_wait3A_148 = tpu.memref_slice %arg3[%dma_wait3A_147] : memref<640000xi32, #tpu.memory_space<hbm>> -> memref<128xi32, #tpu.memory_space<hbm>>
    tpu.wait_dma2 semaphore(%arg17 : memref<!tpu.dma_semaphore, #tpu.memory_space<semaphore_mem>>) src(%dma_wait3A_148 : memref<128xi32, #tpu.memory_space<hbm>>) dst(%arg6 : memref<128xi32, #tpu.memory_space<vmem>>)
    %dma_wait3A_149 = arith.constant 0 : i32
    %dma_wait3A_150 = arith.constant 0 : i32
    %dma_wait3A_151 = tpu.memref_slice %arg15[%dma_wait3A_149, %dma_wait3A_150] : memref<10000x128xf32, #tpu.memory_space<vmem_shared>> -> memref<10000x128xf32, #tpu.memory_space<vmem_shared>>
    tpu.wait_indirect_dma semaphore(%arg26 : memref<!tpu.dma_semaphore, #tpu.memory_space<semaphore_mem>>) src(%arg13 : memref<128x128xf32, #tpu.memory_space<vmem>>) dst(%dma_wait3A_151 : memref<10000x128xf32, #tpu.memory_space<vmem_shared>>)
    %dma_start3A_152 = arith.constant 0 : i32
    %dma_start3A_153 = arith.constant 0 : i32
    %dma_start3A_154 = tpu.memref_slice %arg2[%dma_start3A_152, %dma_start3A_153] : memref<10000x128xf32, #tpu.memory_space<hbm>> -> memref<10000x128xf32, #tpu.memory_space<hbm>>
    tpu.enqueue_indirect_dma source(%dma_start3A_154 : memref<10000x128xf32, #tpu.memory_space<hbm>>) target(%arg13 : memref<128x128xf32, #tpu.memory_space<vmem>>) offsets(%arg6 : memref<128xi32, #tpu.memory_space<vmem>>) semaphore(%arg23 : memref<!tpu.dma_semaphore, #tpu.memory_space<semaphore_mem>>)
    %add3A_155 = arith.constant 320000 : i32
    %add3A_156 = arith.addi %add3A_155, %mul3A_2 : i32
    %add3A_157 = arith.constant 9728 : i32
    %add3A_158 = arith.addi %add3A_156, %add3A_157 : i32
    %multiple_of3A_159 = tpu.assume_multiple %add3A_158, 8 : i32
    %dma_start3A_160 = tpu.memref_slice %arg3[%multiple_of3A_159] : memref<640000xi32, #tpu.memory_space<hbm>> -> memref<128xi32, #tpu.memory_space<hbm>>
    %dma_start3A_161 = tpu.memref_slice %arg3[%multiple_of3A_159] : memref<640000xi32, #tpu.memory_space<hbm>> -> memref<128xi32, #tpu.memory_space<hbm>>
    tpu.enqueue_dma source(%dma_start3A_161 : memref<128xi32, #tpu.memory_space<hbm>>) target(%arg9 : memref<128xi32, #tpu.memory_space<vmem>>) target_semaphore(%arg20 : memref<!tpu.dma_semaphore, #tpu.memory_space<semaphore_mem>>)
    %dma_wait3A_162 = arith.constant 0 : i32
    %dma_wait3A_163 = tpu.memref_slice %arg3[%dma_wait3A_162] : memref<640000xi32, #tpu.memory_space<hbm>> -> memref<128xi32, #tpu.memory_space<hbm>>
    %dma_wait3A_164 = arith.constant 0 : i32
    %dma_wait3A_165 = tpu.memref_slice %arg3[%dma_wait3A_164] : memref<640000xi32, #tpu.memory_space<hbm>> -> memref<128xi32, #tpu.memory_space<hbm>>
    tpu.wait_dma2 semaphore(%arg19 : memref<!tpu.dma_semaphore, #tpu.memory_space<semaphore_mem>>) src(%dma_wait3A_165 : memref<128xi32, #tpu.memory_space<hbm>>) dst(%arg8 : memref<128xi32, #tpu.memory_space<vmem>>)
    %dma_start3A_166 = arith.constant 0 : i32
    %dma_start3A_167 = arith.constant 0 : i32
    %dma_start3A_168 = tpu.memref_slice %arg15[%dma_start3A_166, %dma_start3A_167] : memref<10000x128xf32, #tpu.memory_space<vmem_shared>> -> memref<10000x128xf32, #tpu.memory_space<vmem_shared>>
    tpu.enqueue_indirect_dma source(%arg12 : memref<128x128xf32, #tpu.memory_space<vmem>>) target(%dma_start3A_168 : memref<10000x128xf32, #tpu.memory_space<vmem_shared>>) offsets(%arg8 : memref<128xi32, #tpu.memory_space<vmem>>) semaphore(%arg25 : memref<!tpu.dma_semaphore, #tpu.memory_space<semaphore_mem>>) {add = true}
    %dma_wait3A_169 = arith.constant 0 : i32
    %dma_wait3A_170 = arith.constant 0 : i32
    %dma_wait3A_171 = tpu.memref_slice %arg2[%dma_wait3A_169, %dma_wait3A_170] : memref<10000x128xf32, #tpu.memory_space<hbm>> -> memref<128x128xf32, #tpu.memory_space<hbm>>
    %dma_wait3A_172 = arith.constant 0 : i32
    %dma_wait3A_173 = arith.constant 0 : i32
    %dma_wait3A_174 = tpu.memref_slice %arg2[%dma_wait3A_172, %dma_wait3A_173] : memref<10000x128xf32, #tpu.memory_space<hbm>> -> memref<128x128xf32, #tpu.memory_space<hbm>>
    tpu.wait_dma2 semaphore(%arg23 : memref<!tpu.dma_semaphore, #tpu.memory_space<semaphore_mem>>) src(%dma_wait3A_174 : memref<128x128xf32, #tpu.memory_space<hbm>>) dst(%arg13 : memref<128x128xf32, #tpu.memory_space<vmem>>)
    %dma_wait3A_175 = arith.constant 0 : i32
    %dma_wait3A_176 = tpu.memref_slice %arg3[%dma_wait3A_175] : memref<640000xi32, #tpu.memory_space<hbm>> -> memref<128xi32, #tpu.memory_space<hbm>>
    %dma_wait3A_177 = arith.constant 0 : i32
    %dma_wait3A_178 = tpu.memref_slice %arg3[%dma_wait3A_177] : memref<640000xi32, #tpu.memory_space<hbm>> -> memref<128xi32, #tpu.memory_space<hbm>>
    tpu.wait_dma2 semaphore(%arg18 : memref<!tpu.dma_semaphore, #tpu.memory_space<semaphore_mem>>) src(%dma_wait3A_178 : memref<128xi32, #tpu.memory_space<hbm>>) dst(%arg7 : memref<128xi32, #tpu.memory_space<vmem>>)
    %dma_wait3A_179 = arith.constant 0 : i32
    %dma_wait3A_180 = arith.constant 0 : i32
    %dma_wait3A_181 = tpu.memref_slice %arg15[%dma_wait3A_179, %dma_wait3A_180] : memref<10000x128xf32, #tpu.memory_space<vmem_shared>> -> memref<10000x128xf32, #tpu.memory_space<vmem_shared>>
    tpu.wait_indirect_dma semaphore(%arg27 : memref<!tpu.dma_semaphore, #tpu.memory_space<semaphore_mem>>) src(%arg14 : memref<128x128xf32, #tpu.memory_space<vmem>>) dst(%dma_wait3A_181 : memref<10000x128xf32, #tpu.memory_space<vmem_shared>>)
    %dma_start3A_182 = arith.constant 0 : i32
    %dma_start3A_183 = arith.constant 0 : i32
    %dma_start3A_184 = tpu.memref_slice %arg2[%dma_start3A_182, %dma_start3A_183] : memref<10000x128xf32, #tpu.memory_space<hbm>> -> memref<10000x128xf32, #tpu.memory_space<hbm>>
    tpu.enqueue_indirect_dma source(%dma_start3A_184 : memref<10000x128xf32, #tpu.memory_space<hbm>>) target(%arg14 : memref<128x128xf32, #tpu.memory_space<vmem>>) offsets(%arg7 : memref<128xi32, #tpu.memory_space<vmem>>) semaphore(%arg24 : memref<!tpu.dma_semaphore, #tpu.memory_space<semaphore_mem>>)
    %add3A_185 = arith.constant 320000 : i32
    %add3A_186 = arith.addi %add3A_185, %mul3A_2 : i32
    %add3A_187 = arith.constant 9856 : i32
    %add3A_188 = arith.addi %add3A_186, %add3A_187 : i32
    %multiple_of3A_189 = tpu.assume_multiple %add3A_188, 8 : i32
    %dma_start3A_190 = tpu.memref_slice %arg3[%multiple_of3A_189] : memref<640000xi32, #tpu.memory_space<hbm>> -> memref<128xi32, #tpu.memory_space<hbm>>
    %dma_start3A_191 = tpu.memref_slice %arg3[%multiple_of3A_189] : memref<640000xi32, #tpu.memory_space<hbm>> -> memref<128xi32, #tpu.memory_space<hbm>>
    tpu.enqueue_dma source(%dma_start3A_191 : memref<128xi32, #tpu.memory_space<hbm>>) target(%arg10 : memref<128xi32, #tpu.memory_space<vmem>>) target_semaphore(%arg21 : memref<!tpu.dma_semaphore, #tpu.memory_space<semaphore_mem>>)
    %dma_wait3A_192 = arith.constant 0 : i32
    %dma_wait3A_193 = tpu.memref_slice %arg3[%dma_wait3A_192] : memref<640000xi32, #tpu.memory_space<hbm>> -> memref<128xi32, #tpu.memory_space<hbm>>
    %dma_wait3A_194 = arith.constant 0 : i32
    %dma_wait3A_195 = tpu.memref_slice %arg3[%dma_wait3A_194] : memref<640000xi32, #tpu.memory_space<hbm>> -> memref<128xi32, #tpu.memory_space<hbm>>
    tpu.wait_dma2 semaphore(%arg20 : memref<!tpu.dma_semaphore, #tpu.memory_space<semaphore_mem>>) src(%dma_wait3A_195 : memref<128xi32, #tpu.memory_space<hbm>>) dst(%arg9 : memref<128xi32, #tpu.memory_space<vmem>>)
    %dma_start3A_196 = arith.constant 0 : i32
    %dma_start3A_197 = arith.constant 0 : i32
    %dma_start3A_198 = tpu.memref_slice %arg15[%dma_start3A_196, %dma_start3A_197] : memref<10000x128xf32, #tpu.memory_space<vmem_shared>> -> memref<10000x128xf32, #tpu.memory_space<vmem_shared>>
    tpu.enqueue_indirect_dma source(%arg13 : memref<128x128xf32, #tpu.memory_space<vmem>>) target(%dma_start3A_198 : memref<10000x128xf32, #tpu.memory_space<vmem_shared>>) offsets(%arg9 : memref<128xi32, #tpu.memory_space<vmem>>) semaphore(%arg26 : memref<!tpu.dma_semaphore, #tpu.memory_space<semaphore_mem>>) {add = true}
    %dma_wait3A_199 = arith.constant 0 : i32
    %dma_wait3A_200 = arith.constant 0 : i32
    %dma_wait3A_201 = tpu.memref_slice %arg2[%dma_wait3A_199, %dma_wait3A_200] : memref<10000x128xf32, #tpu.memory_space<hbm>> -> memref<128x128xf32, #tpu.memory_space<hbm>>
    %dma_wait3A_202 = arith.constant 0 : i32
    %dma_wait3A_203 = arith.constant 0 : i32
    %dma_wait3A_204 = tpu.memref_slice %arg2[%dma_wait3A_202, %dma_wait3A_203] : memref<10000x128xf32, #tpu.memory_space<hbm>> -> memref<128x128xf32, #tpu.memory_space<hbm>>
    tpu.wait_dma2 semaphore(%arg24 : memref<!tpu.dma_semaphore, #tpu.memory_space<semaphore_mem>>) src(%dma_wait3A_204 : memref<128x128xf32, #tpu.memory_space<hbm>>) dst(%arg14 : memref<128x128xf32, #tpu.memory_space<vmem>>)
    %dma_wait3A_205 = arith.constant 0 : i32
    %dma_wait3A_206 = tpu.memref_slice %arg3[%dma_wait3A_205] : memref<640000xi32, #tpu.memory_space<hbm>> -> memref<128xi32, #tpu.memory_space<hbm>>
    %dma_wait3A_207 = arith.constant 0 : i32
    %dma_wait3A_208 = tpu.memref_slice %arg3[%dma_wait3A_207] : memref<640000xi32, #tpu.memory_space<hbm>> -> memref<128xi32, #tpu.memory_space<hbm>>
    tpu.wait_dma2 semaphore(%arg21 : memref<!tpu.dma_semaphore, #tpu.memory_space<semaphore_mem>>) src(%dma_wait3A_208 : memref<128xi32, #tpu.memory_space<hbm>>) dst(%arg10 : memref<128xi32, #tpu.memory_space<vmem>>)
    "tpu.region"() ({
      %run_scoped3A = tpu.sem_alloc : memref<!tpu.dma_semaphore, #tpu.memory_space<semaphore_mem>>
      %dma_start3A_231 = arith.constant 0 : i32
      %dma_start3A_232 = arith.constant 0 : i32
      %dma_start3A_233 = tpu.memref_slice %arg15[%dma_start3A_231, %dma_start3A_232] : memref<10000x128xf32, #tpu.memory_space<vmem_shared>> -> memref<10000x128xf32, #tpu.memory_space<vmem_shared>>
      tpu.enqueue_indirect_dma source(%arg14 : memref<128x128xf32, #tpu.memory_space<vmem>>) target(%dma_start3A_233 : memref<10000x128xf32, #tpu.memory_space<vmem_shared>>) offsets(%arg10 : memref<128xi32, #tpu.memory_space<vmem>>) semaphore(%run_scoped3A : memref<!tpu.dma_semaphore, #tpu.memory_space<semaphore_mem>>) {add = true}
      %dma_wait3A_234 = arith.constant 0 : i32
      %dma_wait3A_235 = arith.constant 0 : i32
      %dma_wait3A_236 = tpu.memref_slice %arg15[%dma_wait3A_234, %dma_wait3A_235] : memref<10000x128xf32, #tpu.memory_space<vmem_shared>> -> memref<10000x128xf32, #tpu.memory_space<vmem_shared>>
      tpu.wait_indirect_dma semaphore(%run_scoped3A : memref<!tpu.dma_semaphore, #tpu.memory_space<semaphore_mem>>) src(%arg14 : memref<128x128xf32, #tpu.memory_space<vmem>>) dst(%dma_wait3A_236 : memref<10000x128xf32, #tpu.memory_space<vmem_shared>>)
      tpu.yield
    }) : () -> ()
    %dma_wait3A_209 = arith.constant 0 : i32
    %dma_wait3A_210 = arith.constant 0 : i32
    %dma_wait3A_211 = tpu.memref_slice %arg15[%dma_wait3A_209, %dma_wait3A_210] : memref<10000x128xf32, #tpu.memory_space<vmem_shared>> -> memref<10000x128xf32, #tpu.memory_space<vmem_shared>>
    tpu.wait_indirect_dma semaphore(%arg25 : memref<!tpu.dma_semaphore, #tpu.memory_space<semaphore_mem>>) src(%arg12 : memref<128x128xf32, #tpu.memory_space<vmem>>) dst(%dma_wait3A_211 : memref<10000x128xf32, #tpu.memory_space<vmem_shared>>)
    %dma_wait3A_212 = arith.constant 0 : i32
    %dma_wait3A_213 = arith.constant 0 : i32
    %dma_wait3A_214 = tpu.memref_slice %arg15[%dma_wait3A_212, %dma_wait3A_213] : memref<10000x128xf32, #tpu.memory_space<vmem_shared>> -> memref<10000x128xf32, #tpu.memory_space<vmem_shared>>
    tpu.wait_indirect_dma semaphore(%arg26 : memref<!tpu.dma_semaphore, #tpu.memory_space<semaphore_mem>>) src(%arg13 : memref<128x128xf32, #tpu.memory_space<vmem>>) dst(%dma_wait3A_214 : memref<10000x128xf32, #tpu.memory_space<vmem_shared>>)
    %add3A_215 = arith.constant 9984 : i32
    %add3A_216 = arith.addi %mul3A_2, %add3A_215 : i32
    %multiple_of3A_217 = tpu.assume_multiple %add3A_216, 8 : i32
    "tpu.region"() ({
      %run_scoped3A = tpu.sem_alloc : memref<!tpu.dma_semaphore, #tpu.memory_space<semaphore_mem>>
      %dma_start3A_231 = arith.constant 0 : i32
      %dma_start3A_232 = tpu.memref_slice %arg5[%dma_start3A_231] : memref<128xi32, #tpu.memory_space<vmem>> -> memref<16xi32, #tpu.memory_space<vmem>>
      %dma_start3A_233 = tpu.memref_slice %arg3[%multiple_of3A_217] : memref<640000xi32, #tpu.memory_space<hbm>> -> memref<16xi32, #tpu.memory_space<hbm>>
      %dma_start3A_234 = arith.constant 0 : i32
      %dma_start3A_235 = tpu.memref_slice %arg5[%dma_start3A_234] : memref<128xi32, #tpu.memory_space<vmem>> -> memref<16xi32, #tpu.memory_space<vmem>>
      %dma_start3A_236 = tpu.memref_slice %arg3[%multiple_of3A_217] : memref<640000xi32, #tpu.memory_space<hbm>> -> memref<16xi32, #tpu.memory_space<hbm>>
      tpu.enqueue_dma source(%dma_start3A_236 : memref<16xi32, #tpu.memory_space<hbm>>) target(%dma_start3A_235 : memref<16xi32, #tpu.memory_space<vmem>>) target_semaphore(%run_scoped3A : memref<!tpu.dma_semaphore, #tpu.memory_space<semaphore_mem>>)
      %dma_wait3A_237 = arith.constant 0 : i32
      %dma_wait3A_238 = tpu.memref_slice %arg5[%dma_wait3A_237] : memref<128xi32, #tpu.memory_space<vmem>> -> memref<16xi32, #tpu.memory_space<vmem>>
      %dma_wait3A_239 = tpu.memref_slice %arg3[%multiple_of3A_217] : memref<640000xi32, #tpu.memory_space<hbm>> -> memref<16xi32, #tpu.memory_space<hbm>>
      %dma_wait3A_240 = arith.constant 0 : i32
      %dma_wait3A_241 = tpu.memref_slice %arg5[%dma_wait3A_240] : memref<128xi32, #tpu.memory_space<vmem>> -> memref<16xi32, #tpu.memory_space<vmem>>
      %dma_wait3A_242 = tpu.memref_slice %arg3[%multiple_of3A_217] : memref<640000xi32, #tpu.memory_space<hbm>> -> memref<16xi32, #tpu.memory_space<hbm>>
      tpu.wait_dma2 semaphore(%run_scoped3A : memref<!tpu.dma_semaphore, #tpu.memory_space<semaphore_mem>>) src(%dma_wait3A_242 : memref<16xi32, #tpu.memory_space<hbm>>) dst(%dma_wait3A_241 : memref<16xi32, #tpu.memory_space<vmem>>)
      tpu.yield
    }) : () -> ()
    %add3A_218 = arith.constant 320000 : i32
    %add3A_219 = arith.addi %add3A_218, %multiple_of3A_217 : i32
    "tpu.region"() ({
      %run_scoped3A = tpu.sem_alloc : memref<!tpu.dma_semaphore, #tpu.memory_space<semaphore_mem>>
      %dma_start3A_231 = tpu.memref_slice %arg3[%add3A_219] : memref<640000xi32, #tpu.memory_space<hbm>> -> memref<16xi32, #tpu.memory_space<hbm>>
      %dma_start3A_232 = tpu.memref_slice %arg3[%add3A_219] : memref<640000xi32, #tpu.memory_space<hbm>> -> memref<16xi32, #tpu.memory_space<hbm>>
      tpu.enqueue_dma source(%dma_start3A_232 : memref<16xi32, #tpu.memory_space<hbm>>) target(%arg11 : memref<16xi32, #tpu.memory_space<vmem>>) target_semaphore(%run_scoped3A : memref<!tpu.dma_semaphore, #tpu.memory_space<semaphore_mem>>)
      %dma_wait3A_233 = tpu.memref_slice %arg3[%add3A_219] : memref<640000xi32, #tpu.memory_space<hbm>> -> memref<16xi32, #tpu.memory_space<hbm>>
      %dma_wait3A_234 = tpu.memref_slice %arg3[%add3A_219] : memref<640000xi32, #tpu.memory_space<hbm>> -> memref<16xi32, #tpu.memory_space<hbm>>
      tpu.wait_dma2 semaphore(%run_scoped3A : memref<!tpu.dma_semaphore, #tpu.memory_space<semaphore_mem>>) src(%dma_wait3A_234 : memref<16xi32, #tpu.memory_space<hbm>>) dst(%arg11 : memref<16xi32, #tpu.memory_space<vmem>>)
      tpu.yield
    }) : () -> ()
    "tpu.region"() ({
      %run_scoped3A = tpu.sem_alloc : memref<!tpu.dma_semaphore, #tpu.memory_space<semaphore_mem>>
      %dma_start3A_231 = arith.constant 0 : i32
      %dma_start3A_232 = arith.constant 0 : i32
      %dma_start3A_233 = tpu.memref_slice %arg12[%dma_start3A_231, %dma_start3A_232] : memref<128x128xf32, #tpu.memory_space<vmem>> -> memref<16x128xf32, #tpu.memory_space<vmem>>
      %dma_start3A_234 = arith.constant 0 : i32
      %dma_start3A_235 = tpu.memref_slice %arg5[%dma_start3A_234] : memref<128xi32, #tpu.memory_space<vmem>> -> memref<16xi32, #tpu.memory_space<vmem>>
      %dma_start3A_236 = arith.constant 0 : i32
      %dma_start3A_237 = arith.constant 0 : i32
      %dma_start3A_238 = tpu.memref_slice %arg2[%dma_start3A_236, %dma_start3A_237] : memref<10000x128xf32, #tpu.memory_space<hbm>> -> memref<10000x128xf32, #tpu.memory_space<hbm>>
      tpu.enqueue_indirect_dma source(%dma_start3A_238 : memref<10000x128xf32, #tpu.memory_space<hbm>>) target(%dma_start3A_233 : memref<16x128xf32, #tpu.memory_space<vmem>>) offsets(%dma_start3A_235 : memref<16xi32, #tpu.memory_space<vmem>>) semaphore(%run_scoped3A : memref<!tpu.dma_semaphore, #tpu.memory_space<semaphore_mem>>)
      %dma_wait3A_239 = arith.constant 0 : i32
      %dma_wait3A_240 = arith.constant 0 : i32
      %dma_wait3A_241 = tpu.memref_slice %arg12[%dma_wait3A_239, %dma_wait3A_240] : memref<128x128xf32, #tpu.memory_space<vmem>> -> memref<16x128xf32, #tpu.memory_space<vmem>>
      %dma_wait3A_242 = arith.constant 0 : i32
      %dma_wait3A_243 = tpu.memref_slice %arg5[%dma_wait3A_242] : memref<128xi32, #tpu.memory_space<vmem>> -> memref<16xi32, #tpu.memory_space<vmem>>
      %dma_wait3A_244 = arith.constant 0 : i32
      %dma_wait3A_245 = arith.constant 0 : i32
      %dma_wait3A_246 = tpu.memref_slice %arg2[%dma_wait3A_244, %dma_wait3A_245] : memref<10000x128xf32, #tpu.memory_space<hbm>> -> memref<10000x128xf32, #tpu.memory_space<hbm>>
      tpu.wait_indirect_dma semaphore(%run_scoped3A : memref<!tpu.dma_semaphore, #tpu.memory_space<semaphore_mem>>) src(%dma_wait3A_246 : memref<10000x128xf32, #tpu.memory_space<hbm>>) dst(%dma_wait3A_241 : memref<16x128xf32, #tpu.memory_space<vmem>>)
      tpu.yield
    }) : () -> ()
    "tpu.region"() ({
      %run_scoped3A = tpu.sem_alloc : memref<!tpu.dma_semaphore, #tpu.memory_space<semaphore_mem>>
      %dma_start3A_231 = arith.constant 0 : i32
      %dma_start3A_232 = arith.constant 0 : i32
      %dma_start3A_233 = tpu.memref_slice %arg12[%dma_start3A_231, %dma_start3A_232] : memref<128x128xf32, #tpu.memory_space<vmem>> -> memref<16x128xf32, #tpu.memory_space<vmem>>
      %dma_start3A_234 = arith.constant 0 : i32
      %dma_start3A_235 = arith.constant 0 : i32
      %dma_start3A_236 = tpu.memref_slice %arg15[%dma_start3A_234, %dma_start3A_235] : memref<10000x128xf32, #tpu.memory_space<vmem_shared>> -> memref<10000x128xf32, #tpu.memory_space<vmem_shared>>
      tpu.enqueue_indirect_dma source(%dma_start3A_233 : memref<16x128xf32, #tpu.memory_space<vmem>>) target(%dma_start3A_236 : memref<10000x128xf32, #tpu.memory_space<vmem_shared>>) offsets(%arg11 : memref<16xi32, #tpu.memory_space<vmem>>) semaphore(%run_scoped3A : memref<!tpu.dma_semaphore, #tpu.memory_space<semaphore_mem>>) {add = true}
      %dma_wait3A_237 = arith.constant 0 : i32
      %dma_wait3A_238 = arith.constant 0 : i32
      %dma_wait3A_239 = tpu.memref_slice %arg12[%dma_wait3A_237, %dma_wait3A_238] : memref<128x128xf32, #tpu.memory_space<vmem>> -> memref<16x128xf32, #tpu.memory_space<vmem>>
      %dma_wait3A_240 = arith.constant 0 : i32
      %dma_wait3A_241 = arith.constant 0 : i32
      %dma_wait3A_242 = tpu.memref_slice %arg15[%dma_wait3A_240, %dma_wait3A_241] : memref<10000x128xf32, #tpu.memory_space<vmem_shared>> -> memref<10000x128xf32, #tpu.memory_space<vmem_shared>>
      tpu.wait_indirect_dma semaphore(%run_scoped3A : memref<!tpu.dma_semaphore, #tpu.memory_space<semaphore_mem>>) src(%dma_wait3A_239 : memref<16x128xf32, #tpu.memory_space<vmem>>) dst(%dma_wait3A_242 : memref<10000x128xf32, #tpu.memory_space<vmem_shared>>)
      tpu.yield
    }) : () -> ()
    %barrier3A_220 = arith.constant 0 : index
    tpu.barrier barrier_id(%barrier3A_220)
    %lt3A_221 = arith.constant 15 : i32
    %lt3A_222 = arith.cmpi slt, %arg1, %lt3A_221 : i32
    %convert_element_type3A_223 = arith.extui %lt3A_222 : i1 to i32
    %cond3A_224 = arith.constant 0 : i32
    %cond3A_225 = arith.cmpi ne, %convert_element_type3A_223, %cond3A_224 : i32
    scf.if %cond3A_225 {
      %mul3A_231 = arith.constant 640 : i32
      %mul3A_232 = arith.muli %arg1, %mul3A_231 : i32
      %multiple_of3A_233 = tpu.assume_multiple %mul3A_232, 16 : i32
      "tpu.region"() ({
        %run_scoped3A = tpu.sem_alloc : memref<!tpu.dma_semaphore, #tpu.memory_space<semaphore_mem>>
        %dma_start3A_234 = arith.constant 0 : i32
        %dma_start3A_235 = tpu.memref_slice %arg4[%arg0, %multiple_of3A_233, %dma_start3A_234] : memref<2x10000x128xf32, #tpu.memory_space<hbm>> -> memref<1x640x128xf32, #tpu.memory_space<hbm>>
        %dma_start3A_236 = tpu.memref_squeeze %dma_start3A_235 : memref<1x640x128xf32, #tpu.memory_space<hbm>> -> memref<640x128xf32, #tpu.memory_space<hbm>>
        %dma_start3A_237 = arith.constant 0 : i32
        %dma_start3A_238 = tpu.memref_slice %arg15[%multiple_of3A_233, %dma_start3A_237] : memref<10000x128xf32, #tpu.memory_space<vmem_shared>> -> memref<640x128xf32, #tpu.memory_space<vmem_shared>>
        tpu.enqueue_dma source(%dma_start3A_238 : memref<640x128xf32, #tpu.memory_space<vmem_shared>>) target(%dma_start3A_236 : memref<640x128xf32, #tpu.memory_space<hbm>>) target_semaphore(%run_scoped3A : memref<!tpu.dma_semaphore, #tpu.memory_space<semaphore_mem>>)
        %dma_wait3A_239 = arith.constant 0 : i32
        %dma_wait3A_240 = tpu.memref_slice %arg4[%arg0, %multiple_of3A_233, %dma_wait3A_239] : memref<2x10000x128xf32, #tpu.memory_space<hbm>> -> memref<1x640x128xf32, #tpu.memory_space<hbm>>
        %dma_wait3A_241 = tpu.memref_squeeze %dma_wait3A_240 : memref<1x640x128xf32, #tpu.memory_space<hbm>> -> memref<640x128xf32, #tpu.memory_space<hbm>>
        %dma_wait3A_242 = arith.constant 0 : i32
        %dma_wait3A_243 = tpu.memref_slice %arg15[%multiple_of3A_233, %dma_wait3A_242] : memref<10000x128xf32, #tpu.memory_space<vmem_shared>> -> memref<640x128xf32, #tpu.memory_space<vmem_shared>>
        tpu.wait_dma2 semaphore(%run_scoped3A : memref<!tpu.dma_semaphore, #tpu.memory_space<semaphore_mem>>) src(%dma_wait3A_243 : memref<640x128xf32, #tpu.memory_space<vmem_shared>>) dst(%dma_wait3A_241 : memref<640x128xf32, #tpu.memory_space<hbm>>)
        tpu.yield
      }) : () -> ()
    } else {
    }
    %eq3A_226 = arith.constant 15 : i32
    %eq3A_227 = arith.cmpi eq, %arg1, %eq3A_226 : i32
    %convert_element_type3A_228 = arith.extui %eq3A_227 : i1 to i32
    %cond3A_229 = arith.constant 0 : i32
    %cond3A_230 = arith.cmpi ne, %convert_element_type3A_228, %cond3A_229 : i32
    scf.if %cond3A_230 {
      "tpu.region"() ({
        %run_scoped3A = tpu.sem_alloc : memref<!tpu.dma_semaphore, #tpu.memory_space<semaphore_mem>>
        %dma_start3A_231 = arith.constant 9600 : i32
        %dma_start3A_232 = arith.constant 0 : i32
        %dma_start3A_233 = tpu.memref_slice %arg4[%arg0, %dma_start3A_231, %dma_start3A_232] : memref<2x10000x128xf32, #tpu.memory_space<hbm>> -> memref<1x400x128xf32, #tpu.memory_space<hbm>>
        %dma_start3A_234 = tpu.memref_squeeze %dma_start3A_233 : memref<1x400x128xf32, #tpu.memory_space<hbm>> -> memref<400x128xf32, #tpu.memory_space<hbm>>
        %dma_start3A_235 = arith.constant 9600 : i32
        %dma_start3A_236 = arith.constant 0 : i32
        %dma_start3A_237 = tpu.memref_slice %arg15[%dma_start3A_235, %dma_start3A_236] : memref<10000x128xf32, #tpu.memory_space<vmem_shared>> -> memref<400x128xf32, #tpu.memory_space<vmem_shared>>
        tpu.enqueue_dma source(%dma_start3A_237 : memref<400x128xf32, #tpu.memory_space<vmem_shared>>) target(%dma_start3A_234 : memref<400x128xf32, #tpu.memory_space<hbm>>) target_semaphore(%run_scoped3A : memref<!tpu.dma_semaphore, #tpu.memory_space<semaphore_mem>>)
        %dma_wait3A_238 = arith.constant 9600 : i32
        %dma_wait3A_239 = arith.constant 0 : i32
        %dma_wait3A_240 = tpu.memref_slice %arg4[%arg0, %dma_wait3A_238, %dma_wait3A_239] : memref<2x10000x128xf32, #tpu.memory_space<hbm>> -> memref<1x400x128xf32, #tpu.memory_space<hbm>>
        %dma_wait3A_241 = tpu.memref_squeeze %dma_wait3A_240 : memref<1x400x128xf32, #tpu.memory_space<hbm>> -> memref<400x128xf32, #tpu.memory_space<hbm>>
        %dma_wait3A_242 = arith.constant 9600 : i32
        %dma_wait3A_243 = arith.constant 0 : i32
        %dma_wait3A_244 = tpu.memref_slice %arg15[%dma_wait3A_242, %dma_wait3A_243] : memref<10000x128xf32, #tpu.memory_space<vmem_shared>> -> memref<400x128xf32, #tpu.memory_space<vmem_shared>>
        tpu.wait_dma2 semaphore(%run_scoped3A : memref<!tpu.dma_semaphore, #tpu.memory_space<semaphore_mem>>) src(%dma_wait3A_244 : memref<400x128xf32, #tpu.memory_space<vmem_shared>>) dst(%dma_wait3A_241 : memref<400x128xf32, #tpu.memory_space<hbm>>)
        tpu.yield
      }) : () -> ()
    } else {
    }
    return
  }
}

#map = affine_map<(d0, d1) -> (0, 0)>
#map1 = affine_map<(d0, d1) -> (0)>
#map2 = affine_map<(d0, d1) -> (0, 0, 0)>
module attributes {stable_mosaic.version = 14 : i64} {
  func.func @scatter(%arg0: i32, %arg1: i32, %arg2: memref<10000x128xf32, #tpu.memory_space<hbm>>, %arg3: memref<640000xi32, #tpu.memory_space<hbm>>, %arg4: memref<2x10000x128xf32, #tpu.memory_space<hbm>>, %arg5: memref<128xi32, #tpu.memory_space<vmem>>, %arg6: memref<128xi32, #tpu.memory_space<vmem>>, %arg7: memref<128xi32, #tpu.memory_space<vmem>>, %arg8: memref<128xi32, #tpu.memory_space<vmem>>, %arg9: memref<128xi32, #tpu.memory_space<vmem>>, %arg10: memref<128xi32, #tpu.memory_space<vmem>>, %arg11: memref<16xi32, #tpu.memory_space<vmem>>, %arg12: memref<128x128xf32, #tpu.memory_space<vmem>>, %arg13: memref<128x128xf32, #tpu.memory_space<vmem>>, %arg14: memref<128x128xf32, #tpu.memory_space<vmem>>, %arg15: memref<10000x128xf32, #tpu.memory_space<vmem_shared>>, %arg16: memref<!tpu.dma_semaphore, #tpu.memory_space<semaphore_mem>>, %arg17: memref<!tpu.dma_semaphore, #tpu.memory_space<semaphore_mem>>, %arg18: memref<!tpu.dma_semaphore, #tpu.memory_space<semaphore_mem>>, %arg19: memref<!tpu.dma_semaphore, #tpu.memory_space<semaphore_mem>>, %arg20: memref<!tpu.dma_semaphore, #tpu.memory_space<semaphore_mem>>, %arg21: memref<!tpu.dma_semaphore, #tpu.memory_space<semaphore_mem>>, %arg22: memref<!tpu.dma_semaphore, #tpu.memory_space<semaphore_mem>>, %arg23: memref<!tpu.dma_semaphore, #tpu.memory_space<semaphore_mem>>, %arg24: memref<!tpu.dma_semaphore, #tpu.memory_space<semaphore_mem>>, %arg25: memref<!tpu.dma_semaphore, #tpu.memory_space<semaphore_mem>>, %arg26: memref<!tpu.dma_semaphore, #tpu.memory_space<semaphore_mem>>, %arg27: memref<!tpu.dma_semaphore, #tpu.memory_space<semaphore_mem>>) attributes {dimension_semantics = [#tpu.dimension_semantics<core_parallel>, #tpu.dimension_semantics<subcore_parallel>], iteration_bounds = array<i64: 2, 16>, scalar_prefetch = 0 : i64, scratch_operands = 23 : i64, tpu.core_type = #tpu.core_type<sc_vector_subcore>, window_params = [{transform_indices = #map}, {transform_indices = #map1}, {transform_indices = #map2}]} {
    %mul3A = arith.constant 16 : i32
    %mul3A_0 = arith.muli %arg0, %mul3A : i32
    %add3A = arith.addi %mul3A_0, %arg1 : i32
    %mul3A_1 = arith.constant 10000 : i32
    %mul3A_2 = arith.muli %add3A, %mul3A_1 : i32
    %lt3A = arith.constant 15 : i32
    %lt3A_3 = arith.cmpi slt, %arg1, %lt3A : i32
    %convert_element_type3A = arith.extui %lt3A_3 : i1 to i32
    %cond3A = arith.constant 0 : i32
    %cond3A_4 = arith.cmpi ne, %convert_element_type3A, %cond3A : i32
    scf.if %cond3A_4 {
      %mul3A_231 = arith.constant 640 : i32
      %mul3A_232 = arith.muli %arg1, %mul3A_231 : i32
      %multiple_of3A_233 = tpu.assume_multiple %mul3A_232, 16 : i32
      "tpu.region"() ({
        %run_scoped3A = tpu.sem_alloc : memref<!tpu.dma_semaphore, #tpu.memory_space<semaphore_mem>>
        %dma_start3A_234 = arith.constant 0 : i32
        %dma_start3A_235 = tpu.memref_slice %arg15[%multiple_of3A_233, %dma_start3A_234] : memref<10000x128xf32, #tpu.memory_space<vmem_shared>> -> memref<640x128xf32, #tpu.memory_space<vmem_shared>>
        %dma_start3A_236 = arith.constant 0 : i32
        %dma_start3A_237 = tpu.memref_slice %arg2[%multiple_of3A_233, %dma_start3A_236] : memref<10000x128xf32, #tpu.memory_space<hbm>> -> memref<640x128xf32, #tpu.memory_space<hbm>>
        tpu.enqueue_dma source(%dma_start3A_237 : memref<640x128xf32, #tpu.memory_space<hbm>>) target(%dma_start3A_235 : memref<640x128xf32, #tpu.memory_space<vmem_shared>>) target_semaphore(%run_scoped3A : memref<!tpu.dma_semaphore, #tpu.memory_space<semaphore_mem>>)
        %dma_wait3A_238 = arith.constant 0 : i32
        %dma_wait3A_239 = tpu.memref_slice %arg15[%multiple_of3A_233, %dma_wait3A_238] : memref<10000x128xf32, #tpu.memory_space<vmem_shared>> -> memref<640x128xf32, #tpu.memory_space<vmem_shared>>
        %dma_wait3A_240 = arith.constant 0 : i32
        %dma_wait3A_241 = tpu.memref_slice %arg2[%multiple_of3A_233, %dma_wait3A_240] : memref<10000x128xf32, #tpu.memory_space<hbm>> -> memref<640x128xf32, #tpu.memory_space<hbm>>
        tpu.wait_dma2 semaphore(%run_scoped3A : memref<!tpu.dma_semaphore, #tpu.memory_space<semaphore_mem>>) src(%dma_wait3A_241 : memref<640x128xf32, #tpu.memory_space<hbm>>) dst(%dma_wait3A_239 : memref<640x128xf32, #tpu.memory_space<vmem_shared>>)
        tpu.yield
      }) : () -> ()
    } else {
    }
    %eq3A = arith.constant 15 : i32
    %eq3A_5 = arith.cmpi eq, %arg1, %eq3A : i32
    %convert_element_type3A_6 = arith.extui %eq3A_5 : i1 to i32
    %cond3A_7 = arith.constant 0 : i32
    %cond3A_8 = arith.cmpi ne, %convert_element_type3A_6, %cond3A_7 : i32
    scf.if %cond3A_8 {
      "tpu.region"() ({
        %run_scoped3A = tpu.sem_alloc : memref<!tpu.dma_semaphore, #tpu.memory_space<semaphore_mem>>
        %dma_start3A_231 = arith.constant 9600 : i32
        %dma_start3A_232 = arith.constant 0 : i32
        %dma_start3A_233 = tpu.memref_slice %arg15[%dma_start3A_231, %dma_start3A_232] : memref<10000x128xf32, #tpu.memory_space<vmem_shared>> -> memref<400x128xf32, #tpu.memory_space<vmem_shared>>
        %dma_start3A_234 = arith.constant 9600 : i32
        %dma_start3A_235 = arith.constant 0 : i32
        %dma_start3A_236 = tpu.memref_slice %arg2[%dma_start3A_234, %dma_start3A_235] : memref<10000x128xf32, #tpu.memory_space<hbm>> -> memref<400x128xf32, #tpu.memory_space<hbm>>
        tpu.enqueue_dma source(%dma_start3A_236 : memref<400x128xf32, #tpu.memory_space<hbm>>) target(%dma_start3A_233 : memref<400x128xf32, #tpu.memory_space<vmem_shared>>) target_semaphore(%run_scoped3A : memref<!tpu.dma_semaphore, #tpu.memory_space<semaphore_mem>>)
        %dma_wait3A_237 = arith.constant 9600 : i32
        %dma_wait3A_238 = arith.constant 0 : i32
        %dma_wait3A_239 = tpu.memref_slice %arg15[%dma_wait3A_237, %dma_wait3A_238] : memref<10000x128xf32, #tpu.memory_space<vmem_shared>> -> memref<400x128xf32, #tpu.memory_space<vmem_shared>>
        %dma_wait3A_240 = arith.constant 9600 : i32
        %dma_wait3A_241 = arith.constant 0 : i32
        %dma_wait3A_242 = tpu.memref_slice %arg2[%dma_wait3A_240, %dma_wait3A_241] : memref<10000x128xf32, #tpu.memory_space<hbm>> -> memref<400x128xf32, #tpu.memory_space<hbm>>
        tpu.wait_dma2 semaphore(%run_scoped3A : memref<!tpu.dma_semaphore, #tpu.memory_space<semaphore_mem>>) src(%dma_wait3A_242 : memref<400x128xf32, #tpu.memory_space<hbm>>) dst(%dma_wait3A_239 : memref<400x128xf32, #tpu.memory_space<vmem_shared>>)
        tpu.yield
      }) : () -> ()
    } else {
    }
    %barrier3A = arith.constant 0 : index
    tpu.barrier barrier_id(%barrier3A)
    %add3A_9 = arith.constant 0 : i32
    %add3A_10 = arith.addi %mul3A_2, %add3A_9 : i32
    %multiple_of3A = tpu.assume_multiple %add3A_10, 8 : i32
    %dma_start3A = tpu.memref_slice %arg3[%multiple_of3A] : memref<640000xi32, #tpu.memory_space<hbm>> -> memref<128xi32, #tpu.memory_space<hbm>>
    %dma_start3A_11 = tpu.memref_slice %arg3[%multiple_of3A] : memref<640000xi32, #tpu.memory_space<hbm>> -> memref<128xi32, #tpu.memory_space<hbm>>
    tpu.enqueue_dma source(%dma_start3A_11 : memref<128xi32, #tpu.memory_space<hbm>>) target(%arg5 : memref<128xi32, #tpu.memory_space<vmem>>) target_semaphore(%arg16 : memref<!tpu.dma_semaphore, #tpu.memory_space<semaphore_mem>>)
    %add3A_12 = arith.constant 320000 : i32
    %add3A_13 = arith.addi %add3A_12, %mul3A_2 : i32
    %add3A_14 = arith.constant 0 : i32
    %add3A_15 = arith.addi %add3A_13, %add3A_14 : i32
    %multiple_of3A_16 = tpu.assume_multiple %add3A_15, 8 : i32
    %dma_start3A_17 = tpu.memref_slice %arg3[%multiple_of3A_16] : memref<640000xi32, #tpu.memory_space<hbm>> -> memref<128xi32, #tpu.memory_space<hbm>>
    %dma_start3A_18 = tpu.memref_slice %arg3[%multiple_of3A_16] : memref<640000xi32, #tpu.memory_space<hbm>> -> memref<128xi32, #tpu.memory_space<hbm>>
    tpu.enqueue_dma source(%dma_start3A_18 : memref<128xi32, #tpu.memory_space<hbm>>) target(%arg8 : memref<128xi32, #tpu.memory_space<vmem>>) target_semaphore(%arg19 : memref<!tpu.dma_semaphore, #tpu.memory_space<semaphore_mem>>)
    %dma_wait3A = arith.constant 0 : i32
    %dma_wait3A_19 = tpu.memref_slice %arg3[%dma_wait3A] : memref<640000xi32, #tpu.memory_space<hbm>> -> memref<128xi32, #tpu.memory_space<hbm>>
    %dma_wait3A_20 = arith.constant 0 : i32
    %dma_wait3A_21 = tpu.memref_slice %arg3[%dma_wait3A_20] : memref<640000xi32, #tpu.memory_space<hbm>> -> memref<128xi32, #tpu.memory_space<hbm>>
    tpu.wait_dma2 semaphore(%arg16 : memref<!tpu.dma_semaphore, #tpu.memory_space<semaphore_mem>>) src(%dma_wait3A_21 : memref<128xi32, #tpu.memory_space<hbm>>) dst(%arg5 : memref<128xi32, #tpu.memory_space<vmem>>)
    %dma_start3A_22 = arith.constant 0 : i32
    %dma_start3A_23 = arith.constant 0 : i32
    %dma_start3A_24 = tpu.memref_slice %arg2[%dma_start3A_22, %dma_start3A_23] : memref<10000x128xf32, #tpu.memory_space<hbm>> -> memref<10000x128xf32, #tpu.memory_space<hbm>>
    tpu.enqueue_indirect_dma source(%dma_start3A_24 : memref<10000x128xf32, #tpu.memory_space<hbm>>) target(%arg12 : memref<128x128xf32, #tpu.memory_space<vmem>>) offsets(%arg5 : memref<128xi32, #tpu.memory_space<vmem>>) semaphore(%arg22 : memref<!tpu.dma_semaphore, #tpu.memory_space<semaphore_mem>>)
    %add3A_25 = arith.constant 128 : i32
    %add3A_26 = arith.addi %mul3A_2, %add3A_25 : i32
    %multiple_of3A_27 = tpu.assume_multiple %add3A_26, 8 : i32
    %dma_start3A_28 = tpu.memref_slice %arg3[%multiple_of3A_27] : memref<640000xi32, #tpu.memory_space<hbm>> -> memref<128xi32, #tpu.memory_space<hbm>>
    %dma_start3A_29 = tpu.memref_slice %arg3[%multiple_of3A_27] : memref<640000xi32, #tpu.memory_space<hbm>> -> memref<128xi32, #tpu.memory_space<hbm>>
    tpu.enqueue_dma source(%dma_start3A_29 : memref<128xi32, #tpu.memory_space<hbm>>) target(%arg6 : memref<128xi32, #tpu.memory_space<vmem>>) target_semaphore(%arg17 : memref<!tpu.dma_semaphore, #tpu.memory_space<semaphore_mem>>)
    %add3A_30 = arith.constant 256 : i32
    %add3A_31 = arith.addi %mul3A_2, %add3A_30 : i32
    %multiple_of3A_32 = tpu.assume_multiple %add3A_31, 8 : i32
    %dma_start3A_33 = tpu.memref_slice %arg3[%multiple_of3A_32] : memref<640000xi32, #tpu.memory_space<hbm>> -> memref<128xi32, #tpu.memory_space<hbm>>
    %dma_start3A_34 = tpu.memref_slice %arg3[%multiple_of3A_32] : memref<640000xi32, #tpu.memory_space<hbm>> -> memref<128xi32, #tpu.memory_space<hbm>>
    tpu.enqueue_dma source(%dma_start3A_34 : memref<128xi32, #tpu.memory_space<hbm>>) target(%arg7 : memref<128xi32, #tpu.memory_space<vmem>>) target_semaphore(%arg18 : memref<!tpu.dma_semaphore, #tpu.memory_space<semaphore_mem>>)
    %dma_wait3A_35 = arith.constant 0 : i32
    %dma_wait3A_36 = arith.constant 0 : i32
    %dma_wait3A_37 = tpu.memref_slice %arg2[%dma_wait3A_35, %dma_wait3A_36] : memref<10000x128xf32, #tpu.memory_space<hbm>> -> memref<128x128xf32, #tpu.memory_space<hbm>>
    %dma_wait3A_38 = arith.constant 0 : i32
    %dma_wait3A_39 = arith.constant 0 : i32
    %dma_wait3A_40 = tpu.memref_slice %arg2[%dma_wait3A_38, %dma_wait3A_39] : memref<10000x128xf32, #tpu.memory_space<hbm>> -> memref<128x128xf32, #tpu.memory_space<hbm>>
    tpu.wait_dma2 semaphore(%arg22 : memref<!tpu.dma_semaphore, #tpu.memory_space<semaphore_mem>>) src(%dma_wait3A_40 : memref<128x128xf32, #tpu.memory_space<hbm>>) dst(%arg12 : memref<128x128xf32, #tpu.memory_space<vmem>>)
    %dma_wait3A_41 = arith.constant 0 : i32
    %dma_wait3A_42 = tpu.memref_slice %arg3[%dma_wait3A_41] : memref<640000xi32, #tpu.memory_space<hbm>> -> memref<128xi32, #tpu.memory_space<hbm>>
    %dma_wait3A_43 = arith.constant 0 : i32
    %dma_wait3A_44 = tpu.memref_slice %arg3[%dma_wait3A_43] : memref<640000xi32, #tpu.memory_space<hbm>> -> memref<128xi32, #tpu.memory_space<hbm>>
    tpu.wait_dma2 semaphore(%arg17 : memref<!tpu.dma_semaphore, #tpu.memory_space<semaphore_mem>>) src(%dma_wait3A_44 : memref<128xi32, #tpu.memory_space<hbm>>) dst(%arg6 : memref<128xi32, #tpu.memory_space<vmem>>)
    %dma_start3A_45 = arith.constant 0 : i32
    %dma_start3A_46 = arith.constant 0 : i32
    %dma_start3A_47 = tpu.memref_slice %arg2[%dma_start3A_45, %dma_start3A_46] : memref<10000x128xf32, #tpu.memory_space<hbm>> -> memref<10000x128xf32, #tpu.memory_space<hbm>>
    tpu.enqueue_indirect_dma source(%dma_start3A_47 : memref<10000x128xf32, #tpu.memory_space<hbm>>) target(%arg13 : memref<128x128xf32, #tpu.memory_space<vmem>>) offsets(%arg6 : memref<128xi32, #tpu.memory_space<vmem>>) semaphore(%arg23 : memref<!tpu.dma_semaphore, #tpu.memory_space<semaphore_mem>>)
    %add3A_48 = arith.constant 384 : i32
    %add3A_49 = arith.addi %mul3A_2, %add3A_48 : i32
    %multiple_of3A_50 = tpu.assume_multiple %add3A_49, 8 : i32
    %dma_start3A_51 = tpu.memref_slice %arg3[%multiple_of3A_50] : memref<640000xi32, #tpu.memory_space<hbm>> -> memref<128xi32, #tpu.memory_space<hbm>>
    %dma_start3A_52 = tpu.memref_slice %arg3[%multiple_of3A_50] : memref<640000xi32, #tpu.memory_space<hbm>> -> memref<128xi32, #tpu.memory_space<hbm>>
    tpu.enqueue_dma source(%dma_start3A_52 : memref<128xi32, #tpu.memory_space<hbm>>) target(%arg5 : memref<128xi32, #tpu.memory_space<vmem>>) target_semaphore(%arg16 : memref<!tpu.dma_semaphore, #tpu.memory_space<semaphore_mem>>)
    %add3A_53 = arith.constant 320000 : i32
    %add3A_54 = arith.addi %add3A_53, %mul3A_2 : i32
    %add3A_55 = arith.constant 128 : i32
    %add3A_56 = arith.addi %add3A_54, %add3A_55 : i32
    %multiple_of3A_57 = tpu.assume_multiple %add3A_56, 8 : i32
    %dma_start3A_58 = tpu.memref_slice %arg3[%multiple_of3A_57] : memref<640000xi32, #tpu.memory_space<hbm>> -> memref<128xi32, #tpu.memory_space<hbm>>
    %dma_start3A_59 = tpu.memref_slice %arg3[%multiple_of3A_57] : memref<640000xi32, #tpu.memory_space<hbm>> -> memref<128xi32, #tpu.memory_space<hbm>>
    tpu.enqueue_dma source(%dma_start3A_59 : memref<128xi32, #tpu.memory_space<hbm>>) target(%arg9 : memref<128xi32, #tpu.memory_space<vmem>>) target_semaphore(%arg20 : memref<!tpu.dma_semaphore, #tpu.memory_space<semaphore_mem>>)
    %dma_wait3A_60 = arith.constant 0 : i32
    %dma_wait3A_61 = tpu.memref_slice %arg3[%dma_wait3A_60] : memref<640000xi32, #tpu.memory_space<hbm>> -> memref<128xi32, #tpu.memory_space<hbm>>
    %dma_wait3A_62 = arith.constant 0 : i32
    %dma_wait3A_63 = tpu.memref_slice %arg3[%dma_wait3A_62] : memref<640000xi32, #tpu.memory_space<hbm>> -> memref<128xi32, #tpu.memory_space<hbm>>
    tpu.wait_dma2 semaphore(%arg19 : memref<!tpu.dma_semaphore, #tpu.memory_space<semaphore_mem>>) src(%dma_wait3A_63 : memref<128xi32, #tpu.memory_space<hbm>>) dst(%arg8 : memref<128xi32, #tpu.memory_space<vmem>>)
    %dma_start3A_64 = arith.constant 0 : i32
    %dma_start3A_65 = arith.constant 0 : i32
    %dma_start3A_66 = tpu.memref_slice %arg15[%dma_start3A_64, %dma_start3A_65] : memref<10000x128xf32, #tpu.memory_space<vmem_shared>> -> memref<10000x128xf32, #tpu.memory_space<vmem_shared>>
    tpu.enqueue_indirect_dma source(%arg12 : memref<128x128xf32, #tpu.memory_space<vmem>>) target(%dma_start3A_66 : memref<10000x128xf32, #tpu.memory_space<vmem_shared>>) offsets(%arg8 : memref<128xi32, #tpu.memory_space<vmem>>) semaphore(%arg25 : memref<!tpu.dma_semaphore, #tpu.memory_space<semaphore_mem>>) {add = true}
    %dma_wait3A_67 = arith.constant 0 : i32
    %dma_wait3A_68 = arith.constant 0 : i32
    %dma_wait3A_69 = tpu.memref_slice %arg2[%dma_wait3A_67, %dma_wait3A_68] : memref<10000x128xf32, #tpu.memory_space<hbm>> -> memref<128x128xf32, #tpu.memory_space<hbm>>
    %dma_wait3A_70 = arith.constant 0 : i32
    %dma_wait3A_71 = arith.constant 0 : i32
    %dma_wait3A_72 = tpu.memref_slice %arg2[%dma_wait3A_70, %dma_wait3A_71] : memref<10000x128xf32, #tpu.memory_space<hbm>> -> memref<128x128xf32, #tpu.memory_space<hbm>>
    tpu.wait_dma2 semaphore(%arg23 : memref<!tpu.dma_semaphore, #tpu.memory_space<semaphore_mem>>) src(%dma_wait3A_72 : memref<128x128xf32, #tpu.memory_space<hbm>>) dst(%arg13 : memref<128x128xf32, #tpu.memory_space<vmem>>)
    %dma_wait3A_73 = arith.constant 0 : i32
    %dma_wait3A_74 = tpu.memref_slice %arg3[%dma_wait3A_73] : memref<640000xi32, #tpu.memory_space<hbm>> -> memref<128xi32, #tpu.memory_space<hbm>>
    %dma_wait3A_75 = arith.constant 0 : i32
    %dma_wait3A_76 = tpu.memref_slice %arg3[%dma_wait3A_75] : memref<640000xi32, #tpu.memory_space<hbm>> -> memref<128xi32, #tpu.memory_space<hbm>>
    tpu.wait_dma2 semaphore(%arg18 : memref<!tpu.dma_semaphore, #tpu.memory_space<semaphore_mem>>) src(%dma_wait3A_76 : memref<128xi32, #tpu.memory_space<hbm>>) dst(%arg7 : memref<128xi32, #tpu.memory_space<vmem>>)
    %dma_start3A_77 = arith.constant 0 : i32
    %dma_start3A_78 = arith.constant 0 : i32
    %dma_start3A_79 = tpu.memref_slice %arg2[%dma_start3A_77, %dma_start3A_78] : memref<10000x128xf32, #tpu.memory_space<hbm>> -> memref<10000x128xf32, #tpu.memory_space<hbm>>
    tpu.enqueue_indirect_dma source(%dma_start3A_79 : memref<10000x128xf32, #tpu.memory_space<hbm>>) target(%arg14 : memref<128x128xf32, #tpu.memory_space<vmem>>) offsets(%arg7 : memref<128xi32, #tpu.memory_space<vmem>>) semaphore(%arg24 : memref<!tpu.dma_semaphore, #tpu.memory_space<semaphore_mem>>)
    %add3A_80 = arith.constant 512 : i32
    %add3A_81 = arith.addi %mul3A_2, %add3A_80 : i32
    %multiple_of3A_82 = tpu.assume_multiple %add3A_81, 8 : i32
    %dma_start3A_83 = tpu.memref_slice %arg3[%multiple_of3A_82] : memref<640000xi32, #tpu.memory_space<hbm>> -> memref<128xi32, #tpu.memory_space<hbm>>
    %dma_start3A_84 = tpu.memref_slice %arg3[%multiple_of3A_82] : memref<640000xi32, #tpu.memory_space<hbm>> -> memref<128xi32, #tpu.memory_space<hbm>>
    tpu.enqueue_dma source(%dma_start3A_84 : memref<128xi32, #tpu.memory_space<hbm>>) target(%arg6 : memref<128xi32, #tpu.memory_space<vmem>>) target_semaphore(%arg17 : memref<!tpu.dma_semaphore, #tpu.memory_space<semaphore_mem>>)
    %add3A_85 = arith.constant 320000 : i32
    %add3A_86 = arith.addi %add3A_85, %mul3A_2 : i32
    %add3A_87 = arith.constant 256 : i32
    %add3A_88 = arith.addi %add3A_86, %add3A_87 : i32
    %multiple_of3A_89 = tpu.assume_multiple %add3A_88, 8 : i32
    %dma_start3A_90 = tpu.memref_slice %arg3[%multiple_of3A_89] : memref<640000xi32, #tpu.memory_space<hbm>> -> memref<128xi32, #tpu.memory_space<hbm>>
    %dma_start3A_91 = tpu.memref_slice %arg3[%multiple_of3A_89] : memref<640000xi32, #tpu.memory_space<hbm>> -> memref<128xi32, #tpu.memory_space<hbm>>
    tpu.enqueue_dma source(%dma_start3A_91 : memref<128xi32, #tpu.memory_space<hbm>>) target(%arg10 : memref<128xi32, #tpu.memory_space<vmem>>) target_semaphore(%arg21 : memref<!tpu.dma_semaphore, #tpu.memory_space<semaphore_mem>>)
    %dma_wait3A_92 = arith.constant 0 : i32
    %dma_wait3A_93 = tpu.memref_slice %arg3[%dma_wait3A_92] : memref<640000xi32, #tpu.memory_space<hbm>> -> memref<128xi32, #tpu.memory_space<hbm>>
    %dma_wait3A_94 = arith.constant 0 : i32
    %dma_wait3A_95 = tpu.memref_slice %arg3[%dma_wait3A_94] : memref<640000xi32, #tpu.memory_space<hbm>> -> memref<128xi32, #tpu.memory_space<hbm>>
    tpu.wait_dma2 semaphore(%arg20 : memref<!tpu.dma_semaphore, #tpu.memory_space<semaphore_mem>>) src(%dma_wait3A_95 : memref<128xi32, #tpu.memory_space<hbm>>) dst(%arg9 : memref<128xi32, #tpu.memory_space<vmem>>)
    %dma_start3A_96 = arith.constant 0 : i32
    %dma_start3A_97 = arith.constant 0 : i32
    %dma_start3A_98 = tpu.memref_slice %arg15[%dma_start3A_96, %dma_start3A_97] : memref<10000x128xf32, #tpu.memory_space<vmem_shared>> -> memref<10000x128xf32, #tpu.memory_space<vmem_shared>>
    tpu.enqueue_indirect_dma source(%arg13 : memref<128x128xf32, #tpu.memory_space<vmem>>) target(%dma_start3A_98 : memref<10000x128xf32, #tpu.memory_space<vmem_shared>>) offsets(%arg9 : memref<128xi32, #tpu.memory_space<vmem>>) semaphore(%arg26 : memref<!tpu.dma_semaphore, #tpu.memory_space<semaphore_mem>>) {add = true}
    %scan3A = arith.constant 0 : i32
    %scan3A_99 = arith.constant 0 : i32
    %scan3A_100 = arith.constant 24 : i32
    %scan3A_101 = arith.addi %scan3A_99, %scan3A_100 : i32
    %scan3A_102 = arith.constant 1 : i32
    scf.for %scan3A_231 = %scan3A_99 to %scan3A_101 step %scan3A_102  : i32 {
      %mul3A_232 = arith.constant 3 : i32
      %mul3A_233 = arith.muli %mul3A_232, %scan3A_231 : i32
      %add3A_234 = arith.constant 2 : i32
      %add3A_235 = arith.addi %mul3A_233, %add3A_234 : i32
      %dma_wait3A_236 = arith.constant 0 : i32
      %dma_wait3A_237 = arith.constant 0 : i32
      %dma_wait3A_238 = tpu.memref_slice %arg2[%dma_wait3A_236, %dma_wait3A_237] : memref<10000x128xf32, #tpu.memory_space<hbm>> -> memref<128x128xf32, #tpu.memory_space<hbm>>
      %dma_wait3A_239 = arith.constant 0 : i32
      %dma_wait3A_240 = arith.constant 0 : i32
      %dma_wait3A_241 = tpu.memref_slice %arg2[%dma_wait3A_239, %dma_wait3A_240] : memref<10000x128xf32, #tpu.memory_space<hbm>> -> memref<128x128xf32, #tpu.memory_space<hbm>>
      tpu.wait_dma2 semaphore(%arg24 : memref<!tpu.dma_semaphore, #tpu.memory_space<semaphore_mem>>) src(%dma_wait3A_241 : memref<128x128xf32, #tpu.memory_space<hbm>>) dst(%arg14 : memref<128x128xf32, #tpu.memory_space<vmem>>)
      %dma_wait3A_242 = arith.constant 0 : i32
      %dma_wait3A_243 = tpu.memref_slice %arg3[%dma_wait3A_242] : memref<640000xi32, #tpu.memory_space<hbm>> -> memref<128xi32, #tpu.memory_space<hbm>>
      %dma_wait3A_244 = arith.constant 0 : i32
      %dma_wait3A_245 = tpu.memref_slice %arg3[%dma_wait3A_244] : memref<640000xi32, #tpu.memory_space<hbm>> -> memref<128xi32, #tpu.memory_space<hbm>>
      tpu.wait_dma2 semaphore(%arg16 : memref<!tpu.dma_semaphore, #tpu.memory_space<semaphore_mem>>) src(%dma_wait3A_245 : memref<128xi32, #tpu.memory_space<hbm>>) dst(%arg5 : memref<128xi32, #tpu.memory_space<vmem>>)
      %dma_wait3A_246 = arith.constant 0 : i32
      %dma_wait3A_247 = arith.constant 0 : i32
      %dma_wait3A_248 = tpu.memref_slice %arg15[%dma_wait3A_246, %dma_wait3A_247] : memref<10000x128xf32, #tpu.memory_space<vmem_shared>> -> memref<10000x128xf32, #tpu.memory_space<vmem_shared>>
      tpu.wait_indirect_dma semaphore(%arg25 : memref<!tpu.dma_semaphore, #tpu.memory_space<semaphore_mem>>) src(%arg12 : memref<128x128xf32, #tpu.memory_space<vmem>>) dst(%dma_wait3A_248 : memref<10000x128xf32, #tpu.memory_space<vmem_shared>>)
      %dma_start3A_249 = arith.constant 0 : i32
      %dma_start3A_250 = arith.constant 0 : i32
      %dma_start3A_251 = tpu.memref_slice %arg2[%dma_start3A_249, %dma_start3A_250] : memref<10000x128xf32, #tpu.memory_space<hbm>> -> memref<10000x128xf32, #tpu.memory_space<hbm>>
      tpu.enqueue_indirect_dma source(%dma_start3A_251 : memref<10000x128xf32, #tpu.memory_space<hbm>>) target(%arg12 : memref<128x128xf32, #tpu.memory_space<vmem>>) offsets(%arg5 : memref<128xi32, #tpu.memory_space<vmem>>) semaphore(%arg22 : memref<!tpu.dma_semaphore, #tpu.memory_space<semaphore_mem>>)
      %add3A_252 = arith.constant 3 : i32
      %add3A_253 = arith.addi %add3A_235, %add3A_252 : i32
      %mul3A_254 = arith.constant 128 : i32
      %mul3A_255 = arith.muli %add3A_253, %mul3A_254 : i32
      %add3A_256 = arith.addi %mul3A_2, %mul3A_255 : i32
      %multiple_of3A_257 = tpu.assume_multiple %add3A_256, 8 : i32
      %dma_start3A_258 = tpu.memref_slice %arg3[%multiple_of3A_257] : memref<640000xi32, #tpu.memory_space<hbm>> -> memref<128xi32, #tpu.memory_space<hbm>>
      %dma_start3A_259 = tpu.memref_slice %arg3[%multiple_of3A_257] : memref<640000xi32, #tpu.memory_space<hbm>> -> memref<128xi32, #tpu.memory_space<hbm>>
      tpu.enqueue_dma source(%dma_start3A_259 : memref<128xi32, #tpu.memory_space<hbm>>) target(%arg7 : memref<128xi32, #tpu.memory_space<vmem>>) target_semaphore(%arg18 : memref<!tpu.dma_semaphore, #tpu.memory_space<semaphore_mem>>)
      %add3A_260 = arith.constant 1 : i32
      %add3A_261 = arith.addi %add3A_235, %add3A_260 : i32
      %add3A_262 = arith.constant 320000 : i32
      %add3A_263 = arith.addi %add3A_262, %mul3A_2 : i32
      %mul3A_264 = arith.constant 128 : i32
      %mul3A_265 = arith.muli %add3A_261, %mul3A_264 : i32
      %add3A_266 = arith.addi %add3A_263, %mul3A_265 : i32
      %multiple_of3A_267 = tpu.assume_multiple %add3A_266, 8 : i32
      %dma_start3A_268 = tpu.memref_slice %arg3[%multiple_of3A_267] : memref<640000xi32, #tpu.memory_space<hbm>> -> memref<128xi32, #tpu.memory_space<hbm>>
      %dma_start3A_269 = tpu.memref_slice %arg3[%multiple_of3A_267] : memref<640000xi32, #tpu.memory_space<hbm>> -> memref<128xi32, #tpu.memory_space<hbm>>
      tpu.enqueue_dma source(%dma_start3A_269 : memref<128xi32, #tpu.memory_space<hbm>>) target(%arg8 : memref<128xi32, #tpu.memory_space<vmem>>) target_semaphore(%arg19 : memref<!tpu.dma_semaphore, #tpu.memory_space<semaphore_mem>>)
      %dma_wait3A_270 = arith.constant 0 : i32
      %dma_wait3A_271 = tpu.memref_slice %arg3[%dma_wait3A_270] : memref<640000xi32, #tpu.memory_space<hbm>> -> memref<128xi32, #tpu.memory_space<hbm>>
      %dma_wait3A_272 = arith.constant 0 : i32
      %dma_wait3A_273 = tpu.memref_slice %arg3[%dma_wait3A_272] : memref<640000xi32, #tpu.memory_space<hbm>> -> memref<128xi32, #tpu.memory_space<hbm>>
      tpu.wait_dma2 semaphore(%arg21 : memref<!tpu.dma_semaphore, #tpu.memory_space<semaphore_mem>>) src(%dma_wait3A_273 : memref<128xi32, #tpu.memory_space<hbm>>) dst(%arg10 : memref<128xi32, #tpu.memory_space<vmem>>)
      %dma_start3A_274 = arith.constant 0 : i32
      %dma_start3A_275 = arith.constant 0 : i32
      %dma_start3A_276 = tpu.memref_slice %arg15[%dma_start3A_274, %dma_start3A_275] : memref<10000x128xf32, #tpu.memory_space<vmem_shared>> -> memref<10000x128xf32, #tpu.memory_space<vmem_shared>>
      tpu.enqueue_indirect_dma source(%arg14 : memref<128x128xf32, #tpu.memory_space<vmem>>) target(%dma_start3A_276 : memref<10000x128xf32, #tpu.memory_space<vmem_shared>>) offsets(%arg10 : memref<128xi32, #tpu.memory_space<vmem>>) semaphore(%arg27 : memref<!tpu.dma_semaphore, #tpu.memory_space<semaphore_mem>>) {add = true}
      %add3A_277 = arith.constant 1 : i32
      %add3A_278 = arith.addi %add3A_235, %add3A_277 : i32
      %dma_wait3A_279 = arith.constant 0 : i32
      %dma_wait3A_280 = arith.constant 0 : i32
      %dma_wait3A_281 = tpu.memref_slice %arg2[%dma_wait3A_279, %dma_wait3A_280] : memref<10000x128xf32, #tpu.memory_space<hbm>> -> memref<128x128xf32, #tpu.memory_space<hbm>>
      %dma_wait3A_282 = arith.constant 0 : i32
      %dma_wait3A_283 = arith.constant 0 : i32
      %dma_wait3A_284 = tpu.memref_slice %arg2[%dma_wait3A_282, %dma_wait3A_283] : memref<10000x128xf32, #tpu.memory_space<hbm>> -> memref<128x128xf32, #tpu.memory_space<hbm>>
      tpu.wait_dma2 semaphore(%arg22 : memref<!tpu.dma_semaphore, #tpu.memory_space<semaphore_mem>>) src(%dma_wait3A_284 : memref<128x128xf32, #tpu.memory_space<hbm>>) dst(%arg12 : memref<128x128xf32, #tpu.memory_space<vmem>>)
      %dma_wait3A_285 = arith.constant 0 : i32
      %dma_wait3A_286 = tpu.memref_slice %arg3[%dma_wait3A_285] : memref<640000xi32, #tpu.memory_space<hbm>> -> memref<128xi32, #tpu.memory_space<hbm>>
      %dma_wait3A_287 = arith.constant 0 : i32
      %dma_wait3A_288 = tpu.memref_slice %arg3[%dma_wait3A_287] : memref<640000xi32, #tpu.memory_space<hbm>> -> memref<128xi32, #tpu.memory_space<hbm>>
      tpu.wait_dma2 semaphore(%arg17 : memref<!tpu.dma_semaphore, #tpu.memory_space<semaphore_mem>>) src(%dma_wait3A_288 : memref<128xi32, #tpu.memory_space<hbm>>) dst(%arg6 : memref<128xi32, #tpu.memory_space<vmem>>)
      %dma_wait3A_289 = arith.constant 0 : i32
      %dma_wait3A_290 = arith.constant 0 : i32
      %dma_wait3A_291 = tpu.memref_slice %arg15[%dma_wait3A_289, %dma_wait3A_290] : memref<10000x128xf32, #tpu.memory_space<vmem_shared>> -> memref<10000x128xf32, #tpu.memory_space<vmem_shared>>
      tpu.wait_indirect_dma semaphore(%arg26 : memref<!tpu.dma_semaphore, #tpu.memory_space<semaphore_mem>>) src(%arg13 : memref<128x128xf32, #tpu.memory_space<vmem>>) dst(%dma_wait3A_291 : memref<10000x128xf32, #tpu.memory_space<vmem_shared>>)
      %dma_start3A_292 = arith.constant 0 : i32
      %dma_start3A_293 = arith.constant 0 : i32
      %dma_start3A_294 = tpu.memref_slice %arg2[%dma_start3A_292, %dma_start3A_293] : memref<10000x128xf32, #tpu.memory_space<hbm>> -> memref<10000x128xf32, #tpu.memory_space<hbm>>
      tpu.enqueue_indirect_dma source(%dma_start3A_294 : memref<10000x128xf32, #tpu.memory_space<hbm>>) target(%arg13 : memref<128x128xf32, #tpu.memory_space<vmem>>) offsets(%arg6 : memref<128xi32, #tpu.memory_space<vmem>>) semaphore(%arg23 : memref<!tpu.dma_semaphore, #tpu.memory_space<semaphore_mem>>)
      %add3A_295 = arith.constant 3 : i32
      %add3A_296 = arith.addi %add3A_278, %add3A_295 : i32
      %mul3A_297 = arith.constant 128 : i32
      %mul3A_298 = arith.muli %add3A_296, %mul3A_297 : i32
      %add3A_299 = arith.addi %mul3A_2, %mul3A_298 : i32
      %multiple_of3A_300 = tpu.assume_multiple %add3A_299, 8 : i32
      %dma_start3A_301 = tpu.memref_slice %arg3[%multiple_of3A_300] : memref<640000xi32, #tpu.memory_space<hbm>> -> memref<128xi32, #tpu.memory_space<hbm>>
      %dma_start3A_302 = tpu.memref_slice %arg3[%multiple_of3A_300] : memref<640000xi32, #tpu.memory_space<hbm>> -> memref<128xi32, #tpu.memory_space<hbm>>
      tpu.enqueue_dma source(%dma_start3A_302 : memref<128xi32, #tpu.memory_space<hbm>>) target(%arg5 : memref<128xi32, #tpu.memory_space<vmem>>) target_semaphore(%arg16 : memref<!tpu.dma_semaphore, #tpu.memory_space<semaphore_mem>>)
      %add3A_303 = arith.constant 1 : i32
      %add3A_304 = arith.addi %add3A_278, %add3A_303 : i32
      %add3A_305 = arith.constant 320000 : i32
      %add3A_306 = arith.addi %add3A_305, %mul3A_2 : i32
      %mul3A_307 = arith.constant 128 : i32
      %mul3A_308 = arith.muli %add3A_304, %mul3A_307 : i32
      %add3A_309 = arith.addi %add3A_306, %mul3A_308 : i32
      %multiple_of3A_310 = tpu.assume_multiple %add3A_309, 8 : i32
      %dma_start3A_311 = tpu.memref_slice %arg3[%multiple_of3A_310] : memref<640000xi32, #tpu.memory_space<hbm>> -> memref<128xi32, #tpu.memory_space<hbm>>
      %dma_start3A_312 = tpu.memref_slice %arg3[%multiple_of3A_310] : memref<640000xi32, #tpu.memory_space<hbm>> -> memref<128xi32, #tpu.memory_space<hbm>>
      tpu.enqueue_dma source(%dma_start3A_312 : memref<128xi32, #tpu.memory_space<hbm>>) target(%arg9 : memref<128xi32, #tpu.memory_space<vmem>>) target_semaphore(%arg20 : memref<!tpu.dma_semaphore, #tpu.memory_space<semaphore_mem>>)
      %dma_wait3A_313 = arith.constant 0 : i32
      %dma_wait3A_314 = tpu.memref_slice %arg3[%dma_wait3A_313] : memref<640000xi32, #tpu.memory_space<hbm>> -> memref<128xi32, #tpu.memory_space<hbm>>
      %dma_wait3A_315 = arith.constant 0 : i32
      %dma_wait3A_316 = tpu.memref_slice %arg3[%dma_wait3A_315] : memref<640000xi32, #tpu.memory_space<hbm>> -> memref<128xi32, #tpu.memory_space<hbm>>
      tpu.wait_dma2 semaphore(%arg19 : memref<!tpu.dma_semaphore, #tpu.memory_space<semaphore_mem>>) src(%dma_wait3A_316 : memref<128xi32, #tpu.memory_space<hbm>>) dst(%arg8 : memref<128xi32, #tpu.memory_space<vmem>>)
      %dma_start3A_317 = arith.constant 0 : i32
      %dma_start3A_318 = arith.constant 0 : i32
      %dma_start3A_319 = tpu.memref_slice %arg15[%dma_start3A_317, %dma_start3A_318] : memref<10000x128xf32, #tpu.memory_space<vmem_shared>> -> memref<10000x128xf32, #tpu.memory_space<vmem_shared>>
      tpu.enqueue_indirect_dma source(%arg12 : memref<128x128xf32, #tpu.memory_space<vmem>>) target(%dma_start3A_319 : memref<10000x128xf32, #tpu.memory_space<vmem_shared>>) offsets(%arg8 : memref<128xi32, #tpu.memory_space<vmem>>) semaphore(%arg25 : memref<!tpu.dma_semaphore, #tpu.memory_space<semaphore_mem>>) {add = true}
      %add3A_320 = arith.constant 2 : i32
      %add3A_321 = arith.addi %add3A_235, %add3A_320 : i32
      %dma_wait3A_322 = arith.constant 0 : i32
      %dma_wait3A_323 = arith.constant 0 : i32
      %dma_wait3A_324 = tpu.memref_slice %arg2[%dma_wait3A_322, %dma_wait3A_323] : memref<10000x128xf32, #tpu.memory_space<hbm>> -> memref<128x128xf32, #tpu.memory_space<hbm>>
      %dma_wait3A_325 = arith.constant 0 : i32
      %dma_wait3A_326 = arith.constant 0 : i32
      %dma_wait3A_327 = tpu.memref_slice %arg2[%dma_wait3A_325, %dma_wait3A_326] : memref<10000x128xf32, #tpu.memory_space<hbm>> -> memref<128x128xf32, #tpu.memory_space<hbm>>
      tpu.wait_dma2 semaphore(%arg23 : memref<!tpu.dma_semaphore, #tpu.memory_space<semaphore_mem>>) src(%dma_wait3A_327 : memref<128x128xf32, #tpu.memory_space<hbm>>) dst(%arg13 : memref<128x128xf32, #tpu.memory_space<vmem>>)
      %dma_wait3A_328 = arith.constant 0 : i32
      %dma_wait3A_329 = tpu.memref_slice %arg3[%dma_wait3A_328] : memref<640000xi32, #tpu.memory_space<hbm>> -> memref<128xi32, #tpu.memory_space<hbm>>
      %dma_wait3A_330 = arith.constant 0 : i32
      %dma_wait3A_331 = tpu.memref_slice %arg3[%dma_wait3A_330] : memref<640000xi32, #tpu.memory_space<hbm>> -> memref<128xi32, #tpu.memory_space<hbm>>
      tpu.wait_dma2 semaphore(%arg18 : memref<!tpu.dma_semaphore, #tpu.memory_space<semaphore_mem>>) src(%dma_wait3A_331 : memref<128xi32, #tpu.memory_space<hbm>>) dst(%arg7 : memref<128xi32, #tpu.memory_space<vmem>>)
      %dma_wait3A_332 = arith.constant 0 : i32
      %dma_wait3A_333 = arith.constant 0 : i32
      %dma_wait3A_334 = tpu.memref_slice %arg15[%dma_wait3A_332, %dma_wait3A_333] : memref<10000x128xf32, #tpu.memory_space<vmem_shared>> -> memref<10000x128xf32, #tpu.memory_space<vmem_shared>>
      tpu.wait_indirect_dma semaphore(%arg27 : memref<!tpu.dma_semaphore, #tpu.memory_space<semaphore_mem>>) src(%arg14 : memref<128x128xf32, #tpu.memory_space<vmem>>) dst(%dma_wait3A_334 : memref<10000x128xf32, #tpu.memory_space<vmem_shared>>)
      %dma_start3A_335 = arith.constant 0 : i32
      %dma_start3A_336 = arith.constant 0 : i32
      %dma_start3A_337 = tpu.memref_slice %arg2[%dma_start3A_335, %dma_start3A_336] : memref<10000x128xf32, #tpu.memory_space<hbm>> -> memref<10000x128xf32, #tpu.memory_space<hbm>>
      tpu.enqueue_indirect_dma source(%dma_start3A_337 : memref<10000x128xf32, #tpu.memory_space<hbm>>) target(%arg14 : memref<128x128xf32, #tpu.memory_space<vmem>>) offsets(%arg7 : memref<128xi32, #tpu.memory_space<vmem>>) semaphore(%arg24 : memref<!tpu.dma_semaphore, #tpu.memory_space<semaphore_mem>>)
      %add3A_338 = arith.constant 3 : i32
      %add3A_339 = arith.addi %add3A_321, %add3A_338 : i32
      %mul3A_340 = arith.constant 128 : i32
      %mul3A_341 = arith.muli %add3A_339, %mul3A_340 : i32
      %add3A_342 = arith.addi %mul3A_2, %mul3A_341 : i32
      %multiple_of3A_343 = tpu.assume_multiple %add3A_342, 8 : i32
      %dma_start3A_344 = tpu.memref_slice %arg3[%multiple_of3A_343] : memref<640000xi32, #tpu.memory_space<hbm>> -> memref<128xi32, #tpu.memory_space<hbm>>
      %dma_start3A_345 = tpu.memref_slice %arg3[%multiple_of3A_343] : memref<640000xi32, #tpu.memory_space<hbm>> -> memref<128xi32, #tpu.memory_space<hbm>>
      tpu.enqueue_dma source(%dma_start3A_345 : memref<128xi32, #tpu.memory_space<hbm>>) target(%arg6 : memref<128xi32, #tpu.memory_space<vmem>>) target_semaphore(%arg17 : memref<!tpu.dma_semaphore, #tpu.memory_space<semaphore_mem>>)
      %add3A_346 = arith.constant 1 : i32
      %add3A_347 = arith.addi %add3A_321, %add3A_346 : i32
      %add3A_348 = arith.constant 320000 : i32
      %add3A_349 = arith.addi %add3A_348, %mul3A_2 : i32
      %mul3A_350 = arith.constant 128 : i32
      %mul3A_351 = arith.muli %add3A_347, %mul3A_350 : i32
      %add3A_352 = arith.addi %add3A_349, %mul3A_351 : i32
      %multiple_of3A_353 = tpu.assume_multiple %add3A_352, 8 : i32
      %dma_start3A_354 = tpu.memref_slice %arg3[%multiple_of3A_353] : memref<640000xi32, #tpu.memory_space<hbm>> -> memref<128xi32, #tpu.memory_space<hbm>>
      %dma_start3A_355 = tpu.memref_slice %arg3[%multiple_of3A_353] : memref<640000xi32, #tpu.memory_space<hbm>> -> memref<128xi32, #tpu.memory_space<hbm>>
      tpu.enqueue_dma source(%dma_start3A_355 : memref<128xi32, #tpu.memory_space<hbm>>) target(%arg10 : memref<128xi32, #tpu.memory_space<vmem>>) target_semaphore(%arg21 : memref<!tpu.dma_semaphore, #tpu.memory_space<semaphore_mem>>)
      %dma_wait3A_356 = arith.constant 0 : i32
      %dma_wait3A_357 = tpu.memref_slice %arg3[%dma_wait3A_356] : memref<640000xi32, #tpu.memory_space<hbm>> -> memref<128xi32, #tpu.memory_space<hbm>>
      %dma_wait3A_358 = arith.constant 0 : i32
      %dma_wait3A_359 = tpu.memref_slice %arg3[%dma_wait3A_358] : memref<640000xi32, #tpu.memory_space<hbm>> -> memref<128xi32, #tpu.memory_space<hbm>>
      tpu.wait_dma2 semaphore(%arg20 : memref<!tpu.dma_semaphore, #tpu.memory_space<semaphore_mem>>) src(%dma_wait3A_359 : memref<128xi32, #tpu.memory_space<hbm>>) dst(%arg9 : memref<128xi32, #tpu.memory_space<vmem>>)
      %dma_start3A_360 = arith.constant 0 : i32
      %dma_start3A_361 = arith.constant 0 : i32
      %dma_start3A_362 = tpu.memref_slice %arg15[%dma_start3A_360, %dma_start3A_361] : memref<10000x128xf32, #tpu.memory_space<vmem_shared>> -> memref<10000x128xf32, #tpu.memory_space<vmem_shared>>
      tpu.enqueue_indirect_dma source(%arg13 : memref<128x128xf32, #tpu.memory_space<vmem>>) target(%dma_start3A_362 : memref<10000x128xf32, #tpu.memory_space<vmem_shared>>) offsets(%arg9 : memref<128xi32, #tpu.memory_space<vmem>>) semaphore(%arg26 : memref<!tpu.dma_semaphore, #tpu.memory_space<semaphore_mem>>) {add = true}
    }
    %scan3A_103 = arith.constant 24 : i32
    %dma_wait3A_104 = arith.constant 0 : i32
    %dma_wait3A_105 = arith.constant 0 : i32
    %dma_wait3A_106 = tpu.memref_slice %arg2[%dma_wait3A_104, %dma_wait3A_105] : memref<10000x128xf32, #tpu.memory_space<hbm>> -> memref<128x128xf32, #tpu.memory_space<hbm>>
    %dma_wait3A_107 = arith.constant 0 : i32
    %dma_wait3A_108 = arith.constant 0 : i32
    %dma_wait3A_109 = tpu.memref_slice %arg2[%dma_wait3A_107, %dma_wait3A_108] : memref<10000x128xf32, #tpu.memory_space<hbm>> -> memref<128x128xf32, #tpu.memory_space<hbm>>
    tpu.wait_dma2 semaphore(%arg24 : memref<!tpu.dma_semaphore, #tpu.memory_space<semaphore_mem>>) src(%dma_wait3A_109 : memref<128x128xf32, #tpu.memory_space<hbm>>) dst(%arg14 : memref<128x128xf32, #tpu.memory_space<vmem>>)
    %dma_wait3A_110 = arith.constant 0 : i32
    %dma_wait3A_111 = tpu.memref_slice %arg3[%dma_wait3A_110] : memref<640000xi32, #tpu.memory_space<hbm>> -> memref<128xi32, #tpu.memory_space<hbm>>
    %dma_wait3A_112 = arith.constant 0 : i32
    %dma_wait3A_113 = tpu.memref_slice %arg3[%dma_wait3A_112] : memref<640000xi32, #tpu.memory_space<hbm>> -> memref<128xi32, #tpu.memory_space<hbm>>
    tpu.wait_dma2 semaphore(%arg16 : memref<!tpu.dma_semaphore, #tpu.memory_space<semaphore_mem>>) src(%dma_wait3A_113 : memref<128xi32, #tpu.memory_space<hbm>>) dst(%arg5 : memref<128xi32, #tpu.memory_space<vmem>>)
    %dma_wait3A_114 = arith.constant 0 : i32
    %dma_wait3A_115 = arith.constant 0 : i32
    %dma_wait3A_116 = tpu.memref_slice %arg15[%dma_wait3A_114, %dma_wait3A_115] : memref<10000x128xf32, #tpu.memory_space<vmem_shared>> -> memref<10000x128xf32, #tpu.memory_space<vmem_shared>>
    tpu.wait_indirect_dma semaphore(%arg25 : memref<!tpu.dma_semaphore, #tpu.memory_space<semaphore_mem>>) src(%arg12 : memref<128x128xf32, #tpu.memory_space<vmem>>) dst(%dma_wait3A_116 : memref<10000x128xf32, #tpu.memory_space<vmem_shared>>)
    %dma_start3A_117 = arith.constant 0 : i32
    %dma_start3A_118 = arith.constant 0 : i32
    %dma_start3A_119 = tpu.memref_slice %arg2[%dma_start3A_117, %dma_start3A_118] : memref<10000x128xf32, #tpu.memory_space<hbm>> -> memref<10000x128xf32, #tpu.memory_space<hbm>>
    tpu.enqueue_indirect_dma source(%dma_start3A_119 : memref<10000x128xf32, #tpu.memory_space<hbm>>) target(%arg12 : memref<128x128xf32, #tpu.memory_space<vmem>>) offsets(%arg5 : memref<128xi32, #tpu.memory_space<vmem>>) semaphore(%arg22 : memref<!tpu.dma_semaphore, #tpu.memory_space<semaphore_mem>>)
    %add3A_120 = arith.constant 9856 : i32
    %add3A_121 = arith.addi %mul3A_2, %add3A_120 : i32
    %multiple_of3A_122 = tpu.assume_multiple %add3A_121, 8 : i32
    %dma_start3A_123 = tpu.memref_slice %arg3[%multiple_of3A_122] : memref<640000xi32, #tpu.memory_space<hbm>> -> memref<128xi32, #tpu.memory_space<hbm>>
    %dma_start3A_124 = tpu.memref_slice %arg3[%multiple_of3A_122] : memref<640000xi32, #tpu.memory_space<hbm>> -> memref<128xi32, #tpu.memory_space<hbm>>
    tpu.enqueue_dma source(%dma_start3A_124 : memref<128xi32, #tpu.memory_space<hbm>>) target(%arg7 : memref<128xi32, #tpu.memory_space<vmem>>) target_semaphore(%arg18 : memref<!tpu.dma_semaphore, #tpu.memory_space<semaphore_mem>>)
    %add3A_125 = arith.constant 320000 : i32
    %add3A_126 = arith.addi %add3A_125, %mul3A_2 : i32
    %add3A_127 = arith.constant 9600 : i32
    %add3A_128 = arith.addi %add3A_126, %add3A_127 : i32
    %multiple_of3A_129 = tpu.assume_multiple %add3A_128, 8 : i32
    %dma_start3A_130 = tpu.memref_slice %arg3[%multiple_of3A_129] : memref<640000xi32, #tpu.memory_space<hbm>> -> memref<128xi32, #tpu.memory_space<hbm>>
    %dma_start3A_131 = tpu.memref_slice %arg3[%multiple_of3A_129] : memref<640000xi32, #tpu.memory_space<hbm>> -> memref<128xi32, #tpu.memory_space<hbm>>
    tpu.enqueue_dma source(%dma_start3A_131 : memref<128xi32, #tpu.memory_space<hbm>>) target(%arg8 : memref<128xi32, #tpu.memory_space<vmem>>) target_semaphore(%arg19 : memref<!tpu.dma_semaphore, #tpu.memory_space<semaphore_mem>>)
    %dma_wait3A_132 = arith.constant 0 : i32
    %dma_wait3A_133 = tpu.memref_slice %arg3[%dma_wait3A_132] : memref<640000xi32, #tpu.memory_space<hbm>> -> memref<128xi32, #tpu.memory_space<hbm>>
    %dma_wait3A_134 = arith.constant 0 : i32
    %dma_wait3A_135 = tpu.memref_slice %arg3[%dma_wait3A_134] : memref<640000xi32, #tpu.memory_space<hbm>> -> memref<128xi32, #tpu.memory_space<hbm>>
    tpu.wait_dma2 semaphore(%arg21 : memref<!tpu.dma_semaphore, #tpu.memory_space<semaphore_mem>>) src(%dma_wait3A_135 : memref<128xi32, #tpu.memory_space<hbm>>) dst(%arg10 : memref<128xi32, #tpu.memory_space<vmem>>)
    %dma_start3A_136 = arith.constant 0 : i32
    %dma_start3A_137 = arith.constant 0 : i32
    %dma_start3A_138 = tpu.memref_slice %arg15[%dma_start3A_136, %dma_start3A_137] : memref<10000x128xf32, #tpu.memory_space<vmem_shared>> -> memref<10000x128xf32, #tpu.memory_space<vmem_shared>>
    tpu.enqueue_indirect_dma source(%arg14 : memref<128x128xf32, #tpu.memory_space<vmem>>) target(%dma_start3A_138 : memref<10000x128xf32, #tpu.memory_space<vmem_shared>>) offsets(%arg10 : memref<128xi32, #tpu.memory_space<vmem>>) semaphore(%arg27 : memref<!tpu.dma_semaphore, #tpu.memory_space<semaphore_mem>>) {add = true}
    %dma_wait3A_139 = arith.constant 0 : i32
    %dma_wait3A_140 = arith.constant 0 : i32
    %dma_wait3A_141 = tpu.memref_slice %arg2[%dma_wait3A_139, %dma_wait3A_140] : memref<10000x128xf32, #tpu.memory_space<hbm>> -> memref<128x128xf32, #tpu.memory_space<hbm>>
    %dma_wait3A_142 = arith.constant 0 : i32
    %dma_wait3A_143 = arith.constant 0 : i32
    %dma_wait3A_144 = tpu.memref_slice %arg2[%dma_wait3A_142, %dma_wait3A_143] : memref<10000x128xf32, #tpu.memory_space<hbm>> -> memref<128x128xf32, #tpu.memory_space<hbm>>
    tpu.wait_dma2 semaphore(%arg22 : memref<!tpu.dma_semaphore, #tpu.memory_space<semaphore_mem>>) src(%dma_wait3A_144 : memref<128x128xf32, #tpu.memory_space<hbm>>) dst(%arg12 : memref<128x128xf32, #tpu.memory_space<vmem>>)
    %dma_wait3A_145 = arith.constant 0 : i32
    %dma_wait3A_146 = tpu.memref_slice %arg3[%dma_wait3A_145] : memref<640000xi32, #tpu.memory_space<hbm>> -> memref<128xi32, #tpu.memory_space<hbm>>
    %dma_wait3A_147 = arith.constant 0 : i32
    %dma_wait3A_148 = tpu.memref_slice %arg3[%dma_wait3A_147] : memref<640000xi32, #tpu.memory_space<hbm>> -> memref<128xi32, #tpu.memory_space<hbm>>
    tpu.wait_dma2 semaphore(%arg17 : memref<!tpu.dma_semaphore, #tpu.memory_space<semaphore_mem>>) src(%dma_wait3A_148 : memref<128xi32, #tpu.memory_space<hbm>>) dst(%arg6 : memref<128xi32, #tpu.memory_space<vmem>>)
    %dma_wait3A_149 = arith.constant 0 : i32
    %dma_wait3A_150 = arith.constant 0 : i32
    %dma_wait3A_151 = tpu.memref_slice %arg15[%dma_wait3A_149, %dma_wait3A_150] : memref<10000x128xf32, #tpu.memory_space<vmem_shared>> -> memref<10000x128xf32, #tpu.memory_space<vmem_shared>>
    tpu.wait_indirect_dma semaphore(%arg26 : memref<!tpu.dma_semaphore, #tpu.memory_space<semaphore_mem>>) src(%arg13 : memref<128x128xf32, #tpu.memory_space<vmem>>) dst(%dma_wait3A_151 : memref<10000x128xf32, #tpu.memory_space<vmem_shared>>)
    %dma_start3A_152 = arith.constant 0 : i32
    %dma_start3A_153 = arith.constant 0 : i32
    %dma_start3A_154 = tpu.memref_slice %arg2[%dma_start3A_152, %dma_start3A_153] : memref<10000x128xf32, #tpu.memory_space<hbm>> -> memref<10000x128xf32, #tpu.memory_space<hbm>>
    tpu.enqueue_indirect_dma source(%dma_start3A_154 : memref<10000x128xf32, #tpu.memory_space<hbm>>) target(%arg13 : memref<128x128xf32, #tpu.memory_space<vmem>>) offsets(%arg6 : memref<128xi32, #tpu.memory_space<vmem>>) semaphore(%arg23 : memref<!tpu.dma_semaphore, #tpu.memory_space<semaphore_mem>>)
    %add3A_155 = arith.constant 320000 : i32
    %add3A_156 = arith.addi %add3A_155, %mul3A_2 : i32
    %add3A_157 = arith.constant 9728 : i32
    %add3A_158 = arith.addi %add3A_156, %add3A_157 : i32
    %multiple_of3A_159 = tpu.assume_multiple %add3A_158, 8 : i32
    %dma_start3A_160 = tpu.memref_slice %arg3[%multiple_of3A_159] : memref<640000xi32, #tpu.memory_space<hbm>> -> memref<128xi32, #tpu.memory_space<hbm>>
    %dma_start3A_161 = tpu.memref_slice %arg3[%multiple_of3A_159] : memref<640000xi32, #tpu.memory_space<hbm>> -> memref<128xi32, #tpu.memory_space<hbm>>
    tpu.enqueue_dma source(%dma_start3A_161 : memref<128xi32, #tpu.memory_space<hbm>>) target(%arg9 : memref<128xi32, #tpu.memory_space<vmem>>) target_semaphore(%arg20 : memref<!tpu.dma_semaphore, #tpu.memory_space<semaphore_mem>>)
    %dma_wait3A_162 = arith.constant 0 : i32
    %dma_wait3A_163 = tpu.memref_slice %arg3[%dma_wait3A_162] : memref<640000xi32, #tpu.memory_space<hbm>> -> memref<128xi32, #tpu.memory_space<hbm>>
    %dma_wait3A_164 = arith.constant 0 : i32
    %dma_wait3A_165 = tpu.memref_slice %arg3[%dma_wait3A_164] : memref<640000xi32, #tpu.memory_space<hbm>> -> memref<128xi32, #tpu.memory_space<hbm>>
    tpu.wait_dma2 semaphore(%arg19 : memref<!tpu.dma_semaphore, #tpu.memory_space<semaphore_mem>>) src(%dma_wait3A_165 : memref<128xi32, #tpu.memory_space<hbm>>) dst(%arg8 : memref<128xi32, #tpu.memory_space<vmem>>)
    %dma_start3A_166 = arith.constant 0 : i32
    %dma_start3A_167 = arith.constant 0 : i32
    %dma_start3A_168 = tpu.memref_slice %arg15[%dma_start3A_166, %dma_start3A_167] : memref<10000x128xf32, #tpu.memory_space<vmem_shared>> -> memref<10000x128xf32, #tpu.memory_space<vmem_shared>>
    tpu.enqueue_indirect_dma source(%arg12 : memref<128x128xf32, #tpu.memory_space<vmem>>) target(%dma_start3A_168 : memref<10000x128xf32, #tpu.memory_space<vmem_shared>>) offsets(%arg8 : memref<128xi32, #tpu.memory_space<vmem>>) semaphore(%arg25 : memref<!tpu.dma_semaphore, #tpu.memory_space<semaphore_mem>>) {add = true}
    %dma_wait3A_169 = arith.constant 0 : i32
    %dma_wait3A_170 = arith.constant 0 : i32
    %dma_wait3A_171 = tpu.memref_slice %arg2[%dma_wait3A_169, %dma_wait3A_170] : memref<10000x128xf32, #tpu.memory_space<hbm>> -> memref<128x128xf32, #tpu.memory_space<hbm>>
    %dma_wait3A_172 = arith.constant 0 : i32
    %dma_wait3A_173 = arith.constant 0 : i32
    %dma_wait3A_174 = tpu.memref_slice %arg2[%dma_wait3A_172, %dma_wait3A_173] : memref<10000x128xf32, #tpu.memory_space<hbm>> -> memref<128x128xf32, #tpu.memory_space<hbm>>
    tpu.wait_dma2 semaphore(%arg23 : memref<!tpu.dma_semaphore, #tpu.memory_space<semaphore_mem>>) src(%dma_wait3A_174 : memref<128x128xf32, #tpu.memory_space<hbm>>) dst(%arg13 : memref<128x128xf32, #tpu.memory_space<vmem>>)
    %dma_wait3A_175 = arith.constant 0 : i32
    %dma_wait3A_176 = tpu.memref_slice %arg3[%dma_wait3A_175] : memref<640000xi32, #tpu.memory_space<hbm>> -> memref<128xi32, #tpu.memory_space<hbm>>
    %dma_wait3A_177 = arith.constant 0 : i32
    %dma_wait3A_178 = tpu.memref_slice %arg3[%dma_wait3A_177] : memref<640000xi32, #tpu.memory_space<hbm>> -> memref<128xi32, #tpu.memory_space<hbm>>
    tpu.wait_dma2 semaphore(%arg18 : memref<!tpu.dma_semaphore, #tpu.memory_space<semaphore_mem>>) src(%dma_wait3A_178 : memref<128xi32, #tpu.memory_space<hbm>>) dst(%arg7 : memref<128xi32, #tpu.memory_space<vmem>>)
    %dma_wait3A_179 = arith.constant 0 : i32
    %dma_wait3A_180 = arith.constant 0 : i32
    %dma_wait3A_181 = tpu.memref_slice %arg15[%dma_wait3A_179, %dma_wait3A_180] : memref<10000x128xf32, #tpu.memory_space<vmem_shared>> -> memref<10000x128xf32, #tpu.memory_space<vmem_shared>>
    tpu.wait_indirect_dma semaphore(%arg27 : memref<!tpu.dma_semaphore, #tpu.memory_space<semaphore_mem>>) src(%arg14 : memref<128x128xf32, #tpu.memory_space<vmem>>) dst(%dma_wait3A_181 : memref<10000x128xf32, #tpu.memory_space<vmem_shared>>)
    %dma_start3A_182 = arith.constant 0 : i32
    %dma_start3A_183 = arith.constant 0 : i32
    %dma_start3A_184 = tpu.memref_slice %arg2[%dma_start3A_182, %dma_start3A_183] : memref<10000x128xf32, #tpu.memory_space<hbm>> -> memref<10000x128xf32, #tpu.memory_space<hbm>>
    tpu.enqueue_indirect_dma source(%dma_start3A_184 : memref<10000x128xf32, #tpu.memory_space<hbm>>) target(%arg14 : memref<128x128xf32, #tpu.memory_space<vmem>>) offsets(%arg7 : memref<128xi32, #tpu.memory_space<vmem>>) semaphore(%arg24 : memref<!tpu.dma_semaphore, #tpu.memory_space<semaphore_mem>>)
    %add3A_185 = arith.constant 320000 : i32
    %add3A_186 = arith.addi %add3A_185, %mul3A_2 : i32
    %add3A_187 = arith.constant 9856 : i32
    %add3A_188 = arith.addi %add3A_186, %add3A_187 : i32
    %multiple_of3A_189 = tpu.assume_multiple %add3A_188, 8 : i32
    %dma_start3A_190 = tpu.memref_slice %arg3[%multiple_of3A_189] : memref<640000xi32, #tpu.memory_space<hbm>> -> memref<128xi32, #tpu.memory_space<hbm>>
    %dma_start3A_191 = tpu.memref_slice %arg3[%multiple_of3A_189] : memref<640000xi32, #tpu.memory_space<hbm>> -> memref<128xi32, #tpu.memory_space<hbm>>
    tpu.enqueue_dma source(%dma_start3A_191 : memref<128xi32, #tpu.memory_space<hbm>>) target(%arg10 : memref<128xi32, #tpu.memory_space<vmem>>) target_semaphore(%arg21 : memref<!tpu.dma_semaphore, #tpu.memory_space<semaphore_mem>>)
    %dma_wait3A_192 = arith.constant 0 : i32
    %dma_wait3A_193 = tpu.memref_slice %arg3[%dma_wait3A_192] : memref<640000xi32, #tpu.memory_space<hbm>> -> memref<128xi32, #tpu.memory_space<hbm>>
    %dma_wait3A_194 = arith.constant 0 : i32
    %dma_wait3A_195 = tpu.memref_slice %arg3[%dma_wait3A_194] : memref<640000xi32, #tpu.memory_space<hbm>> -> memref<128xi32, #tpu.memory_space<hbm>>
    tpu.wait_dma2 semaphore(%arg20 : memref<!tpu.dma_semaphore, #tpu.memory_space<semaphore_mem>>) src(%dma_wait3A_195 : memref<128xi32, #tpu.memory_space<hbm>>) dst(%arg9 : memref<128xi32, #tpu.memory_space<vmem>>)
    %dma_start3A_196 = arith.constant 0 : i32
    %dma_start3A_197 = arith.constant 0 : i32
    %dma_start3A_198 = tpu.memref_slice %arg15[%dma_start3A_196, %dma_start3A_197] : memref<10000x128xf32, #tpu.memory_space<vmem_shared>> -> memref<10000x128xf32, #tpu.memory_space<vmem_shared>>
    tpu.enqueue_indirect_dma source(%arg13 : memref<128x128xf32, #tpu.memory_space<vmem>>) target(%dma_start3A_198 : memref<10000x128xf32, #tpu.memory_space<vmem_shared>>) offsets(%arg9 : memref<128xi32, #tpu.memory_space<vmem>>) semaphore(%arg26 : memref<!tpu.dma_semaphore, #tpu.memory_space<semaphore_mem>>) {add = true}
    %dma_wait3A_199 = arith.constant 0 : i32
    %dma_wait3A_200 = arith.constant 0 : i32
    %dma_wait3A_201 = tpu.memref_slice %arg2[%dma_wait3A_199, %dma_wait3A_200] : memref<10000x128xf32, #tpu.memory_space<hbm>> -> memref<128x128xf32, #tpu.memory_space<hbm>>
    %dma_wait3A_202 = arith.constant 0 : i32
    %dma_wait3A_203 = arith.constant 0 : i32
    %dma_wait3A_204 = tpu.memref_slice %arg2[%dma_wait3A_202, %dma_wait3A_203] : memref<10000x128xf32, #tpu.memory_space<hbm>> -> memref<128x128xf32, #tpu.memory_space<hbm>>
    tpu.wait_dma2 semaphore(%arg24 : memref<!tpu.dma_semaphore, #tpu.memory_space<semaphore_mem>>) src(%dma_wait3A_204 : memref<128x128xf32, #tpu.memory_space<hbm>>) dst(%arg14 : memref<128x128xf32, #tpu.memory_space<vmem>>)
    %dma_wait3A_205 = arith.constant 0 : i32
    %dma_wait3A_206 = tpu.memref_slice %arg3[%dma_wait3A_205] : memref<640000xi32, #tpu.memory_space<hbm>> -> memref<128xi32, #tpu.memory_space<hbm>>
    %dma_wait3A_207 = arith.constant 0 : i32
    %dma_wait3A_208 = tpu.memref_slice %arg3[%dma_wait3A_207] : memref<640000xi32, #tpu.memory_space<hbm>> -> memref<128xi32, #tpu.memory_space<hbm>>
    tpu.wait_dma2 semaphore(%arg21 : memref<!tpu.dma_semaphore, #tpu.memory_space<semaphore_mem>>) src(%dma_wait3A_208 : memref<128xi32, #tpu.memory_space<hbm>>) dst(%arg10 : memref<128xi32, #tpu.memory_space<vmem>>)
    "tpu.region"() ({
      %run_scoped3A = tpu.sem_alloc : memref<!tpu.dma_semaphore, #tpu.memory_space<semaphore_mem>>
      %dma_start3A_231 = arith.constant 0 : i32
      %dma_start3A_232 = arith.constant 0 : i32
      %dma_start3A_233 = tpu.memref_slice %arg15[%dma_start3A_231, %dma_start3A_232] : memref<10000x128xf32, #tpu.memory_space<vmem_shared>> -> memref<10000x128xf32, #tpu.memory_space<vmem_shared>>
      tpu.enqueue_indirect_dma source(%arg14 : memref<128x128xf32, #tpu.memory_space<vmem>>) target(%dma_start3A_233 : memref<10000x128xf32, #tpu.memory_space<vmem_shared>>) offsets(%arg10 : memref<128xi32, #tpu.memory_space<vmem>>) semaphore(%run_scoped3A : memref<!tpu.dma_semaphore, #tpu.memory_space<semaphore_mem>>) {add = true}
      %dma_wait3A_234 = arith.constant 0 : i32
      %dma_wait3A_235 = arith.constant 0 : i32
      %dma_wait3A_236 = tpu.memref_slice %arg15[%dma_wait3A_234, %dma_wait3A_235] : memref<10000x128xf32, #tpu.memory_space<vmem_shared>> -> memref<10000x128xf32, #tpu.memory_space<vmem_shared>>
      tpu.wait_indirect_dma semaphore(%run_scoped3A : memref<!tpu.dma_semaphore, #tpu.memory_space<semaphore_mem>>) src(%arg14 : memref<128x128xf32, #tpu.memory_space<vmem>>) dst(%dma_wait3A_236 : memref<10000x128xf32, #tpu.memory_space<vmem_shared>>)
      tpu.yield
    }) : () -> ()
    %dma_wait3A_209 = arith.constant 0 : i32
    %dma_wait3A_210 = arith.constant 0 : i32
    %dma_wait3A_211 = tpu.memref_slice %arg15[%dma_wait3A_209, %dma_wait3A_210] : memref<10000x128xf32, #tpu.memory_space<vmem_shared>> -> memref<10000x128xf32, #tpu.memory_space<vmem_shared>>
    tpu.wait_indirect_dma semaphore(%arg25 : memref<!tpu.dma_semaphore, #tpu.memory_space<semaphore_mem>>) src(%arg12 : memref<128x128xf32, #tpu.memory_space<vmem>>) dst(%dma_wait3A_211 : memref<10000x128xf32, #tpu.memory_space<vmem_shared>>)
    %dma_wait3A_212 = arith.constant 0 : i32
    %dma_wait3A_213 = arith.constant 0 : i32
    %dma_wait3A_214 = tpu.memref_slice %arg15[%dma_wait3A_212, %dma_wait3A_213] : memref<10000x128xf32, #tpu.memory_space<vmem_shared>> -> memref<10000x128xf32, #tpu.memory_space<vmem_shared>>
    tpu.wait_indirect_dma semaphore(%arg26 : memref<!tpu.dma_semaphore, #tpu.memory_space<semaphore_mem>>) src(%arg13 : memref<128x128xf32, #tpu.memory_space<vmem>>) dst(%dma_wait3A_214 : memref<10000x128xf32, #tpu.memory_space<vmem_shared>>)
    %add3A_215 = arith.constant 9984 : i32
    %add3A_216 = arith.addi %mul3A_2, %add3A_215 : i32
    %multiple_of3A_217 = tpu.assume_multiple %add3A_216, 8 : i32
    "tpu.region"() ({
      %run_scoped3A = tpu.sem_alloc : memref<!tpu.dma_semaphore, #tpu.memory_space<semaphore_mem>>
      %dma_start3A_231 = arith.constant 0 : i32
      %dma_start3A_232 = tpu.memref_slice %arg5[%dma_start3A_231] : memref<128xi32, #tpu.memory_space<vmem>> -> memref<16xi32, #tpu.memory_space<vmem>>
      %dma_start3A_233 = tpu.memref_slice %arg3[%multiple_of3A_217] : memref<640000xi32, #tpu.memory_space<hbm>> -> memref<16xi32, #tpu.memory_space<hbm>>
      %dma_start3A_234 = arith.constant 0 : i32
      %dma_start3A_235 = tpu.memref_slice %arg5[%dma_start3A_234] : memref<128xi32, #tpu.memory_space<vmem>> -> memref<16xi32, #tpu.memory_space<vmem>>
      %dma_start3A_236 = tpu.memref_slice %arg3[%multiple_of3A_217] : memref<640000xi32, #tpu.memory_space<hbm>> -> memref<16xi32, #tpu.memory_space<hbm>>
      tpu.enqueue_dma source(%dma_start3A_236 : memref<16xi32, #tpu.memory_space<hbm>>) target(%dma_start3A_235 : memref<16xi32, #tpu.memory_space<vmem>>) target_semaphore(%run_scoped3A : memref<!tpu.dma_semaphore, #tpu.memory_space<semaphore_mem>>)
      %dma_wait3A_237 = arith.constant 0 : i32
      %dma_wait3A_238 = tpu.memref_slice %arg5[%dma_wait3A_237] : memref<128xi32, #tpu.memory_space<vmem>> -> memref<16xi32, #tpu.memory_space<vmem>>
      %dma_wait3A_239 = tpu.memref_slice %arg3[%multiple_of3A_217] : memref<640000xi32, #tpu.memory_space<hbm>> -> memref<16xi32, #tpu.memory_space<hbm>>
      %dma_wait3A_240 = arith.constant 0 : i32
      %dma_wait3A_241 = tpu.memref_slice %arg5[%dma_wait3A_240] : memref<128xi32, #tpu.memory_space<vmem>> -> memref<16xi32, #tpu.memory_space<vmem>>
      %dma_wait3A_242 = tpu.memref_slice %arg3[%multiple_of3A_217] : memref<640000xi32, #tpu.memory_space<hbm>> -> memref<16xi32, #tpu.memory_space<hbm>>
      tpu.wait_dma2 semaphore(%run_scoped3A : memref<!tpu.dma_semaphore, #tpu.memory_space<semaphore_mem>>) src(%dma_wait3A_242 : memref<16xi32, #tpu.memory_space<hbm>>) dst(%dma_wait3A_241 : memref<16xi32, #tpu.memory_space<vmem>>)
      tpu.yield
    }) : () -> ()
    %add3A_218 = arith.constant 320000 : i32
    %add3A_219 = arith.addi %add3A_218, %multiple_of3A_217 : i32
    "tpu.region"() ({
      %run_scoped3A = tpu.sem_alloc : memref<!tpu.dma_semaphore, #tpu.memory_space<semaphore_mem>>
      %dma_start3A_231 = tpu.memref_slice %arg3[%add3A_219] : memref<640000xi32, #tpu.memory_space<hbm>> -> memref<16xi32, #tpu.memory_space<hbm>>
      %dma_start3A_232 = tpu.memref_slice %arg3[%add3A_219] : memref<640000xi32, #tpu.memory_space<hbm>> -> memref<16xi32, #tpu.memory_space<hbm>>
      tpu.enqueue_dma source(%dma_start3A_232 : memref<16xi32, #tpu.memory_space<hbm>>) target(%arg11 : memref<16xi32, #tpu.memory_space<vmem>>) target_semaphore(%run_scoped3A : memref<!tpu.dma_semaphore, #tpu.memory_space<semaphore_mem>>)
      %dma_wait3A_233 = tpu.memref_slice %arg3[%add3A_219] : memref<640000xi32, #tpu.memory_space<hbm>> -> memref<16xi32, #tpu.memory_space<hbm>>
      %dma_wait3A_234 = tpu.memref_slice %arg3[%add3A_219] : memref<640000xi32, #tpu.memory_space<hbm>> -> memref<16xi32, #tpu.memory_space<hbm>>
      tpu.wait_dma2 semaphore(%run_scoped3A : memref<!tpu.dma_semaphore, #tpu.memory_space<semaphore_mem>>) src(%dma_wait3A_234 : memref<16xi32, #tpu.memory_space<hbm>>) dst(%arg11 : memref<16xi32, #tpu.memory_space<vmem>>)
      tpu.yield
    }) : () -> ()
    "tpu.region"() ({
      %run_scoped3A = tpu.sem_alloc : memref<!tpu.dma_semaphore, #tpu.memory_space<semaphore_mem>>
      %dma_start3A_231 = arith.constant 0 : i32
      %dma_start3A_232 = arith.constant 0 : i32
      %dma_start3A_233 = tpu.memref_slice %arg12[%dma_start3A_231, %dma_start3A_232] : memref<128x128xf32, #tpu.memory_space<vmem>> -> memref<16x128xf32, #tpu.memory_space<vmem>>
      %dma_start3A_234 = arith.constant 0 : i32
      %dma_start3A_235 = tpu.memref_slice %arg5[%dma_start3A_234] : memref<128xi32, #tpu.memory_space<vmem>> -> memref<16xi32, #tpu.memory_space<vmem>>
      %dma_start3A_236 = arith.constant 0 : i32
      %dma_start3A_237 = arith.constant 0 : i32
      %dma_start3A_238 = tpu.memref_slice %arg2[%dma_start3A_236, %dma_start3A_237] : memref<10000x128xf32, #tpu.memory_space<hbm>> -> memref<10000x128xf32, #tpu.memory_space<hbm>>
      tpu.enqueue_indirect_dma source(%dma_start3A_238 : memref<10000x128xf32, #tpu.memory_space<hbm>>) target(%dma_start3A_233 : memref<16x128xf32, #tpu.memory_space<vmem>>) offsets(%dma_start3A_235 : memref<16xi32, #tpu.memory_space<vmem>>) semaphore(%run_scoped3A : memref<!tpu.dma_semaphore, #tpu.memory_space<semaphore_mem>>)
      %dma_wait3A_239 = arith.constant 0 : i32
      %dma_wait3A_240 = arith.constant 0 : i32
      %dma_wait3A_241 = tpu.memref_slice %arg12[%dma_wait3A_239, %dma_wait3A_240] : memref<128x128xf32, #tpu.memory_space<vmem>> -> memref<16x128xf32, #tpu.memory_space<vmem>>
      %dma_wait3A_242 = arith.constant 0 : i32
      %dma_wait3A_243 = tpu.memref_slice %arg5[%dma_wait3A_242] : memref<128xi32, #tpu.memory_space<vmem>> -> memref<16xi32, #tpu.memory_space<vmem>>
      %dma_wait3A_244 = arith.constant 0 : i32
      %dma_wait3A_245 = arith.constant 0 : i32
      %dma_wait3A_246 = tpu.memref_slice %arg2[%dma_wait3A_244, %dma_wait3A_245] : memref<10000x128xf32, #tpu.memory_space<hbm>> -> memref<10000x128xf32, #tpu.memory_space<hbm>>
      tpu.wait_indirect_dma semaphore(%run_scoped3A : memref<!tpu.dma_semaphore, #tpu.memory_space<semaphore_mem>>) src(%dma_wait3A_246 : memref<10000x128xf32, #tpu.memory_space<hbm>>) dst(%dma_wait3A_241 : memref<16x128xf32, #tpu.memory_space<vmem>>)
      tpu.yield
    }) : () -> ()
    "tpu.region"() ({
      %run_scoped3A = tpu.sem_alloc : memref<!tpu.dma_semaphore, #tpu.memory_space<semaphore_mem>>
      %dma_start3A_231 = arith.constant 0 : i32
      %dma_start3A_232 = arith.constant 0 : i32
      %dma_start3A_233 = tpu.memref_slice %arg12[%dma_start3A_231, %dma_start3A_232] : memref<128x128xf32, #tpu.memory_space<vmem>> -> memref<16x128xf32, #tpu.memory_space<vmem>>
      %dma_start3A_234 = arith.constant 0 : i32
      %dma_start3A_235 = arith.constant 0 : i32
      %dma_start3A_236 = tpu.memref_slice %arg15[%dma_start3A_234, %dma_start3A_235] : memref<10000x128xf32, #tpu.memory_space<vmem_shared>> -> memref<10000x128xf32, #tpu.memory_space<vmem_shared>>
      tpu.enqueue_indirect_dma source(%dma_start3A_233 : memref<16x128xf32, #tpu.memory_space<vmem>>) target(%dma_start3A_236 : memref<10000x128xf32, #tpu.memory_space<vmem_shared>>) offsets(%arg11 : memref<16xi32, #tpu.memory_space<vmem>>) semaphore(%run_scoped3A : memref<!tpu.dma_semaphore, #tpu.memory_space<semaphore_mem>>) {add = true}
      %dma_wait3A_237 = arith.constant 0 : i32
      %dma_wait3A_238 = arith.constant 0 : i32
      %dma_wait3A_239 = tpu.memref_slice %arg12[%dma_wait3A_237, %dma_wait3A_238] : memref<128x128xf32, #tpu.memory_space<vmem>> -> memref<16x128xf32, #tpu.memory_space<vmem>>
      %dma_wait3A_240 = arith.constant 0 : i32
      %dma_wait3A_241 = arith.constant 0 : i32
      %dma_wait3A_242 = tpu.memref_slice %arg15[%dma_wait3A_240, %dma_wait3A_241] : memref<10000x128xf32, #tpu.memory_space<vmem_shared>> -> memref<10000x128xf32, #tpu.memory_space<vmem_shared>>
      tpu.wait_indirect_dma semaphore(%run_scoped3A : memref<!tpu.dma_semaphore, #tpu.memory_space<semaphore_mem>>) src(%dma_wait3A_239 : memref<16x128xf32, #tpu.memory_space<vmem>>) dst(%dma_wait3A_242 : memref<10000x128xf32, #tpu.memory_space<vmem_shared>>)
      tpu.yield
    }) : () -> ()
    %barrier3A_220 = arith.constant 0 : index
    tpu.barrier barrier_id(%barrier3A_220)
    %lt3A_221 = arith.constant 15 : i32
    %lt3A_222 = arith.cmpi slt, %arg1, %lt3A_221 : i32
    %convert_element_type3A_223 = arith.extui %lt3A_222 : i1 to i32
    %cond3A_224 = arith.constant 0 : i32
    %cond3A_225 = arith.cmpi ne, %convert_element_type3A_223, %cond3A_224 : i32
    scf.if %cond3A_225 {
      %mul3A_231 = arith.constant 640 : i32
      %mul3A_232 = arith.muli %arg1, %mul3A_231 : i32
      %multiple_of3A_233 = tpu.assume_multiple %mul3A_232, 16 : i32
      "tpu.region"() ({
        %run_scoped3A = tpu.sem_alloc : memref<!tpu.dma_semaphore, #tpu.memory_space<semaphore_mem>>
        %dma_start3A_234 = arith.constant 0 : i32
        %dma_start3A_235 = tpu.memref_slice %arg4[%arg0, %multiple_of3A_233, %dma_start3A_234] : memref<2x10000x128xf32, #tpu.memory_space<hbm>> -> memref<1x640x128xf32, #tpu.memory_space<hbm>>
        %dma_start3A_236 = tpu.memref_squeeze %dma_start3A_235 : memref<1x640x128xf32, #tpu.memory_space<hbm>> -> memref<640x128xf32, #tpu.memory_space<hbm>>
        %dma_start3A_237 = arith.constant 0 : i32
        %dma_start3A_238 = tpu.memref_slice %arg15[%multiple_of3A_233, %dma_start3A_237] : memref<10000x128xf32, #tpu.memory_space<vmem_shared>> -> memref<640x128xf32, #tpu.memory_space<vmem_shared>>
        tpu.enqueue_dma source(%dma_start3A_238 : memref<640x128xf32, #tpu.memory_space<vmem_shared>>) target(%dma_start3A_236 : memref<640x128xf32, #tpu.memory_space<hbm>>) target_semaphore(%run_scoped3A : memref<!tpu.dma_semaphore, #tpu.memory_space<semaphore_mem>>)
        %dma_wait3A_239 = arith.constant 0 : i32
        %dma_wait3A_240 = tpu.memref_slice %arg4[%arg0, %multiple_of3A_233, %dma_wait3A_239] : memref<2x10000x128xf32, #tpu.memory_space<hbm>> -> memref<1x640x128xf32, #tpu.memory_space<hbm>>
        %dma_wait3A_241 = tpu.memref_squeeze %dma_wait3A_240 : memref<1x640x128xf32, #tpu.memory_space<hbm>> -> memref<640x128xf32, #tpu.memory_space<hbm>>
        %dma_wait3A_242 = arith.constant 0 : i32
        %dma_wait3A_243 = tpu.memref_slice %arg15[%multiple_of3A_233, %dma_wait3A_242] : memref<10000x128xf32, #tpu.memory_space<vmem_shared>> -> memref<640x128xf32, #tpu.memory_space<vmem_shared>>
        tpu.wait_dma2 semaphore(%run_scoped3A : memref<!tpu.dma_semaphore, #tpu.memory_space<semaphore_mem>>) src(%dma_wait3A_243 : memref<640x128xf32, #tpu.memory_space<vmem_shared>>) dst(%dma_wait3A_241 : memref<640x128xf32, #tpu.memory_space<hbm>>)
        tpu.yield
      }) : () -> ()
    } else {
    }
    %eq3A_226 = arith.constant 15 : i32
    %eq3A_227 = arith.cmpi eq, %arg1, %eq3A_226 : i32
    %convert_element_type3A_228 = arith.extui %eq3A_227 : i1 to i32
    %cond3A_229 = arith.constant 0 : i32
    %cond3A_230 = arith.cmpi ne, %convert_element_type3A_228, %cond3A_229 : i32
    scf.if %cond3A_230 {
      "tpu.region"() ({
        %run_scoped3A = tpu.sem_alloc : memref<!tpu.dma_semaphore, #tpu.memory_space<semaphore_mem>>
        %dma_start3A_231 = arith.constant 9600 : i32
        %dma_start3A_232 = arith.constant 0 : i32
        %dma_start3A_233 = tpu.memref_slice %arg4[%arg0, %dma_start3A_231, %dma_start3A_232] : memref<2x10000x128xf32, #tpu.memory_space<hbm>> -> memref<1x400x128xf32, #tpu.memory_space<hbm>>
        %dma_start3A_234 = tpu.memref_squeeze %dma_start3A_233 : memref<1x400x128xf32, #tpu.memory_space<hbm>> -> memref<400x128xf32, #tpu.memory_space<hbm>>
        %dma_start3A_235 = arith.constant 9600 : i32
        %dma_start3A_236 = arith.constant 0 : i32
        %dma_start3A_237 = tpu.memref_slice %arg15[%dma_start3A_235, %dma_start3A_236] : memref<10000x128xf32, #tpu.memory_space<vmem_shared>> -> memref<400x128xf32, #tpu.memory_space<vmem_shared>>
        tpu.enqueue_dma source(%dma_start3A_237 : memref<400x128xf32, #tpu.memory_space<vmem_shared>>) target(%dma_start3A_234 : memref<400x128xf32, #tpu.memory_space<hbm>>) target_semaphore(%run_scoped3A : memref<!tpu.dma_semaphore, #tpu.memory_space<semaphore_mem>>)
        %dma_wait3A_238 = arith.constant 9600 : i32
        %dma_wait3A_239 = arith.constant 0 : i32
        %dma_wait3A_240 = tpu.memref_slice %arg4[%arg0, %dma_wait3A_238, %dma_wait3A_239] : memref<2x10000x128xf32, #tpu.memory_space<hbm>> -> memref<1x400x128xf32, #tpu.memory_space<hbm>>
        %dma_wait3A_241 = tpu.memref_squeeze %dma_wait3A_240 : memref<1x400x128xf32, #tpu.memory_space<hbm>> -> memref<400x128xf32, #tpu.memory_space<hbm>>
        %dma_wait3A_242 = arith.constant 9600 : i32
        %dma_wait3A_243 = arith.constant 0 : i32
        %dma_wait3A_244 = tpu.memref_slice %arg15[%dma_wait3A_242, %dma_wait3A_243] : memref<10000x128xf32, #tpu.memory_space<vmem_shared>> -> memref<400x128xf32, #tpu.memory_space<vmem_shared>>
        tpu.wait_dma2 semaphore(%run_scoped3A : memref<!tpu.dma_semaphore, #tpu.memory_space<semaphore_mem>>) src(%dma_wait3A_244 : memref<400x128xf32, #tpu.memory_space<vmem_shared>>) dst(%dma_wait3A_241 : memref<400x128xf32, #tpu.memory_space<hbm>>)
        tpu.yield
      }) : () -> ()
    } else {
    }
    return
  }
}

module attributes {stable_mosaic.version = 14 : i64} {
  func.func @body(%arg0: i32, %arg1: memref<5000x128xf32, #tpu.memory_space<vmem>>, %arg2: memref<2x5000x1xf32, #tpu.memory_space<vmem>>, %arg3: memref<5000x128xf32, #tpu.memory_space<vmem>>, %arg4: memref<5000x1xf32, #tpu.memory_space<vmem>>) attributes {dimension_semantics = [#tpu.dimension_semantics<arbitrary>], iteration_bounds = array<i64: 2>, scalar_prefetch = 0 : i64, scratch_operands = 0 : i64, tpu.core_type = #tpu.core_type<tc>, window_params = [{transform_indices = @transform_0, window_bounds = array<i64: 5000, 128>}, {transform_indices = @transform_1, window_bounds = array<i64: 2, 5000, 1>}, {transform_indices = @transform_2, window_bounds = array<i64: 5000, 128>}, {transform_indices = @transform_3, window_bounds = array<i64: 5000, 1>}]} {
    %get3A = arith.constant 0 : index
    %get3A_0 = arith.constant 0 : index
    %get3A_1 = arith.constant 0 : index
    %get3A_2 = vector.load %arg2[%get3A, %get3A_0, %get3A_1] : memref<2x5000x1xf32, #tpu.memory_space<vmem>>, vector<1x5000x1xf32>
    %get3A_3 = vector.shape_cast %get3A_2 : vector<1x5000x1xf32> to vector<5000x1xf32>
    %get3A_4 = arith.constant 1 : index
    %get3A_5 = arith.constant 0 : index
    %get3A_6 = arith.constant 0 : index
    %get3A_7 = vector.load %arg2[%get3A_4, %get3A_5, %get3A_6] : memref<2x5000x1xf32, #tpu.memory_space<vmem>>, vector<1x5000x1xf32>
    %get3A_8 = vector.shape_cast %get3A_7 : vector<1x5000x1xf32> to vector<5000x1xf32>
    %add3A = arith.addf %get3A_3, %get3A_8 : vector<5000x1xf32>
    %add3A_9 = arith.constant 1.000000e+00 : f32
    %add3A_10 = vector.broadcast %add3A_9 : f32 to vector<5000x1xf32>
    %add3A_11 = arith.addf %add3A, %add3A_10 : vector<5000x1xf32>
    %rsqrt3A = math.rsqrt %add3A_11 : vector<5000x1xf32>
    %swap3A = arith.constant 0 : index
    %swap3A_12 = arith.constant 0 : index
    %swap3A_13 = vector.load %arg4[%swap3A, %swap3A_12] : memref<5000x1xf32, #tpu.memory_space<vmem>>, vector<5000x1xf32>
    tpu.vector_store %arg4[%swap3A, %swap3A_12], %rsqrt3A {strides = array<i32>} : memref<5000x1xf32, #tpu.memory_space<vmem>>, vector<5000x1xf32>,
    %get3A_14 = arith.constant 0 : index
    %get3A_15 = arith.constant 0 : index
    %get3A_16 = vector.load %arg1[%get3A_14, %get3A_15] : memref<5000x128xf32, #tpu.memory_space<vmem>>, vector<5000x128xf32>
    %mul3A = vector.broadcast %rsqrt3A : vector<5000x1xf32> to vector<5000x128xf32>
    %mul3A_17 = arith.mulf %mul3A, %get3A_16 : vector<5000x128xf32>
    %swap3A_18 = arith.constant 0 : index
    %swap3A_19 = arith.constant 0 : index
    %swap3A_20 = vector.load %arg3[%swap3A_18, %swap3A_19] : memref<5000x128xf32, #tpu.memory_space<vmem>>, vector<5000x128xf32>
    tpu.vector_store %arg3[%swap3A_18, %swap3A_19], %mul3A_17 {strides = array<i32>} : memref<5000x128xf32, #tpu.memory_space<vmem>>, vector<5000x128xf32>,
    return
  }
  func.func @transform_0(%arg0: i32) -> (i32, i32) {
    %c0_i32 = arith.constant 0 : i32
    %c0_i32_0 = arith.constant 0 : i32
    return %arg0, %c0_i32 : i32, i32
  }
  func.func @transform_1(%arg0: i32) -> (i32, i32, i32) {
    %c0_i32 = arith.constant 0 : i32
    %c0_i32_0 = arith.constant 0 : i32
    %c0_i32_1 = arith.constant 0 : i32
    return %c0_i32, %arg0, %c0_i32_0 : i32, i32, i32
  }
  func.func @transform_2(%arg0: i32) -> (i32, i32) {
    %c0_i32 = arith.constant 0 : i32
    %c0_i32_0 = arith.constant 0 : i32
    return %arg0, %c0_i32 : i32, i32
  }
  func.func @transform_3(%arg0: i32) -> (i32, i32) {
    %c0_i32 = arith.constant 0 : i32
    %c0_i32_0 = arith.constant 0 : i32
    return %arg0, %c0_i32 : i32, i32
  }
}

module attributes {stable_mosaic.version = 14 : i64} {
  func.func @body(%arg0: i32, %arg1: memref<5000x128xf32, #tpu.memory_space<vmem>>, %arg2: memref<128x128xf32, #tpu.memory_space<vmem>>, %arg3: memref<5000x128xf32, #tpu.memory_space<vmem>>) attributes {dimension_semantics = [#tpu.dimension_semantics<arbitrary>], iteration_bounds = array<i64: 2>, scalar_prefetch = 0 : i64, scratch_operands = 0 : i64, tpu.core_type = #tpu.core_type<tc>, window_params = [{transform_indices = @transform_0, window_bounds = array<i64: 5000, 128>}, {pipeline_mode = #tpu.pipeline_mode<synchronous>, transform_indices = @transform_1, window_bounds = array<i64: 128, 128>}, {transform_indices = @transform_2, window_bounds = array<i64: 5000, 128>}]} {
    %get3A = arith.constant 0 : index
    %get3A_0 = arith.constant 0 : index
    %get3A_1 = vector.load %arg1[%get3A, %get3A_0] : memref<5000x128xf32, #tpu.memory_space<vmem>>, vector<5000x128xf32>
    %get3A_2 = arith.constant 0 : index
    %get3A_3 = arith.constant 0 : index
    %get3A_4 = vector.load %arg2[%get3A_2, %get3A_3] : memref<128x128xf32, #tpu.memory_space<vmem>>, vector<128x128xf32>
    %dot_general3A = arith.constant dense<0.000000e+00> : vector<5000x128xf32>
    %dot_general3A_5 = tpu.matmul %get3A_1, %get3A_4, %dot_general3A {dimension_numbers = #tpu.dot_dimension_numbers<[1], [0], [0], [1], [0, 0, 1, 1], [], []>, transpose_lhs_hint = false} : vector<5000x128xf32>, vector<128x128xf32>, vector<5000x128xf32> -> vector<5000x128xf32>
    %swap3A = arith.constant 0 : index
    %swap3A_6 = arith.constant 0 : index
    %swap3A_7 = vector.load %arg3[%swap3A, %swap3A_6] : memref<5000x128xf32, #tpu.memory_space<vmem>>, vector<5000x128xf32>
    tpu.vector_store %arg3[%swap3A, %swap3A_6], %dot_general3A_5 {strides = array<i32>} : memref<5000x128xf32, #tpu.memory_space<vmem>>, vector<5000x128xf32>,
    return
  }
  func.func @transform_0(%arg0: i32) -> (i32, i32) {
    %c0_i32 = arith.constant 0 : i32
    %c0_i32_0 = arith.constant 0 : i32
    return %arg0, %c0_i32 : i32, i32
  }
  func.func @transform_1(%arg0: i32) -> (i32, i32) {
    %c0_i32 = arith.constant 0 : i32
    %c0_i32_0 = arith.constant 0 : i32
    %c0_i32_1 = arith.constant 0 : i32
    return %c0_i32, %c0_i32_0 : i32, i32
  }
  func.func @transform_2(%arg0: i32) -> (i32, i32) {
    %c0_i32 = arith.constant 0 : i32
    %c0_i32_0 = arith.constant 0 : i32
    return %arg0, %c0_i32 : i32, i32
  }
}

module attributes {stable_mosaic.version = 14 : i64} {
  func.func @body(%arg0: i32, %arg1: i32, %arg2: memref<2x5000x128xf32, #tpu.memory_space<vmem>>, %arg3: memref<5000x128xf32, #tpu.memory_space<vmem>>, %arg4: memref<5000x1xf32, #tpu.memory_space<vmem>>, %arg5: memref<1x128xf32, #tpu.memory_space<vmem>>, %arg6: memref<1x128xf32, #tpu.memory_space<vmem>>, %arg7: memref<1x128xf32, #tpu.memory_space<vmem>>, %arg8: memref<128x128xf32, #tpu.memory_space<vmem>>, %arg9: memref<5000x128xf32, #tpu.memory_space<vmem>>, %arg10: memref<5000x128xf32, #tpu.memory_space<vmem>>, %arg11: memref<10000x128xf32, #tpu.memory_space<vmem>>, %arg12: memref<1x128xf32, #tpu.memory_space<vmem>>, %arg13: memref<1x128xf32, #tpu.memory_space<vmem>>) attributes {dimension_semantics = [#tpu.dimension_semantics<arbitrary>, #tpu.dimension_semantics<arbitrary>], iteration_bounds = array<i64: 2, 2>, scalar_prefetch = 0 : i64, scratch_operands = 3 : i64, tpu.core_type = #tpu.core_type<tc>, window_params = [{transform_indices = @transform_0, window_bounds = array<i64: 2, 5000, 128>}, {transform_indices = @transform_1, window_bounds = array<i64: 5000, 128>}, {transform_indices = @transform_2, window_bounds = array<i64: 5000, 1>}, {pipeline_mode = #tpu.pipeline_mode<synchronous>, transform_indices = @transform_3, window_bounds = array<i64: 1, 128>}, {pipeline_mode = #tpu.pipeline_mode<synchronous>, transform_indices = @transform_4, window_bounds = array<i64: 1, 128>}, {pipeline_mode = #tpu.pipeline_mode<synchronous>, transform_indices = @transform_5, window_bounds = array<i64: 1, 128>}, {pipeline_mode = #tpu.pipeline_mode<synchronous>, transform_indices = @transform_6, window_bounds = array<i64: 128, 128>}, {transform_indices = @transform_7, window_bounds = array<i64: 5000, 128>}, {transform_indices = @transform_8, window_bounds = array<i64: 5000, 128>}]} {
    %eq3A = arith.constant 0 : i32
    %eq3A_0 = arith.cmpi eq, %arg0, %eq3A : i32
    %convert_element_type3A = arith.extui %eq3A_0 : i1 to i32
    %cond3A = arith.constant 0 : i32
    %cond3A_1 = arith.cmpi ne, %convert_element_type3A, %cond3A : i32
    scf.if %cond3A_1 {
      %get3A = arith.constant 0 : index
      %get3A_7 = arith.constant 0 : index
      %get3A_8 = arith.constant 0 : index
      %get3A_9 = vector.load %arg2[%get3A, %get3A_7, %get3A_8] : memref<2x5000x128xf32, #tpu.memory_space<vmem>>, vector<1x5000x128xf32>
      %get3A_10 = vector.shape_cast %get3A_9 : vector<1x5000x128xf32> to vector<5000x128xf32>
      %get3A_11 = arith.constant 1 : index
      %get3A_12 = arith.constant 0 : index
      %get3A_13 = arith.constant 0 : index
      %get3A_14 = vector.load %arg2[%get3A_11, %get3A_12, %get3A_13] : memref<2x5000x128xf32, #tpu.memory_space<vmem>>, vector<1x5000x128xf32>
      %get3A_15 = vector.shape_cast %get3A_14 : vector<1x5000x128xf32> to vector<5000x128xf32>
      %add3A = arith.addf %get3A_10, %get3A_15 : vector<5000x128xf32>
      %get3A_16 = arith.constant 0 : index
      %get3A_17 = arith.constant 0 : index
      %get3A_18 = vector.load %arg3[%get3A_16, %get3A_17] : memref<5000x128xf32, #tpu.memory_space<vmem>>, vector<5000x128xf32>
      %sub3A = arith.subf %add3A, %get3A_18 : vector<5000x128xf32>
      %get3A_19 = arith.constant 0 : index
      %get3A_20 = arith.constant 0 : index
      %get3A_21 = vector.load %arg4[%get3A_19, %get3A_20] : memref<5000x1xf32, #tpu.memory_space<vmem>>, vector<5000x1xf32>
      %mul3A = vector.broadcast %get3A_21 : vector<5000x1xf32> to vector<5000x128xf32>
      %mul3A_22 = arith.mulf %sub3A, %mul3A : vector<5000x128xf32>
      %get3A_23 = arith.constant 0 : index
      %get3A_24 = arith.constant 0 : index
      %get3A_25 = vector.load %arg5[%get3A_23, %get3A_24] : memref<1x128xf32, #tpu.memory_space<vmem>>, vector<1x128xf32>
      %add3A_26 = vector.broadcast %get3A_25 : vector<1x128xf32> to vector<5000x128xf32>
      %add3A_27 = arith.addf %mul3A_22, %add3A_26 : vector<5000x128xf32>
      %mul3A_28 = arith.constant 5000 : i32
      %mul3A_29 = arith.muli %arg1, %mul3A_28 : i32
      %swap3A = arith.index_cast %mul3A_29 : i32 to index
      %swap3A_30 = arith.constant 0 : index
      %swap3A_31 = vector.load %arg11[%swap3A, %swap3A_30] : memref<10000x128xf32, #tpu.memory_space<vmem>>, vector<5000x128xf32>
      tpu.vector_store %arg11[%swap3A, %swap3A_30], %add3A_27 {strides = array<i32>} : memref<10000x128xf32, #tpu.memory_space<vmem>>, vector<5000x128xf32>,
      %eq3A_32 = arith.constant 0 : i32
      %eq3A_33 = arith.cmpi eq, %arg1, %eq3A_32 : i32
      %convert_element_type3A_34 = arith.extui %eq3A_33 : i1 to i32
      %cond3A_35 = arith.constant 0 : i32
      %cond3A_36 = arith.cmpi ne, %convert_element_type3A_34, %cond3A_35 : i32
      scf.if %cond3A_36 {
        %broadcast_in_dim3A_56 = arith.constant 0.000000e+00 : f32
        %broadcast_in_dim3A_57 = vector.broadcast %broadcast_in_dim3A_56 : f32 to vector<1x128xf32>
        %swap3A_58 = arith.constant 0 : index
        %swap3A_59 = arith.constant 0 : index
        %swap3A_60 = vector.load %arg12[%swap3A_58, %swap3A_59] : memref<1x128xf32, #tpu.memory_space<vmem>>, vector<1x128xf32>
        tpu.vector_store %arg12[%swap3A_58, %swap3A_59], %broadcast_in_dim3A_57 {strides = array<i32>} : memref<1x128xf32, #tpu.memory_space<vmem>>, vector<1x128xf32>,
        %broadcast_in_dim3A_61 = arith.constant 0.000000e+00 : f32
        %broadcast_in_dim3A_62 = vector.broadcast %broadcast_in_dim3A_61 : f32 to vector<1x128xf32>
        %swap3A_63 = arith.constant 0 : index
        %swap3A_64 = arith.constant 0 : index
        %swap3A_65 = vector.load %arg13[%swap3A_63, %swap3A_64] : memref<1x128xf32, #tpu.memory_space<vmem>>, vector<1x128xf32>
        tpu.vector_store %arg13[%swap3A_63, %swap3A_64], %broadcast_in_dim3A_62 {strides = array<i32>} : memref<1x128xf32, #tpu.memory_space<vmem>>, vector<1x128xf32>,
      } else {
      }
      %get3A_37 = arith.constant 0 : index
      %get3A_38 = arith.constant 0 : index
      %get3A_39 = vector.load %arg12[%get3A_37, %get3A_38] : memref<1x128xf32, #tpu.memory_space<vmem>>, vector<1x128xf32>
      %reduce_sum3A = arith.constant dense<0.000000e+00> : vector<128xf32>
      %reduce_sum3A_40 = vector.multi_reduction <add>, %add3A_27, %reduce_sum3A [0] : vector<5000x128xf32> to vector<128xf32>
      %broadcast_in_dim3A = vector.shape_cast %reduce_sum3A_40 : vector<128xf32> to vector<1x128xf32>
      %add3A_41 = arith.addf %get3A_39, %broadcast_in_dim3A : vector<1x128xf32>
      %swap3A_42 = arith.constant 0 : index
      %swap3A_43 = arith.constant 0 : index
      %swap3A_44 = vector.load %arg12[%swap3A_42, %swap3A_43] : memref<1x128xf32, #tpu.memory_space<vmem>>, vector<1x128xf32>
      tpu.vector_store %arg12[%swap3A_42, %swap3A_43], %add3A_41 {strides = array<i32>} : memref<1x128xf32, #tpu.memory_space<vmem>>, vector<1x128xf32>,
      %get3A_45 = arith.constant 0 : index
      %get3A_46 = arith.constant 0 : index
      %get3A_47 = vector.load %arg13[%get3A_45, %get3A_46] : memref<1x128xf32, #tpu.memory_space<vmem>>, vector<1x128xf32>
      %mul3A_48 = arith.mulf %add3A_27, %add3A_27 : vector<5000x128xf32>
      %reduce_sum3A_49 = arith.constant dense<0.000000e+00> : vector<128xf32>
      %reduce_sum3A_50 = vector.multi_reduction <add>, %mul3A_48, %reduce_sum3A_49 [0] : vector<5000x128xf32> to vector<128xf32>
      %broadcast_in_dim3A_51 = vector.shape_cast %reduce_sum3A_50 : vector<128xf32> to vector<1x128xf32>
      %add3A_52 = arith.addf %get3A_47, %broadcast_in_dim3A_51 : vector<1x128xf32>
      %swap3A_53 = arith.constant 0 : index
      %swap3A_54 = arith.constant 0 : index
      %swap3A_55 = vector.load %arg13[%swap3A_53, %swap3A_54] : memref<1x128xf32, #tpu.memory_space<vmem>>, vector<1x128xf32>
      tpu.vector_store %arg13[%swap3A_53, %swap3A_54], %add3A_52 {strides = array<i32>} : memref<1x128xf32, #tpu.memory_space<vmem>>, vector<1x128xf32>,
    } else {
    }
    %eq3A_2 = arith.constant 1 : i32
    %eq3A_3 = arith.cmpi eq, %arg0, %eq3A_2 : i32
    %convert_element_type3A_4 = arith.extui %eq3A_3 : i1 to i32
    %cond3A_5 = arith.constant 0 : i32
    %cond3A_6 = arith.cmpi ne, %convert_element_type3A_4, %cond3A_5 : i32
    scf.if %cond3A_6 {
      %get3A = arith.constant 0 : index
      %get3A_7 = arith.constant 0 : index
      %get3A_8 = vector.load %arg12[%get3A, %get3A_7] : memref<1x128xf32, #tpu.memory_space<vmem>>, vector<1x128xf32>
      %div3A = arith.constant 1.000000e+04 : f32
      %div3A_9 = vector.broadcast %div3A : f32 to vector<1x128xf32>
      %div3A_10 = arith.divf %get3A_8, %div3A_9 : vector<1x128xf32>
      %get3A_11 = arith.constant 0 : index
      %get3A_12 = arith.constant 0 : index
      %get3A_13 = vector.load %arg13[%get3A_11, %get3A_12] : memref<1x128xf32, #tpu.memory_space<vmem>>, vector<1x128xf32>
      %div3A_14 = arith.constant 1.000000e+04 : f32
      %div3A_15 = vector.broadcast %div3A_14 : f32 to vector<1x128xf32>
      %div3A_16 = arith.divf %get3A_13, %div3A_15 : vector<1x128xf32>
      %mul3A = arith.mulf %div3A_10, %div3A_10 : vector<1x128xf32>
      %sub3A = arith.subf %div3A_16, %mul3A : vector<1x128xf32>
      %mul3A_17 = arith.constant 5000 : i32
      %mul3A_18 = arith.muli %arg1, %mul3A_17 : i32
      %get3A_19 = arith.index_cast %mul3A_18 : i32 to index
      %get3A_20 = arith.constant 0 : index
      %get3A_21 = vector.load %arg11[%get3A_19, %get3A_20] : memref<10000x128xf32, #tpu.memory_space<vmem>>, vector<5000x128xf32>
      %sub3A_22 = vector.broadcast %div3A_10 : vector<1x128xf32> to vector<5000x128xf32>
      %sub3A_23 = arith.subf %get3A_21, %sub3A_22 : vector<5000x128xf32>
      %add3A = arith.constant 9.99999974E-6 : f32
      %add3A_24 = vector.broadcast %add3A : f32 to vector<1x128xf32>
      %add3A_25 = arith.addf %sub3A, %add3A_24 : vector<1x128xf32>
      %rsqrt3A = math.rsqrt %add3A_25 : vector<1x128xf32>
      %mul3A_26 = vector.broadcast %rsqrt3A : vector<1x128xf32> to vector<5000x128xf32>
      %mul3A_27 = arith.mulf %sub3A_23, %mul3A_26 : vector<5000x128xf32>
      %get3A_28 = arith.constant 0 : index
      %get3A_29 = arith.constant 0 : index
      %get3A_30 = vector.load %arg6[%get3A_28, %get3A_29] : memref<1x128xf32, #tpu.memory_space<vmem>>, vector<1x128xf32>
      %mul3A_31 = vector.broadcast %get3A_30 : vector<1x128xf32> to vector<5000x128xf32>
      %mul3A_32 = arith.mulf %mul3A_27, %mul3A_31 : vector<5000x128xf32>
      %get3A_33 = arith.constant 0 : index
      %get3A_34 = arith.constant 0 : index
      %get3A_35 = vector.load %arg7[%get3A_33, %get3A_34] : memref<1x128xf32, #tpu.memory_space<vmem>>, vector<1x128xf32>
      %add3A_36 = vector.broadcast %get3A_35 : vector<1x128xf32> to vector<5000x128xf32>
      %add3A_37 = arith.addf %mul3A_32, %add3A_36 : vector<5000x128xf32>
      %ge3A = arith.constant 0.000000e+00 : f32
      %ge3A_38 = vector.broadcast %ge3A : f32 to vector<5000x128xf32>
      %ge3A_39 = arith.cmpf oge, %add3A_37, %ge3A_38 : vector<5000x128xf32>
      %mul3A_40 = arith.constant 0.00999999977 : f32
      %mul3A_41 = vector.broadcast %mul3A_40 : f32 to vector<5000x128xf32>
      %mul3A_42 = arith.mulf %mul3A_41, %add3A_37 : vector<5000x128xf32>
      %select_n3A = arith.select %ge3A_39, %add3A_37, %mul3A_42 : vector<5000x128xi1>, vector<5000x128xf32>
      %swap3A = arith.constant 0 : index
      %swap3A_43 = arith.constant 0 : index
      %swap3A_44 = vector.load %arg9[%swap3A, %swap3A_43] : memref<5000x128xf32, #tpu.memory_space<vmem>>, vector<5000x128xf32>
      tpu.vector_store %arg9[%swap3A, %swap3A_43], %select_n3A {strides = array<i32>} : memref<5000x128xf32, #tpu.memory_space<vmem>>, vector<5000x128xf32>,
      %get3A_45 = arith.constant 0 : index
      %get3A_46 = arith.constant 0 : index
      %get3A_47 = vector.load %arg4[%get3A_45, %get3A_46] : memref<5000x1xf32, #tpu.memory_space<vmem>>, vector<5000x1xf32>
      %get3A_48 = arith.constant 0 : index
      %get3A_49 = arith.constant 0 : index
      %get3A_50 = vector.load %arg8[%get3A_48, %get3A_49] : memref<128x128xf32, #tpu.memory_space<vmem>>, vector<128x128xf32>
      %dot_general3A = arith.constant dense<0.000000e+00> : vector<5000x128xf32>
      %dot_general3A_51 = tpu.matmul %select_n3A, %get3A_50, %dot_general3A {dimension_numbers = #tpu.dot_dimension_numbers<[1], [0], [0], [1], [0, 0, 1, 1], [], []>, transpose_lhs_hint = false} : vector<5000x128xf32>, vector<128x128xf32>, vector<5000x128xf32> -> vector<5000x128xf32>
      %mul3A_52 = vector.broadcast %get3A_47 : vector<5000x1xf32> to vector<5000x128xf32>
      %mul3A_53 = arith.mulf %mul3A_52, %dot_general3A_51 : vector<5000x128xf32>
      %swap3A_54 = arith.constant 0 : index
      %swap3A_55 = arith.constant 0 : index
      %swap3A_56 = vector.load %arg10[%swap3A_54, %swap3A_55] : memref<5000x128xf32, #tpu.memory_space<vmem>>, vector<5000x128xf32>
      tpu.vector_store %arg10[%swap3A_54, %swap3A_55], %mul3A_53 {strides = array<i32>} : memref<5000x128xf32, #tpu.memory_space<vmem>>, vector<5000x128xf32>,
    } else {
    }
    return
  }
  func.func @transform_0(%arg0: i32, %arg1: i32) -> (i32, i32, i32) {
    %sub3A = arith.constant 1 : i32
    %sub3A_0 = arith.subi %sub3A, %arg0 : i32
    %mul3A = arith.muli %arg1, %sub3A_0 : i32
    %mul3A_1 = arith.constant 1 : i32
    %mul3A_2 = arith.muli %mul3A_1, %arg0 : i32
    %add3A = arith.addi %mul3A, %mul3A_2 : i32
    %c0_i32 = arith.constant 0 : i32
    %c0_i32_3 = arith.constant 0 : i32
    %c0_i32_4 = arith.constant 0 : i32
    return %c0_i32, %add3A, %c0_i32_3 : i32, i32, i32
  }
  func.func @transform_1(%arg0: i32, %arg1: i32) -> (i32, i32) {
    %sub3A = arith.constant 1 : i32
    %sub3A_0 = arith.subi %sub3A, %arg0 : i32
    %mul3A = arith.muli %arg1, %sub3A_0 : i32
    %mul3A_1 = arith.constant 1 : i32
    %mul3A_2 = arith.muli %mul3A_1, %arg0 : i32
    %add3A = arith.addi %mul3A, %mul3A_2 : i32
    %c0_i32 = arith.constant 0 : i32
    %c0_i32_3 = arith.constant 0 : i32
    return %add3A, %c0_i32 : i32, i32
  }
  func.func @transform_2(%arg0: i32, %arg1: i32) -> (i32, i32) {
    %c0_i32 = arith.constant 0 : i32
    %c0_i32_0 = arith.constant 0 : i32
    return %arg1, %c0_i32 : i32, i32
  }
  func.func @transform_3(%arg0: i32, %arg1: i32) -> (i32, i32) {
    %c0_i32 = arith.constant 0 : i32
    %c0_i32_0 = arith.constant 0 : i32
    %c0_i32_1 = arith.constant 0 : i32
    return %c0_i32, %c0_i32_0 : i32, i32
  }
  func.func @transform_4(%arg0: i32, %arg1: i32) -> (i32, i32) {
    %c0_i32 = arith.constant 0 : i32
    %c0_i32_0 = arith.constant 0 : i32
    %c0_i32_1 = arith.constant 0 : i32
    return %c0_i32, %c0_i32_0 : i32, i32
  }
  func.func @transform_5(%arg0: i32, %arg1: i32) -> (i32, i32) {
    %c0_i32 = arith.constant 0 : i32
    %c0_i32_0 = arith.constant 0 : i32
    %c0_i32_1 = arith.constant 0 : i32
    return %c0_i32, %c0_i32_0 : i32, i32
  }
  func.func @transform_6(%arg0: i32, %arg1: i32) -> (i32, i32) {
    %c0_i32 = arith.constant 0 : i32
    %c0_i32_0 = arith.constant 0 : i32
    %c0_i32_1 = arith.constant 0 : i32
    return %c0_i32, %c0_i32_0 : i32, i32
  }
  func.func @transform_7(%arg0: i32, %arg1: i32) -> (i32, i32) {
    %mul3A = arith.muli %arg1, %arg0 : i32
    %c0_i32 = arith.constant 0 : i32
    %c0_i32_0 = arith.constant 0 : i32
    return %mul3A, %c0_i32 : i32, i32
  }
  func.func @transform_8(%arg0: i32, %arg1: i32) -> (i32, i32) {
    %mul3A = arith.muli %arg1, %arg0 : i32
    %c0_i32 = arith.constant 0 : i32
    %c0_i32_0 = arith.constant 0 : i32
    return %mul3A, %c0_i32 : i32, i32
  }
}

module attributes {stable_mosaic.version = 14 : i64} {
  func.func @body(%arg0: i32, %arg1: i32, %arg2: memref<2x5000x128xf32, #tpu.memory_space<vmem>>, %arg3: memref<5000x128xf32, #tpu.memory_space<vmem>>, %arg4: memref<5000x1xf32, #tpu.memory_space<vmem>>, %arg5: memref<1x128xf32, #tpu.memory_space<vmem>>, %arg6: memref<1x128xf32, #tpu.memory_space<vmem>>, %arg7: memref<1x128xf32, #tpu.memory_space<vmem>>, %arg8: memref<5000x128xf32, #tpu.memory_space<vmem>>, %arg9: memref<128x128xf32, #tpu.memory_space<vmem>>, %arg10: memref<5000x128xf32, #tpu.memory_space<vmem>>, %arg11: memref<5000x128xf32, #tpu.memory_space<vmem>>, %arg12: memref<10000x128xf32, #tpu.memory_space<vmem>>, %arg13: memref<1x128xf32, #tpu.memory_space<vmem>>, %arg14: memref<1x128xf32, #tpu.memory_space<vmem>>) attributes {dimension_semantics = [#tpu.dimension_semantics<arbitrary>, #tpu.dimension_semantics<arbitrary>], iteration_bounds = array<i64: 2, 2>, scalar_prefetch = 0 : i64, scratch_operands = 3 : i64, tpu.core_type = #tpu.core_type<tc>, window_params = [{transform_indices = @transform_0, window_bounds = array<i64: 2, 5000, 128>}, {transform_indices = @transform_1, window_bounds = array<i64: 5000, 128>}, {transform_indices = @transform_2, window_bounds = array<i64: 5000, 1>}, {pipeline_mode = #tpu.pipeline_mode<synchronous>, transform_indices = @transform_3, window_bounds = array<i64: 1, 128>}, {pipeline_mode = #tpu.pipeline_mode<synchronous>, transform_indices = @transform_4, window_bounds = array<i64: 1, 128>}, {pipeline_mode = #tpu.pipeline_mode<synchronous>, transform_indices = @transform_5, window_bounds = array<i64: 1, 128>}, {transform_indices = @transform_6, window_bounds = array<i64: 5000, 128>}, {pipeline_mode = #tpu.pipeline_mode<synchronous>, transform_indices = @transform_7, window_bounds = array<i64: 128, 128>}, {transform_indices = @transform_8, window_bounds = array<i64: 5000, 128>}, {transform_indices = @transform_9, window_bounds = array<i64: 5000, 128>}]} {
    %eq3A = arith.constant 0 : i32
    %eq3A_0 = arith.cmpi eq, %arg0, %eq3A : i32
    %convert_element_type3A = arith.extui %eq3A_0 : i1 to i32
    %cond3A = arith.constant 0 : i32
    %cond3A_1 = arith.cmpi ne, %convert_element_type3A, %cond3A : i32
    scf.if %cond3A_1 {
      %get3A = arith.constant 0 : index
      %get3A_7 = arith.constant 0 : index
      %get3A_8 = arith.constant 0 : index
      %get3A_9 = vector.load %arg2[%get3A, %get3A_7, %get3A_8] : memref<2x5000x128xf32, #tpu.memory_space<vmem>>, vector<1x5000x128xf32>
      %get3A_10 = vector.shape_cast %get3A_9 : vector<1x5000x128xf32> to vector<5000x128xf32>
      %get3A_11 = arith.constant 1 : index
      %get3A_12 = arith.constant 0 : index
      %get3A_13 = arith.constant 0 : index
      %get3A_14 = vector.load %arg2[%get3A_11, %get3A_12, %get3A_13] : memref<2x5000x128xf32, #tpu.memory_space<vmem>>, vector<1x5000x128xf32>
      %get3A_15 = vector.shape_cast %get3A_14 : vector<1x5000x128xf32> to vector<5000x128xf32>
      %add3A = arith.addf %get3A_10, %get3A_15 : vector<5000x128xf32>
      %get3A_16 = arith.constant 0 : index
      %get3A_17 = arith.constant 0 : index
      %get3A_18 = vector.load %arg3[%get3A_16, %get3A_17] : memref<5000x128xf32, #tpu.memory_space<vmem>>, vector<5000x128xf32>
      %sub3A = arith.subf %add3A, %get3A_18 : vector<5000x128xf32>
      %get3A_19 = arith.constant 0 : index
      %get3A_20 = arith.constant 0 : index
      %get3A_21 = vector.load %arg4[%get3A_19, %get3A_20] : memref<5000x1xf32, #tpu.memory_space<vmem>>, vector<5000x1xf32>
      %mul3A = vector.broadcast %get3A_21 : vector<5000x1xf32> to vector<5000x128xf32>
      %mul3A_22 = arith.mulf %sub3A, %mul3A : vector<5000x128xf32>
      %get3A_23 = arith.constant 0 : index
      %get3A_24 = arith.constant 0 : index
      %get3A_25 = vector.load %arg5[%get3A_23, %get3A_24] : memref<1x128xf32, #tpu.memory_space<vmem>>, vector<1x128xf32>
      %add3A_26 = vector.broadcast %get3A_25 : vector<1x128xf32> to vector<5000x128xf32>
      %add3A_27 = arith.addf %mul3A_22, %add3A_26 : vector<5000x128xf32>
      %mul3A_28 = arith.constant 5000 : i32
      %mul3A_29 = arith.muli %arg1, %mul3A_28 : i32
      %swap3A = arith.index_cast %mul3A_29 : i32 to index
      %swap3A_30 = arith.constant 0 : index
      %swap3A_31 = vector.load %arg12[%swap3A, %swap3A_30] : memref<10000x128xf32, #tpu.memory_space<vmem>>, vector<5000x128xf32>
      tpu.vector_store %arg12[%swap3A, %swap3A_30], %add3A_27 {strides = array<i32>} : memref<10000x128xf32, #tpu.memory_space<vmem>>, vector<5000x128xf32>,
      %eq3A_32 = arith.constant 0 : i32
      %eq3A_33 = arith.cmpi eq, %arg1, %eq3A_32 : i32
      %convert_element_type3A_34 = arith.extui %eq3A_33 : i1 to i32
      %cond3A_35 = arith.constant 0 : i32
      %cond3A_36 = arith.cmpi ne, %convert_element_type3A_34, %cond3A_35 : i32
      scf.if %cond3A_36 {
        %broadcast_in_dim3A_56 = arith.constant 0.000000e+00 : f32
        %broadcast_in_dim3A_57 = vector.broadcast %broadcast_in_dim3A_56 : f32 to vector<1x128xf32>
        %swap3A_58 = arith.constant 0 : index
        %swap3A_59 = arith.constant 0 : index
        %swap3A_60 = vector.load %arg13[%swap3A_58, %swap3A_59] : memref<1x128xf32, #tpu.memory_space<vmem>>, vector<1x128xf32>
        tpu.vector_store %arg13[%swap3A_58, %swap3A_59], %broadcast_in_dim3A_57 {strides = array<i32>} : memref<1x128xf32, #tpu.memory_space<vmem>>, vector<1x128xf32>,
        %broadcast_in_dim3A_61 = arith.constant 0.000000e+00 : f32
        %broadcast_in_dim3A_62 = vector.broadcast %broadcast_in_dim3A_61 : f32 to vector<1x128xf32>
        %swap3A_63 = arith.constant 0 : index
        %swap3A_64 = arith.constant 0 : index
        %swap3A_65 = vector.load %arg14[%swap3A_63, %swap3A_64] : memref<1x128xf32, #tpu.memory_space<vmem>>, vector<1x128xf32>
        tpu.vector_store %arg14[%swap3A_63, %swap3A_64], %broadcast_in_dim3A_62 {strides = array<i32>} : memref<1x128xf32, #tpu.memory_space<vmem>>, vector<1x128xf32>,
      } else {
      }
      %get3A_37 = arith.constant 0 : index
      %get3A_38 = arith.constant 0 : index
      %get3A_39 = vector.load %arg13[%get3A_37, %get3A_38] : memref<1x128xf32, #tpu.memory_space<vmem>>, vector<1x128xf32>
      %reduce_sum3A = arith.constant dense<0.000000e+00> : vector<128xf32>
      %reduce_sum3A_40 = vector.multi_reduction <add>, %add3A_27, %reduce_sum3A [0] : vector<5000x128xf32> to vector<128xf32>
      %broadcast_in_dim3A = vector.shape_cast %reduce_sum3A_40 : vector<128xf32> to vector<1x128xf32>
      %add3A_41 = arith.addf %get3A_39, %broadcast_in_dim3A : vector<1x128xf32>
      %swap3A_42 = arith.constant 0 : index
      %swap3A_43 = arith.constant 0 : index
      %swap3A_44 = vector.load %arg13[%swap3A_42, %swap3A_43] : memref<1x128xf32, #tpu.memory_space<vmem>>, vector<1x128xf32>
      tpu.vector_store %arg13[%swap3A_42, %swap3A_43], %add3A_41 {strides = array<i32>} : memref<1x128xf32, #tpu.memory_space<vmem>>, vector<1x128xf32>,
      %get3A_45 = arith.constant 0 : index
      %get3A_46 = arith.constant 0 : index
      %get3A_47 = vector.load %arg14[%get3A_45, %get3A_46] : memref<1x128xf32, #tpu.memory_space<vmem>>, vector<1x128xf32>
      %mul3A_48 = arith.mulf %add3A_27, %add3A_27 : vector<5000x128xf32>
      %reduce_sum3A_49 = arith.constant dense<0.000000e+00> : vector<128xf32>
      %reduce_sum3A_50 = vector.multi_reduction <add>, %mul3A_48, %reduce_sum3A_49 [0] : vector<5000x128xf32> to vector<128xf32>
      %broadcast_in_dim3A_51 = vector.shape_cast %reduce_sum3A_50 : vector<128xf32> to vector<1x128xf32>
      %add3A_52 = arith.addf %get3A_47, %broadcast_in_dim3A_51 : vector<1x128xf32>
      %swap3A_53 = arith.constant 0 : index
      %swap3A_54 = arith.constant 0 : index
      %swap3A_55 = vector.load %arg14[%swap3A_53, %swap3A_54] : memref<1x128xf32, #tpu.memory_space<vmem>>, vector<1x128xf32>
      tpu.vector_store %arg14[%swap3A_53, %swap3A_54], %add3A_52 {strides = array<i32>} : memref<1x128xf32, #tpu.memory_space<vmem>>, vector<1x128xf32>,
    } else {
    }
    %eq3A_2 = arith.constant 1 : i32
    %eq3A_3 = arith.cmpi eq, %arg0, %eq3A_2 : i32
    %convert_element_type3A_4 = arith.extui %eq3A_3 : i1 to i32
    %cond3A_5 = arith.constant 0 : i32
    %cond3A_6 = arith.cmpi ne, %convert_element_type3A_4, %cond3A_5 : i32
    scf.if %cond3A_6 {
      %get3A = arith.constant 0 : index
      %get3A_7 = arith.constant 0 : index
      %get3A_8 = vector.load %arg13[%get3A, %get3A_7] : memref<1x128xf32, #tpu.memory_space<vmem>>, vector<1x128xf32>
      %div3A = arith.constant 1.000000e+04 : f32
      %div3A_9 = vector.broadcast %div3A : f32 to vector<1x128xf32>
      %div3A_10 = arith.divf %get3A_8, %div3A_9 : vector<1x128xf32>
      %get3A_11 = arith.constant 0 : index
      %get3A_12 = arith.constant 0 : index
      %get3A_13 = vector.load %arg14[%get3A_11, %get3A_12] : memref<1x128xf32, #tpu.memory_space<vmem>>, vector<1x128xf32>
      %div3A_14 = arith.constant 1.000000e+04 : f32
      %div3A_15 = vector.broadcast %div3A_14 : f32 to vector<1x128xf32>
      %div3A_16 = arith.divf %get3A_13, %div3A_15 : vector<1x128xf32>
      %mul3A = arith.mulf %div3A_10, %div3A_10 : vector<1x128xf32>
      %sub3A = arith.subf %div3A_16, %mul3A : vector<1x128xf32>
      %mul3A_17 = arith.constant 5000 : i32
      %mul3A_18 = arith.muli %arg1, %mul3A_17 : i32
      %get3A_19 = arith.index_cast %mul3A_18 : i32 to index
      %get3A_20 = arith.constant 0 : index
      %get3A_21 = vector.load %arg12[%get3A_19, %get3A_20] : memref<10000x128xf32, #tpu.memory_space<vmem>>, vector<5000x128xf32>
      %sub3A_22 = vector.broadcast %div3A_10 : vector<1x128xf32> to vector<5000x128xf32>
      %sub3A_23 = arith.subf %get3A_21, %sub3A_22 : vector<5000x128xf32>
      %add3A = arith.constant 9.99999974E-6 : f32
      %add3A_24 = vector.broadcast %add3A : f32 to vector<1x128xf32>
      %add3A_25 = arith.addf %sub3A, %add3A_24 : vector<1x128xf32>
      %rsqrt3A = math.rsqrt %add3A_25 : vector<1x128xf32>
      %mul3A_26 = vector.broadcast %rsqrt3A : vector<1x128xf32> to vector<5000x128xf32>
      %mul3A_27 = arith.mulf %sub3A_23, %mul3A_26 : vector<5000x128xf32>
      %get3A_28 = arith.constant 0 : index
      %get3A_29 = arith.constant 0 : index
      %get3A_30 = vector.load %arg6[%get3A_28, %get3A_29] : memref<1x128xf32, #tpu.memory_space<vmem>>, vector<1x128xf32>
      %mul3A_31 = vector.broadcast %get3A_30 : vector<1x128xf32> to vector<5000x128xf32>
      %mul3A_32 = arith.mulf %mul3A_27, %mul3A_31 : vector<5000x128xf32>
      %get3A_33 = arith.constant 0 : index
      %get3A_34 = arith.constant 0 : index
      %get3A_35 = vector.load %arg7[%get3A_33, %get3A_34] : memref<1x128xf32, #tpu.memory_space<vmem>>, vector<1x128xf32>
      %add3A_36 = vector.broadcast %get3A_35 : vector<1x128xf32> to vector<5000x128xf32>
      %add3A_37 = arith.addf %mul3A_32, %add3A_36 : vector<5000x128xf32>
      %ge3A = arith.constant 0.000000e+00 : f32
      %ge3A_38 = vector.broadcast %ge3A : f32 to vector<5000x128xf32>
      %ge3A_39 = arith.cmpf oge, %add3A_37, %ge3A_38 : vector<5000x128xf32>
      %mul3A_40 = arith.constant 0.00999999977 : f32
      %mul3A_41 = vector.broadcast %mul3A_40 : f32 to vector<5000x128xf32>
      %mul3A_42 = arith.mulf %mul3A_41, %add3A_37 : vector<5000x128xf32>
      %select_n3A = arith.select %ge3A_39, %add3A_37, %mul3A_42 : vector<5000x128xi1>, vector<5000x128xf32>
      %get3A_43 = arith.constant 0 : index
      %get3A_44 = arith.constant 0 : index
      %get3A_45 = vector.load %arg8[%get3A_43, %get3A_44] : memref<5000x128xf32, #tpu.memory_space<vmem>>, vector<5000x128xf32>
      %add3A_46 = arith.addf %select_n3A, %get3A_45 : vector<5000x128xf32>
      %swap3A = arith.constant 0 : index
      %swap3A_47 = arith.constant 0 : index
      %swap3A_48 = vector.load %arg10[%swap3A, %swap3A_47] : memref<5000x128xf32, #tpu.memory_space<vmem>>, vector<5000x128xf32>
      tpu.vector_store %arg10[%swap3A, %swap3A_47], %add3A_46 {strides = array<i32>} : memref<5000x128xf32, #tpu.memory_space<vmem>>, vector<5000x128xf32>,
      %get3A_49 = arith.constant 0 : index
      %get3A_50 = arith.constant 0 : index
      %get3A_51 = vector.load %arg4[%get3A_49, %get3A_50] : memref<5000x1xf32, #tpu.memory_space<vmem>>, vector<5000x1xf32>
      %get3A_52 = arith.constant 0 : index
      %get3A_53 = arith.constant 0 : index
      %get3A_54 = vector.load %arg9[%get3A_52, %get3A_53] : memref<128x128xf32, #tpu.memory_space<vmem>>, vector<128x128xf32>
      %dot_general3A = arith.constant dense<0.000000e+00> : vector<5000x128xf32>
      %dot_general3A_55 = tpu.matmul %add3A_46, %get3A_54, %dot_general3A {dimension_numbers = #tpu.dot_dimension_numbers<[1], [0], [0], [1], [0, 0, 1, 1], [], []>, transpose_lhs_hint = false} : vector<5000x128xf32>, vector<128x128xf32>, vector<5000x128xf32> -> vector<5000x128xf32>
      %mul3A_56 = vector.broadcast %get3A_51 : vector<5000x1xf32> to vector<5000x128xf32>
      %mul3A_57 = arith.mulf %mul3A_56, %dot_general3A_55 : vector<5000x128xf32>
      %swap3A_58 = arith.constant 0 : index
      %swap3A_59 = arith.constant 0 : index
      %swap3A_60 = vector.load %arg11[%swap3A_58, %swap3A_59] : memref<5000x128xf32, #tpu.memory_space<vmem>>, vector<5000x128xf32>
      tpu.vector_store %arg11[%swap3A_58, %swap3A_59], %mul3A_57 {strides = array<i32>} : memref<5000x128xf32, #tpu.memory_space<vmem>>, vector<5000x128xf32>,
    } else {
    }
    return
  }
  func.func @transform_0(%arg0: i32, %arg1: i32) -> (i32, i32, i32) {
    %sub3A = arith.constant 1 : i32
    %sub3A_0 = arith.subi %sub3A, %arg0 : i32
    %mul3A = arith.muli %arg1, %sub3A_0 : i32
    %mul3A_1 = arith.constant 1 : i32
    %mul3A_2 = arith.muli %mul3A_1, %arg0 : i32
    %add3A = arith.addi %mul3A, %mul3A_2 : i32
    %c0_i32 = arith.constant 0 : i32
    %c0_i32_3 = arith.constant 0 : i32
    %c0_i32_4 = arith.constant 0 : i32
    return %c0_i32, %add3A, %c0_i32_3 : i32, i32, i32
  }
  func.func @transform_1(%arg0: i32, %arg1: i32) -> (i32, i32) {
    %sub3A = arith.constant 1 : i32
    %sub3A_0 = arith.subi %sub3A, %arg0 : i32
    %mul3A = arith.muli %arg1, %sub3A_0 : i32
    %mul3A_1 = arith.constant 1 : i32
    %mul3A_2 = arith.muli %mul3A_1, %arg0 : i32
    %add3A = arith.addi %mul3A, %mul3A_2 : i32
    %c0_i32 = arith.constant 0 : i32
    %c0_i32_3 = arith.constant 0 : i32
    return %add3A, %c0_i32 : i32, i32
  }
  func.func @transform_2(%arg0: i32, %arg1: i32) -> (i32, i32) {
    %c0_i32 = arith.constant 0 : i32
    %c0_i32_0 = arith.constant 0 : i32
    return %arg1, %c0_i32 : i32, i32
  }
  func.func @transform_3(%arg0: i32, %arg1: i32) -> (i32, i32) {
    %c0_i32 = arith.constant 0 : i32
    %c0_i32_0 = arith.constant 0 : i32
    %c0_i32_1 = arith.constant 0 : i32
    return %c0_i32, %c0_i32_0 : i32, i32
  }
  func.func @transform_4(%arg0: i32, %arg1: i32) -> (i32, i32) {
    %c0_i32 = arith.constant 0 : i32
    %c0_i32_0 = arith.constant 0 : i32
    %c0_i32_1 = arith.constant 0 : i32
    return %c0_i32, %c0_i32_0 : i32, i32
  }
  func.func @transform_5(%arg0: i32, %arg1: i32) -> (i32, i32) {
    %c0_i32 = arith.constant 0 : i32
    %c0_i32_0 = arith.constant 0 : i32
    %c0_i32_1 = arith.constant 0 : i32
    return %c0_i32, %c0_i32_0 : i32, i32
  }
  func.func @transform_6(%arg0: i32, %arg1: i32) -> (i32, i32) {
    %mul3A = arith.muli %arg1, %arg0 : i32
    %c0_i32 = arith.constant 0 : i32
    %c0_i32_0 = arith.constant 0 : i32
    return %mul3A, %c0_i32 : i32, i32
  }
  func.func @transform_7(%arg0: i32, %arg1: i32) -> (i32, i32) {
    %c0_i32 = arith.constant 0 : i32
    %c0_i32_0 = arith.constant 0 : i32
    %c0_i32_1 = arith.constant 0 : i32
    return %c0_i32, %c0_i32_0 : i32, i32
  }
  func.func @transform_8(%arg0: i32, %arg1: i32) -> (i32, i32) {
    %mul3A = arith.muli %arg1, %arg0 : i32
    %c0_i32 = arith.constant 0 : i32
    %c0_i32_0 = arith.constant 0 : i32
    return %mul3A, %c0_i32 : i32, i32
  }
  func.func @transform_9(%arg0: i32, %arg1: i32) -> (i32, i32) {
    %mul3A = arith.muli %arg1, %arg0 : i32
    %c0_i32 = arith.constant 0 : i32
    %c0_i32_0 = arith.constant 0 : i32
    return %mul3A, %c0_i32 : i32, i32
  }
}

module attributes {stable_mosaic.version = 14 : i64} {
  func.func @body(%arg0: i32, %arg1: i32, %arg2: memref<2x5000x128xf32, #tpu.memory_space<vmem>>, %arg3: memref<5000x128xf32, #tpu.memory_space<vmem>>, %arg4: memref<5000x1xf32, #tpu.memory_space<vmem>>, %arg5: memref<1x128xf32, #tpu.memory_space<vmem>>, %arg6: memref<1x128xf32, #tpu.memory_space<vmem>>, %arg7: memref<1x128xf32, #tpu.memory_space<vmem>>, %arg8: memref<5000x128xf32, #tpu.memory_space<vmem>>, %arg9: memref<128x128xf32, #tpu.memory_space<vmem>>, %arg10: memref<1x128xf32, #tpu.memory_space<vmem>>, %arg11: memref<128x64xf32, #tpu.memory_space<vmem>>, %arg12: memref<1x64xf32, #tpu.memory_space<vmem>>, %arg13: memref<1x64xf32, #tpu.memory_space<vmem>>, %arg14: memref<10000x128xf32, #tpu.memory_space<vmem>>, %arg15: memref<1x128xf32, #tpu.memory_space<vmem>>, %arg16: memref<1x128xf32, #tpu.memory_space<vmem>>, %arg17: memref<1x128xf32, #tpu.memory_space<vmem>>) attributes {dimension_semantics = [#tpu.dimension_semantics<arbitrary>, #tpu.dimension_semantics<arbitrary>], iteration_bounds = array<i64: 2, 2>, scalar_prefetch = 0 : i64, scratch_operands = 4 : i64, tpu.core_type = #tpu.core_type<tc>, window_params = [{transform_indices = @transform_0, window_bounds = array<i64: 2, 5000, 128>}, {transform_indices = @transform_1, window_bounds = array<i64: 5000, 128>}, {transform_indices = @transform_2, window_bounds = array<i64: 5000, 1>}, {pipeline_mode = #tpu.pipeline_mode<synchronous>, transform_indices = @transform_3, window_bounds = array<i64: 1, 128>}, {pipeline_mode = #tpu.pipeline_mode<synchronous>, transform_indices = @transform_4, window_bounds = array<i64: 1, 128>}, {pipeline_mode = #tpu.pipeline_mode<synchronous>, transform_indices = @transform_5, window_bounds = array<i64: 1, 128>}, {transform_indices = @transform_6, window_bounds = array<i64: 5000, 128>}, {pipeline_mode = #tpu.pipeline_mode<synchronous>, transform_indices = @transform_7, window_bounds = array<i64: 128, 128>}, {pipeline_mode = #tpu.pipeline_mode<synchronous>, transform_indices = @transform_8, window_bounds = array<i64: 1, 128>}, {pipeline_mode = #tpu.pipeline_mode<synchronous>, transform_indices = @transform_9, window_bounds = array<i64: 128, 64>}, {pipeline_mode = #tpu.pipeline_mode<synchronous>, transform_indices = @transform_10, window_bounds = array<i64: 1, 64>}, {pipeline_mode = #tpu.pipeline_mode<synchronous>, transform_indices = @transform_11, window_bounds = array<i64: 1, 64>}]} {
    %eq3A = arith.constant 0 : i32
    %eq3A_0 = arith.cmpi eq, %arg0, %eq3A : i32
    %convert_element_type3A = arith.extui %eq3A_0 : i1 to i32
    %cond3A = arith.constant 0 : i32
    %cond3A_1 = arith.cmpi ne, %convert_element_type3A, %cond3A : i32
    scf.if %cond3A_1 {
      %get3A = arith.constant 0 : index
      %get3A_7 = arith.constant 0 : index
      %get3A_8 = arith.constant 0 : index
      %get3A_9 = vector.load %arg2[%get3A, %get3A_7, %get3A_8] : memref<2x5000x128xf32, #tpu.memory_space<vmem>>, vector<1x5000x128xf32>
      %get3A_10 = vector.shape_cast %get3A_9 : vector<1x5000x128xf32> to vector<5000x128xf32>
      %get3A_11 = arith.constant 1 : index
      %get3A_12 = arith.constant 0 : index
      %get3A_13 = arith.constant 0 : index
      %get3A_14 = vector.load %arg2[%get3A_11, %get3A_12, %get3A_13] : memref<2x5000x128xf32, #tpu.memory_space<vmem>>, vector<1x5000x128xf32>
      %get3A_15 = vector.shape_cast %get3A_14 : vector<1x5000x128xf32> to vector<5000x128xf32>
      %add3A = arith.addf %get3A_10, %get3A_15 : vector<5000x128xf32>
      %get3A_16 = arith.constant 0 : index
      %get3A_17 = arith.constant 0 : index
      %get3A_18 = vector.load %arg3[%get3A_16, %get3A_17] : memref<5000x128xf32, #tpu.memory_space<vmem>>, vector<5000x128xf32>
      %sub3A = arith.subf %add3A, %get3A_18 : vector<5000x128xf32>
      %get3A_19 = arith.constant 0 : index
      %get3A_20 = arith.constant 0 : index
      %get3A_21 = vector.load %arg4[%get3A_19, %get3A_20] : memref<5000x1xf32, #tpu.memory_space<vmem>>, vector<5000x1xf32>
      %mul3A = vector.broadcast %get3A_21 : vector<5000x1xf32> to vector<5000x128xf32>
      %mul3A_22 = arith.mulf %sub3A, %mul3A : vector<5000x128xf32>
      %get3A_23 = arith.constant 0 : index
      %get3A_24 = arith.constant 0 : index
      %get3A_25 = vector.load %arg5[%get3A_23, %get3A_24] : memref<1x128xf32, #tpu.memory_space<vmem>>, vector<1x128xf32>
      %add3A_26 = vector.broadcast %get3A_25 : vector<1x128xf32> to vector<5000x128xf32>
      %add3A_27 = arith.addf %mul3A_22, %add3A_26 : vector<5000x128xf32>
      %mul3A_28 = arith.constant 5000 : i32
      %mul3A_29 = arith.muli %arg1, %mul3A_28 : i32
      %swap3A = arith.index_cast %mul3A_29 : i32 to index
      %swap3A_30 = arith.constant 0 : index
      %swap3A_31 = vector.load %arg14[%swap3A, %swap3A_30] : memref<10000x128xf32, #tpu.memory_space<vmem>>, vector<5000x128xf32>
      tpu.vector_store %arg14[%swap3A, %swap3A_30], %add3A_27 {strides = array<i32>} : memref<10000x128xf32, #tpu.memory_space<vmem>>, vector<5000x128xf32>,
      %eq3A_32 = arith.constant 0 : i32
      %eq3A_33 = arith.cmpi eq, %arg1, %eq3A_32 : i32
      %convert_element_type3A_34 = arith.extui %eq3A_33 : i1 to i32
      %cond3A_35 = arith.constant 0 : i32
      %cond3A_36 = arith.cmpi ne, %convert_element_type3A_34, %cond3A_35 : i32
      scf.if %cond3A_36 {
        %broadcast_in_dim3A_56 = arith.constant 0.000000e+00 : f32
        %broadcast_in_dim3A_57 = vector.broadcast %broadcast_in_dim3A_56 : f32 to vector<1x128xf32>
        %swap3A_58 = arith.constant 0 : index
        %swap3A_59 = arith.constant 0 : index
        %swap3A_60 = vector.load %arg15[%swap3A_58, %swap3A_59] : memref<1x128xf32, #tpu.memory_space<vmem>>, vector<1x128xf32>
        tpu.vector_store %arg15[%swap3A_58, %swap3A_59], %broadcast_in_dim3A_57 {strides = array<i32>} : memref<1x128xf32, #tpu.memory_space<vmem>>, vector<1x128xf32>,
        %broadcast_in_dim3A_61 = arith.constant 0.000000e+00 : f32
        %broadcast_in_dim3A_62 = vector.broadcast %broadcast_in_dim3A_61 : f32 to vector<1x128xf32>
        %swap3A_63 = arith.constant 0 : index
        %swap3A_64 = arith.constant 0 : index
        %swap3A_65 = vector.load %arg16[%swap3A_63, %swap3A_64] : memref<1x128xf32, #tpu.memory_space<vmem>>, vector<1x128xf32>
        tpu.vector_store %arg16[%swap3A_63, %swap3A_64], %broadcast_in_dim3A_62 {strides = array<i32>} : memref<1x128xf32, #tpu.memory_space<vmem>>, vector<1x128xf32>,
      } else {
      }
      %get3A_37 = arith.constant 0 : index
      %get3A_38 = arith.constant 0 : index
      %get3A_39 = vector.load %arg15[%get3A_37, %get3A_38] : memref<1x128xf32, #tpu.memory_space<vmem>>, vector<1x128xf32>
      %reduce_sum3A = arith.constant dense<0.000000e+00> : vector<128xf32>
      %reduce_sum3A_40 = vector.multi_reduction <add>, %add3A_27, %reduce_sum3A [0] : vector<5000x128xf32> to vector<128xf32>
      %broadcast_in_dim3A = vector.shape_cast %reduce_sum3A_40 : vector<128xf32> to vector<1x128xf32>
      %add3A_41 = arith.addf %get3A_39, %broadcast_in_dim3A : vector<1x128xf32>
      %swap3A_42 = arith.constant 0 : index
      %swap3A_43 = arith.constant 0 : index
      %swap3A_44 = vector.load %arg15[%swap3A_42, %swap3A_43] : memref<1x128xf32, #tpu.memory_space<vmem>>, vector<1x128xf32>
      tpu.vector_store %arg15[%swap3A_42, %swap3A_43], %add3A_41 {strides = array<i32>} : memref<1x128xf32, #tpu.memory_space<vmem>>, vector<1x128xf32>,
      %get3A_45 = arith.constant 0 : index
      %get3A_46 = arith.constant 0 : index
      %get3A_47 = vector.load %arg16[%get3A_45, %get3A_46] : memref<1x128xf32, #tpu.memory_space<vmem>>, vector<1x128xf32>
      %mul3A_48 = arith.mulf %add3A_27, %add3A_27 : vector<5000x128xf32>
      %reduce_sum3A_49 = arith.constant dense<0.000000e+00> : vector<128xf32>
      %reduce_sum3A_50 = vector.multi_reduction <add>, %mul3A_48, %reduce_sum3A_49 [0] : vector<5000x128xf32> to vector<128xf32>
      %broadcast_in_dim3A_51 = vector.shape_cast %reduce_sum3A_50 : vector<128xf32> to vector<1x128xf32>
      %add3A_52 = arith.addf %get3A_47, %broadcast_in_dim3A_51 : vector<1x128xf32>
      %swap3A_53 = arith.constant 0 : index
      %swap3A_54 = arith.constant 0 : index
      %swap3A_55 = vector.load %arg16[%swap3A_53, %swap3A_54] : memref<1x128xf32, #tpu.memory_space<vmem>>, vector<1x128xf32>
      tpu.vector_store %arg16[%swap3A_53, %swap3A_54], %add3A_52 {strides = array<i32>} : memref<1x128xf32, #tpu.memory_space<vmem>>, vector<1x128xf32>,
    } else {
    }
    %eq3A_2 = arith.constant 1 : i32
    %eq3A_3 = arith.cmpi eq, %arg0, %eq3A_2 : i32
    %convert_element_type3A_4 = arith.extui %eq3A_3 : i1 to i32
    %cond3A_5 = arith.constant 0 : i32
    %cond3A_6 = arith.cmpi ne, %convert_element_type3A_4, %cond3A_5 : i32
    scf.if %cond3A_6 {
      %get3A = arith.constant 0 : index
      %get3A_7 = arith.constant 0 : index
      %get3A_8 = vector.load %arg15[%get3A, %get3A_7] : memref<1x128xf32, #tpu.memory_space<vmem>>, vector<1x128xf32>
      %div3A = arith.constant 1.000000e+04 : f32
      %div3A_9 = vector.broadcast %div3A : f32 to vector<1x128xf32>
      %div3A_10 = arith.divf %get3A_8, %div3A_9 : vector<1x128xf32>
      %get3A_11 = arith.constant 0 : index
      %get3A_12 = arith.constant 0 : index
      %get3A_13 = vector.load %arg16[%get3A_11, %get3A_12] : memref<1x128xf32, #tpu.memory_space<vmem>>, vector<1x128xf32>
      %div3A_14 = arith.constant 1.000000e+04 : f32
      %div3A_15 = vector.broadcast %div3A_14 : f32 to vector<1x128xf32>
      %div3A_16 = arith.divf %get3A_13, %div3A_15 : vector<1x128xf32>
      %mul3A = arith.mulf %div3A_10, %div3A_10 : vector<1x128xf32>
      %sub3A = arith.subf %div3A_16, %mul3A : vector<1x128xf32>
      %mul3A_17 = arith.constant 5000 : i32
      %mul3A_18 = arith.muli %arg1, %mul3A_17 : i32
      %get3A_19 = arith.index_cast %mul3A_18 : i32 to index
      %get3A_20 = arith.constant 0 : index
      %get3A_21 = vector.load %arg14[%get3A_19, %get3A_20] : memref<10000x128xf32, #tpu.memory_space<vmem>>, vector<5000x128xf32>
      %sub3A_22 = vector.broadcast %div3A_10 : vector<1x128xf32> to vector<5000x128xf32>
      %sub3A_23 = arith.subf %get3A_21, %sub3A_22 : vector<5000x128xf32>
      %add3A = arith.constant 9.99999974E-6 : f32
      %add3A_24 = vector.broadcast %add3A : f32 to vector<1x128xf32>
      %add3A_25 = arith.addf %sub3A, %add3A_24 : vector<1x128xf32>
      %rsqrt3A = math.rsqrt %add3A_25 : vector<1x128xf32>
      %mul3A_26 = vector.broadcast %rsqrt3A : vector<1x128xf32> to vector<5000x128xf32>
      %mul3A_27 = arith.mulf %sub3A_23, %mul3A_26 : vector<5000x128xf32>
      %get3A_28 = arith.constant 0 : index
      %get3A_29 = arith.constant 0 : index
      %get3A_30 = vector.load %arg6[%get3A_28, %get3A_29] : memref<1x128xf32, #tpu.memory_space<vmem>>, vector<1x128xf32>
      %mul3A_31 = vector.broadcast %get3A_30 : vector<1x128xf32> to vector<5000x128xf32>
      %mul3A_32 = arith.mulf %mul3A_27, %mul3A_31 : vector<5000x128xf32>
      %get3A_33 = arith.constant 0 : index
      %get3A_34 = arith.constant 0 : index
      %get3A_35 = vector.load %arg7[%get3A_33, %get3A_34] : memref<1x128xf32, #tpu.memory_space<vmem>>, vector<1x128xf32>
      %add3A_36 = vector.broadcast %get3A_35 : vector<1x128xf32> to vector<5000x128xf32>
      %add3A_37 = arith.addf %mul3A_32, %add3A_36 : vector<5000x128xf32>
      %ge3A = arith.constant 0.000000e+00 : f32
      %ge3A_38 = vector.broadcast %ge3A : f32 to vector<5000x128xf32>
      %ge3A_39 = arith.cmpf oge, %add3A_37, %ge3A_38 : vector<5000x128xf32>
      %mul3A_40 = arith.constant 0.00999999977 : f32
      %mul3A_41 = vector.broadcast %mul3A_40 : f32 to vector<5000x128xf32>
      %mul3A_42 = arith.mulf %mul3A_41, %add3A_37 : vector<5000x128xf32>
      %select_n3A = arith.select %ge3A_39, %add3A_37, %mul3A_42 : vector<5000x128xi1>, vector<5000x128xf32>
      %get3A_43 = arith.constant 0 : index
      %get3A_44 = arith.constant 0 : index
      %get3A_45 = vector.load %arg8[%get3A_43, %get3A_44] : memref<5000x128xf32, #tpu.memory_space<vmem>>, vector<5000x128xf32>
      %add3A_46 = arith.addf %select_n3A, %get3A_45 : vector<5000x128xf32>
      %eq3A_47 = arith.constant 0 : i32
      %eq3A_48 = arith.cmpi eq, %arg1, %eq3A_47 : i32
      %convert_element_type3A_49 = arith.extui %eq3A_48 : i1 to i32
      %cond3A_50 = arith.constant 0 : i32
      %cond3A_51 = arith.cmpi ne, %convert_element_type3A_49, %cond3A_50 : i32
      scf.if %cond3A_51 {
        %broadcast_in_dim3A_64 = arith.constant 0.000000e+00 : f32
        %broadcast_in_dim3A_65 = vector.broadcast %broadcast_in_dim3A_64 : f32 to vector<1x128xf32>
        %swap3A_66 = arith.constant 0 : index
        %swap3A_67 = arith.constant 0 : index
        %swap3A_68 = vector.load %arg17[%swap3A_66, %swap3A_67] : memref<1x128xf32, #tpu.memory_space<vmem>>, vector<1x128xf32>
        tpu.vector_store %arg17[%swap3A_66, %swap3A_67], %broadcast_in_dim3A_65 {strides = array<i32>} : memref<1x128xf32, #tpu.memory_space<vmem>>, vector<1x128xf32>,
      } else {
      }
      %get3A_52 = arith.constant 0 : index
      %get3A_53 = arith.constant 0 : index
      %get3A_54 = vector.load %arg17[%get3A_52, %get3A_53] : memref<1x128xf32, #tpu.memory_space<vmem>>, vector<1x128xf32>
      %reduce_sum3A = arith.constant dense<0.000000e+00> : vector<128xf32>
      %reduce_sum3A_55 = vector.multi_reduction <add>, %add3A_46, %reduce_sum3A [0] : vector<5000x128xf32> to vector<128xf32>
      %broadcast_in_dim3A = vector.shape_cast %reduce_sum3A_55 : vector<128xf32> to vector<1x128xf32>
      %add3A_56 = arith.addf %get3A_54, %broadcast_in_dim3A : vector<1x128xf32>
      %swap3A = arith.constant 0 : index
      %swap3A_57 = arith.constant 0 : index
      %swap3A_58 = vector.load %arg17[%swap3A, %swap3A_57] : memref<1x128xf32, #tpu.memory_space<vmem>>, vector<1x128xf32>
      tpu.vector_store %arg17[%swap3A, %swap3A_57], %add3A_56 {strides = array<i32>} : memref<1x128xf32, #tpu.memory_space<vmem>>, vector<1x128xf32>,
      %eq3A_59 = arith.constant 1 : i32
      %eq3A_60 = arith.cmpi eq, %arg1, %eq3A_59 : i32
      %convert_element_type3A_61 = arith.extui %eq3A_60 : i1 to i32
      %cond3A_62 = arith.constant 0 : i32
      %cond3A_63 = arith.cmpi ne, %convert_element_type3A_61, %cond3A_62 : i32
      scf.if %cond3A_63 {
        %get3A_64 = arith.constant 0 : index
        %get3A_65 = arith.constant 0 : index
        %get3A_66 = vector.load %arg17[%get3A_64, %get3A_65] : memref<1x128xf32, #tpu.memory_space<vmem>>, vector<1x128xf32>
        %div3A_67 = arith.constant 1.000000e+04 : f32
        %div3A_68 = vector.broadcast %div3A_67 : f32 to vector<1x128xf32>
        %div3A_69 = arith.divf %get3A_66, %div3A_68 : vector<1x128xf32>
        %get3A_70 = arith.constant 0 : index
        %get3A_71 = arith.constant 0 : index
        %get3A_72 = vector.load %arg9[%get3A_70, %get3A_71] : memref<128x128xf32, #tpu.memory_space<vmem>>, vector<128x128xf32>
        %dot_general3A = arith.constant dense<0.000000e+00> : vector<1x128xf32>
        %dot_general3A_73 = tpu.matmul %div3A_69, %get3A_72, %dot_general3A {dimension_numbers = #tpu.dot_dimension_numbers<[1], [0], [0], [1], [0, 0, 1, 1], [], []>, transpose_lhs_hint = false} : vector<1x128xf32>, vector<128x128xf32>, vector<1x128xf32> -> vector<1x128xf32>
        %get3A_74 = arith.constant 0 : index
        %get3A_75 = arith.constant 0 : index
        %get3A_76 = vector.load %arg10[%get3A_74, %get3A_75] : memref<1x128xf32, #tpu.memory_space<vmem>>, vector<1x128xf32>
        %add3A_77 = arith.addf %dot_general3A_73, %get3A_76 : vector<1x128xf32>
        %ge3A_78 = arith.constant 0.000000e+00 : f32
        %ge3A_79 = vector.broadcast %ge3A_78 : f32 to vector<1x128xf32>
        %ge3A_80 = arith.cmpf oge, %add3A_77, %ge3A_79 : vector<1x128xf32>
        %mul3A_81 = arith.constant 0.00999999977 : f32
        %mul3A_82 = vector.broadcast %mul3A_81 : f32 to vector<1x128xf32>
        %mul3A_83 = arith.mulf %mul3A_82, %add3A_77 : vector<1x128xf32>
        %select_n3A_84 = arith.select %ge3A_80, %add3A_77, %mul3A_83 : vector<1x128xi1>, vector<1x128xf32>
        %get3A_85 = arith.constant 0 : index
        %get3A_86 = arith.constant 0 : index
        %get3A_87 = vector.load %arg11[%get3A_85, %get3A_86] : memref<128x64xf32, #tpu.memory_space<vmem>>, vector<128x64xf32>
        %dot_general3A_88 = arith.constant dense<0.000000e+00> : vector<1x64xf32>
        %dot_general3A_89 = tpu.matmul %select_n3A_84, %get3A_87, %dot_general3A_88 {dimension_numbers = #tpu.dot_dimension_numbers<[1], [0], [0], [1], [0, 0, 1, 1], [], []>, transpose_lhs_hint = false} : vector<1x128xf32>, vector<128x64xf32>, vector<1x64xf32> -> vector<1x64xf32>
        %get3A_90 = arith.constant 0 : index
        %get3A_91 = arith.constant 0 : index
        %get3A_92 = vector.load %arg12[%get3A_90, %get3A_91] : memref<1x64xf32, #tpu.memory_space<vmem>>, vector<1x64xf32>
        %add3A_93 = arith.addf %dot_general3A_89, %get3A_92 : vector<1x64xf32>
        %mul3A_94 = arith.mulf %add3A_93, %add3A_93 : vector<1x64xf32>
        %reduce_sum3A_95 = arith.constant dense<0.000000e+00> : vector<1xf32>
        %reduce_sum3A_96 = vector.multi_reduction <add>, %mul3A_94, %reduce_sum3A_95 [1] : vector<1x64xf32> to vector<1xf32>
        %broadcast_in_dim3A_97 = vector.shape_cast %reduce_sum3A_96 : vector<1xf32> to vector<1x1xf32>
        %sqrt3A = math.sqrt %broadcast_in_dim3A_97 : vector<1x1xf32>
        %max3A = arith.constant 9.99999996E-13 : f32
        %max3A_98 = vector.broadcast %max3A : f32 to vector<1x1xf32>
        %max3A_99 = arith.maximumf %sqrt3A, %max3A_98 : vector<1x1xf32>
        %div3A_100 = vector.broadcast %max3A_99 : vector<1x1xf32> to vector<1x64xf32>
        %div3A_101 = arith.divf %add3A_93, %div3A_100 : vector<1x64xf32>
        %swap3A_102 = arith.constant 0 : index
        %swap3A_103 = arith.constant 0 : index
        %swap3A_104 = vector.load %arg13[%swap3A_102, %swap3A_103] : memref<1x64xf32, #tpu.memory_space<vmem>>, vector<1x64xf32>
        tpu.vector_store %arg13[%swap3A_102, %swap3A_103], %div3A_101 {strides = array<i32>} : memref<1x64xf32, #tpu.memory_space<vmem>>, vector<1x64xf32>,
      } else {
      }
    } else {
    }
    return
  }
  func.func @transform_0(%arg0: i32, %arg1: i32) -> (i32, i32, i32) {
    %sub3A = arith.constant 1 : i32
    %sub3A_0 = arith.subi %sub3A, %arg0 : i32
    %mul3A = arith.muli %arg1, %sub3A_0 : i32
    %mul3A_1 = arith.constant 1 : i32
    %mul3A_2 = arith.muli %mul3A_1, %arg0 : i32
    %add3A = arith.addi %mul3A, %mul3A_2 : i32
    %c0_i32 = arith.constant 0 : i32
    %c0_i32_3 = arith.constant 0 : i32
    %c0_i32_4 = arith.constant 0 : i32
    return %c0_i32, %add3A, %c0_i32_3 : i32, i32, i32
  }
  func.func @transform_1(%arg0: i32, %arg1: i32) -> (i32, i32) {
    %sub3A = arith.constant 1 : i32
    %sub3A_0 = arith.subi %sub3A, %arg0 : i32
    %mul3A = arith.muli %arg1, %sub3A_0 : i32
    %mul3A_1 = arith.constant 1 : i32
    %mul3A_2 = arith.muli %mul3A_1, %arg0 : i32
    %add3A = arith.addi %mul3A, %mul3A_2 : i32
    %c0_i32 = arith.constant 0 : i32
    %c0_i32_3 = arith.constant 0 : i32
    return %add3A, %c0_i32 : i32, i32
  }
  func.func @transform_2(%arg0: i32, %arg1: i32) -> (i32, i32) {
    %c0_i32 = arith.constant 0 : i32
    %c0_i32_0 = arith.constant 0 : i32
    return %arg1, %c0_i32 : i32, i32
  }
  func.func @transform_3(%arg0: i32, %arg1: i32) -> (i32, i32) {
    %c0_i32 = arith.constant 0 : i32
    %c0_i32_0 = arith.constant 0 : i32
    %c0_i32_1 = arith.constant 0 : i32
    return %c0_i32, %c0_i32_0 : i32, i32
  }
  func.func @transform_4(%arg0: i32, %arg1: i32) -> (i32, i32) {
    %c0_i32 = arith.constant 0 : i32
    %c0_i32_0 = arith.constant 0 : i32
    %c0_i32_1 = arith.constant 0 : i32
    return %c0_i32, %c0_i32_0 : i32, i32
  }
  func.func @transform_5(%arg0: i32, %arg1: i32) -> (i32, i32) {
    %c0_i32 = arith.constant 0 : i32
    %c0_i32_0 = arith.constant 0 : i32
    %c0_i32_1 = arith.constant 0 : i32
    return %c0_i32, %c0_i32_0 : i32, i32
  }
  func.func @transform_6(%arg0: i32, %arg1: i32) -> (i32, i32) {
    %mul3A = arith.muli %arg1, %arg0 : i32
    %c0_i32 = arith.constant 0 : i32
    %c0_i32_0 = arith.constant 0 : i32
    return %mul3A, %c0_i32 : i32, i32
  }
  func.func @transform_7(%arg0: i32, %arg1: i32) -> (i32, i32) {
    %c0_i32 = arith.constant 0 : i32
    %c0_i32_0 = arith.constant 0 : i32
    %c0_i32_1 = arith.constant 0 : i32
    return %c0_i32, %c0_i32_0 : i32, i32
  }
  func.func @transform_8(%arg0: i32, %arg1: i32) -> (i32, i32) {
    %c0_i32 = arith.constant 0 : i32
    %c0_i32_0 = arith.constant 0 : i32
    %c0_i32_1 = arith.constant 0 : i32
    return %c0_i32, %c0_i32_0 : i32, i32
  }
  func.func @transform_9(%arg0: i32, %arg1: i32) -> (i32, i32) {
    %c0_i32 = arith.constant 0 : i32
    %c0_i32_0 = arith.constant 0 : i32
    %c0_i32_1 = arith.constant 0 : i32
    return %c0_i32, %c0_i32_0 : i32, i32
  }
  func.func @transform_10(%arg0: i32, %arg1: i32) -> (i32, i32) {
    %c0_i32 = arith.constant 0 : i32
    %c0_i32_0 = arith.constant 0 : i32
    %c0_i32_1 = arith.constant 0 : i32
    return %c0_i32, %c0_i32_0 : i32, i32
  }
  func.func @transform_11(%arg0: i32, %arg1: i32) -> (i32, i32) {
    %c0_i32 = arith.constant 0 : i32
    %c0_i32_0 = arith.constant 0 : i32
    %c0_i32_1 = arith.constant 0 : i32
    return %c0_i32, %c0_i32_0 : i32, i32
  }
}

</mosaic_0001>

<sc_bundles>
// kernel: kernel.11.cloned.1.call-start
scs
__scs_entry_jumppad:
0x0: {  	(pc) =	sbr.rel $0x88, $3  }
0x1: {  	(tag) =	ssettag $0x0;
	lr =	simm.s32 $0x1  }
0x2: {  	[smem:$0x3F8F] =	sst lr;
	_ =	strace $0xD0000000  }
0x3: {  	_ = 	snop  }
0x4: {  	_ = 	snop  }
0x5: {  	_ = 	snop  }
0x6: {  	_ = 	snop  }
0x7: {  	_ = 	snop  }
__scs_overlays_trampoline_lowered:
0x8: {  	[smem:$0x3F9E] =	sst s0  }
0x9: {  	[smem:$0x3F9F] =	sst s1  }
0xa: {  	[smem:$0x3FA0] =	sst s2  }
0xb: {  	[smem:$0x3FA1] =	sst s3  }
0xc: {  	[smem:$0x3FA2] =	sst s4  }
0xd: {  	[smem:$0x3FA3] =	sst s5  }
0xe: {  	[smem:$0x3FA4] =	sst s6  }
0xf: {  	[smem:$0x3FA5] =	sst s7  }
0x10: {  	[smem:$0x3FA6] =	sst s8  }
0x11: {  	[smem:$0x3FA7] =	sst s9;
	s0 =	simm.s32 @!p0 $0x0  }
0x12: {  	s1 =	sld [smem:$0x3F8D];
	s0 =	simm.s32 @p0 $0x1  }
0x13: {  	[smem:$0x3FA8] =	sst s0;
	s0 =	simm.s32 @!p1 $0x0  }
0x14: {  	s2 =	sld [smem:$0x3F8C];
	s0 =	simm.s32 @p1 $0x1  }
0x15: {  	[smem:$0x3FA9] =	sst s0;
	s0 =	simm.s32 @!p2 $0x0  }
0x16: {  	s3 =	sld [smem:$0x3FDB];
	s0 =	simm.s32 @p2 $0x1  }
0x17: {  	s4 =	simm.s32 $0x1BF5;
	[smem:$0x3FAB] =	sst s0  }
0x18: {  	s0 =	sld [smem:$0x3F8E];
	_ =	swait.ge [sflag:s4], $0x0  }
0x19: {  	s7 =	sld [smem:$0x3F8F]  }
0x1a: {  	s8 =	sadd.s32 $0xFFFFE003, lr  }
0x1b: {  	s9 =	sadd.s32 $0xFFFFFEF7, lr;
	s5 =	simm.s32 $0xFFFFFFFF;
	p2 =	slt.u32 s8, $0xFFFFF086  }
0x1c: {  	p1 =	slt.u32 s9, $0xF7A;
	s5 =	simm.s32 @!p2 $0x0  }
0x1d: {  	s5 =	simm.s32 @p1 $0x1;
	p0 =	seq.s32 s7, s2  }
0x1e: {  	s7 =	smul.u32 @!p0 $0xF7A, s2;
	p2 =	seq.s32 @!p0 s5, $0x0  }
0x1f: {  	s9 =	smul.u32 $0xF7A, s1;
	s8 =	simm.s32 @!p0 $0x1BF5;
	p2 =	por !p2, p0  }
0x20: {  	[sflag:s8] =	ssyncset.s32 @!p0 $0xFFFFF086;
	s6 =	sadd.s32 @!p0 s3, s7;
	s7 =	simm.s32 @!p0 $0x108  }
0x21: {  	s3 =	sadd.s32 s3, s9;
	s6 =	sadd.s32 @!p0 $0x88, s6;
	s7 =	simm.s32 @p2 $0x1082  }
0x22: {  	[simem:s7], [sflag:s8] =	dma.local @!p0 [hbm:s6], $0xF7A  }
0x23: {  	s9 =	sor.u32 $0xD0000000, s2;
	s6 =	simm.s32 $0x108;
	_ =	swait.ge @!p0 [sflag:s8], $0x0  }
0x24: {  	s3 =	sadd.s32 $0x88, s3;
	s6 =	simm.s32 @!p1 $0x1082;
	[sflag:s4] =	ssyncset.s32 $0xFFFFF086  }
0x25: {  	[simem:s6], [sflag:s4] =	dma.local [hbm:s3], $0xF7A  }
0x26: {  	[smem:$0x3F8F] =	sst s1;
	(tag) =	ssettag s2;
	_ =	strace s9  }
0x27: {  	s1 =	sld [smem:$0x3F9F]  }
0x28: {  	s2 =	sld [smem:$0x3FA0]  }
0x29: {  	s4 =	sld [smem:$0x3FA2]  }
0x2a: {  	p0 =	seq.s32 s5, $0x0;
	s5 =	sld [smem:$0x3FA3]  }
0x2b: {  	s6 =	sld [smem:$0x3FA4]  }
0x2c: {  	s7 =	sld [smem:$0x3FA5]  }
0x2d: {  	s3 =	simm.s32 $0x108;
	s8 =	sld [smem:$0x3FA6]  }
0x2e: {  	s3 =	simm.s32 @!p0 $0x1082;
	s9 =	sld [smem:$0x3FA7]  }
0x2f: {  	lr =	sadd.s32 s0, s3;
	s0 =	sld [smem:$0x3F9E]  }
0x30: {  	s3 =	sld [smem:$0x3FA1]  }
0x31: {  	[smem:$0x3FAA] =	sst s10  }
0x32: {  	s10 =	sld [smem:$0x3FA8];
	_ =	sdelay $0x3  }
0x33: {  	p0 =	seq.s32 s10, $0x1;
	s10 =	sld [smem:$0x3FAA];
	_ =	sdelay $0x3  }
0x34: {  	[smem:$0x3FAA] =	sst s10  }
0x35: {  	s10 =	sld [smem:$0x3FA9];
	_ =	sdelay $0x3  }
0x36: {  	p1 =	seq.s32 s10, $0x1;
	s10 =	sld [smem:$0x3FAA];
	_ =	sdelay $0x3  }
0x37: {  	[smem:$0x3FAA] =	sst s10  }
0x38: {  	s10 =	sld [smem:$0x3FAB]  }
0x39: {  	_ = 	snop;
	(pc) =	sbr.ind lr, $3  }
0x3a: {  	_ = 	snop  }
0x3b: {  	_ = 	snop  }
0x3c: {  	p2 =	seq.s32 s10, $0x1;
	s10 =	sld [smem:$0x3FAA]  }
0x3d: {  	_ =	shalt  }
0x3e: {  	_ =	shalt  }
0x3f: {  	_ =	shalt  }
0x40: {  	_ =	shalt  }
0x41: {  	_ =	shalt  }
0x42: {  	_ =	shalt  }
0x43: {  	_ =	shalt  }
0x44: {  	_ =	shalt  }
0x45: {  	_ =	shalt  }
0x46: {  	_ =	shalt  }
0x47: {  	_ =	shalt  }
0x48: {  	_ =	shalt  }
0x49: {  	_ =	shalt  }
0x4a: {  	_ =	shalt  }
0x4b: {  	_ =	shalt  }
0x4c: {  	_ =	shalt  }
0x4d: {  	_ =	shalt  }
0x4e: {  	_ =	shalt  }
0x4f: {  	_ =	shalt  }
0x50: {  	_ =	shalt  }
0x51: {  	_ =	shalt  }
0x52: {  	_ =	shalt  }
0x53: {  	_ =	shalt  }
0x54: {  	_ =	shalt  }
0x55: {  	_ =	shalt  }
0x56: {  	_ =	shalt  }
0x57: {  	_ =	shalt  }
0x58: {  	_ =	shalt  }
0x59: {  	_ =	shalt  }
0x5a: {  	_ =	shalt  }
0x5b: {  	_ =	shalt  }
0x5c: {  	_ =	shalt  }
0x5d: {  	_ =	shalt  }
0x5e: {  	_ =	shalt  }
0x5f: {  	_ =	shalt  }
0x60: {  	_ =	shalt  }
0x61: {  	_ =	shalt  }
0x62: {  	_ =	shalt  }
0x63: {  	_ =	shalt  }
0x64: {  	_ =	shalt  }
0x65: {  	_ =	shalt  }
0x66: {  	_ =	shalt  }
0x67: {  	_ =	shalt  }
0x68: {  	_ =	shalt  }
0x69: {  	_ =	shalt  }
0x6a: {  	_ =	shalt  }
0x6b: {  	_ =	shalt  }
0x6c: {  	_ =	shalt  }
0x6d: {  	_ =	shalt  }
0x6e: {  	_ =	shalt  }
0x6f: {  	_ =	shalt  }
0x70: {  	_ =	shalt  }
0x71: {  	_ =	shalt  }
0x72: {  	_ =	shalt  }
0x73: {  	_ =	shalt  }
0x74: {  	_ =	shalt  }
0x75: {  	_ =	shalt  }
0x76: {  	_ =	shalt  }
0x77: {  	_ =	shalt  }
0x78: {  	_ =	shalt  }
0x79: {  	_ =	shalt  }
0x7a: {  	_ =	shalt  }
0x7b: {  	_ =	shalt  }
0x7c: {  	_ =	shalt  }
0x7d: {  	_ =	shalt  }
0x7e: {  	_ =	shalt  }
0x7f: {  	_ =	shalt  }
0x80: {  	_ =	shalt  }
0x81: {  	_ =	shalt  }
0x82: {  	_ =	shalt  }
0x83: {  	_ =	shalt  }
0x84: {  	_ =	shalt  }
0x85: {  	_ =	shalt  }
0x86: {  	_ =	shalt  }
0x87: {  	_ =	shalt  }
.Lfunc_end0:
.L_simem_size_0:
called_computation_lowered:
.L_overlay_start_0:
0x88: {  	s2 =	sld [smem:$0x3FD9]  }
0x89: {  	s3 =	sld [smem:$0x3FFE];
	_ =	sdelay $0x1  }
0x8a: {  	s1 =	srdreg.scid  }
0x8b: {  	s0 =	sand.u32 $0x1, s1  }
0x8c: {  	s16 =	sshll.u32 s0, $0xA;
	s2 =	sadd.s32 s3, s2  }
0x8d: {  	s2 =	sadd.s32 s2, s16  }
0x8e: {  	[smem:$0x3FB6] =	sst s2  }
0x8f: {  	_ = 	snop  }
0x90: {  	(tm) =	ssettm $0x1  }
0x91: {  	s17 =	sld [smem:$0x3FFB];
	_ =	sdelay $0x3  }
0x92: {  	_ =	strace s17  }
0x93: {  	s2 =	sld [smem:$0x3FFC];
	_ =	sdelay $0x3  }
0x94: {  	_ =	strace s2  }
0x95: {  	s2 =	sld [smem:$0x3FFD];
	_ =	sdelay $0x3  }
0x96: {  	_ =	strace s2  }
0x97: {  	_ =	strace $0x8FFFFFFF  }
0x98: {  	s18 =	sld [smem:$0x3FDB];
	_ =	sdelay $0x1  }
0x99: {  	s19 =	simm.s32 $_scs_section_size  }
0x9a: {  	s4 =	simm.s32 $_size__tile_overlayer_lowered;
	s5 =	simm.s32 $_tile_overlayer_lowered  }
0x9b: {  	s22 =	simm.s32 $0x1BFF;
	s21 =	sshll.u32 s5, $0x1;
	s2 =	sadd.s32 s19, s18  }
0x9c: {  	s6 =	simm.s32 $0x0;
	s20 =	sshll.u32 s4, $0x1;
	s4 =	sadd.s32 s21, s2  }
0x9d: {  	[timem:s6], [sflag:s22] =	dma.local [hbm:s4], s20  }
0x9e: {  	_ =	swait.ge [sflag:s22], s20  }
0x9f: {  	s3 =	ssub.s32 $0x0, s20;
	[sflag:s22] =	ssyncset.done $0x0  }
0xa0: {  	[sflag:s22] =	ssyncadd.s32 s3;
	_ =	sdelay $0x1  }
0xa1: {  	s23 =	simm.s32 $0x1B8B  }
0xa2: {  	_ =	swait.ge [sflag:s23], $0x1  }
0xa3: {  	[sflag:s23] =	ssyncset.done $0x0  }
0xa4: {  	s25 =	simm.s32 $0x1B8E;
	s24 =	sld [smem:$0x3FFE];
	[sflag:s23] =	ssyncadd.s32 $0xFFFFFFFF  }
0xa5: {  	s26 =	simm.s32 $execute0_lowered;
	[smem:$0x3FD2] =	sst s25  }
0xa6: {  	s4 =	sshll.u32 s26, $0x1;
	_ =	strace $0x80000046;
	[dreg:$0x1] =	wrdreg $0xFFFFFFFF  }
0xa7: {  	s28 =	simm.s32 $_size_execute0_lowered;
	s2 =	sadd.s32 s2, s4;
	[dreg:$0x0] =	wrdreg $0x0  }
0xa8: {  	s4 =	sshll.u32 s28, $0x1;
	[dreg:$0x2] =	wrdreg s2  }
0xa9: {  	[dreg:$0x3] =	wrdreg s4  }
0xaa: {  	[dreg:$0x4] =	wrdreg $0xC0  }
0xab: {  	_ =	task [dreg:s6], $0x5FFFF  }
0xac: {  	[dreg:$0x1] =	wrdreg $0xFFFFFFFF  }
0xad: {  	[dreg:$0x0] =	wrdreg $0x60  }
0xae: {  	[dreg:$0x2] =	wrdreg s24  }
0xaf: {  	[dreg:$0x3] =	wrdreg $0x2A800  }
0xb0: {  	[dreg:$0x4] =	wrdreg $0x9  }
0xb1: {  	_ =	task.clear_ibuf [dreg:s6], $0x5FFFF;
	_ =	strace $0x90000046  }
0xb2: {  	s29 =	simm.s32 $0x9;
	_ =	strace $0x80000048  }
0xb3: {  	_ =	swait.ge [sflag:s29], $0x1  }
0xb4: {  	[sflag:s29] =	ssyncadd.s32 $0xFFFFFFFF  }
0xb5: {  	_ =	strace $0x90000048  }
0xb6: {  	_ =	sfence  }
0xb7: {  	s30 =	sld [smem:$0x0];
	_ =	sdelay $0x2  }
0xb8: {  	s31 =	sshll.u32 s1, $0xD;
	s1 =	sshrl.u32 s1, $0x2  }
0xb9: {  	s3 =	sand.u32 $0x4000, s31;
	s1 =	sadd.s32 s1, s30  }
0xba: {  	s0 =	sor.u32 s3, s0;
	s1 =	sshll.u32 s1, $0x11  }
0xbb: {  	s0 =	sor.u32 s1, s0  }
0xbc: {  	s0 =	sadd.s32 $0x8F2B, s0  }
0xbd: {  	[sflag:s0] =	ssyncadd.remote.s32 $0x1  }
0xbe: {  	_ =	sfence.sel $0xFFFF  }
0xbf: {  	[dreg:$0x0] =	wrdreg $0xFFFFFFFF;
	(pc) =	sbr.abs _section_cstart, $3  }
0xc0: {  	[dreg:$0x1] =	wrdreg $0xFFFFFFFF  }
0xc1: {  	_ =	task.clear_ibuf [dreg:s6], $0x2FFFF;
	_ =	strace $0x9FFFFFFF  }
0xc2: {  	(tm) =	ssettm $0x7FFFFFFF  }
0xc3: {  	_ =	shalt  }
tec
execute0_lowered:
.L_overlay_start_1:
0x0: {  	(tag) =	ssettag $0x1  }
0x1: {  	s0 =	rddreg [dreg:$0x0]  }
0x2: {  	s1 =	rddreg [dreg:$0x1];
	s2 =	srdreg.scid  }
0x3: {  	s4 =	stileid.u32;
	s17 =	simm.s32 $0x80;
	s18 =	simm.s32 $0x1  }
0x4: {  	s19 =	simm.s32 $0x280;
	s20 =	simm.s32 $0x100;
	s28 =	simm.s32 $0x7  }
0x5: {  	s29 =	simm.s32 $0x8;
	s30 =	simm.s32 $0x200;
	s31 =	simm.s32 $0x9  }
0x6: {  	s3 =	sand.u32 $0x1, s2;
	s2 =	simm.s32 $0x0;
	s16 =	sadd.s32 $0x4C00, s0  }
0x7: {  	s7 =	sadd.s32 $0x18600, s0;
	s9 =	smul.u32 $0x2710, s4;
	p0 =	sne.s32 s4, $0x0  }
0x8: {  	s5 =	sshll.u32 s3, $0x4;
	[smem:$0x7FF] =	sst s2;
	s6 =	smul.u32 $0x4E2, s3  }
0x9: {  	s21 =	ssub.s32 $0x2, s3;
	s3 =	smul.u32 $0x27100, s3;
	s5 =	sor.u32 s4, s5  }
0xa: {  	_ =	strace $0x80000047;
	[dreg:$0x3] =	wrdreg s7;
	s22 =	sshrl.u32 s21, $0x1  }
0xb: {  	s5 =	smul.u32 $0x2710, s5;
	s0 =	sadd.s32 s6, s0;
	s12 =	ssub.s32 s21, s22  }
0xc: {  	s3 =	sadd.s32 s9, s3;
	s21 =	simm.s32 $0x2;
	s22 =	simm.s32 $0x180  }
0xd: {  	s13 =	sadd.s32 $0x4E580, s3;
	s11 =	sadd.s32 $0x18C00, s0;
	s12 =	smax.u32 s12, $0x1  }
0xe: {  	s25 =	sadd.s32 $0x4E500, s3;
	s14 =	sadd.s32 $0x4E480, s3;
	s3 =	sadd.s32 $0x4E400, s3  }
0xf: {  	s5 =	sshrl.u32 s5, $0x3;
	s24 =	sshrl.u32 s13, $0x3;
	s0 =	sshrl.u32 s25, $0x3  }
0x10: {  	s15 =	sshrl.u32 s14, $0x3;
	s26 =	sshrl.u32 s3, $0x3;
	s25 =	simm.s32 $0x4  }
0x11: {  	s10 =	sadd.s32 s16, s5;
	s13 =	sadd.s32 s24, s16;
	s14 =	sadd.s32 s0, s16  }
0x12: {  	s15 =	sadd.s32 s15, s16;
	s16 =	sadd.s32 s26, s16;
	s24 =	simm.s32 $0x5  }
0x13: {  	s26 =	simm.s32 $0x6;
	s0 =	simm.s32 $0x0;
	s5 =	sadd.s32 $0x9C40, s10  }
0x14: {  	s23 =	sadd.s32 $0x9C50, s10;
	s6 =	sadd.s32 $0x9C60, s10;
	s7 =	sadd.s32 $0x9C70, s10  }
0x15: {  	s8 =	sadd.s32 $0xA100, s10;
	s9 =	sadd.s32 $0xA110, s10;
	[dreg:$0x4] =	wrdreg s5  }
0x16: {  	v0 =	vimm.f32 $1.000000000e+00;
	s10 =	sadd.s32 $0xA120, s10;
	[dreg:$0x5] =	wrdreg s23;
	s23 =	simm.s32 $0x3  }
.LBB2_1:
0x17: {  	s3 =	simm.s32 @!p0 $0x0;
	s4 =	simm.s32 @!p0 $0x300;
	s5 =	rddreg [dreg:$0x3]  }
0x18: {  	[tilespmem:s4], [sflag:$0x9] =	stream.linear.gather @!p0 [hbm4b:s5+s3], $0x2780, $0x38;
	[tilespmem:$0x2CF8] =	vst v63  }
0x19: {  	s3 =	simm.s32 @!p0 $0x9  }
0x1a: {  	_ =	swait.ge @!p0 [sflag:s3], $0x2780  }
0x1b: {  	[sflag:s3] =	ssyncset.done @!p0 $0x0  }
0x1c: {  	[sflag:s3] =	ssyncadd.s32 @!p0 $0xFFFFD880  }
0x1d: {  	[spmem:s1] =	stream.linear.scatter @!p0 [tilespmem:s4], [sflag:$0x9], $0x2780, $0x38;
	[tilespmem:$0x2CF8] =	vst v63  }
0x1e: {  	_ =	swait.ge @!p0 [sflag:s3], $0x2780  }
0x1f: {  	[sflag:s3] =	ssyncset.done @!p0 $0x0  }
0x20: {  	[sflag:s3] =	ssyncadd.s32 @!p0 $0xFFFFD880  }
0x21: {  	[tilespmem:$0x280] =	vst v0  }
0x22: {  	[tilespmem:$0x290] =	vst v0  }
0x23: {  	[tilespmem:$0x2A0] =	vst v0  }
0x24: {  	[tilespmem:$0x2B0] =	vst v0  }
0x25: {  	[tilespmem:$0x2C0] =	vst v0  }
0x26: {  	[tilespmem:$0x2D0] =	vst v0  }
0x27: {  	[tilespmem:$0x2E0] =	vst v0  }
0x28: {  	[tilespmem:$0x2F0] =	vst v0  }
0x29: {  	[bflag:$0x0] =	sbarrier.arrive $0xFFFF  }
0x2a: {  	s5 =	rddreg [dreg:$0x4]  }
0x2b: {  	[tilespmem:s2], [sflag:$0x1] =	stream.linear.gather [hbm4b:s5+s2], $0x80, $0x38;
	[tilespmem:$0x2CF8] =	vst v63  }
0x2c: {  	s4 =	rddreg [dreg:$0x5]  }
0x2d: {  	[tilespmem:s17], [sflag:$0x2] =	stream.linear.gather [hbm4b:s4+s2], $0x80, $0x38;
	[tilespmem:$0x2CF8] =	vst v63  }
0x2e: {  	_ =	swait.ge [sflag:s18], $0x80  }
0x2f: {  	[sflag:s18] =	ssyncset.done $0x0  }
0x30: {  	[sflag:s18] =	ssyncadd.s32 $0xFFFFFF80  }
0x31: {  	[spmem:s1] =	stream.indirect.scatter.add.f32 [tilespmem:s19], [sflag:$0x5], $0x1, s2, s17, $0xb8;
	[tilespmem:$0x2CF8] =	vst v63  }
0x32: {  	_ = 	snop  }
0x33: {  	[tilespmem:s20], [sflag:$0x3] =	stream.linear.gather [hbm4b:s6+s2], $0x80, $0x38;
	[tilespmem:$0x2CF8] =	vst v63  }
0x34: {  	_ =	swait.ge [sflag:s21], $0x80  }
0x35: {  	[sflag:s21] =	ssyncset.done $0x0  }
0x36: {  	[sflag:s21] =	ssyncadd.s32 $0xFFFFFF80  }
0x37: {  	[spmem:s1] =	stream.indirect.scatter.add.f32 [tilespmem:s19], [sflag:$0x6], $0x1, s17, s17, $0xb8;
	[tilespmem:$0x2CF8] =	vst v63  }
0x38: {  	_ = 	snop  }
0x39: {  	[tilespmem:s22], [sflag:$0x4] =	stream.linear.gather [hbm4b:s7+s2], $0x80, $0x38;
	[tilespmem:$0x2CF8] =	vst v63  }
0x3a: {  	_ =	swait.ge [sflag:s23], $0x80  }
0x3b: {  	[sflag:s23] =	ssyncset.done $0x0  }
0x3c: {  	[sflag:s23] =	ssyncadd.s32 $0xFFFFFF80  }
0x3d: {  	_ =	swait.ge [sflag:s24], $0x80  }
0x3e: {  	[sflag:s24] =	ssyncset.done $0x0  }
0x3f: {  	[sflag:s24] =	ssyncadd.s32 $0xFFFFFF80  }
0x40: {  	[spmem:s1] =	stream.indirect.scatter.add.f32 [tilespmem:s19], [sflag:$0x7], $0x1, s20, s17, $0xb8;
	[tilespmem:$0x2CF8] =	vst v63  }
0x41: {  	s5 =	sadd.s32 $0x0, s16  }
0x42: {  	[tilespmem:s2], [sflag:$0x1] =	stream.linear.gather [hbm4b:s5+s2], $0x80, $0x38;
	[tilespmem:$0x2CF8] =	vst v63  }
0x43: {  	_ =	swait.ge [sflag:s25], $0x80  }
0x44: {  	[sflag:s25] =	ssyncset.done $0x0  }
0x45: {  	[sflag:s25] =	ssyncadd.s32 $0xFFFFFF80  }
0x46: {  	_ =	swait.ge [sflag:s26], $0x80  }
0x47: {  	[sflag:s26] =	ssyncset.done $0x0  }
0x48: {  	[sflag:s26] =	ssyncadd.s32 $0xFFFFFF80  }
0x49: {  	[spmem:s1] =	stream.indirect.scatter.add.f32 [tilespmem:s19], [sflag:$0x8], $0x1, s22, s17, $0xb8;
	[tilespmem:$0x2CF8] =	vst v63  }
0x4a: {  	s4 =	sadd.s32 $0x0, s15  }
0x4b: {  	[tilespmem:s17], [sflag:$0x2] =	stream.linear.gather [hbm4b:s4+s2], $0x80, $0x38;
	[tilespmem:$0x2CF8] =	vst v63  }
0x4c: {  	_ =	swait.ge [sflag:s18], $0x80  }
0x4d: {  	[sflag:s18] =	ssyncset.done $0x0  }
0x4e: {  	[sflag:s18] =	ssyncadd.s32 $0xFFFFFF80  }
0x4f: {  	_ =	swait.ge [sflag:s28], $0x80  }
0x50: {  	[sflag:s28] =	ssyncset.done $0x0  }
0x51: {  	[sflag:s28] =	ssyncadd.s32 $0xFFFFFF80  }
0x52: {  	[spmem:s1] =	stream.indirect.scatter.add.f32 [tilespmem:s19], [sflag:$0x5], $0x1, s2, s17, $0xb8;
	[tilespmem:$0x2CF8] =	vst v63  }
0x53: {  	s5 =	sadd.s32 $0x0, s14  }
0x54: {  	[tilespmem:s20], [sflag:$0x3] =	stream.linear.gather [hbm4b:s5+s2], $0x80, $0x38;
	[tilespmem:$0x2CF8] =	vst v63  }
0x55: {  	_ =	swait.ge [sflag:s21], $0x80  }
0x56: {  	[sflag:s21] =	ssyncset.done $0x0  }
0x57: {  	[sflag:s21] =	ssyncadd.s32 $0xFFFFFF80  }
0x58: {  	_ =	swait.ge [sflag:s29], $0x80  }
0x59: {  	[sflag:s29] =	ssyncset.done $0x0  }
0x5a: {  	s3 =	simm.s32 $0x40;
	s4 =	sadd.s32 $0x0, s13;
	[sflag:s29] =	ssyncadd.s32 $0xFFFFFF80  }
0x5b: {  	[spmem:s1] =	stream.indirect.scatter.add.f32 [tilespmem:s19], [sflag:$0x6], $0x1, s17, s17, $0xb8;
	[tilespmem:$0x2CF8] =	vst v63  }
.LBB2_2:
0x5c: {  	[tilespmem:s22], [sflag:$0x4] =	stream.linear.gather [hbm4b:s4+s2], $0x80, $0x38;
	[tilespmem:$0x2CF8] =	vst v63  }
0x5d: {  	s4 =	smov.u32 s3  }
0x5e: {  	p1 =	sne.s32 s3, $0x440;
	s3 =	sadd.s32 $0x40, s3;
	_ =	swait.ge [sflag:s23], $0x80  }
0x5f: {  	[sflag:s23] =	ssyncset.done $0x0  }
0x60: {  	[sflag:s23] =	ssyncadd.s32 $0xFFFFFF80  }
0x61: {  	_ =	swait.ge [sflag:s24], $0x80  }
0x62: {  	[sflag:s24] =	ssyncset.done $0x0  }
0x63: {  	[sflag:s24] =	ssyncadd.s32 $0xFFFFFF80  }
0x64: {  	[spmem:s1] =	stream.indirect.scatter.add.f32 [tilespmem:s19], [sflag:$0x7], $0x1, s20, s17, $0xb8;
	[tilespmem:$0x2CF8] =	vst v63  }
0x65: {  	s5 =	sadd.s32 s4, s16  }
0x66: {  	[tilespmem:s2], [sflag:$0x1] =	stream.linear.gather [hbm4b:s5+s2], $0x80, $0x38;
	[tilespmem:$0x2CF8] =	vst v63  }
0x67: {  	_ =	swait.ge [sflag:s25], $0x80  }
0x68: {  	[sflag:s25] =	ssyncset.done $0x0  }
0x69: {  	[sflag:s25] =	ssyncadd.s32 $0xFFFFFF80  }
0x6a: {  	_ =	swait.ge [sflag:s26], $0x80  }
0x6b: {  	[sflag:s26] =	ssyncset.done $0x0  }
0x6c: {  	[sflag:s26] =	ssyncadd.s32 $0xFFFFFF80  }
0x6d: {  	[spmem:s1] =	stream.indirect.scatter.add.f32 [tilespmem:s19], [sflag:$0x8], $0x1, s22, s17, $0xb8;
	[tilespmem:$0x2CF8] =	vst v63  }
0x6e: {  	s5 =	sadd.s32 s4, s15  }
0x6f: {  	[tilespmem:s17], [sflag:$0x2] =	stream.linear.gather [hbm4b:s5+s2], $0x80, $0x38;
	[tilespmem:$0x2CF8] =	vst v63  }
0x70: {  	_ =	swait.ge [sflag:s18], $0x80  }
0x71: {  	[sflag:s18] =	ssyncset.done $0x0  }
0x72: {  	[sflag:s18] =	ssyncadd.s32 $0xFFFFFF80  }
0x73: {  	_ =	swait.ge [sflag:s28], $0x80  }
0x74: {  	[sflag:s28] =	ssyncset.done $0x0  }
0x75: {  	[sflag:s28] =	ssyncadd.s32 $0xFFFFFF80  }
0x76: {  	[spmem:s1] =	stream.indirect.scatter.add.f32 [tilespmem:s19], [sflag:$0x5], $0x1, s2, s17, $0xb8;
	[tilespmem:$0x2CF8] =	vst v63  }
0x77: {  	s5 =	sadd.s32 s4, s14  }
0x78: {  	[tilespmem:s20], [sflag:$0x3] =	stream.linear.gather [hbm4b:s5+s2], $0x80, $0x38;
	[tilespmem:$0x2CF8] =	vst v63  }
0x79: {  	_ =	swait.ge [sflag:s21], $0x80  }
0x7a: {  	[sflag:s21] =	ssyncset.done $0x0  }
0x7b: {  	[sflag:s21] =	ssyncadd.s32 $0xFFFFFF80  }
.Ltmp0:
0x7c: {  	_ =	swait.ge [sflag:s29], $0x80;
	(pc) =	sbr.rel @p1 .LBB2_2-.Ltmp0, $4  }
0x7d: {  	[sflag:s29] =	ssyncset.done $0x0  }
0x7e: {  	[sflag:s29] =	ssyncadd.s32 $0xFFFFFF80  }
0x7f: {  	[spmem:s1] =	stream.indirect.scatter.add.f32 [tilespmem:s19], [sflag:$0x6], $0x1, s17, s17, $0xb8;
	[tilespmem:$0x2CF8] =	vst v63  }
0x80: {  	s4 =	sadd.s32 s4, s13  }
0x81: {  	[tilespmem:s22], [sflag:$0x4] =	stream.linear.gather [hbm4b:s4+s2], $0x80, $0x38;
	[tilespmem:$0x2CF8] =	vst v63  }
0x82: {  	_ =	swait.ge [sflag:s23], $0x80  }
0x83: {  	[sflag:s23] =	ssyncset.done $0x0  }
0x84: {  	[sflag:s23] =	ssyncadd.s32 $0xFFFFFF80  }
0x85: {  	_ =	swait.ge [sflag:s24], $0x80  }
0x86: {  	[sflag:s24] =	ssyncset.done $0x0  }
0x87: {  	[sflag:s24] =	ssyncadd.s32 $0xFFFFFF80  }
0x88: {  	[spmem:s1] =	stream.indirect.scatter.add.f32 [tilespmem:s19], [sflag:$0x7], $0x1, s20, s17, $0xb8;
	[tilespmem:$0x2CF8] =	vst v63  }
0x89: {  	_ = 	snop  }
0x8a: {  	[tilespmem:s2], [sflag:$0x1] =	stream.linear.gather [hbm4b:s8+s2], $0x80, $0x38;
	[tilespmem:$0x2CF8] =	vst v63  }
0x8b: {  	_ =	swait.ge [sflag:s25], $0x80  }
0x8c: {  	[sflag:s25] =	ssyncset.done $0x0  }
0x8d: {  	[sflag:s25] =	ssyncadd.s32 $0xFFFFFF80  }
0x8e: {  	_ =	swait.ge [sflag:s26], $0x80  }
0x8f: {  	[sflag:s26] =	ssyncset.done $0x0  }
0x90: {  	[sflag:s26] =	ssyncadd.s32 $0xFFFFFF80  }
0x91: {  	[spmem:s1] =	stream.indirect.scatter.add.f32 [tilespmem:s19], [sflag:$0x8], $0x1, s22, s17, $0xb8;
	[tilespmem:$0x2CF8] =	vst v63  }
0x92: {  	_ = 	snop  }
0x93: {  	[tilespmem:s17], [sflag:$0x2] =	stream.linear.gather [hbm4b:s9+s2], $0x80, $0x38;
	[tilespmem:$0x2CF8] =	vst v63  }
0x94: {  	_ =	swait.ge [sflag:s18], $0x80  }
0x95: {  	[sflag:s18] =	ssyncset.done $0x0  }
0x96: {  	[sflag:s18] =	ssyncadd.s32 $0xFFFFFF80  }
0x97: {  	_ =	swait.ge [sflag:s28], $0x80  }
0x98: {  	[sflag:s28] =	ssyncset.done $0x0  }
0x99: {  	[sflag:s28] =	ssyncadd.s32 $0xFFFFFF80  }
0x9a: {  	[spmem:s1] =	stream.indirect.scatter.add.f32 [tilespmem:s19], [sflag:$0x5], $0x1, s2, s17, $0xb8;
	[tilespmem:$0x2CF8] =	vst v63  }
0x9b: {  	_ =	swait.ge [sflag:s21], $0x80  }
0x9c: {  	[sflag:s21] =	ssyncset.done $0x0  }
0x9d: {  	[sflag:s21] =	ssyncadd.s32 $0xFFFFFF80  }
0x9e: {  	_ =	swait.ge [sflag:s29], $0x80  }
0x9f: {  	[sflag:s29] =	ssyncset.done $0x0  }
0xa0: {  	[sflag:s29] =	ssyncadd.s32 $0xFFFFFF80  }
0xa1: {  	[spmem:s1] =	stream.indirect.scatter.add.f32 [tilespmem:s19], [sflag:$0x6], $0x1, s17, s17, $0xb8;
	[tilespmem:$0x2CF8] =	vst v63  }
0xa2: {  	_ =	swait.ge [sflag:s24], $0x80  }
0xa3: {  	[sflag:s24] =	ssyncset.done $0x0  }
0xa4: {  	[sflag:s24] =	ssyncadd.s32 $0xFFFFFF80  }
0xa5: {  	_ =	swait.ge [sflag:s26], $0x80  }
0xa6: {  	[sflag:s26] =	ssyncset.done $0x0  }
0xa7: {  	[sflag:s26] =	ssyncadd.s32 $0xFFFFFF80  }
0xa8: {  	[tilespmem:s30], [sflag:$0x9] =	stream.linear.gather [hbm4b:s10+s2], $0x10, $0x38;
	[tilespmem:$0x2CF8] =	vst v63  }
0xa9: {  	_ =	swait.ge [sflag:s31], $0x10  }
0xaa: {  	[sflag:s31] =	ssyncset.done $0x0  }
0xab: {  	s3 =	simm.s32 $0x10;
	[sflag:s31] =	ssyncadd.s32 $0xFFFFFFF0  }
0xac: {  	[spmem:s1] =	stream.indirect.scatter.add.f32 [tilespmem:s19], [sflag:$0x9], $0x1, s30, s3, $0xb8;
	[tilespmem:$0x2CF8] =	vst v63  }
0xad: {  	_ =	swait.ge [sflag:s31], $0x10  }
0xae: {  	[sflag:s31] =	ssyncset.done $0x0  }
0xaf: {  	[sflag:s31] =	ssyncadd.s32 $0xFFFFFFF0  }
0xb0: {  	s4 =	simm.s32 @!p0 $0x9;
	s3 =	simm.s32 @!p0 $0x300;
	[bflag:$0x0] =	sbarrier.arrive $0xFFFF  }
0xb1: {  	[tilespmem:s3], [sflag:$0x9] =	stream.linear.gather @!p0 [spmem:s1], $0x2780, $0x38;
	[tilespmem:$0x2CF8] =	vst v63  }
0xb2: {  	s0 =	sadd.s32 $0x1, s0;
	_ =	swait.ge @!p0 [sflag:s4], $0x2780  }
0xb3: {  	p1 =	sne.s32 s0, s12;
	[sflag:s4] =	ssyncset.done @!p0 $0x0  }
.Ltmp1:
0xb4: {  	s5 =	simm.s32 @!p0 $0x0;
	[sflag:s4] =	ssyncadd.s32 @!p0 $0xFFFFD880;
	(pc) =	sbr.rel @p1 .LBB2_1-.Ltmp1, $4  }
0xb5: {  	[hbm4b:s11+s5] =	stream.linear.scatter @!p0 [tilespmem:s3], [sflag:$0x9], $0x2710, $0x38;
	[tilespmem:$0x2CF8] =	vst v63  }
0xb6: {  	_ =	swait.ge @!p0 [sflag:s4], $0x2710  }
0xb7: {  	[sflag:s4] =	ssyncset.done @!p0 $0x0  }
0xb8: {  	[sflag:s4] =	ssyncadd.s32 @!p0 $0xFFFFD8F0  }
0xb9: {  	_ =	sfence.sel $0x180000  }
0xba: {  	[bflag:$0x0] =	sbarrier.arrive $0xFFFF  }
0xbb: {  	_ =	strace $0x90000047  }
0xbc: {  	[bflag:$0x2] =	sbarrier.arrive $0xFFFF  }
0xbd: {  	s0 =	rddreg [dreg:$0x2]  }
0xbe: {  	s0 =	sadd.s32 @!p0 $0x100000, s0  }
0xbf: {  	[sflag:s0] =	ssyncadd.tile.s32 @!p0 $0x1;
	_ =	shalt  }
.Lfunc_end2:
_tile_overlayer_lowered:
.L_overlay_start_2:
0xc0: {  	(tag) =	ssettag $0x2  }
0xc1: {  	s0 =	rddreg [dreg:$0x0];
	s2 =	stileid.u32  }
0xc2: {  	s1 =	rddreg [dreg:$0x1];
	p0 =	sne.s32 s2, $0x0  }
0xc3: {  	s3 =	rddreg [dreg:$0x2];
	[bflag:$0x3] =	sbarrier.arrive $0xFFFF;
	s2 =	simm.s32 @!p0 $0x1C09  }
0xc4: {  	[timem:s3], [sflag:s2] =	dma.local @!p0 [hbm:s0], s1  }
0xc5: {  	s0 =	simm.s32 @!p0 $0x9  }
0xc6: {  	_ =	swait.ge @!p0 [sflag:s0], s1  }
0xc7: {  	s1 =	ssub.s32 @!p0 $0x0, s1;
	[sflag:s0] =	ssyncset.done @!p0 $0x0  }
0xc8: {  	[sflag:s0] =	ssyncadd.s32 @!p0 s1  }
0xc9: {  	[bflag:$0x3] =	sbarrier.arrive $0xFFFF  }
0xca: {  	_ =	shalt  }

// kernel: kernel.14.cloned.1.call-start
scs
__scs_entry_jumppad:
0x0: {  	(pc) =	sbr.rel $0x88, $3  }
0x1: {  	(tag) =	ssettag $0x0;
	lr =	simm.s32 $0x1  }
0x2: {  	[smem:$0x3F8F] =	sst lr;
	_ =	strace $0xD0000000  }
0x3: {  	_ = 	snop  }
0x4: {  	_ = 	snop  }
0x5: {  	_ = 	snop  }
0x6: {  	_ = 	snop  }
0x7: {  	_ = 	snop  }
__scs_overlays_trampoline_lowered:
0x8: {  	[smem:$0x3F9E] =	sst s0  }
0x9: {  	[smem:$0x3F9F] =	sst s1  }
0xa: {  	[smem:$0x3FA0] =	sst s2  }
0xb: {  	[smem:$0x3FA1] =	sst s3  }
0xc: {  	[smem:$0x3FA2] =	sst s4  }
0xd: {  	[smem:$0x3FA3] =	sst s5  }
0xe: {  	[smem:$0x3FA4] =	sst s6  }
0xf: {  	[smem:$0x3FA5] =	sst s7  }
0x10: {  	[smem:$0x3FA6] =	sst s8  }
0x11: {  	[smem:$0x3FA7] =	sst s9;
	s0 =	simm.s32 @!p0 $0x0  }
0x12: {  	s1 =	sld [smem:$0x3F8D];
	s0 =	simm.s32 @p0 $0x1  }
0x13: {  	[smem:$0x3FA8] =	sst s0;
	s0 =	simm.s32 @!p1 $0x0  }
0x14: {  	s2 =	sld [smem:$0x3F8C];
	s0 =	simm.s32 @p1 $0x1  }
0x15: {  	[smem:$0x3FA9] =	sst s0;
	s0 =	simm.s32 @!p2 $0x0  }
0x16: {  	s3 =	sld [smem:$0x3FDB];
	s0 =	simm.s32 @p2 $0x1  }
0x17: {  	s4 =	simm.s32 $0x1BF5;
	[smem:$0x3FAB] =	sst s0  }
0x18: {  	s0 =	sld [smem:$0x3F8E];
	_ =	swait.ge [sflag:s4], $0x0  }
0x19: {  	s7 =	sld [smem:$0x3F8F]  }
0x1a: {  	s8 =	sadd.s32 $0xFFFFE003, lr  }
0x1b: {  	s9 =	sadd.s32 $0xFFFFFEF7, lr;
	s5 =	simm.s32 $0xFFFFFFFF;
	p2 =	slt.u32 s8, $0xFFFFF086  }
0x1c: {  	p1 =	slt.u32 s9, $0xF7A;
	s5 =	simm.s32 @!p2 $0x0  }
0x1d: {  	s5 =	simm.s32 @p1 $0x1;
	p0 =	seq.s32 s7, s2  }
0x1e: {  	s7 =	smul.u32 @!p0 $0xF7A, s2;
	p2 =	seq.s32 @!p0 s5, $0x0  }
0x1f: {  	s9 =	smul.u32 $0xF7A, s1;
	s8 =	simm.s32 @!p0 $0x1BF5;
	p2 =	por !p2, p0  }
0x20: {  	[sflag:s8] =	ssyncset.s32 @!p0 $0xFFFFF086;
	s6 =	sadd.s32 @!p0 s3, s7;
	s7 =	simm.s32 @!p0 $0x108  }
0x21: {  	s3 =	sadd.s32 s3, s9;
	s6 =	sadd.s32 @!p0 $0x88, s6;
	s7 =	simm.s32 @p2 $0x1082  }
0x22: {  	[simem:s7], [sflag:s8] =	dma.local @!p0 [hbm:s6], $0xF7A  }
0x23: {  	s9 =	sor.u32 $0xD0000000, s2;
	s6 =	simm.s32 $0x108;
	_ =	swait.ge @!p0 [sflag:s8], $0x0  }
0x24: {  	s3 =	sadd.s32 $0x88, s3;
	s6 =	simm.s32 @!p1 $0x1082;
	[sflag:s4] =	ssyncset.s32 $0xFFFFF086  }
0x25: {  	[simem:s6], [sflag:s4] =	dma.local [hbm:s3], $0xF7A  }
0x26: {  	[smem:$0x3F8F] =	sst s1;
	(tag) =	ssettag s2;
	_ =	strace s9  }
0x27: {  	s1 =	sld [smem:$0x3F9F]  }
0x28: {  	s2 =	sld [smem:$0x3FA0]  }
0x29: {  	s4 =	sld [smem:$0x3FA2]  }
0x2a: {  	p0 =	seq.s32 s5, $0x0;
	s5 =	sld [smem:$0x3FA3]  }
0x2b: {  	s6 =	sld [smem:$0x3FA4]  }
0x2c: {  	s7 =	sld [smem:$0x3FA5]  }
0x2d: {  	s3 =	simm.s32 $0x108;
	s8 =	sld [smem:$0x3FA6]  }
0x2e: {  	s3 =	simm.s32 @!p0 $0x1082;
	s9 =	sld [smem:$0x3FA7]  }
0x2f: {  	lr =	sadd.s32 s0, s3;
	s0 =	sld [smem:$0x3F9E]  }
0x30: {  	s3 =	sld [smem:$0x3FA1]  }
0x31: {  	[smem:$0x3FAA] =	sst s10  }
0x32: {  	s10 =	sld [smem:$0x3FA8];
	_ =	sdelay $0x3  }
0x33: {  	p0 =	seq.s32 s10, $0x1;
	s10 =	sld [smem:$0x3FAA];
	_ =	sdelay $0x3  }
0x34: {  	[smem:$0x3FAA] =	sst s10  }
0x35: {  	s10 =	sld [smem:$0x3FA9];
	_ =	sdelay $0x3  }
0x36: {  	p1 =	seq.s32 s10, $0x1;
	s10 =	sld [smem:$0x3FAA];
	_ =	sdelay $0x3  }
0x37: {  	[smem:$0x3FAA] =	sst s10  }
0x38: {  	s10 =	sld [smem:$0x3FAB]  }
0x39: {  	_ = 	snop;
	(pc) =	sbr.ind lr, $3  }
0x3a: {  	_ = 	snop  }
0x3b: {  	_ = 	snop  }
0x3c: {  	p2 =	seq.s32 s10, $0x1;
	s10 =	sld [smem:$0x3FAA]  }
0x3d: {  	_ =	shalt  }
0x3e: {  	_ =	shalt  }
0x3f: {  	_ =	shalt  }
0x40: {  	_ =	shalt  }
0x41: {  	_ =	shalt  }
0x42: {  	_ =	shalt  }
0x43: {  	_ =	shalt  }
0x44: {  	_ =	shalt  }
0x45: {  	_ =	shalt  }
0x46: {  	_ =	shalt  }
0x47: {  	_ =	shalt  }
0x48: {  	_ =	shalt  }
0x49: {  	_ =	shalt  }
0x4a: {  	_ =	shalt  }
0x4b: {  	_ =	shalt  }
0x4c: {  	_ =	shalt  }
0x4d: {  	_ =	shalt  }
0x4e: {  	_ =	shalt  }
0x4f: {  	_ =	shalt  }
0x50: {  	_ =	shalt  }
0x51: {  	_ =	shalt  }
0x52: {  	_ =	shalt  }
0x53: {  	_ =	shalt  }
0x54: {  	_ =	shalt  }
0x55: {  	_ =	shalt  }
0x56: {  	_ =	shalt  }
0x57: {  	_ =	shalt  }
0x58: {  	_ =	shalt  }
0x59: {  	_ =	shalt  }
0x5a: {  	_ =	shalt  }
0x5b: {  	_ =	shalt  }
0x5c: {  	_ =	shalt  }
0x5d: {  	_ =	shalt  }
0x5e: {  	_ =	shalt  }
0x5f: {  	_ =	shalt  }
0x60: {  	_ =	shalt  }
0x61: {  	_ =	shalt  }
0x62: {  	_ =	shalt  }
0x63: {  	_ =	shalt  }
0x64: {  	_ =	shalt  }
0x65: {  	_ =	shalt  }
0x66: {  	_ =	shalt  }
0x67: {  	_ =	shalt  }
0x68: {  	_ =	shalt  }
0x69: {  	_ =	shalt  }
0x6a: {  	_ =	shalt  }
0x6b: {  	_ =	shalt  }
0x6c: {  	_ =	shalt  }
0x6d: {  	_ =	shalt  }
0x6e: {  	_ =	shalt  }
0x6f: {  	_ =	shalt  }
0x70: {  	_ =	shalt  }
0x71: {  	_ =	shalt  }
0x72: {  	_ =	shalt  }
0x73: {  	_ =	shalt  }
0x74: {  	_ =	shalt  }
0x75: {  	_ =	shalt  }
0x76: {  	_ =	shalt  }
0x77: {  	_ =	shalt  }
0x78: {  	_ =	shalt  }
0x79: {  	_ =	shalt  }
0x7a: {  	_ =	shalt  }
0x7b: {  	_ =	shalt  }
0x7c: {  	_ =	shalt  }
0x7d: {  	_ =	shalt  }
0x7e: {  	_ =	shalt  }
0x7f: {  	_ =	shalt  }
0x80: {  	_ =	shalt  }
0x81: {  	_ =	shalt  }
0x82: {  	_ =	shalt  }
0x83: {  	_ =	shalt  }
0x84: {  	_ =	shalt  }
0x85: {  	_ =	shalt  }
0x86: {  	_ =	shalt  }
0x87: {  	_ =	shalt  }
.Lfunc_end0:
.L_simem_size_0:
called_computation.1_lowered:
.L_overlay_start_0:
0x88: {  	s2 =	sld [smem:$0x3FD9]  }
0x89: {  	s3 =	sld [smem:$0x3FFE];
	_ =	sdelay $0x1  }
0x8a: {  	s1 =	srdreg.scid  }
0x8b: {  	s0 =	sand.u32 $0x1, s1  }
0x8c: {  	s16 =	sshll.u32 s0, $0xA;
	s2 =	sadd.s32 s3, s2  }
0x8d: {  	s2 =	sadd.s32 s2, s16  }
0x8e: {  	[smem:$0x3FB6] =	sst s2  }
0x8f: {  	_ = 	snop  }
0x90: {  	(tm) =	ssettm $0x1  }
0x91: {  	s17 =	sld [smem:$0x3FFB];
	_ =	sdelay $0x3  }
0x92: {  	_ =	strace s17  }
0x93: {  	s2 =	sld [smem:$0x3FFC];
	_ =	sdelay $0x3  }
0x94: {  	_ =	strace s2  }
0x95: {  	s2 =	sld [smem:$0x3FFD];
	_ =	sdelay $0x3  }
0x96: {  	_ =	strace s2  }
0x97: {  	_ =	strace $0x8FFFFFFF  }
0x98: {  	s18 =	sld [smem:$0x3FDB];
	_ =	sdelay $0x1  }
0x99: {  	s19 =	simm.s32 $_scs_section_size  }
0x9a: {  	s4 =	simm.s32 $_size__tile_overlayer_lowered;
	s5 =	simm.s32 $_tile_overlayer_lowered  }
0x9b: {  	s22 =	simm.s32 $0x1BFF;
	s21 =	sshll.u32 s5, $0x1;
	s2 =	sadd.s32 s19, s18  }
0x9c: {  	s6 =	simm.s32 $0x0;
	s20 =	sshll.u32 s4, $0x1;
	s4 =	sadd.s32 s21, s2  }
0x9d: {  	[timem:s6], [sflag:s22] =	dma.local [hbm:s4], s20  }
0x9e: {  	_ =	swait.ge [sflag:s22], s20  }
0x9f: {  	s3 =	ssub.s32 $0x0, s20;
	[sflag:s22] =	ssyncset.done $0x0  }
0xa0: {  	[sflag:s22] =	ssyncadd.s32 s3;
	_ =	sdelay $0x1  }
0xa1: {  	s23 =	simm.s32 $0x1B8B  }
0xa2: {  	_ =	swait.ge [sflag:s23], $0x1  }
0xa3: {  	[sflag:s23] =	ssyncset.done $0x0  }
0xa4: {  	s25 =	simm.s32 $0x1B8E;
	s24 =	sld [smem:$0x3FFE];
	[sflag:s23] =	ssyncadd.s32 $0xFFFFFFFF  }
0xa5: {  	s26 =	simm.s32 $execute0_lowered;
	[smem:$0x3FD2] =	sst s25  }
0xa6: {  	s4 =	sshll.u32 s26, $0x1;
	_ =	strace $0x80000049;
	[dreg:$0x1] =	wrdreg $0xFFFFFFFF  }
0xa7: {  	s28 =	simm.s32 $_size_execute0_lowered;
	s2 =	sadd.s32 s2, s4;
	[dreg:$0x0] =	wrdreg $0x0  }
0xa8: {  	s4 =	sshll.u32 s28, $0x1;
	[dreg:$0x2] =	wrdreg s2  }
0xa9: {  	[dreg:$0x3] =	wrdreg s4  }
0xaa: {  	[dreg:$0x4] =	wrdreg $0xC0  }
0xab: {  	_ =	task [dreg:s6], $0x5FFFF  }
0xac: {  	[dreg:$0x1] =	wrdreg $0xFFFFFFFF  }
0xad: {  	[dreg:$0x0] =	wrdreg $0x60  }
0xae: {  	[dreg:$0x2] =	wrdreg s24  }
0xaf: {  	[dreg:$0x3] =	wrdreg $0xC3800  }
0xb0: {  	[dreg:$0x4] =	wrdreg $0x9  }
0xb1: {  	_ =	task.clear_ibuf [dreg:s6], $0x5FFFF;
	_ =	strace $0x90000049  }
0xb2: {  	s29 =	simm.s32 $0x9;
	_ =	strace $0x8000004B  }
0xb3: {  	_ =	swait.ge [sflag:s29], $0x1  }
0xb4: {  	[sflag:s29] =	ssyncadd.s32 $0xFFFFFFFF  }
0xb5: {  	_ =	strace $0x9000004B  }
0xb6: {  	_ =	sfence  }
0xb7: {  	s30 =	sld [smem:$0x0];
	_ =	sdelay $0x2  }
0xb8: {  	s31 =	sshll.u32 s1, $0xD;
	s1 =	sshrl.u32 s1, $0x2  }
0xb9: {  	s3 =	sand.u32 $0x4000, s31;
	s1 =	sadd.s32 s1, s30  }
0xba: {  	s0 =	sor.u32 s3, s0;
	s1 =	sshll.u32 s1, $0x11  }
0xbb: {  	s0 =	sor.u32 s1, s0  }
0xbc: {  	s0 =	sadd.s32 $0x8F2B, s0  }
0xbd: {  	[sflag:s0] =	ssyncadd.remote.s32 $0x1  }
0xbe: {  	_ =	sfence.sel $0xFFFF  }
0xbf: {  	[dreg:$0x0] =	wrdreg $0xFFFFFFFF;
	(pc) =	sbr.abs _section_cstart, $3  }
0xc0: {  	[dreg:$0x1] =	wrdreg $0xFFFFFFFF  }
0xc1: {  	_ =	task.clear_ibuf [dreg:s6], $0x2FFFF;
	_ =	strace $0x9FFFFFFF  }
0xc2: {  	(tm) =	ssettm $0x7FFFFFFF  }
0xc3: {  	_ =	shalt  }
tec
execute0_lowered:
.L_overlay_start_1:
0x0: {  	(tag) =	ssettag $0x1  }
0x1: {  	s0 =	rddreg [dreg:$0x0]  }
0x2: {  	s1 =	rddreg [dreg:$0x1];
	s2 =	simm.s32 $0x0;
	s3 =	srdreg.scid  }
0x3: {  	s12 =	stileid.u32;
	s28 =	simm.s32 $0x180;
	s29 =	simm.s32 $0x1  }
0x4: {  	s30 =	simm.s32 $0x80;
	s31 =	simm.s32 $0x380;
	[smem:$0x7FF] =	sst s2  }
0x5: {  	s3 =	sand.u32 $0x1, s3;
	s4 =	sadd.s32 $0x18600, s0;
	s6 =	smul.u32 $0x50000, s12  }
0x6: {  	s7 =	sadd.s32 $0x4C00, s0;
	s10 =	smul.u32 $0x2800, s12;
	s11 =	sadd.s32 $0x3F800, s0  }
0x7: {  	s13 =	sadd.s32 $0x12C000, s1;
	s14 =	smul.u32 $0x14000, s12;
	s0 =	sadd.s32 $0x3DE00, s0  }
0x8: {  	s19 =	smul.u32 $0x2710, s12;
	p0 =	seq.s32 s12, $0xF;
	_ =	strace $0x8000004A  }
0x9: {  	s5 =	sshll.u32 s3, $0x4;
	s8 =	ssub.s32 $0x2, s3;
	[dreg:$0xa] =	wrdreg s13  }
0xa: {  	[dreg:$0xc] =	wrdreg s0;
	s16 =	smul.u32 $0x27100, s3;
	s5 =	sor.u32 s12, s5  }
0xb: {  	s9 =	sshrl.u32 s8, $0x1;
	s6 =	sshrl.u32 s6, $0x2;
	s10 =	sadd.s32 s4, s10  }
0xc: {  	s12 =	simm.s32 $0x8380;
	s5 =	smul.u32 $0x2710, s5;
	s8 =	ssub.s32 s8, s9  }
0xd: {  	s6 =	sadd.s32 s6, s1;
	[dreg:$0x9] =	wrdreg s10;
	s0 =	sadd.s32 s19, s16  }
0xe: {  	[dreg:$0x8] =	wrdreg s6;
	s6 =	smul.u32 $0x138800, s3;
	s5 =	sshrl.u32 s5, $0x3  }
0xf: {  	s26 =	sadd.s32 $0x380, s0;
	s9 =	sadd.s32 $0x4E400, s0;
	s10 =	sadd.s32 s7, s5  }
0x10: {  	s13 =	sadd.s32 $0x300, s0;
	s15 =	sadd.s32 $0x9C40, s10;
	[dreg:$0xb] =	wrdreg s10  }
0x11: {  	s5 =	sadd.s32 s14, s6;
	s17 =	sadd.s32 $0x10, s10;
	[dreg:$0xd] =	wrdreg s15  }
0x12: {  	s6 =	sshrl.u32 s6, $0x3;
	s18 =	sadd.s32 $0x20, s10;
	[dreg:$0xe] =	wrdreg s17  }
0x13: {  	s14 =	sadd.s32 $0x4E380, s0;
	s20 =	sadd.s32 $0x30, s10;
	[dreg:$0xf] =	wrdreg s18  }
0x14: {  	s21 =	sadd.s32 $0x9C50, s10;
	s22 =	sadd.s32 $0x40, s10;
	[dreg:$0x10] =	wrdreg s20  }
0x15: {  	s23 =	sadd.s32 $0x9C60, s10;
	s24 =	sadd.s32 $0x4D0, s10;
	[dreg:$0x11] =	wrdreg s21  }
0x16: {  	s25 =	sshrl.u32 s5, $0x3;
	s5 =	sshrl.u32 s26, $0x3;
	[dreg:$0x12] =	wrdreg s22  }
0x17: {  	s16 =	sshrl.u32 s14, $0x3;
	s19 =	sadd.s32 $0xA0F0, s10;
	[dreg:$0x13] =	wrdreg s23  }
0x18: {  	s26 =	sadd.s32 $0xA120, s10;
	s14 =	simm.s32 $0x5;
	[dreg:$0x14] =	wrdreg s24  }
0x19: {  	s3 =	sadd.s32 s11, s25;
	s5 =	sadd.s32 s5, s7;
	[dreg:$0x16] =	wrdreg s19  }
0x1a: {  	s17 =	sadd.s32 s16, s7;
	s18 =	sadd.s32 $0x4E480, s0;
	[dreg:$0x1c] =	wrdreg s26  }
0x1b: {  	s21 =	sadd.s32 $0xA100, s10;
	s0 =	sadd.s32 $0x280, s0;
	[dreg:$0x15] =	wrdreg s3  }
0x1c: {  	s22 =	sadd.s32 $0xA110, s10;
	s23 =	sadd.s32 $0x4E0, s10;
	[dreg:$0x3] =	wrdreg s5  }
0x1d: {  	s25 =	smax.u32 s8, $0x1;
	s10 =	simm.s32 $0x8;
	[dreg:$0x6] =	wrdreg s17  }
0x1e: {  	s16 =	simm.s32 $0xA;
	s19 =	simm.s32 $0xC;
	[dreg:$0x17] =	wrdreg s21  }
0x1f: {  	s3 =	sadd.s32 s11, s6;
	s11 =	sshrl.u32 s9, $0x3;
	[dreg:$0x18] =	wrdreg s22  }
0x20: {  	s6 =	sshrl.u32 s13, $0x3;
	s20 =	sshrl.u32 s18, $0x3;
	[dreg:$0x19] =	wrdreg s23  }
0x21: {  	s0 =	sshrl.u32 s0, $0x3;
	[dreg:$0x1b] =	wrdreg s25;
	s9 =	simm.s32 $0x4  }
0x22: {  	s13 =	simm.s32 $0x280;
	s17 =	simm.s32 $0x6;
	s18 =	simm.s32 $0xB  }
0x23: {  	s5 =	sadd.s32 s11, s7;
	s15 =	sadd.s32 s6, s7;
	s22 =	sadd.s32 s0, s7  }
0x24: {  	s24 =	sadd.s32 $0x25800, s3;
	s0 =	simm.s32 $0x100;
	[dreg:$0x4] =	wrdreg s5  }
0x25: {  	s3 =	simm.s32 $0x7;
	s6 =	simm.s32 $0x4380;
	[dreg:$0x5] =	wrdreg s15  }
0x26: {  	s11 =	simm.s32 $0x3;
	s5 =	sadd.s32 s20, s7;
	[dreg:$0x1a] =	wrdreg s24  }
0x27: {  	s7 =	simm.s32 $0x200;
	s15 =	simm.s32 $0x9;
	s20 =	simm.s32 $0xD  }
0x28: {  	s24 =	simm.s32 $0x0;
	[dreg:$0x7] =	wrdreg s5;
	s5 =	simm.s32 $0x2  }
.LBB2_1:
0x29: {  	s8 =	rddreg [dreg:$0xa]  }
0x2a: {  	s21 =	rddreg [dreg:$0xc];
	s23 =	sshrl.u32 @p0 s8, $0x3  }
0x2b: {  	s8 =	simm.s32 @p0 $0x1FCD;
	[dreg:$0x1d] =	wrdreg s23  }
0x2c: {  	[spmem:s23], [sflag:s8] =	dma.local @p0 [hbm:s21], $0x1900  }
0x2d: {  	s8 =	simm.s32 @p0 $0xD  }
0x2e: {  	s21 =	stileid.u32;
	_ =	swait.ge @p0 [sflag:s8], $0x1900  }
0x2f: {  	s21 =	sshll.u32 @!p0 s21, $0x6;
	[sflag:s8] =	ssyncset.done @p0 $0x0  }
0x30: {  	s23 =	sor.u32 @!p0 $0x1C0D, s21;
	[sflag:s8] =	ssyncadd.s32 @p0 $0xFFFFE700;
	s8 =	rddreg [dreg:$0x8]  }
0x31: {  	[dreg:$0x1e] =	wrdreg s23  }
0x32: {  	s21 =	sshrl.u32 @!p0 s8, $0x3;
	s8 =	rddreg [dreg:$0x9]  }
0x33: {  	[spmem:s21], [sflag:s23] =	dma.local @!p0 [hbm:s8], $0x2800  }
0x34: {  	s8 =	simm.s32 @!p0 $0xD  }
0x35: {  	_ =	swait.ge @!p0 [sflag:s8], $0x2800  }
0x36: {  	[sflag:s8] =	ssyncset.done @!p0 $0x0  }
0x37: {  	[sflag:s8] =	ssyncadd.s32 @!p0 $0xFFFFD800  }
0x38: {  	[bflag:$0x0] =	sbarrier.arrive $0xFFFF  }
0x39: {  	s26 =	rddreg [dreg:$0xb]  }
0x3a: {  	[tilespmem:s2], [sflag:$0x1] =	stream.linear.gather [hbm4b:s26+s2], $0x80, $0x38;
	[tilespmem:$0x1FC00] =	vst v63  }
0x3b: {  	s23 =	rddreg [dreg:$0xd]  }
0x3c: {  	[tilespmem:s28], [sflag:$0x4] =	stream.linear.gather [hbm4b:s23+s2], $0x80, $0x38;
	[tilespmem:$0x1FC00] =	vst v63  }
0x3d: {  	_ =	swait.ge [sflag:s29], $0x80  }
0x3e: {  	[sflag:s29] =	ssyncset.done $0x0  }
0x3f: {  	[sflag:s29] =	ssyncadd.s32 $0xFFFFFF80  }
0x40: {  	[tilespmem:s31], [sflag:$0x7] =	stream.indirect.gather [hbm4b:s4+s30], $0x80, s2, s30, $0xb8;
	[tilespmem:$0x1FC00] =	vst v63  }
0x41: {  	s25 =	rddreg [dreg:$0xe]  }
0x42: {  	[tilespmem:s30], [sflag:$0x2] =	stream.linear.gather [hbm4b:s25+s2], $0x80, $0x38;
	[tilespmem:$0x1FC00] =	vst v63  }
0x43: {  	s26 =	rddreg [dreg:$0xf]  }
0x44: {  	[tilespmem:s0], [sflag:$0x3] =	stream.linear.gather [hbm4b:s26+s2], $0x80, $0x38;
	[tilespmem:$0x1FC00] =	vst v63  }
0x45: {  	_ =	swait.ge [sflag:s3], $0x4000  }
0x46: {  	[sflag:s3] =	ssyncset.done $0x0  }
0x47: {  	[sflag:s3] =	ssyncadd.s32 $0xFFFFC000  }
0x48: {  	_ =	swait.ge [sflag:s5], $0x80  }
0x49: {  	[sflag:s5] =	ssyncset.done $0x0  }
0x4a: {  	[sflag:s5] =	ssyncadd.s32 $0xFFFFFF80  }
0x4b: {  	[tilespmem:s6], [sflag:$0x8] =	stream.indirect.gather [hbm4b:s4+s30], $0x80, s30, s30, $0xb8;
	[tilespmem:$0x1FC00] =	vst v63  }
0x4c: {  	s23 =	rddreg [dreg:$0x10]  }
0x4d: {  	[tilespmem:s2], [sflag:$0x1] =	stream.linear.gather [hbm4b:s23+s2], $0x80, $0x38;
	[tilespmem:$0x1FC00] =	vst v63  }
0x4e: {  	s25 =	rddreg [dreg:$0x11]  }
0x4f: {  	[tilespmem:s7], [sflag:$0x5] =	stream.linear.gather [hbm4b:s25+s2], $0x80, $0x38;
	[tilespmem:$0x1FC00] =	vst v63  }
0x50: {  	_ =	swait.ge [sflag:s9], $0x80  }
0x51: {  	[sflag:s9] =	ssyncset.done $0x0  }
0x52: {  	[sflag:s9] =	ssyncadd.s32 $0xFFFFFF80  }
0x53: {  	[spmem:s1] =	stream.indirect.scatter.add.f32 [tilespmem:s31], [sflag:$0xA], $0x80, s28, s30, $0xb8;
	[tilespmem:$0x1FC00] =	vst v63  }
0x54: {  	_ =	swait.ge [sflag:s10], $0x4000  }
0x55: {  	[sflag:s10] =	ssyncset.done $0x0  }
0x56: {  	[sflag:s10] =	ssyncadd.s32 $0xFFFFC000  }
0x57: {  	_ =	swait.ge [sflag:s11], $0x80  }
0x58: {  	[sflag:s11] =	ssyncset.done $0x0  }
0x59: {  	[sflag:s11] =	ssyncadd.s32 $0xFFFFFF80  }
0x5a: {  	[tilespmem:s12], [sflag:$0x9] =	stream.indirect.gather [hbm4b:s4+s30], $0x80, s0, s30, $0xb8;
	[tilespmem:$0x1FC00] =	vst v63  }
0x5b: {  	s26 =	rddreg [dreg:$0x12]  }
0x5c: {  	[tilespmem:s30], [sflag:$0x2] =	stream.linear.gather [hbm4b:s26+s2], $0x80, $0x38;
	[tilespmem:$0x1FC00] =	vst v63  }
0x5d: {  	s23 =	rddreg [dreg:$0x13]  }
0x5e: {  	[tilespmem:s13], [sflag:$0x6] =	stream.linear.gather [hbm4b:s23+s2], $0x80, $0x38;
	[tilespmem:$0x1FC00] =	vst v63  }
0x5f: {  	_ =	swait.ge [sflag:s14], $0x80  }
0x60: {  	[sflag:s14] =	ssyncset.done $0x0  }
0x61: {  	[sflag:s14] =	ssyncadd.s32 $0xFFFFFF80  }
0x62: {  	[spmem:s1] =	stream.indirect.scatter.add.f32 [tilespmem:s6], [sflag:$0xB], $0x80, s7, s30, $0xb8;
	[tilespmem:$0x1FC00] =	vst v63  }
0x63: {  	_ =	swait.ge [sflag:s15], $0x4000  }
0x64: {  	[sflag:s15] =	ssyncset.done $0x0  }
0x65: {  	[sflag:s15] =	ssyncadd.s32 $0xFFFFC000  }
0x66: {  	_ =	swait.ge [sflag:s29], $0x80  }
0x67: {  	[sflag:s29] =	ssyncset.done $0x0  }
0x68: {  	[sflag:s29] =	ssyncadd.s32 $0xFFFFFF80  }
0x69: {  	_ =	swait.ge [sflag:s16], $0x4000  }
0x6a: {  	[sflag:s16] =	ssyncset.done $0x0  }
0x6b: {  	[sflag:s16] =	ssyncadd.s32 $0xFFFFC000  }
0x6c: {  	[tilespmem:s31], [sflag:$0x7] =	stream.indirect.gather [hbm4b:s4+s30], $0x80, s2, s30, $0xb8;
	[tilespmem:$0x1FC00] =	vst v63  }
0x6d: {  	s26 =	sadd.s32 $0x0, s22;
	s25 =	rddreg [dreg:$0x6]  }
0x6e: {  	[tilespmem:s0], [sflag:$0x3] =	stream.linear.gather [hbm4b:s26+s2], $0x80, $0x38;
	[tilespmem:$0x1FC00] =	vst v63  }
0x6f: {  	s8 =	sadd.s32 $0x0, s25  }
0x70: {  	[tilespmem:s28], [sflag:$0x4] =	stream.linear.gather [hbm4b:s8+s2], $0x80, $0x38;
	[tilespmem:$0x1FC00] =	vst v63  }
0x71: {  	_ =	swait.ge [sflag:s17], $0x80  }
0x72: {  	[sflag:s17] =	ssyncset.done $0x0  }
0x73: {  	[sflag:s17] =	ssyncadd.s32 $0xFFFFFF80  }
0x74: {  	[spmem:s1] =	stream.indirect.scatter.add.f32 [tilespmem:s12], [sflag:$0xC], $0x80, s13, s30, $0xb8;
	[tilespmem:$0x1FC00] =	vst v63  }
0x75: {  	_ =	swait.ge [sflag:s3], $0x4000  }
0x76: {  	[sflag:s3] =	ssyncset.done $0x0  }
0x77: {  	[sflag:s3] =	ssyncadd.s32 $0xFFFFC000  }
0x78: {  	_ =	swait.ge [sflag:s5], $0x80  }
0x79: {  	[sflag:s5] =	ssyncset.done $0x0  }
0x7a: {  	[sflag:s5] =	ssyncadd.s32 $0xFFFFFF80  }
0x7b: {  	_ =	swait.ge [sflag:s18], $0x4000  }
0x7c: {  	[sflag:s18] =	ssyncset.done $0x0  }
0x7d: {  	s23 =	rddreg [dreg:$0x5];
	[sflag:s18] =	ssyncadd.s32 $0xFFFFC000  }
0x7e: {  	[tilespmem:s6], [sflag:$0x8] =	stream.indirect.gather [hbm4b:s4+s30], $0x80, s30, s30, $0xb8;
	[tilespmem:$0x1FC00] =	vst v63  }
0x7f: {  	s25 =	rddreg [dreg:$0x4];
	s8 =	sadd.s32 $0x0, s23  }
0x80: {  	[tilespmem:s2], [sflag:$0x1] =	stream.linear.gather [hbm4b:s8+s2], $0x80, $0x38;
	[tilespmem:$0x1FC00] =	vst v63  }
0x81: {  	s26 =	sadd.s32 $0x0, s25  }
0x82: {  	[tilespmem:s7], [sflag:$0x5] =	stream.linear.gather [hbm4b:s26+s2], $0x80, $0x38;
	[tilespmem:$0x1FC00] =	vst v63  }
0x83: {  	_ =	swait.ge [sflag:s9], $0x80  }
0x84: {  	[sflag:s9] =	ssyncset.done $0x0  }
0x85: {  	[sflag:s9] =	ssyncadd.s32 $0xFFFFFF80  }
0x86: {  	[spmem:s1] =	stream.indirect.scatter.add.f32 [tilespmem:s31], [sflag:$0xA], $0x80, s28, s30, $0xb8;
	[tilespmem:$0x1FC00] =	vst v63  }
0x87: {  	_ =	swait.ge [sflag:s10], $0x4000  }
0x88: {  	[sflag:s10] =	ssyncset.done $0x0  }
0x89: {  	[sflag:s10] =	ssyncadd.s32 $0xFFFFC000  }
0x8a: {  	_ =	swait.ge [sflag:s11], $0x80  }
0x8b: {  	[sflag:s11] =	ssyncset.done $0x0  }
0x8c: {  	[sflag:s11] =	ssyncadd.s32 $0xFFFFFF80  }
0x8d: {  	_ =	swait.ge [sflag:s19], $0x4000  }
0x8e: {  	[sflag:s19] =	ssyncset.done $0x0  }
0x8f: {  	s23 =	rddreg [dreg:$0x3];
	[sflag:s19] =	ssyncadd.s32 $0xFFFFC000  }
0x90: {  	[tilespmem:s12], [sflag:$0x9] =	stream.indirect.gather [hbm4b:s4+s30], $0x80, s0, s30, $0xb8;
	[tilespmem:$0x1FC00] =	vst v63  }
0x91: {  	s25 =	rddreg [dreg:$0x7];
	s8 =	sadd.s32 $0x0, s23  }
0x92: {  	[tilespmem:s30], [sflag:$0x2] =	stream.linear.gather [hbm4b:s8+s2], $0x80, $0x38;
	[tilespmem:$0x1FC00] =	vst v63  }
0x93: {  	s26 =	sadd.s32 $0x0, s25  }
0x94: {  	[tilespmem:s13], [sflag:$0x6] =	stream.linear.gather [hbm4b:s26+s2], $0x80, $0x38;
	[tilespmem:$0x1FC00] =	vst v63  }
0x95: {  	_ =	swait.ge [sflag:s14], $0x80  }
0x96: {  	[sflag:s14] =	ssyncset.done $0x0  }
0x97: {  	s23 =	simm.s32 $0x30;
	[sflag:s14] =	ssyncadd.s32 $0xFFFFFF80  }
.LBB2_2:
0x98: {  	[spmem:s1] =	stream.indirect.scatter.add.f32 [tilespmem:s6], [sflag:$0xB], $0x80, s7, s30, $0xb8;
	[tilespmem:$0x1FC00] =	vst v63  }
0x99: {  	_ =	swait.ge [sflag:s15], $0x4000  }
0x9a: {  	[sflag:s15] =	ssyncset.done $0x0  }
0x9b: {  	[sflag:s15] =	ssyncadd.s32 $0xFFFFC000  }
0x9c: {  	_ =	swait.ge [sflag:s29], $0x80  }
0x9d: {  	[sflag:s29] =	ssyncset.done $0x0  }
0x9e: {  	[sflag:s29] =	ssyncadd.s32 $0xFFFFFF80  }
0x9f: {  	_ =	swait.ge [sflag:s16], $0x4000  }
0xa0: {  	[sflag:s16] =	ssyncset.done $0x0  }
0xa1: {  	s8 =	smov.u32 s23;
	[sflag:s16] =	ssyncadd.s32 $0xFFFFC000  }
0xa2: {  	[tilespmem:s31], [sflag:$0x7] =	stream.indirect.gather [hbm4b:s4+s30], $0x80, s2, s30, $0xb8;
	[tilespmem:$0x1FC00] =	vst v63  }
0xa3: {  	s26 =	sadd.s32 s8, s22;
	s25 =	rddreg [dreg:$0x6]  }
0xa4: {  	[tilespmem:s0], [sflag:$0x3] =	stream.linear.gather [hbm4b:s26+s2], $0x80, $0x38;
	[tilespmem:$0x1FC00] =	vst v63  }
0xa5: {  	s25 =	sadd.s32 s8, s25  }
0xa6: {  	[tilespmem:s28], [sflag:$0x4] =	stream.linear.gather [hbm4b:s25+s2], $0x80, $0x38;
	[tilespmem:$0x1FC00] =	vst v63  }
0xa7: {  	_ =	swait.ge [sflag:s17], $0x80  }
0xa8: {  	[sflag:s17] =	ssyncset.done $0x0  }
0xa9: {  	[sflag:s17] =	ssyncadd.s32 $0xFFFFFF80  }
0xaa: {  	[spmem:s1] =	stream.indirect.scatter.add.f32 [tilespmem:s12], [sflag:$0xC], $0x80, s13, s30, $0xb8;
	[tilespmem:$0x1FC00] =	vst v63  }
0xab: {  	_ =	swait.ge [sflag:s3], $0x4000  }
0xac: {  	[sflag:s3] =	ssyncset.done $0x0  }
0xad: {  	[sflag:s3] =	ssyncadd.s32 $0xFFFFC000  }
0xae: {  	_ =	swait.ge [sflag:s5], $0x80  }
0xaf: {  	[sflag:s5] =	ssyncset.done $0x0  }
0xb0: {  	[sflag:s5] =	ssyncadd.s32 $0xFFFFFF80  }
0xb1: {  	_ =	swait.ge [sflag:s18], $0x4000  }
0xb2: {  	[sflag:s18] =	ssyncset.done $0x0  }
0xb3: {  	s25 =	rddreg [dreg:$0x5];
	[sflag:s18] =	ssyncadd.s32 $0xFFFFC000  }
0xb4: {  	[tilespmem:s6], [sflag:$0x8] =	stream.indirect.gather [hbm4b:s4+s30], $0x80, s30, s30, $0xb8;
	[tilespmem:$0x1FC00] =	vst v63  }
0xb5: {  	s26 =	rddreg [dreg:$0x4];
	s25 =	sadd.s32 s8, s25  }
0xb6: {  	[tilespmem:s2], [sflag:$0x1] =	stream.linear.gather [hbm4b:s25+s2], $0x80, $0x38;
	[tilespmem:$0x1FC00] =	vst v63  }
0xb7: {  	s26 =	sadd.s32 s8, s26  }
0xb8: {  	[tilespmem:s7], [sflag:$0x5] =	stream.linear.gather [hbm4b:s26+s2], $0x80, $0x38;
	[tilespmem:$0x1FC00] =	vst v63  }
0xb9: {  	_ =	swait.ge [sflag:s9], $0x80  }
0xba: {  	[sflag:s9] =	ssyncset.done $0x0  }
0xbb: {  	[sflag:s9] =	ssyncadd.s32 $0xFFFFFF80  }
0xbc: {  	[spmem:s1] =	stream.indirect.scatter.add.f32 [tilespmem:s31], [sflag:$0xA], $0x80, s28, s30, $0xb8;
	[tilespmem:$0x1FC00] =	vst v63  }
0xbd: {  	_ =	swait.ge [sflag:s10], $0x4000  }
0xbe: {  	[sflag:s10] =	ssyncset.done $0x0  }
0xbf: {  	[sflag:s10] =	ssyncadd.s32 $0xFFFFC000  }
0xc0: {  	_ =	swait.ge [sflag:s11], $0x80  }
0xc1: {  	[sflag:s11] =	ssyncset.done $0x0  }
0xc2: {  	[sflag:s11] =	ssyncadd.s32 $0xFFFFFF80  }
0xc3: {  	_ =	swait.ge [sflag:s19], $0x4000  }
0xc4: {  	[sflag:s19] =	ssyncset.done $0x0  }
0xc5: {  	s25 =	rddreg [dreg:$0x3];
	[sflag:s19] =	ssyncadd.s32 $0xFFFFC000  }
0xc6: {  	[tilespmem:s12], [sflag:$0x9] =	stream.indirect.gather [hbm4b:s4+s30], $0x80, s0, s30, $0xb8;
	[tilespmem:$0x1FC00] =	vst v63  }
0xc7: {  	p1 =	sne.s32 s23, $0x450;
	s26 =	rddreg [dreg:$0x7];
	s25 =	sadd.s32 s8, s25  }
0xc8: {  	[tilespmem:s30], [sflag:$0x2] =	stream.linear.gather [hbm4b:s25+s2], $0x80, $0x38;
	[tilespmem:$0x1FC00] =	vst v63  }
.Ltmp0:
0xc9: {  	s8 =	sadd.s32 s8, s26;
	(pc) =	sbr.rel @p1 .LBB2_2-.Ltmp0, $4  }
0xca: {  	[tilespmem:s13], [sflag:$0x6] =	stream.linear.gather [hbm4b:s8+s2], $0x80, $0x38;
	[tilespmem:$0x1FC00] =	vst v63  }
0xcb: {  	_ =	swait.ge [sflag:s14], $0x80  }
0xcc: {  	[sflag:s14] =	ssyncset.done $0x0  }
0xcd: {  	s23 =	sadd.s32 $0x30, s23;
	[sflag:s14] =	ssyncadd.s32 $0xFFFFFF80  }
0xce: {  	[spmem:s1] =	stream.indirect.scatter.add.f32 [tilespmem:s6], [sflag:$0xB], $0x80, s7, s30, $0xb8;
	[tilespmem:$0x1FC00] =	vst v63  }
0xcf: {  	_ =	swait.ge [sflag:s15], $0x4000  }
0xd0: {  	[sflag:s15] =	ssyncset.done $0x0  }
0xd1: {  	[sflag:s15] =	ssyncadd.s32 $0xFFFFC000  }
0xd2: {  	_ =	swait.ge [sflag:s29], $0x80  }
0xd3: {  	[sflag:s29] =	ssyncset.done $0x0  }
0xd4: {  	[sflag:s29] =	ssyncadd.s32 $0xFFFFFF80  }
0xd5: {  	_ =	swait.ge [sflag:s16], $0x4000  }
0xd6: {  	[sflag:s16] =	ssyncset.done $0x0  }
0xd7: {  	[sflag:s16] =	ssyncadd.s32 $0xFFFFC000  }
0xd8: {  	[tilespmem:s31], [sflag:$0x7] =	stream.indirect.gather [hbm4b:s4+s30], $0x80, s2, s30, $0xb8;
	[tilespmem:$0x1FC00] =	vst v63  }
0xd9: {  	s8 =	rddreg [dreg:$0x14]  }
0xda: {  	[tilespmem:s0], [sflag:$0x3] =	stream.linear.gather [hbm4b:s8+s2], $0x80, $0x38;
	[tilespmem:$0x1FC00] =	vst v63  }
0xdb: {  	s25 =	rddreg [dreg:$0x16]  }
0xdc: {  	[tilespmem:s28], [sflag:$0x4] =	stream.linear.gather [hbm4b:s25+s2], $0x80, $0x38;
	[tilespmem:$0x1FC00] =	vst v63  }
0xdd: {  	_ =	swait.ge [sflag:s17], $0x80  }
0xde: {  	[sflag:s17] =	ssyncset.done $0x0  }
0xdf: {  	[sflag:s17] =	ssyncadd.s32 $0xFFFFFF80  }
0xe0: {  	[spmem:s1] =	stream.indirect.scatter.add.f32 [tilespmem:s12], [sflag:$0xC], $0x80, s13, s30, $0xb8;
	[tilespmem:$0x1FC00] =	vst v63  }
0xe1: {  	_ =	swait.ge [sflag:s3], $0x4000  }
0xe2: {  	[sflag:s3] =	ssyncset.done $0x0  }
0xe3: {  	[sflag:s3] =	ssyncadd.s32 $0xFFFFC000  }
0xe4: {  	_ =	swait.ge [sflag:s5], $0x80  }
0xe5: {  	[sflag:s5] =	ssyncset.done $0x0  }
0xe6: {  	[sflag:s5] =	ssyncadd.s32 $0xFFFFFF80  }
0xe7: {  	_ =	swait.ge [sflag:s18], $0x4000  }
0xe8: {  	[sflag:s18] =	ssyncset.done $0x0  }
0xe9: {  	[sflag:s18] =	ssyncadd.s32 $0xFFFFC000  }
0xea: {  	[tilespmem:s6], [sflag:$0x8] =	stream.indirect.gather [hbm4b:s4+s30], $0x80, s30, s30, $0xb8;
	[tilespmem:$0x1FC00] =	vst v63  }
0xeb: {  	s26 =	rddreg [dreg:$0x17]  }
0xec: {  	[tilespmem:s7], [sflag:$0x5] =	stream.linear.gather [hbm4b:s26+s2], $0x80, $0x38;
	[tilespmem:$0x1FC00] =	vst v63  }
0xed: {  	_ =	swait.ge [sflag:s9], $0x80  }
0xee: {  	[sflag:s9] =	ssyncset.done $0x0  }
0xef: {  	[sflag:s9] =	ssyncadd.s32 $0xFFFFFF80  }
0xf0: {  	[spmem:s1] =	stream.indirect.scatter.add.f32 [tilespmem:s31], [sflag:$0xA], $0x80, s28, s30, $0xb8;
	[tilespmem:$0x1FC00] =	vst v63  }
0xf1: {  	_ =	swait.ge [sflag:s10], $0x4000  }
0xf2: {  	[sflag:s10] =	ssyncset.done $0x0  }
0xf3: {  	[sflag:s10] =	ssyncadd.s32 $0xFFFFC000  }
0xf4: {  	_ =	swait.ge [sflag:s11], $0x80  }
0xf5: {  	[sflag:s11] =	ssyncset.done $0x0  }
0xf6: {  	[sflag:s11] =	ssyncadd.s32 $0xFFFFFF80  }
0xf7: {  	_ =	swait.ge [sflag:s19], $0x4000  }
0xf8: {  	[sflag:s19] =	ssyncset.done $0x0  }
0xf9: {  	[sflag:s19] =	ssyncadd.s32 $0xFFFFC000  }
0xfa: {  	[tilespmem:s12], [sflag:$0x9] =	stream.indirect.gather [hbm4b:s4+s30], $0x80, s0, s30, $0xb8;
	[tilespmem:$0x1FC00] =	vst v63  }
0xfb: {  	s23 =	rddreg [dreg:$0x18]  }
0xfc: {  	[tilespmem:s13], [sflag:$0x6] =	stream.linear.gather [hbm4b:s23+s2], $0x80, $0x38;
	[tilespmem:$0x1FC00] =	vst v63  }
0xfd: {  	_ =	swait.ge [sflag:s14], $0x80  }
0xfe: {  	[sflag:s14] =	ssyncset.done $0x0  }
0xff: {  	[sflag:s14] =	ssyncadd.s32 $0xFFFFFF80  }
0x100: {  	[spmem:s1] =	stream.indirect.scatter.add.f32 [tilespmem:s6], [sflag:$0xB], $0x80, s7, s30, $0xb8;
	[tilespmem:$0x1FC00] =	vst v63  }
0x101: {  	_ =	swait.ge [sflag:s15], $0x4000  }
0x102: {  	[sflag:s15] =	ssyncset.done $0x0  }
0x103: {  	[sflag:s15] =	ssyncadd.s32 $0xFFFFC000  }
0x104: {  	_ =	swait.ge [sflag:s17], $0x80  }
0x105: {  	[sflag:s17] =	ssyncset.done $0x0  }
0x106: {  	[sflag:s17] =	ssyncadd.s32 $0xFFFFFF80  }
0x107: {  	[spmem:s1] =	stream.indirect.scatter.add.f32 [tilespmem:s12], [sflag:$0xD], $0x80, s13, s30, $0xb8;
	[tilespmem:$0x1FC00] =	vst v63  }
0x108: {  	_ =	swait.ge [sflag:s20], $0x4000  }
0x109: {  	[sflag:s20] =	ssyncset.done $0x0  }
0x10a: {  	[sflag:s20] =	ssyncadd.s32 $0xFFFFC000  }
0x10b: {  	_ =	swait.ge [sflag:s16], $0x4000  }
0x10c: {  	[sflag:s16] =	ssyncset.done $0x0  }
0x10d: {  	[sflag:s16] =	ssyncadd.s32 $0xFFFFC000  }
0x10e: {  	_ =	swait.ge [sflag:s18], $0x4000  }
0x10f: {  	[sflag:s18] =	ssyncset.done $0x0  }
0x110: {  	s25 =	rddreg [dreg:$0x19];
	[sflag:s18] =	ssyncadd.s32 $0xFFFFC000  }
0x111: {  	[tilespmem:s2], [sflag:$0xD] =	stream.linear.gather [hbm4b:s25+s2], $0x10, $0x38;
	[tilespmem:$0x1FC00] =	vst v63  }
0x112: {  	_ =	swait.ge [sflag:s20], $0x10  }
0x113: {  	[sflag:s20] =	ssyncset.done $0x0  }
0x114: {  	s23 =	simm.s32 $0x300;
	s26 =	rddreg [dreg:$0x1c];
	[sflag:s20] =	ssyncadd.s32 $0xFFFFFFF0  }
0x115: {  	[tilespmem:s23], [sflag:$0xD] =	stream.linear.gather [hbm4b:s26+s2], $0x10, $0x38;
	[tilespmem:$0x1FC00] =	vst v63  }
0x116: {  	_ =	swait.ge [sflag:s20], $0x10  }
0x117: {  	[sflag:s20] =	ssyncset.done $0x0  }
0x118: {  	s25 =	simm.s32 $0x10;
	[sflag:s20] =	ssyncadd.s32 $0xFFFFFFF0  }
0x119: {  	[tilespmem:s31], [sflag:$0xD] =	stream.indirect.gather [hbm4b:s4+s25], $0x80, s2, s25, $0xb8;
	[tilespmem:$0x1FC00] =	vst v63  }
0x11a: {  	_ =	swait.ge [sflag:s20], $0x800  }
0x11b: {  	[sflag:s20] =	ssyncset.done $0x0  }
0x11c: {  	[sflag:s20] =	ssyncadd.s32 $0xFFFFF800  }
0x11d: {  	[spmem:s1] =	stream.indirect.scatter.add.f32 [tilespmem:s31], [sflag:$0xD], $0x80, s23, s25, $0xb8;
	[tilespmem:$0x1FC00] =	vst v63  }
0x11e: {  	_ =	swait.ge [sflag:s20], $0x800  }
0x11f: {  	[sflag:s20] =	ssyncset.done $0x0  }
0x120: {  	[sflag:s20] =	ssyncadd.s32 $0xFFFFF800  }
0x121: {  	[bflag:$0x0] =	sbarrier.arrive $0xFFFF  }
0x122: {  	s23 =	rddreg [dreg:$0x1a]  }
0x123: {  	s8 =	simm.s32 @p0 $0x1FCD;
	s25 =	rddreg [dreg:$0x1d]  }
0x124: {  	[hbm:s23], [sflag:s8] =	dma.local @p0 [spmem:s25], $0x1900  }
0x125: {  	s8 =	simm.s32 @p0 $0xD  }
0x126: {  	_ =	swait.ge @p0 [sflag:s8], $0x1900  }
0x127: {  	[sflag:s8] =	ssyncset.done @p0 $0x0;
	s23 =	rddreg [dreg:$0x1e]  }
0x128: {  	[sflag:s8] =	ssyncadd.s32 @p0 $0xFFFFE700;
	s8 =	rddreg [dreg:$0x15]  }
0x129: {  	[hbm:s8], [sflag:s23] =	dma.local @!p0 [spmem:s21], $0x2800  }
0x12a: {  	s8 =	simm.s32 @!p0 $0xD  }
0x12b: {  	_ =	swait.ge @!p0 [sflag:s8], $0x2800  }
0x12c: {  	s24 =	sadd.s32 $0x1, s24;
	s26 =	rddreg [dreg:$0x1b]  }
0x12d: {  	p1 =	sne.s32 s24, s26  }
.Ltmp1:
0x12e: {  	_ = 	snop;
	(pc) =	sbr.rel @p1 .LBB2_1-.Ltmp1, $3  }
0x12f: {  	_ =	sdelay $0x1  }
0x130: {  	[sflag:s8] =	ssyncset.done @!p0 $0x0  }
0x131: {  	[sflag:s8] =	ssyncadd.s32 @!p0 $0xFFFFD800  }
0x132: {  	_ =	sfence.sel $0x180000  }
0x133: {  	[bflag:$0x0] =	sbarrier.arrive $0xFFFF  }
0x134: {  	_ =	strace $0x9000004A  }
0x135: {  	s0 =	stileid.u32;
	[bflag:$0x2] =	sbarrier.arrive $0xFFFF  }
0x136: {  	p0 =	sne.s32 s0, $0x0;
	s0 =	rddreg [dreg:$0x2]  }
0x137: {  	s0 =	sadd.s32 @!p0 $0x100000, s0  }
0x138: {  	[sflag:s0] =	ssyncadd.tile.s32 @!p0 $0x1;
	_ =	shalt  }
.Lfunc_end2:
_tile_overlayer_lowered:
.L_overlay_start_2:
0x139: {  	(tag) =	ssettag $0x2  }
0x13a: {  	s0 =	rddreg [dreg:$0x0];
	s2 =	stileid.u32  }
0x13b: {  	s1 =	rddreg [dreg:$0x1];
	p0 =	sne.s32 s2, $0x0  }
0x13c: {  	s3 =	rddreg [dreg:$0x2];
	[bflag:$0x3] =	sbarrier.arrive $0xFFFF;
	s2 =	simm.s32 @!p0 $0x1C0D  }
0x13d: {  	[timem:s3], [sflag:s2] =	dma.local @!p0 [hbm:s0], s1  }
0x13e: {  	s0 =	simm.s32 @!p0 $0xD  }
0x13f: {  	_ =	swait.ge @!p0 [sflag:s0], s1  }
0x140: {  	s1 =	ssub.s32 @!p0 $0x0, s1;
	[sflag:s0] =	ssyncset.done @!p0 $0x0  }
0x141: {  	[sflag:s0] =	ssyncadd.s32 @!p0 s1  }
0x142: {  	[bflag:$0x3] =	sbarrier.arrive $0xFFFF  }
0x143: {  	_ =	shalt  }

// kernel: kernel.17.cloned.1.call-start
scs
__scs_entry_jumppad:
0x0: {  	(pc) =	sbr.rel $0x88, $3  }
0x1: {  	(tag) =	ssettag $0x0;
	lr =	simm.s32 $0x1  }
0x2: {  	[smem:$0x3F8F] =	sst lr;
	_ =	strace $0xD0000000  }
0x3: {  	_ = 	snop  }
0x4: {  	_ = 	snop  }
0x5: {  	_ = 	snop  }
0x6: {  	_ = 	snop  }
0x7: {  	_ = 	snop  }
__scs_overlays_trampoline_lowered:
0x8: {  	[smem:$0x3F9E] =	sst s0  }
0x9: {  	[smem:$0x3F9F] =	sst s1  }
0xa: {  	[smem:$0x3FA0] =	sst s2  }
0xb: {  	[smem:$0x3FA1] =	sst s3  }
0xc: {  	[smem:$0x3FA2] =	sst s4  }
0xd: {  	[smem:$0x3FA3] =	sst s5  }
0xe: {  	[smem:$0x3FA4] =	sst s6  }
0xf: {  	[smem:$0x3FA5] =	sst s7  }
0x10: {  	[smem:$0x3FA6] =	sst s8  }
0x11: {  	[smem:$0x3FA7] =	sst s9;
	s0 =	simm.s32 @!p0 $0x0  }
0x12: {  	s1 =	sld [smem:$0x3F8D];
	s0 =	simm.s32 @p0 $0x1  }
0x13: {  	[smem:$0x3FA8] =	sst s0;
	s0 =	simm.s32 @!p1 $0x0  }
0x14: {  	s2 =	sld [smem:$0x3F8C];
	s0 =	simm.s32 @p1 $0x1  }
0x15: {  	[smem:$0x3FA9] =	sst s0;
	s0 =	simm.s32 @!p2 $0x0  }
0x16: {  	s3 =	sld [smem:$0x3FDB];
	s0 =	simm.s32 @p2 $0x1  }
0x17: {  	s4 =	simm.s32 $0x1BF5;
	[smem:$0x3FAB] =	sst s0  }
0x18: {  	s0 =	sld [smem:$0x3F8E];
	_ =	swait.ge [sflag:s4], $0x0  }
0x19: {  	s7 =	sld [smem:$0x3F8F]  }
0x1a: {  	s8 =	sadd.s32 $0xFFFFE003, lr  }
0x1b: {  	s9 =	sadd.s32 $0xFFFFFEF7, lr;
	s5 =	simm.s32 $0xFFFFFFFF;
	p2 =	slt.u32 s8, $0xFFFFF086  }
0x1c: {  	p1 =	slt.u32 s9, $0xF7A;
	s5 =	simm.s32 @!p2 $0x0  }
0x1d: {  	s5 =	simm.s32 @p1 $0x1;
	p0 =	seq.s32 s7, s2  }
0x1e: {  	s7 =	smul.u32 @!p0 $0xF7A, s2;
	p2 =	seq.s32 @!p0 s5, $0x0  }
0x1f: {  	s9 =	smul.u32 $0xF7A, s1;
	s8 =	simm.s32 @!p0 $0x1BF5;
	p2 =	por !p2, p0  }
0x20: {  	[sflag:s8] =	ssyncset.s32 @!p0 $0xFFFFF086;
	s6 =	sadd.s32 @!p0 s3, s7;
	s7 =	simm.s32 @!p0 $0x108  }
0x21: {  	s3 =	sadd.s32 s3, s9;
	s6 =	sadd.s32 @!p0 $0x88, s6;
	s7 =	simm.s32 @p2 $0x1082  }
0x22: {  	[simem:s7], [sflag:s8] =	dma.local @!p0 [hbm:s6], $0xF7A  }
0x23: {  	s9 =	sor.u32 $0xD0000000, s2;
	s6 =	simm.s32 $0x108;
	_ =	swait.ge @!p0 [sflag:s8], $0x0  }
0x24: {  	s3 =	sadd.s32 $0x88, s3;
	s6 =	simm.s32 @!p1 $0x1082;
	[sflag:s4] =	ssyncset.s32 $0xFFFFF086  }
0x25: {  	[simem:s6], [sflag:s4] =	dma.local [hbm:s3], $0xF7A  }
0x26: {  	[smem:$0x3F8F] =	sst s1;
	(tag) =	ssettag s2;
	_ =	strace s9  }
0x27: {  	s1 =	sld [smem:$0x3F9F]  }
0x28: {  	s2 =	sld [smem:$0x3FA0]  }
0x29: {  	s4 =	sld [smem:$0x3FA2]  }
0x2a: {  	p0 =	seq.s32 s5, $0x0;
	s5 =	sld [smem:$0x3FA3]  }
0x2b: {  	s6 =	sld [smem:$0x3FA4]  }
0x2c: {  	s7 =	sld [smem:$0x3FA5]  }
0x2d: {  	s3 =	simm.s32 $0x108;
	s8 =	sld [smem:$0x3FA6]  }
0x2e: {  	s3 =	simm.s32 @!p0 $0x1082;
	s9 =	sld [smem:$0x3FA7]  }
0x2f: {  	lr =	sadd.s32 s0, s3;
	s0 =	sld [smem:$0x3F9E]  }
0x30: {  	s3 =	sld [smem:$0x3FA1]  }
0x31: {  	[smem:$0x3FAA] =	sst s10  }
0x32: {  	s10 =	sld [smem:$0x3FA8];
	_ =	sdelay $0x3  }
0x33: {  	p0 =	seq.s32 s10, $0x1;
	s10 =	sld [smem:$0x3FAA];
	_ =	sdelay $0x3  }
0x34: {  	[smem:$0x3FAA] =	sst s10  }
0x35: {  	s10 =	sld [smem:$0x3FA9];
	_ =	sdelay $0x3  }
0x36: {  	p1 =	seq.s32 s10, $0x1;
	s10 =	sld [smem:$0x3FAA];
	_ =	sdelay $0x3  }
0x37: {  	[smem:$0x3FAA] =	sst s10  }
0x38: {  	s10 =	sld [smem:$0x3FAB]  }
0x39: {  	_ = 	snop;
	(pc) =	sbr.ind lr, $3  }
0x3a: {  	_ = 	snop  }
0x3b: {  	_ = 	snop  }
0x3c: {  	p2 =	seq.s32 s10, $0x1;
	s10 =	sld [smem:$0x3FAA]  }
0x3d: {  	_ =	shalt  }
0x3e: {  	_ =	shalt  }
0x3f: {  	_ =	shalt  }
0x40: {  	_ =	shalt  }
0x41: {  	_ =	shalt  }
0x42: {  	_ =	shalt  }
0x43: {  	_ =	shalt  }
0x44: {  	_ =	shalt  }
0x45: {  	_ =	shalt  }
0x46: {  	_ =	shalt  }
0x47: {  	_ =	shalt  }
0x48: {  	_ =	shalt  }
0x49: {  	_ =	shalt  }
0x4a: {  	_ =	shalt  }
0x4b: {  	_ =	shalt  }
0x4c: {  	_ =	shalt  }
0x4d: {  	_ =	shalt  }
0x4e: {  	_ =	shalt  }
0x4f: {  	_ =	shalt  }
0x50: {  	_ =	shalt  }
0x51: {  	_ =	shalt  }
0x52: {  	_ =	shalt  }
0x53: {  	_ =	shalt  }
0x54: {  	_ =	shalt  }
0x55: {  	_ =	shalt  }
0x56: {  	_ =	shalt  }
0x57: {  	_ =	shalt  }
0x58: {  	_ =	shalt  }
0x59: {  	_ =	shalt  }
0x5a: {  	_ =	shalt  }
0x5b: {  	_ =	shalt  }
0x5c: {  	_ =	shalt  }
0x5d: {  	_ =	shalt  }
0x5e: {  	_ =	shalt  }
0x5f: {  	_ =	shalt  }
0x60: {  	_ =	shalt  }
0x61: {  	_ =	shalt  }
0x62: {  	_ =	shalt  }
0x63: {  	_ =	shalt  }
0x64: {  	_ =	shalt  }
0x65: {  	_ =	shalt  }
0x66: {  	_ =	shalt  }
0x67: {  	_ =	shalt  }
0x68: {  	_ =	shalt  }
0x69: {  	_ =	shalt  }
0x6a: {  	_ =	shalt  }
0x6b: {  	_ =	shalt  }
0x6c: {  	_ =	shalt  }
0x6d: {  	_ =	shalt  }
0x6e: {  	_ =	shalt  }
0x6f: {  	_ =	shalt  }
0x70: {  	_ =	shalt  }
0x71: {  	_ =	shalt  }
0x72: {  	_ =	shalt  }
0x73: {  	_ =	shalt  }
0x74: {  	_ =	shalt  }
0x75: {  	_ =	shalt  }
0x76: {  	_ =	shalt  }
0x77: {  	_ =	shalt  }
0x78: {  	_ =	shalt  }
0x79: {  	_ =	shalt  }
0x7a: {  	_ =	shalt  }
0x7b: {  	_ =	shalt  }
0x7c: {  	_ =	shalt  }
0x7d: {  	_ =	shalt  }
0x7e: {  	_ =	shalt  }
0x7f: {  	_ =	shalt  }
0x80: {  	_ =	shalt  }
0x81: {  	_ =	shalt  }
0x82: {  	_ =	shalt  }
0x83: {  	_ =	shalt  }
0x84: {  	_ =	shalt  }
0x85: {  	_ =	shalt  }
0x86: {  	_ =	shalt  }
0x87: {  	_ =	shalt  }
.Lfunc_end0:
.L_simem_size_0:
called_computation.2_lowered:
.L_overlay_start_0:
0x88: {  	s2 =	sld [smem:$0x3FD9]  }
0x89: {  	s3 =	sld [smem:$0x3FFE];
	_ =	sdelay $0x1  }
0x8a: {  	s1 =	srdreg.scid  }
0x8b: {  	s0 =	sand.u32 $0x1, s1  }
0x8c: {  	s16 =	sshll.u32 s0, $0xA;
	s2 =	sadd.s32 s3, s2  }
0x8d: {  	s2 =	sadd.s32 s2, s16  }
0x8e: {  	[smem:$0x3FB6] =	sst s2  }
0x8f: {  	_ = 	snop  }
0x90: {  	(tm) =	ssettm $0x1  }
0x91: {  	s17 =	sld [smem:$0x3FFB];
	_ =	sdelay $0x3  }
0x92: {  	_ =	strace s17  }
0x93: {  	s2 =	sld [smem:$0x3FFC];
	_ =	sdelay $0x3  }
0x94: {  	_ =	strace s2  }
0x95: {  	s2 =	sld [smem:$0x3FFD];
	_ =	sdelay $0x3  }
0x96: {  	_ =	strace s2  }
0x97: {  	_ =	strace $0x8FFFFFFF  }
0x98: {  	s18 =	sld [smem:$0x3FDB];
	_ =	sdelay $0x1  }
0x99: {  	s19 =	simm.s32 $_scs_section_size  }
0x9a: {  	s4 =	simm.s32 $_size__tile_overlayer_lowered;
	s5 =	simm.s32 $_tile_overlayer_lowered  }
0x9b: {  	s22 =	simm.s32 $0x1BFF;
	s21 =	sshll.u32 s5, $0x1;
	s2 =	sadd.s32 s19, s18  }
0x9c: {  	s6 =	simm.s32 $0x0;
	s20 =	sshll.u32 s4, $0x1;
	s4 =	sadd.s32 s21, s2  }
0x9d: {  	[timem:s6], [sflag:s22] =	dma.local [hbm:s4], s20  }
0x9e: {  	_ =	swait.ge [sflag:s22], s20  }
0x9f: {  	s3 =	ssub.s32 $0x0, s20;
	[sflag:s22] =	ssyncset.done $0x0  }
0xa0: {  	[sflag:s22] =	ssyncadd.s32 s3;
	_ =	sdelay $0x1  }
0xa1: {  	s23 =	simm.s32 $0x1B8B  }
0xa2: {  	_ =	swait.ge [sflag:s23], $0x1  }
0xa3: {  	[sflag:s23] =	ssyncset.done $0x0  }
0xa4: {  	s25 =	simm.s32 $0x1B8E;
	s24 =	sld [smem:$0x3FFE];
	[sflag:s23] =	ssyncadd.s32 $0xFFFFFFFF  }
0xa5: {  	s26 =	simm.s32 $execute0_lowered;
	[smem:$0x3FD2] =	sst s25  }
0xa6: {  	s4 =	sshll.u32 s26, $0x1;
	_ =	strace $0x8000004C;
	[dreg:$0x1] =	wrdreg $0xFFFFFFFF  }
0xa7: {  	s28 =	simm.s32 $_size_execute0_lowered;
	s2 =	sadd.s32 s2, s4;
	[dreg:$0x0] =	wrdreg $0x0  }
0xa8: {  	s4 =	sshll.u32 s28, $0x1;
	[dreg:$0x2] =	wrdreg s2  }
0xa9: {  	[dreg:$0x3] =	wrdreg s4  }
0xaa: {  	[dreg:$0x4] =	wrdreg $0xC0  }
0xab: {  	_ =	task [dreg:s6], $0x5FFFF  }
0xac: {  	[dreg:$0x1] =	wrdreg $0xFFFFFFFF  }
0xad: {  	[dreg:$0x0] =	wrdreg $0x60  }
0xae: {  	[dreg:$0x2] =	wrdreg s24  }
0xaf: {  	[dreg:$0x3] =	wrdreg $0xC3800  }
0xb0: {  	[dreg:$0x4] =	wrdreg $0x9  }
0xb1: {  	_ =	task.clear_ibuf [dreg:s6], $0x5FFFF;
	_ =	strace $0x9000004C  }
0xb2: {  	s29 =	simm.s32 $0x9;
	_ =	strace $0x8000004E  }
0xb3: {  	_ =	swait.ge [sflag:s29], $0x1  }
0xb4: {  	[sflag:s29] =	ssyncadd.s32 $0xFFFFFFFF  }
0xb5: {  	_ =	strace $0x9000004E  }
0xb6: {  	_ =	sfence  }
0xb7: {  	s30 =	sld [smem:$0x0];
	_ =	sdelay $0x2  }
0xb8: {  	s31 =	sshll.u32 s1, $0xD;
	s1 =	sshrl.u32 s1, $0x2  }
0xb9: {  	s3 =	sand.u32 $0x4000, s31;
	s1 =	sadd.s32 s1, s30  }
0xba: {  	s0 =	sor.u32 s3, s0;
	s1 =	sshll.u32 s1, $0x11  }
0xbb: {  	s0 =	sor.u32 s1, s0  }
0xbc: {  	s0 =	sadd.s32 $0x8F2B, s0  }
0xbd: {  	[sflag:s0] =	ssyncadd.remote.s32 $0x1  }
0xbe: {  	_ =	sfence.sel $0xFFFF  }
0xbf: {  	[dreg:$0x0] =	wrdreg $0xFFFFFFFF;
	(pc) =	sbr.abs _section_cstart, $3  }
0xc0: {  	[dreg:$0x1] =	wrdreg $0xFFFFFFFF  }
0xc1: {  	_ =	task.clear_ibuf [dreg:s6], $0x2FFFF;
	_ =	strace $0x9FFFFFFF  }
0xc2: {  	(tm) =	ssettm $0x7FFFFFFF  }
0xc3: {  	_ =	shalt  }
tec
execute0_lowered:
.L_overlay_start_1:
0x0: {  	(tag) =	ssettag $0x1  }
0x1: {  	s0 =	rddreg [dreg:$0x0]  }
0x2: {  	s1 =	rddreg [dreg:$0x1];
	s2 =	simm.s32 $0x0;
	s3 =	srdreg.scid  }
0x3: {  	s12 =	stileid.u32;
	s28 =	simm.s32 $0x180;
	s29 =	simm.s32 $0x1  }
0x4: {  	s30 =	simm.s32 $0x80;
	s31 =	simm.s32 $0x380;
	[smem:$0x7FF] =	sst s2  }
0x5: {  	s3 =	sand.u32 $0x1, s3;
	s4 =	sadd.s32 $0x18600, s0;
	s6 =	smul.u32 $0x50000, s12  }
0x6: {  	s7 =	sadd.s32 $0x4C00, s0;
	s10 =	smul.u32 $0x2800, s12;
	s11 =	sadd.s32 $0x66A00, s0  }
0x7: {  	s13 =	sadd.s32 $0x12C000, s1;
	s14 =	smul.u32 $0x14000, s12;
	s0 =	sadd.s32 $0x3DE00, s0  }
0x8: {  	s19 =	smul.u32 $0x2710, s12;
	p0 =	seq.s32 s12, $0xF;
	_ =	strace $0x8000004D  }
0x9: {  	s5 =	sshll.u32 s3, $0x4;
	s8 =	ssub.s32 $0x2, s3;
	[dreg:$0xa] =	wrdreg s13  }
0xa: {  	[dreg:$0xc] =	wrdreg s0;
	s16 =	smul.u32 $0x27100, s3;
	s5 =	sor.u32 s12, s5  }
0xb: {  	s9 =	sshrl.u32 s8, $0x1;
	s6 =	sshrl.u32 s6, $0x2;
	s10 =	sadd.s32 s4, s10  }
0xc: {  	s12 =	simm.s32 $0x8380;
	s5 =	smul.u32 $0x2710, s5;
	s8 =	ssub.s32 s8, s9  }
0xd: {  	s6 =	sadd.s32 s6, s1;
	[dreg:$0x9] =	wrdreg s10;
	s0 =	sadd.s32 s19, s16  }
0xe: {  	[dreg:$0x8] =	wrdreg s6;
	s6 =	smul.u32 $0x138800, s3;
	s5 =	sshrl.u32 s5, $0x3  }
0xf: {  	s26 =	sadd.s32 $0x380, s0;
	s9 =	sadd.s32 $0x4E400, s0;
	s10 =	sadd.s32 s7, s5  }
0x10: {  	s13 =	sadd.s32 $0x300, s0;
	s15 =	sadd.s32 $0x9C40, s10;
	[dreg:$0xb] =	wrdreg s10  }
0x11: {  	s5 =	sadd.s32 s14, s6;
	s17 =	sadd.s32 $0x10, s10;
	[dreg:$0xd] =	wrdreg s15  }
0x12: {  	s6 =	sshrl.u32 s6, $0x3;
	s18 =	sadd.s32 $0x20, s10;
	[dreg:$0xe] =	wrdreg s17  }
0x13: {  	s14 =	sadd.s32 $0x4E380, s0;
	s20 =	sadd.s32 $0x30, s10;
	[dreg:$0xf] =	wrdreg s18  }
0x14: {  	s21 =	sadd.s32 $0x9C50, s10;
	s22 =	sadd.s32 $0x40, s10;
	[dreg:$0x10] =	wrdreg s20  }
0x15: {  	s23 =	sadd.s32 $0x9C60, s10;
	s24 =	sadd.s32 $0x4D0, s10;
	[dreg:$0x11] =	wrdreg s21  }
0x16: {  	s25 =	sshrl.u32 s5, $0x3;
	s5 =	sshrl.u32 s26, $0x3;
	[dreg:$0x12] =	wrdreg s22  }
0x17: {  	s16 =	sshrl.u32 s14, $0x3;
	s19 =	sadd.s32 $0xA0F0, s10;
	[dreg:$0x13] =	wrdreg s23  }
0x18: {  	s26 =	sadd.s32 $0xA120, s10;
	s14 =	simm.s32 $0x5;
	[dreg:$0x14] =	wrdreg s24  }
0x19: {  	s3 =	sadd.s32 s11, s25;
	s5 =	sadd.s32 s5, s7;
	[dreg:$0x16] =	wrdreg s19  }
0x1a: {  	s17 =	sadd.s32 s16, s7;
	s18 =	sadd.s32 $0x4E480, s0;
	[dreg:$0x1c] =	wrdreg s26  }
0x1b: {  	s21 =	sadd.s32 $0xA100, s10;
	s0 =	sadd.s32 $0x280, s0;
	[dreg:$0x15] =	wrdreg s3  }
0x1c: {  	s22 =	sadd.s32 $0xA110, s10;
	s23 =	sadd.s32 $0x4E0, s10;
	[dreg:$0x3] =	wrdreg s5  }
0x1d: {  	s25 =	smax.u32 s8, $0x1;
	s10 =	simm.s32 $0x8;
	[dreg:$0x6] =	wrdreg s17  }
0x1e: {  	s16 =	simm.s32 $0xA;
	s19 =	simm.s32 $0xC;
	[dreg:$0x17] =	wrdreg s21  }
0x1f: {  	s3 =	sadd.s32 s11, s6;
	s11 =	sshrl.u32 s9, $0x3;
	[dreg:$0x18] =	wrdreg s22  }
0x20: {  	s6 =	sshrl.u32 s13, $0x3;
	s20 =	sshrl.u32 s18, $0x3;
	[dreg:$0x19] =	wrdreg s23  }
0x21: {  	s0 =	sshrl.u32 s0, $0x3;
	[dreg:$0x1b] =	wrdreg s25;
	s9 =	simm.s32 $0x4  }
0x22: {  	s13 =	simm.s32 $0x280;
	s17 =	simm.s32 $0x6;
	s18 =	simm.s32 $0xB  }
0x23: {  	s5 =	sadd.s32 s11, s7;
	s15 =	sadd.s32 s6, s7;
	s22 =	sadd.s32 s0, s7  }
0x24: {  	s24 =	sadd.s32 $0x25800, s3;
	s0 =	simm.s32 $0x100;
	[dreg:$0x4] =	wrdreg s5  }
0x25: {  	s3 =	simm.s32 $0x7;
	s6 =	simm.s32 $0x4380;
	[dreg:$0x5] =	wrdreg s15  }
0x26: {  	s11 =	simm.s32 $0x3;
	s5 =	sadd.s32 s20, s7;
	[dreg:$0x1a] =	wrdreg s24  }
0x27: {  	s7 =	simm.s32 $0x200;
	s15 =	simm.s32 $0x9;
	s20 =	simm.s32 $0xD  }
0x28: {  	s24 =	simm.s32 $0x0;
	[dreg:$0x7] =	wrdreg s5;
	s5 =	simm.s32 $0x2  }
.LBB2_1:
0x29: {  	s8 =	rddreg [dreg:$0xa]  }
0x2a: {  	s21 =	rddreg [dreg:$0xc];
	s23 =	sshrl.u32 @p0 s8, $0x3  }
0x2b: {  	s8 =	simm.s32 @p0 $0x1FCD;
	[dreg:$0x1d] =	wrdreg s23  }
0x2c: {  	[spmem:s23], [sflag:s8] =	dma.local @p0 [hbm:s21], $0x1900  }
0x2d: {  	s8 =	simm.s32 @p0 $0xD  }
0x2e: {  	s21 =	stileid.u32;
	_ =	swait.ge @p0 [sflag:s8], $0x1900  }
0x2f: {  	s21 =	sshll.u32 @!p0 s21, $0x6;
	[sflag:s8] =	ssyncset.done @p0 $0x0  }
0x30: {  	s23 =	sor.u32 @!p0 $0x1C0D, s21;
	[sflag:s8] =	ssyncadd.s32 @p0 $0xFFFFE700;
	s8 =	rddreg [dreg:$0x8]  }
0x31: {  	[dreg:$0x1e] =	wrdreg s23  }
0x32: {  	s21 =	sshrl.u32 @!p0 s8, $0x3;
	s8 =	rddreg [dreg:$0x9]  }
0x33: {  	[spmem:s21], [sflag:s23] =	dma.local @!p0 [hbm:s8], $0x2800  }
0x34: {  	s8 =	simm.s32 @!p0 $0xD  }
0x35: {  	_ =	swait.ge @!p0 [sflag:s8], $0x2800  }
0x36: {  	[sflag:s8] =	ssyncset.done @!p0 $0x0  }
0x37: {  	[sflag:s8] =	ssyncadd.s32 @!p0 $0xFFFFD800  }
0x38: {  	[bflag:$0x0] =	sbarrier.arrive $0xFFFF  }
0x39: {  	s26 =	rddreg [dreg:$0xb]  }
0x3a: {  	[tilespmem:s2], [sflag:$0x1] =	stream.linear.gather [hbm4b:s26+s2], $0x80, $0x38;
	[tilespmem:$0x1FC00] =	vst v63  }
0x3b: {  	s23 =	rddreg [dreg:$0xd]  }
0x3c: {  	[tilespmem:s28], [sflag:$0x4] =	stream.linear.gather [hbm4b:s23+s2], $0x80, $0x38;
	[tilespmem:$0x1FC00] =	vst v63  }
0x3d: {  	_ =	swait.ge [sflag:s29], $0x80  }
0x3e: {  	[sflag:s29] =	ssyncset.done $0x0  }
0x3f: {  	[sflag:s29] =	ssyncadd.s32 $0xFFFFFF80  }
0x40: {  	[tilespmem:s31], [sflag:$0x7] =	stream.indirect.gather [hbm4b:s4+s30], $0x80, s2, s30, $0xb8;
	[tilespmem:$0x1FC00] =	vst v63  }
0x41: {  	s25 =	rddreg [dreg:$0xe]  }
0x42: {  	[tilespmem:s30], [sflag:$0x2] =	stream.linear.gather [hbm4b:s25+s2], $0x80, $0x38;
	[tilespmem:$0x1FC00] =	vst v63  }
0x43: {  	s26 =	rddreg [dreg:$0xf]  }
0x44: {  	[tilespmem:s0], [sflag:$0x3] =	stream.linear.gather [hbm4b:s26+s2], $0x80, $0x38;
	[tilespmem:$0x1FC00] =	vst v63  }
0x45: {  	_ =	swait.ge [sflag:s3], $0x4000  }
0x46: {  	[sflag:s3] =	ssyncset.done $0x0  }
0x47: {  	[sflag:s3] =	ssyncadd.s32 $0xFFFFC000  }
0x48: {  	_ =	swait.ge [sflag:s5], $0x80  }
0x49: {  	[sflag:s5] =	ssyncset.done $0x0  }
0x4a: {  	[sflag:s5] =	ssyncadd.s32 $0xFFFFFF80  }
0x4b: {  	[tilespmem:s6], [sflag:$0x8] =	stream.indirect.gather [hbm4b:s4+s30], $0x80, s30, s30, $0xb8;
	[tilespmem:$0x1FC00] =	vst v63  }
0x4c: {  	s23 =	rddreg [dreg:$0x10]  }
0x4d: {  	[tilespmem:s2], [sflag:$0x1] =	stream.linear.gather [hbm4b:s23+s2], $0x80, $0x38;
	[tilespmem:$0x1FC00] =	vst v63  }
0x4e: {  	s25 =	rddreg [dreg:$0x11]  }
0x4f: {  	[tilespmem:s7], [sflag:$0x5] =	stream.linear.gather [hbm4b:s25+s2], $0x80, $0x38;
	[tilespmem:$0x1FC00] =	vst v63  }
0x50: {  	_ =	swait.ge [sflag:s9], $0x80  }
0x51: {  	[sflag:s9] =	ssyncset.done $0x0  }
0x52: {  	[sflag:s9] =	ssyncadd.s32 $0xFFFFFF80  }
0x53: {  	[spmem:s1] =	stream.indirect.scatter.add.f32 [tilespmem:s31], [sflag:$0xA], $0x80, s28, s30, $0xb8;
	[tilespmem:$0x1FC00] =	vst v63  }
0x54: {  	_ =	swait.ge [sflag:s10], $0x4000  }
0x55: {  	[sflag:s10] =	ssyncset.done $0x0  }
0x56: {  	[sflag:s10] =	ssyncadd.s32 $0xFFFFC000  }
0x57: {  	_ =	swait.ge [sflag:s11], $0x80  }
0x58: {  	[sflag:s11] =	ssyncset.done $0x0  }
0x59: {  	[sflag:s11] =	ssyncadd.s32 $0xFFFFFF80  }
0x5a: {  	[tilespmem:s12], [sflag:$0x9] =	stream.indirect.gather [hbm4b:s4+s30], $0x80, s0, s30, $0xb8;
	[tilespmem:$0x1FC00] =	vst v63  }
0x5b: {  	s26 =	rddreg [dreg:$0x12]  }
0x5c: {  	[tilespmem:s30], [sflag:$0x2] =	stream.linear.gather [hbm4b:s26+s2], $0x80, $0x38;
	[tilespmem:$0x1FC00] =	vst v63  }
0x5d: {  	s23 =	rddreg [dreg:$0x13]  }
0x5e: {  	[tilespmem:s13], [sflag:$0x6] =	stream.linear.gather [hbm4b:s23+s2], $0x80, $0x38;
	[tilespmem:$0x1FC00] =	vst v63  }
0x5f: {  	_ =	swait.ge [sflag:s14], $0x80  }
0x60: {  	[sflag:s14] =	ssyncset.done $0x0  }
0x61: {  	[sflag:s14] =	ssyncadd.s32 $0xFFFFFF80  }
0x62: {  	[spmem:s1] =	stream.indirect.scatter.add.f32 [tilespmem:s6], [sflag:$0xB], $0x80, s7, s30, $0xb8;
	[tilespmem:$0x1FC00] =	vst v63  }
0x63: {  	_ =	swait.ge [sflag:s15], $0x4000  }
0x64: {  	[sflag:s15] =	ssyncset.done $0x0  }
0x65: {  	[sflag:s15] =	ssyncadd.s32 $0xFFFFC000  }
0x66: {  	_ =	swait.ge [sflag:s29], $0x80  }
0x67: {  	[sflag:s29] =	ssyncset.done $0x0  }
0x68: {  	[sflag:s29] =	ssyncadd.s32 $0xFFFFFF80  }
0x69: {  	_ =	swait.ge [sflag:s16], $0x4000  }
0x6a: {  	[sflag:s16] =	ssyncset.done $0x0  }
0x6b: {  	[sflag:s16] =	ssyncadd.s32 $0xFFFFC000  }
0x6c: {  	[tilespmem:s31], [sflag:$0x7] =	stream.indirect.gather [hbm4b:s4+s30], $0x80, s2, s30, $0xb8;
	[tilespmem:$0x1FC00] =	vst v63  }
0x6d: {  	s26 =	sadd.s32 $0x0, s22;
	s25 =	rddreg [dreg:$0x6]  }
0x6e: {  	[tilespmem:s0], [sflag:$0x3] =	stream.linear.gather [hbm4b:s26+s2], $0x80, $0x38;
	[tilespmem:$0x1FC00] =	vst v63  }
0x6f: {  	s8 =	sadd.s32 $0x0, s25  }
0x70: {  	[tilespmem:s28], [sflag:$0x4] =	stream.linear.gather [hbm4b:s8+s2], $0x80, $0x38;
	[tilespmem:$0x1FC00] =	vst v63  }
0x71: {  	_ =	swait.ge [sflag:s17], $0x80  }
0x72: {  	[sflag:s17] =	ssyncset.done $0x0  }
0x73: {  	[sflag:s17] =	ssyncadd.s32 $0xFFFFFF80  }
0x74: {  	[spmem:s1] =	stream.indirect.scatter.add.f32 [tilespmem:s12], [sflag:$0xC], $0x80, s13, s30, $0xb8;
	[tilespmem:$0x1FC00] =	vst v63  }
0x75: {  	_ =	swait.ge [sflag:s3], $0x4000  }
0x76: {  	[sflag:s3] =	ssyncset.done $0x0  }
0x77: {  	[sflag:s3] =	ssyncadd.s32 $0xFFFFC000  }
0x78: {  	_ =	swait.ge [sflag:s5], $0x80  }
0x79: {  	[sflag:s5] =	ssyncset.done $0x0  }
0x7a: {  	[sflag:s5] =	ssyncadd.s32 $0xFFFFFF80  }
0x7b: {  	_ =	swait.ge [sflag:s18], $0x4000  }
0x7c: {  	[sflag:s18] =	ssyncset.done $0x0  }
0x7d: {  	s23 =	rddreg [dreg:$0x5];
	[sflag:s18] =	ssyncadd.s32 $0xFFFFC000  }
0x7e: {  	[tilespmem:s6], [sflag:$0x8] =	stream.indirect.gather [hbm4b:s4+s30], $0x80, s30, s30, $0xb8;
	[tilespmem:$0x1FC00] =	vst v63  }
0x7f: {  	s25 =	rddreg [dreg:$0x4];
	s8 =	sadd.s32 $0x0, s23  }
0x80: {  	[tilespmem:s2], [sflag:$0x1] =	stream.linear.gather [hbm4b:s8+s2], $0x80, $0x38;
	[tilespmem:$0x1FC00] =	vst v63  }
0x81: {  	s26 =	sadd.s32 $0x0, s25  }
0x82: {  	[tilespmem:s7], [sflag:$0x5] =	stream.linear.gather [hbm4b:s26+s2], $0x80, $0x38;
	[tilespmem:$0x1FC00] =	vst v63  }
0x83: {  	_ =	swait.ge [sflag:s9], $0x80  }
0x84: {  	[sflag:s9] =	ssyncset.done $0x0  }
0x85: {  	[sflag:s9] =	ssyncadd.s32 $0xFFFFFF80  }
0x86: {  	[spmem:s1] =	stream.indirect.scatter.add.f32 [tilespmem:s31], [sflag:$0xA], $0x80, s28, s30, $0xb8;
	[tilespmem:$0x1FC00] =	vst v63  }
0x87: {  	_ =	swait.ge [sflag:s10], $0x4000  }
0x88: {  	[sflag:s10] =	ssyncset.done $0x0  }
0x89: {  	[sflag:s10] =	ssyncadd.s32 $0xFFFFC000  }
0x8a: {  	_ =	swait.ge [sflag:s11], $0x80  }
0x8b: {  	[sflag:s11] =	ssyncset.done $0x0  }
0x8c: {  	[sflag:s11] =	ssyncadd.s32 $0xFFFFFF80  }
0x8d: {  	_ =	swait.ge [sflag:s19], $0x4000  }
0x8e: {  	[sflag:s19] =	ssyncset.done $0x0  }
0x8f: {  	s23 =	rddreg [dreg:$0x3];
	[sflag:s19] =	ssyncadd.s32 $0xFFFFC000  }
0x90: {  	[tilespmem:s12], [sflag:$0x9] =	stream.indirect.gather [hbm4b:s4+s30], $0x80, s0, s30, $0xb8;
	[tilespmem:$0x1FC00] =	vst v63  }
0x91: {  	s25 =	rddreg [dreg:$0x7];
	s8 =	sadd.s32 $0x0, s23  }
0x92: {  	[tilespmem:s30], [sflag:$0x2] =	stream.linear.gather [hbm4b:s8+s2], $0x80, $0x38;
	[tilespmem:$0x1FC00] =	vst v63  }
0x93: {  	s26 =	sadd.s32 $0x0, s25  }
0x94: {  	[tilespmem:s13], [sflag:$0x6] =	stream.linear.gather [hbm4b:s26+s2], $0x80, $0x38;
	[tilespmem:$0x1FC00] =	vst v63  }
0x95: {  	_ =	swait.ge [sflag:s14], $0x80  }
0x96: {  	[sflag:s14] =	ssyncset.done $0x0  }
0x97: {  	s23 =	simm.s32 $0x30;
	[sflag:s14] =	ssyncadd.s32 $0xFFFFFF80  }
.LBB2_2:
0x98: {  	[spmem:s1] =	stream.indirect.scatter.add.f32 [tilespmem:s6], [sflag:$0xB], $0x80, s7, s30, $0xb8;
	[tilespmem:$0x1FC00] =	vst v63  }
0x99: {  	_ =	swait.ge [sflag:s15], $0x4000  }
0x9a: {  	[sflag:s15] =	ssyncset.done $0x0  }
0x9b: {  	[sflag:s15] =	ssyncadd.s32 $0xFFFFC000  }
0x9c: {  	_ =	swait.ge [sflag:s29], $0x80  }
0x9d: {  	[sflag:s29] =	ssyncset.done $0x0  }
0x9e: {  	[sflag:s29] =	ssyncadd.s32 $0xFFFFFF80  }
0x9f: {  	_ =	swait.ge [sflag:s16], $0x4000  }
0xa0: {  	[sflag:s16] =	ssyncset.done $0x0  }
0xa1: {  	s8 =	smov.u32 s23;
	[sflag:s16] =	ssyncadd.s32 $0xFFFFC000  }
0xa2: {  	[tilespmem:s31], [sflag:$0x7] =	stream.indirect.gather [hbm4b:s4+s30], $0x80, s2, s30, $0xb8;
	[tilespmem:$0x1FC00] =	vst v63  }
0xa3: {  	s26 =	sadd.s32 s8, s22;
	s25 =	rddreg [dreg:$0x6]  }
0xa4: {  	[tilespmem:s0], [sflag:$0x3] =	stream.linear.gather [hbm4b:s26+s2], $0x80, $0x38;
	[tilespmem:$0x1FC00] =	vst v63  }
0xa5: {  	s25 =	sadd.s32 s8, s25  }
0xa6: {  	[tilespmem:s28], [sflag:$0x4] =	stream.linear.gather [hbm4b:s25+s2], $0x80, $0x38;
	[tilespmem:$0x1FC00] =	vst v63  }
0xa7: {  	_ =	swait.ge [sflag:s17], $0x80  }
0xa8: {  	[sflag:s17] =	ssyncset.done $0x0  }
0xa9: {  	[sflag:s17] =	ssyncadd.s32 $0xFFFFFF80  }
0xaa: {  	[spmem:s1] =	stream.indirect.scatter.add.f32 [tilespmem:s12], [sflag:$0xC], $0x80, s13, s30, $0xb8;
	[tilespmem:$0x1FC00] =	vst v63  }
0xab: {  	_ =	swait.ge [sflag:s3], $0x4000  }
0xac: {  	[sflag:s3] =	ssyncset.done $0x0  }
0xad: {  	[sflag:s3] =	ssyncadd.s32 $0xFFFFC000  }
0xae: {  	_ =	swait.ge [sflag:s5], $0x80  }
0xaf: {  	[sflag:s5] =	ssyncset.done $0x0  }
0xb0: {  	[sflag:s5] =	ssyncadd.s32 $0xFFFFFF80  }
0xb1: {  	_ =	swait.ge [sflag:s18], $0x4000  }
0xb2: {  	[sflag:s18] =	ssyncset.done $0x0  }
0xb3: {  	s25 =	rddreg [dreg:$0x5];
	[sflag:s18] =	ssyncadd.s32 $0xFFFFC000  }
0xb4: {  	[tilespmem:s6], [sflag:$0x8] =	stream.indirect.gather [hbm4b:s4+s30], $0x80, s30, s30, $0xb8;
	[tilespmem:$0x1FC00] =	vst v63  }
0xb5: {  	s26 =	rddreg [dreg:$0x4];
	s25 =	sadd.s32 s8, s25  }
0xb6: {  	[tilespmem:s2], [sflag:$0x1] =	stream.linear.gather [hbm4b:s25+s2], $0x80, $0x38;
	[tilespmem:$0x1FC00] =	vst v63  }
0xb7: {  	s26 =	sadd.s32 s8, s26  }
0xb8: {  	[tilespmem:s7], [sflag:$0x5] =	stream.linear.gather [hbm4b:s26+s2], $0x80, $0x38;
	[tilespmem:$0x1FC00] =	vst v63  }
0xb9: {  	_ =	swait.ge [sflag:s9], $0x80  }
0xba: {  	[sflag:s9] =	ssyncset.done $0x0  }
0xbb: {  	[sflag:s9] =	ssyncadd.s32 $0xFFFFFF80  }
0xbc: {  	[spmem:s1] =	stream.indirect.scatter.add.f32 [tilespmem:s31], [sflag:$0xA], $0x80, s28, s30, $0xb8;
	[tilespmem:$0x1FC00] =	vst v63  }
0xbd: {  	_ =	swait.ge [sflag:s10], $0x4000  }
0xbe: {  	[sflag:s10] =	ssyncset.done $0x0  }
0xbf: {  	[sflag:s10] =	ssyncadd.s32 $0xFFFFC000  }
0xc0: {  	_ =	swait.ge [sflag:s11], $0x80  }
0xc1: {  	[sflag:s11] =	ssyncset.done $0x0  }
0xc2: {  	[sflag:s11] =	ssyncadd.s32 $0xFFFFFF80  }
0xc3: {  	_ =	swait.ge [sflag:s19], $0x4000  }
0xc4: {  	[sflag:s19] =	ssyncset.done $0x0  }
0xc5: {  	s25 =	rddreg [dreg:$0x3];
	[sflag:s19] =	ssyncadd.s32 $0xFFFFC000  }
0xc6: {  	[tilespmem:s12], [sflag:$0x9] =	stream.indirect.gather [hbm4b:s4+s30], $0x80, s0, s30, $0xb8;
	[tilespmem:$0x1FC00] =	vst v63  }
0xc7: {  	p1 =	sne.s32 s23, $0x450;
	s26 =	rddreg [dreg:$0x7];
	s25 =	sadd.s32 s8, s25  }
0xc8: {  	[tilespmem:s30], [sflag:$0x2] =	stream.linear.gather [hbm4b:s25+s2], $0x80, $0x38;
	[tilespmem:$0x1FC00] =	vst v63  }
.Ltmp0:
0xc9: {  	s8 =	sadd.s32 s8, s26;
	(pc) =	sbr.rel @p1 .LBB2_2-.Ltmp0, $4  }
0xca: {  	[tilespmem:s13], [sflag:$0x6] =	stream.linear.gather [hbm4b:s8+s2], $0x80, $0x38;
	[tilespmem:$0x1FC00] =	vst v63  }
0xcb: {  	_ =	swait.ge [sflag:s14], $0x80  }
0xcc: {  	[sflag:s14] =	ssyncset.done $0x0  }
0xcd: {  	s23 =	sadd.s32 $0x30, s23;
	[sflag:s14] =	ssyncadd.s32 $0xFFFFFF80  }
0xce: {  	[spmem:s1] =	stream.indirect.scatter.add.f32 [tilespmem:s6], [sflag:$0xB], $0x80, s7, s30, $0xb8;
	[tilespmem:$0x1FC00] =	vst v63  }
0xcf: {  	_ =	swait.ge [sflag:s15], $0x4000  }
0xd0: {  	[sflag:s15] =	ssyncset.done $0x0  }
0xd1: {  	[sflag:s15] =	ssyncadd.s32 $0xFFFFC000  }
0xd2: {  	_ =	swait.ge [sflag:s29], $0x80  }
0xd3: {  	[sflag:s29] =	ssyncset.done $0x0  }
0xd4: {  	[sflag:s29] =	ssyncadd.s32 $0xFFFFFF80  }
0xd5: {  	_ =	swait.ge [sflag:s16], $0x4000  }
0xd6: {  	[sflag:s16] =	ssyncset.done $0x0  }
0xd7: {  	[sflag:s16] =	ssyncadd.s32 $0xFFFFC000  }
0xd8: {  	[tilespmem:s31], [sflag:$0x7] =	stream.indirect.gather [hbm4b:s4+s30], $0x80, s2, s30, $0xb8;
	[tilespmem:$0x1FC00] =	vst v63  }
0xd9: {  	s8 =	rddreg [dreg:$0x14]  }
0xda: {  	[tilespmem:s0], [sflag:$0x3] =	stream.linear.gather [hbm4b:s8+s2], $0x80, $0x38;
	[tilespmem:$0x1FC00] =	vst v63  }
0xdb: {  	s25 =	rddreg [dreg:$0x16]  }
0xdc: {  	[tilespmem:s28], [sflag:$0x4] =	stream.linear.gather [hbm4b:s25+s2], $0x80, $0x38;
	[tilespmem:$0x1FC00] =	vst v63  }
0xdd: {  	_ =	swait.ge [sflag:s17], $0x80  }
0xde: {  	[sflag:s17] =	ssyncset.done $0x0  }
0xdf: {  	[sflag:s17] =	ssyncadd.s32 $0xFFFFFF80  }
0xe0: {  	[spmem:s1] =	stream.indirect.scatter.add.f32 [tilespmem:s12], [sflag:$0xC], $0x80, s13, s30, $0xb8;
	[tilespmem:$0x1FC00] =	vst v63  }
0xe1: {  	_ =	swait.ge [sflag:s3], $0x4000  }
0xe2: {  	[sflag:s3] =	ssyncset.done $0x0  }
0xe3: {  	[sflag:s3] =	ssyncadd.s32 $0xFFFFC000  }
0xe4: {  	_ =	swait.ge [sflag:s5], $0x80  }
0xe5: {  	[sflag:s5] =	ssyncset.done $0x0  }
0xe6: {  	[sflag:s5] =	ssyncadd.s32 $0xFFFFFF80  }
0xe7: {  	_ =	swait.ge [sflag:s18], $0x4000  }
0xe8: {  	[sflag:s18] =	ssyncset.done $0x0  }
0xe9: {  	[sflag:s18] =	ssyncadd.s32 $0xFFFFC000  }
0xea: {  	[tilespmem:s6], [sflag:$0x8] =	stream.indirect.gather [hbm4b:s4+s30], $0x80, s30, s30, $0xb8;
	[tilespmem:$0x1FC00] =	vst v63  }
0xeb: {  	s26 =	rddreg [dreg:$0x17]  }
0xec: {  	[tilespmem:s7], [sflag:$0x5] =	stream.linear.gather [hbm4b:s26+s2], $0x80, $0x38;
	[tilespmem:$0x1FC00] =	vst v63  }
0xed: {  	_ =	swait.ge [sflag:s9], $0x80  }
0xee: {  	[sflag:s9] =	ssyncset.done $0x0  }
0xef: {  	[sflag:s9] =	ssyncadd.s32 $0xFFFFFF80  }
0xf0: {  	[spmem:s1] =	stream.indirect.scatter.add.f32 [tilespmem:s31], [sflag:$0xA], $0x80, s28, s30, $0xb8;
	[tilespmem:$0x1FC00] =	vst v63  }
0xf1: {  	_ =	swait.ge [sflag:s10], $0x4000  }
0xf2: {  	[sflag:s10] =	ssyncset.done $0x0  }
0xf3: {  	[sflag:s10] =	ssyncadd.s32 $0xFFFFC000  }
0xf4: {  	_ =	swait.ge [sflag:s11], $0x80  }
0xf5: {  	[sflag:s11] =	ssyncset.done $0x0  }
0xf6: {  	[sflag:s11] =	ssyncadd.s32 $0xFFFFFF80  }
0xf7: {  	_ =	swait.ge [sflag:s19], $0x4000  }
0xf8: {  	[sflag:s19] =	ssyncset.done $0x0  }
0xf9: {  	[sflag:s19] =	ssyncadd.s32 $0xFFFFC000  }
0xfa: {  	[tilespmem:s12], [sflag:$0x9] =	stream.indirect.gather [hbm4b:s4+s30], $0x80, s0, s30, $0xb8;
	[tilespmem:$0x1FC00] =	vst v63  }
0xfb: {  	s23 =	rddreg [dreg:$0x18]  }
0xfc: {  	[tilespmem:s13], [sflag:$0x6] =	stream.linear.gather [hbm4b:s23+s2], $0x80, $0x38;
	[tilespmem:$0x1FC00] =	vst v63  }
0xfd: {  	_ =	swait.ge [sflag:s14], $0x80  }
0xfe: {  	[sflag:s14] =	ssyncset.done $0x0  }
0xff: {  	[sflag:s14] =	ssyncadd.s32 $0xFFFFFF80  }
0x100: {  	[spmem:s1] =	stream.indirect.scatter.add.f32 [tilespmem:s6], [sflag:$0xB], $0x80, s7, s30, $0xb8;
	[tilespmem:$0x1FC00] =	vst v63  }
0x101: {  	_ =	swait.ge [sflag:s15], $0x4000  }
0x102: {  	[sflag:s15] =	ssyncset.done $0x0  }
0x103: {  	[sflag:s15] =	ssyncadd.s32 $0xFFFFC000  }
0x104: {  	_ =	swait.ge [sflag:s17], $0x80  }
0x105: {  	[sflag:s17] =	ssyncset.done $0x0  }
0x106: {  	[sflag:s17] =	ssyncadd.s32 $0xFFFFFF80  }
0x107: {  	[spmem:s1] =	stream.indirect.scatter.add.f32 [tilespmem:s12], [sflag:$0xD], $0x80, s13, s30, $0xb8;
	[tilespmem:$0x1FC00] =	vst v63  }
0x108: {  	_ =	swait.ge [sflag:s20], $0x4000  }
0x109: {  	[sflag:s20] =	ssyncset.done $0x0  }
0x10a: {  	[sflag:s20] =	ssyncadd.s32 $0xFFFFC000  }
0x10b: {  	_ =	swait.ge [sflag:s16], $0x4000  }
0x10c: {  	[sflag:s16] =	ssyncset.done $0x0  }
0x10d: {  	[sflag:s16] =	ssyncadd.s32 $0xFFFFC000  }
0x10e: {  	_ =	swait.ge [sflag:s18], $0x4000  }
0x10f: {  	[sflag:s18] =	ssyncset.done $0x0  }
0x110: {  	s25 =	rddreg [dreg:$0x19];
	[sflag:s18] =	ssyncadd.s32 $0xFFFFC000  }
0x111: {  	[tilespmem:s2], [sflag:$0xD] =	stream.linear.gather [hbm4b:s25+s2], $0x10, $0x38;
	[tilespmem:$0x1FC00] =	vst v63  }
0x112: {  	_ =	swait.ge [sflag:s20], $0x10  }
0x113: {  	[sflag:s20] =	ssyncset.done $0x0  }
0x114: {  	s23 =	simm.s32 $0x300;
	s26 =	rddreg [dreg:$0x1c];
	[sflag:s20] =	ssyncadd.s32 $0xFFFFFFF0  }
0x115: {  	[tilespmem:s23], [sflag:$0xD] =	stream.linear.gather [hbm4b:s26+s2], $0x10, $0x38;
	[tilespmem:$0x1FC00] =	vst v63  }
0x116: {  	_ =	swait.ge [sflag:s20], $0x10  }
0x117: {  	[sflag:s20] =	ssyncset.done $0x0  }
0x118: {  	s25 =	simm.s32 $0x10;
	[sflag:s20] =	ssyncadd.s32 $0xFFFFFFF0  }
0x119: {  	[tilespmem:s31], [sflag:$0xD] =	stream.indirect.gather [hbm4b:s4+s25], $0x80, s2, s25, $0xb8;
	[tilespmem:$0x1FC00] =	vst v63  }
0x11a: {  	_ =	swait.ge [sflag:s20], $0x800  }
0x11b: {  	[sflag:s20] =	ssyncset.done $0x0  }
0x11c: {  	[sflag:s20] =	ssyncadd.s32 $0xFFFFF800  }
0x11d: {  	[spmem:s1] =	stream.indirect.scatter.add.f32 [tilespmem:s31], [sflag:$0xD], $0x80, s23, s25, $0xb8;
	[tilespmem:$0x1FC00] =	vst v63  }
0x11e: {  	_ =	swait.ge [sflag:s20], $0x800  }
0x11f: {  	[sflag:s20] =	ssyncset.done $0x0  }
0x120: {  	[sflag:s20] =	ssyncadd.s32 $0xFFFFF800  }
0x121: {  	[bflag:$0x0] =	sbarrier.arrive $0xFFFF  }
0x122: {  	s23 =	rddreg [dreg:$0x1a]  }
0x123: {  	s8 =	simm.s32 @p0 $0x1FCD;
	s25 =	rddreg [dreg:$0x1d]  }
0x124: {  	[hbm:s23], [sflag:s8] =	dma.local @p0 [spmem:s25], $0x1900  }
0x125: {  	s8 =	simm.s32 @p0 $0xD  }
0x126: {  	_ =	swait.ge @p0 [sflag:s8], $0x1900  }
0x127: {  	[sflag:s8] =	ssyncset.done @p0 $0x0;
	s23 =	rddreg [dreg:$0x1e]  }
0x128: {  	[sflag:s8] =	ssyncadd.s32 @p0 $0xFFFFE700;
	s8 =	rddreg [dreg:$0x15]  }
0x129: {  	[hbm:s8], [sflag:s23] =	dma.local @!p0 [spmem:s21], $0x2800  }
0x12a: {  	s8 =	simm.s32 @!p0 $0xD  }
0x12b: {  	_ =	swait.ge @!p0 [sflag:s8], $0x2800  }
0x12c: {  	s24 =	sadd.s32 $0x1, s24;
	s26 =	rddreg [dreg:$0x1b]  }
0x12d: {  	p1 =	sne.s32 s24, s26  }
.Ltmp1:
0x12e: {  	_ = 	snop;
	(pc) =	sbr.rel @p1 .LBB2_1-.Ltmp1, $3  }
0x12f: {  	_ =	sdelay $0x1  }
0x130: {  	[sflag:s8] =	ssyncset.done @!p0 $0x0  }
0x131: {  	[sflag:s8] =	ssyncadd.s32 @!p0 $0xFFFFD800  }
0x132: {  	_ =	sfence.sel $0x180000  }
0x133: {  	[bflag:$0x0] =	sbarrier.arrive $0xFFFF  }
0x134: {  	_ =	strace $0x9000004D  }
0x135: {  	s0 =	stileid.u32;
	[bflag:$0x2] =	sbarrier.arrive $0xFFFF  }
0x136: {  	p0 =	sne.s32 s0, $0x0;
	s0 =	rddreg [dreg:$0x2]  }
0x137: {  	s0 =	sadd.s32 @!p0 $0x100000, s0  }
0x138: {  	[sflag:s0] =	ssyncadd.tile.s32 @!p0 $0x1;
	_ =	shalt  }
.Lfunc_end2:
_tile_overlayer_lowered:
.L_overlay_start_2:
0x139: {  	(tag) =	ssettag $0x2  }
0x13a: {  	s0 =	rddreg [dreg:$0x0];
	s2 =	stileid.u32  }
0x13b: {  	s1 =	rddreg [dreg:$0x1];
	p0 =	sne.s32 s2, $0x0  }
0x13c: {  	s3 =	rddreg [dreg:$0x2];
	[bflag:$0x3] =	sbarrier.arrive $0xFFFF;
	s2 =	simm.s32 @!p0 $0x1C0D  }
0x13d: {  	[timem:s3], [sflag:s2] =	dma.local @!p0 [hbm:s0], s1  }
0x13e: {  	s0 =	simm.s32 @!p0 $0xD  }
0x13f: {  	_ =	swait.ge @!p0 [sflag:s0], s1  }
0x140: {  	s1 =	ssub.s32 @!p0 $0x0, s1;
	[sflag:s0] =	ssyncset.done @!p0 $0x0  }
0x141: {  	[sflag:s0] =	ssyncadd.s32 @!p0 s1  }
0x142: {  	[bflag:$0x3] =	sbarrier.arrive $0xFFFF  }
0x143: {  	_ =	shalt  }

// kernel: kernel.20.cloned.1.call-start
scs
__scs_entry_jumppad:
0x0: {  	(pc) =	sbr.rel $0x88, $3  }
0x1: {  	(tag) =	ssettag $0x0;
	lr =	simm.s32 $0x1  }
0x2: {  	[smem:$0x3F8F] =	sst lr;
	_ =	strace $0xD0000000  }
0x3: {  	_ = 	snop  }
0x4: {  	_ = 	snop  }
0x5: {  	_ = 	snop  }
0x6: {  	_ = 	snop  }
0x7: {  	_ = 	snop  }
__scs_overlays_trampoline_lowered:
0x8: {  	[smem:$0x3F9E] =	sst s0  }
0x9: {  	[smem:$0x3F9F] =	sst s1  }
0xa: {  	[smem:$0x3FA0] =	sst s2  }
0xb: {  	[smem:$0x3FA1] =	sst s3  }
0xc: {  	[smem:$0x3FA2] =	sst s4  }
0xd: {  	[smem:$0x3FA3] =	sst s5  }
0xe: {  	[smem:$0x3FA4] =	sst s6  }
0xf: {  	[smem:$0x3FA5] =	sst s7  }
0x10: {  	[smem:$0x3FA6] =	sst s8  }
0x11: {  	[smem:$0x3FA7] =	sst s9;
	s0 =	simm.s32 @!p0 $0x0  }
0x12: {  	s1 =	sld [smem:$0x3F8D];
	s0 =	simm.s32 @p0 $0x1  }
0x13: {  	[smem:$0x3FA8] =	sst s0;
	s0 =	simm.s32 @!p1 $0x0  }
0x14: {  	s2 =	sld [smem:$0x3F8C];
	s0 =	simm.s32 @p1 $0x1  }
0x15: {  	[smem:$0x3FA9] =	sst s0;
	s0 =	simm.s32 @!p2 $0x0  }
0x16: {  	s3 =	sld [smem:$0x3FDB];
	s0 =	simm.s32 @p2 $0x1  }
0x17: {  	s4 =	simm.s32 $0x1BF5;
	[smem:$0x3FAB] =	sst s0  }
0x18: {  	s0 =	sld [smem:$0x3F8E];
	_ =	swait.ge [sflag:s4], $0x0  }
0x19: {  	s7 =	sld [smem:$0x3F8F]  }
0x1a: {  	s8 =	sadd.s32 $0xFFFFE003, lr  }
0x1b: {  	s9 =	sadd.s32 $0xFFFFFEF7, lr;
	s5 =	simm.s32 $0xFFFFFFFF;
	p2 =	slt.u32 s8, $0xFFFFF086  }
0x1c: {  	p1 =	slt.u32 s9, $0xF7A;
	s5 =	simm.s32 @!p2 $0x0  }
0x1d: {  	s5 =	simm.s32 @p1 $0x1;
	p0 =	seq.s32 s7, s2  }
0x1e: {  	s7 =	smul.u32 @!p0 $0xF7A, s2;
	p2 =	seq.s32 @!p0 s5, $0x0  }
0x1f: {  	s9 =	smul.u32 $0xF7A, s1;
	s8 =	simm.s32 @!p0 $0x1BF5;
	p2 =	por !p2, p0  }
0x20: {  	[sflag:s8] =	ssyncset.s32 @!p0 $0xFFFFF086;
	s6 =	sadd.s32 @!p0 s3, s7;
	s7 =	simm.s32 @!p0 $0x108  }
0x21: {  	s3 =	sadd.s32 s3, s9;
	s6 =	sadd.s32 @!p0 $0x88, s6;
	s7 =	simm.s32 @p2 $0x1082  }
0x22: {  	[simem:s7], [sflag:s8] =	dma.local @!p0 [hbm:s6], $0xF7A  }
0x23: {  	s9 =	sor.u32 $0xD0000000, s2;
	s6 =	simm.s32 $0x108;
	_ =	swait.ge @!p0 [sflag:s8], $0x0  }
0x24: {  	s3 =	sadd.s32 $0x88, s3;
	s6 =	simm.s32 @!p1 $0x1082;
	[sflag:s4] =	ssyncset.s32 $0xFFFFF086  }
0x25: {  	[simem:s6], [sflag:s4] =	dma.local [hbm:s3], $0xF7A  }
0x26: {  	[smem:$0x3F8F] =	sst s1;
	(tag) =	ssettag s2;
	_ =	strace s9  }
0x27: {  	s1 =	sld [smem:$0x3F9F]  }
0x28: {  	s2 =	sld [smem:$0x3FA0]  }
0x29: {  	s4 =	sld [smem:$0x3FA2]  }
0x2a: {  	p0 =	seq.s32 s5, $0x0;
	s5 =	sld [smem:$0x3FA3]  }
0x2b: {  	s6 =	sld [smem:$0x3FA4]  }
0x2c: {  	s7 =	sld [smem:$0x3FA5]  }
0x2d: {  	s3 =	simm.s32 $0x108;
	s8 =	sld [smem:$0x3FA6]  }
0x2e: {  	s3 =	simm.s32 @!p0 $0x1082;
	s9 =	sld [smem:$0x3FA7]  }
0x2f: {  	lr =	sadd.s32 s0, s3;
	s0 =	sld [smem:$0x3F9E]  }
0x30: {  	s3 =	sld [smem:$0x3FA1]  }
0x31: {  	[smem:$0x3FAA] =	sst s10  }
0x32: {  	s10 =	sld [smem:$0x3FA8];
	_ =	sdelay $0x3  }
0x33: {  	p0 =	seq.s32 s10, $0x1;
	s10 =	sld [smem:$0x3FAA];
	_ =	sdelay $0x3  }
0x34: {  	[smem:$0x3FAA] =	sst s10  }
0x35: {  	s10 =	sld [smem:$0x3FA9];
	_ =	sdelay $0x3  }
0x36: {  	p1 =	seq.s32 s10, $0x1;
	s10 =	sld [smem:$0x3FAA];
	_ =	sdelay $0x3  }
0x37: {  	[smem:$0x3FAA] =	sst s10  }
0x38: {  	s10 =	sld [smem:$0x3FAB]  }
0x39: {  	_ = 	snop;
	(pc) =	sbr.ind lr, $3  }
0x3a: {  	_ = 	snop  }
0x3b: {  	_ = 	snop  }
0x3c: {  	p2 =	seq.s32 s10, $0x1;
	s10 =	sld [smem:$0x3FAA]  }
0x3d: {  	_ =	shalt  }
0x3e: {  	_ =	shalt  }
0x3f: {  	_ =	shalt  }
0x40: {  	_ =	shalt  }
0x41: {  	_ =	shalt  }
0x42: {  	_ =	shalt  }
0x43: {  	_ =	shalt  }
0x44: {  	_ =	shalt  }
0x45: {  	_ =	shalt  }
0x46: {  	_ =	shalt  }
0x47: {  	_ =	shalt  }
0x48: {  	_ =	shalt  }
0x49: {  	_ =	shalt  }
0x4a: {  	_ =	shalt  }
0x4b: {  	_ =	shalt  }
0x4c: {  	_ =	shalt  }
0x4d: {  	_ =	shalt  }
0x4e: {  	_ =	shalt  }
0x4f: {  	_ =	shalt  }
0x50: {  	_ =	shalt  }
0x51: {  	_ =	shalt  }
0x52: {  	_ =	shalt  }
0x53: {  	_ =	shalt  }
0x54: {  	_ =	shalt  }
0x55: {  	_ =	shalt  }
0x56: {  	_ =	shalt  }
0x57: {  	_ =	shalt  }
0x58: {  	_ =	shalt  }
0x59: {  	_ =	shalt  }
0x5a: {  	_ =	shalt  }
0x5b: {  	_ =	shalt  }
0x5c: {  	_ =	shalt  }
0x5d: {  	_ =	shalt  }
0x5e: {  	_ =	shalt  }
0x5f: {  	_ =	shalt  }
0x60: {  	_ =	shalt  }
0x61: {  	_ =	shalt  }
0x62: {  	_ =	shalt  }
0x63: {  	_ =	shalt  }
0x64: {  	_ =	shalt  }
0x65: {  	_ =	shalt  }
0x66: {  	_ =	shalt  }
0x67: {  	_ =	shalt  }
0x68: {  	_ =	shalt  }
0x69: {  	_ =	shalt  }
0x6a: {  	_ =	shalt  }
0x6b: {  	_ =	shalt  }
0x6c: {  	_ =	shalt  }
0x6d: {  	_ =	shalt  }
0x6e: {  	_ =	shalt  }
0x6f: {  	_ =	shalt  }
0x70: {  	_ =	shalt  }
0x71: {  	_ =	shalt  }
0x72: {  	_ =	shalt  }
0x73: {  	_ =	shalt  }
0x74: {  	_ =	shalt  }
0x75: {  	_ =	shalt  }
0x76: {  	_ =	shalt  }
0x77: {  	_ =	shalt  }
0x78: {  	_ =	shalt  }
0x79: {  	_ =	shalt  }
0x7a: {  	_ =	shalt  }
0x7b: {  	_ =	shalt  }
0x7c: {  	_ =	shalt  }
0x7d: {  	_ =	shalt  }
0x7e: {  	_ =	shalt  }
0x7f: {  	_ =	shalt  }
0x80: {  	_ =	shalt  }
0x81: {  	_ =	shalt  }
0x82: {  	_ =	shalt  }
0x83: {  	_ =	shalt  }
0x84: {  	_ =	shalt  }
0x85: {  	_ =	shalt  }
0x86: {  	_ =	shalt  }
0x87: {  	_ =	shalt  }
.Lfunc_end0:
.L_simem_size_0:
called_computation.3_lowered:
.L_overlay_start_0:
0x88: {  	s2 =	sld [smem:$0x3FD9]  }
0x89: {  	s3 =	sld [smem:$0x3FFE];
	_ =	sdelay $0x1  }
0x8a: {  	s1 =	srdreg.scid  }
0x8b: {  	s0 =	sand.u32 $0x1, s1  }
0x8c: {  	s16 =	sshll.u32 s0, $0xA;
	s2 =	sadd.s32 s3, s2  }
0x8d: {  	s2 =	sadd.s32 s2, s16  }
0x8e: {  	[smem:$0x3FB6] =	sst s2  }
0x8f: {  	_ = 	snop  }
0x90: {  	(tm) =	ssettm $0x1  }
0x91: {  	s17 =	sld [smem:$0x3FFB];
	_ =	sdelay $0x3  }
0x92: {  	_ =	strace s17  }
0x93: {  	s2 =	sld [smem:$0x3FFC];
	_ =	sdelay $0x3  }
0x94: {  	_ =	strace s2  }
0x95: {  	s2 =	sld [smem:$0x3FFD];
	_ =	sdelay $0x3  }
0x96: {  	_ =	strace s2  }
0x97: {  	_ =	strace $0x8FFFFFFF  }
0x98: {  	s18 =	sld [smem:$0x3FDB];
	_ =	sdelay $0x1  }
0x99: {  	s19 =	simm.s32 $_scs_section_size  }
0x9a: {  	s4 =	simm.s32 $_size__tile_overlayer_lowered;
	s5 =	simm.s32 $_tile_overlayer_lowered  }
0x9b: {  	s22 =	simm.s32 $0x1BFF;
	s21 =	sshll.u32 s5, $0x1;
	s2 =	sadd.s32 s19, s18  }
0x9c: {  	s6 =	simm.s32 $0x0;
	s20 =	sshll.u32 s4, $0x1;
	s4 =	sadd.s32 s21, s2  }
0x9d: {  	[timem:s6], [sflag:s22] =	dma.local [hbm:s4], s20  }
0x9e: {  	_ =	swait.ge [sflag:s22], s20  }
0x9f: {  	s3 =	ssub.s32 $0x0, s20;
	[sflag:s22] =	ssyncset.done $0x0  }
0xa0: {  	[sflag:s22] =	ssyncadd.s32 s3;
	_ =	sdelay $0x1  }
0xa1: {  	s23 =	simm.s32 $0x1B8B  }
0xa2: {  	_ =	swait.ge [sflag:s23], $0x1  }
0xa3: {  	[sflag:s23] =	ssyncset.done $0x0  }
0xa4: {  	s25 =	simm.s32 $0x1B8E;
	s24 =	sld [smem:$0x3FFE];
	[sflag:s23] =	ssyncadd.s32 $0xFFFFFFFF  }
0xa5: {  	s26 =	simm.s32 $execute0_lowered;
	[smem:$0x3FD2] =	sst s25  }
0xa6: {  	s4 =	sshll.u32 s26, $0x1;
	_ =	strace $0x8000004F;
	[dreg:$0x1] =	wrdreg $0xFFFFFFFF  }
0xa7: {  	s28 =	simm.s32 $_size_execute0_lowered;
	s2 =	sadd.s32 s2, s4;
	[dreg:$0x0] =	wrdreg $0x0  }
0xa8: {  	s4 =	sshll.u32 s28, $0x1;
	[dreg:$0x2] =	wrdreg s2  }
0xa9: {  	[dreg:$0x3] =	wrdreg s4  }
0xaa: {  	[dreg:$0x4] =	wrdreg $0xC0  }
0xab: {  	_ =	task [dreg:s6], $0x5FFFF  }
0xac: {  	[dreg:$0x1] =	wrdreg $0xFFFFFFFF  }
0xad: {  	[dreg:$0x0] =	wrdreg $0x60  }
0xae: {  	[dreg:$0x2] =	wrdreg s24  }
0xaf: {  	[dreg:$0x3] =	wrdreg $0xC3800  }
0xb0: {  	[dreg:$0x4] =	wrdreg $0x9  }
0xb1: {  	_ =	task.clear_ibuf [dreg:s6], $0x5FFFF;
	_ =	strace $0x9000004F  }
0xb2: {  	s29 =	simm.s32 $0x9;
	_ =	strace $0x80000051  }
0xb3: {  	_ =	swait.ge [sflag:s29], $0x1  }
0xb4: {  	[sflag:s29] =	ssyncadd.s32 $0xFFFFFFFF  }
0xb5: {  	_ =	strace $0x90000051  }
0xb6: {  	_ =	sfence  }
0xb7: {  	s30 =	sld [smem:$0x0];
	_ =	sdelay $0x2  }
0xb8: {  	s31 =	sshll.u32 s1, $0xD;
	s1 =	sshrl.u32 s1, $0x2  }
0xb9: {  	s3 =	sand.u32 $0x4000, s31;
	s1 =	sadd.s32 s1, s30  }
0xba: {  	s0 =	sor.u32 s3, s0;
	s1 =	sshll.u32 s1, $0x11  }
0xbb: {  	s0 =	sor.u32 s1, s0  }
0xbc: {  	s0 =	sadd.s32 $0x8F2B, s0  }
0xbd: {  	[sflag:s0] =	ssyncadd.remote.s32 $0x1  }
0xbe: {  	_ =	sfence.sel $0xFFFF  }
0xbf: {  	[dreg:$0x0] =	wrdreg $0xFFFFFFFF;
	(pc) =	sbr.abs _section_cstart, $3  }
0xc0: {  	[dreg:$0x1] =	wrdreg $0xFFFFFFFF  }
0xc1: {  	_ =	task.clear_ibuf [dreg:s6], $0x2FFFF;
	_ =	strace $0x9FFFFFFF  }
0xc2: {  	(tm) =	ssettm $0x7FFFFFFF  }
0xc3: {  	_ =	shalt  }
tec
execute0_lowered:
.L_overlay_start_1:
0x0: {  	(tag) =	ssettag $0x1  }
0x1: {  	s0 =	rddreg [dreg:$0x0]  }
0x2: {  	s1 =	rddreg [dreg:$0x1];
	s2 =	simm.s32 $0x0;
	s3 =	srdreg.scid  }
0x3: {  	s12 =	stileid.u32;
	s28 =	simm.s32 $0x180;
	s29 =	simm.s32 $0x1  }
0x4: {  	s30 =	simm.s32 $0x80;
	s31 =	simm.s32 $0x380;
	[smem:$0x7FF] =	sst s2  }
0x5: {  	s3 =	sand.u32 $0x1, s3;
	s4 =	sadd.s32 $0x18600, s0;
	s6 =	smul.u32 $0x50000, s12  }
0x6: {  	s7 =	sadd.s32 $0x4C00, s0;
	s10 =	smul.u32 $0x2800, s12;
	s11 =	sadd.s32 $0x3F800, s0  }
0x7: {  	s13 =	sadd.s32 $0x12C000, s1;
	s14 =	smul.u32 $0x14000, s12;
	s0 =	sadd.s32 $0x3DE00, s0  }
0x8: {  	s19 =	smul.u32 $0x2710, s12;
	p0 =	seq.s32 s12, $0xF;
	_ =	strace $0x80000050  }
0x9: {  	s5 =	sshll.u32 s3, $0x4;
	s8 =	ssub.s32 $0x2, s3;
	[dreg:$0xa] =	wrdreg s13  }
0xa: {  	[dreg:$0xc] =	wrdreg s0;
	s16 =	smul.u32 $0x27100, s3;
	s5 =	sor.u32 s12, s5  }
0xb: {  	s9 =	sshrl.u32 s8, $0x1;
	s6 =	sshrl.u32 s6, $0x2;
	s10 =	sadd.s32 s4, s10  }
0xc: {  	s12 =	simm.s32 $0x8380;
	s5 =	smul.u32 $0x2710, s5;
	s8 =	ssub.s32 s8, s9  }
0xd: {  	s6 =	sadd.s32 s6, s1;
	[dreg:$0x9] =	wrdreg s10;
	s0 =	sadd.s32 s19, s16  }
0xe: {  	[dreg:$0x8] =	wrdreg s6;
	s6 =	smul.u32 $0x138800, s3;
	s5 =	sshrl.u32 s5, $0x3  }
0xf: {  	s26 =	sadd.s32 $0x380, s0;
	s9 =	sadd.s32 $0x4E400, s0;
	s10 =	sadd.s32 s7, s5  }
0x10: {  	s13 =	sadd.s32 $0x300, s0;
	s15 =	sadd.s32 $0x9C40, s10;
	[dreg:$0xb] =	wrdreg s10  }
0x11: {  	s5 =	sadd.s32 s14, s6;
	s17 =	sadd.s32 $0x10, s10;
	[dreg:$0xd] =	wrdreg s15  }
0x12: {  	s6 =	sshrl.u32 s6, $0x3;
	s18 =	sadd.s32 $0x20, s10;
	[dreg:$0xe] =	wrdreg s17  }
0x13: {  	s14 =	sadd.s32 $0x4E380, s0;
	s20 =	sadd.s32 $0x30, s10;
	[dreg:$0xf] =	wrdreg s18  }
0x14: {  	s21 =	sadd.s32 $0x9C50, s10;
	s22 =	sadd.s32 $0x40, s10;
	[dreg:$0x10] =	wrdreg s20  }
0x15: {  	s23 =	sadd.s32 $0x9C60, s10;
	s24 =	sadd.s32 $0x4D0, s10;
	[dreg:$0x11] =	wrdreg s21  }
0x16: {  	s25 =	sshrl.u32 s5, $0x3;
	s5 =	sshrl.u32 s26, $0x3;
	[dreg:$0x12] =	wrdreg s22  }
0x17: {  	s16 =	sshrl.u32 s14, $0x3;
	s19 =	sadd.s32 $0xA0F0, s10;
	[dreg:$0x13] =	wrdreg s23  }
0x18: {  	s26 =	sadd.s32 $0xA120, s10;
	s14 =	simm.s32 $0x5;
	[dreg:$0x14] =	wrdreg s24  }
0x19: {  	s3 =	sadd.s32 s11, s25;
	s5 =	sadd.s32 s5, s7;
	[dreg:$0x16] =	wrdreg s19  }
0x1a: {  	s17 =	sadd.s32 s16, s7;
	s18 =	sadd.s32 $0x4E480, s0;
	[dreg:$0x1c] =	wrdreg s26  }
0x1b: {  	s21 =	sadd.s32 $0xA100, s10;
	s0 =	sadd.s32 $0x280, s0;
	[dreg:$0x15] =	wrdreg s3  }
0x1c: {  	s22 =	sadd.s32 $0xA110, s10;
	s23 =	sadd.s32 $0x4E0, s10;
	[dreg:$0x3] =	wrdreg s5  }
0x1d: {  	s25 =	smax.u32 s8, $0x1;
	s10 =	simm.s32 $0x8;
	[dreg:$0x6] =	wrdreg s17  }
0x1e: {  	s16 =	simm.s32 $0xA;
	s19 =	simm.s32 $0xC;
	[dreg:$0x17] =	wrdreg s21  }
0x1f: {  	s3 =	sadd.s32 s11, s6;
	s11 =	sshrl.u32 s9, $0x3;
	[dreg:$0x18] =	wrdreg s22  }
0x20: {  	s6 =	sshrl.u32 s13, $0x3;
	s20 =	sshrl.u32 s18, $0x3;
	[dreg:$0x19] =	wrdreg s23  }
0x21: {  	s0 =	sshrl.u32 s0, $0x3;
	[dreg:$0x1b] =	wrdreg s25;
	s9 =	simm.s32 $0x4  }
0x22: {  	s13 =	simm.s32 $0x280;
	s17 =	simm.s32 $0x6;
	s18 =	simm.s32 $0xB  }
0x23: {  	s5 =	sadd.s32 s11, s7;
	s15 =	sadd.s32 s6, s7;
	s22 =	sadd.s32 s0, s7  }
0x24: {  	s24 =	sadd.s32 $0x25800, s3;
	s0 =	simm.s32 $0x100;
	[dreg:$0x4] =	wrdreg s5  }
0x25: {  	s3 =	simm.s32 $0x7;
	s6 =	simm.s32 $0x4380;
	[dreg:$0x5] =	wrdreg s15  }
0x26: {  	s11 =	simm.s32 $0x3;
	s5 =	sadd.s32 s20, s7;
	[dreg:$0x1a] =	wrdreg s24  }
0x27: {  	s7 =	simm.s32 $0x200;
	s15 =	simm.s32 $0x9;
	s20 =	simm.s32 $0xD  }
0x28: {  	s24 =	simm.s32 $0x0;
	[dreg:$0x7] =	wrdreg s5;
	s5 =	simm.s32 $0x2  }
.LBB2_1:
0x29: {  	s8 =	rddreg [dreg:$0xa]  }
0x2a: {  	s21 =	rddreg [dreg:$0xc];
	s23 =	sshrl.u32 @p0 s8, $0x3  }
0x2b: {  	s8 =	simm.s32 @p0 $0x1FCD;
	[dreg:$0x1d] =	wrdreg s23  }
0x2c: {  	[spmem:s23], [sflag:s8] =	dma.local @p0 [hbm:s21], $0x1900  }
0x2d: {  	s8 =	simm.s32 @p0 $0xD  }
0x2e: {  	s21 =	stileid.u32;
	_ =	swait.ge @p0 [sflag:s8], $0x1900  }
0x2f: {  	s21 =	sshll.u32 @!p0 s21, $0x6;
	[sflag:s8] =	ssyncset.done @p0 $0x0  }
0x30: {  	s23 =	sor.u32 @!p0 $0x1C0D, s21;
	[sflag:s8] =	ssyncadd.s32 @p0 $0xFFFFE700;
	s8 =	rddreg [dreg:$0x8]  }
0x31: {  	[dreg:$0x1e] =	wrdreg s23  }
0x32: {  	s21 =	sshrl.u32 @!p0 s8, $0x3;
	s8 =	rddreg [dreg:$0x9]  }
0x33: {  	[spmem:s21], [sflag:s23] =	dma.local @!p0 [hbm:s8], $0x2800  }
0x34: {  	s8 =	simm.s32 @!p0 $0xD  }
0x35: {  	_ =	swait.ge @!p0 [sflag:s8], $0x2800  }
0x36: {  	[sflag:s8] =	ssyncset.done @!p0 $0x0  }
0x37: {  	[sflag:s8] =	ssyncadd.s32 @!p0 $0xFFFFD800  }
0x38: {  	[bflag:$0x0] =	sbarrier.arrive $0xFFFF  }
0x39: {  	s26 =	rddreg [dreg:$0xb]  }
0x3a: {  	[tilespmem:s2], [sflag:$0x1] =	stream.linear.gather [hbm4b:s26+s2], $0x80, $0x38;
	[tilespmem:$0x1FC00] =	vst v63  }
0x3b: {  	s23 =	rddreg [dreg:$0xd]  }
0x3c: {  	[tilespmem:s28], [sflag:$0x4] =	stream.linear.gather [hbm4b:s23+s2], $0x80, $0x38;
	[tilespmem:$0x1FC00] =	vst v63  }
0x3d: {  	_ =	swait.ge [sflag:s29], $0x80  }
0x3e: {  	[sflag:s29] =	ssyncset.done $0x0  }
0x3f: {  	[sflag:s29] =	ssyncadd.s32 $0xFFFFFF80  }
0x40: {  	[tilespmem:s31], [sflag:$0x7] =	stream.indirect.gather [hbm4b:s4+s30], $0x80, s2, s30, $0xb8;
	[tilespmem:$0x1FC00] =	vst v63  }
0x41: {  	s25 =	rddreg [dreg:$0xe]  }
0x42: {  	[tilespmem:s30], [sflag:$0x2] =	stream.linear.gather [hbm4b:s25+s2], $0x80, $0x38;
	[tilespmem:$0x1FC00] =	vst v63  }
0x43: {  	s26 =	rddreg [dreg:$0xf]  }
0x44: {  	[tilespmem:s0], [sflag:$0x3] =	stream.linear.gather [hbm4b:s26+s2], $0x80, $0x38;
	[tilespmem:$0x1FC00] =	vst v63  }
0x45: {  	_ =	swait.ge [sflag:s3], $0x4000  }
0x46: {  	[sflag:s3] =	ssyncset.done $0x0  }
0x47: {  	[sflag:s3] =	ssyncadd.s32 $0xFFFFC000  }
0x48: {  	_ =	swait.ge [sflag:s5], $0x80  }
0x49: {  	[sflag:s5] =	ssyncset.done $0x0  }
0x4a: {  	[sflag:s5] =	ssyncadd.s32 $0xFFFFFF80  }
0x4b: {  	[tilespmem:s6], [sflag:$0x8] =	stream.indirect.gather [hbm4b:s4+s30], $0x80, s30, s30, $0xb8;
	[tilespmem:$0x1FC00] =	vst v63  }
0x4c: {  	s23 =	rddreg [dreg:$0x10]  }
0x4d: {  	[tilespmem:s2], [sflag:$0x1] =	stream.linear.gather [hbm4b:s23+s2], $0x80, $0x38;
	[tilespmem:$0x1FC00] =	vst v63  }
0x4e: {  	s25 =	rddreg [dreg:$0x11]  }
0x4f: {  	[tilespmem:s7], [sflag:$0x5] =	stream.linear.gather [hbm4b:s25+s2], $0x80, $0x38;
	[tilespmem:$0x1FC00] =	vst v63  }
0x50: {  	_ =	swait.ge [sflag:s9], $0x80  }
0x51: {  	[sflag:s9] =	ssyncset.done $0x0  }
0x52: {  	[sflag:s9] =	ssyncadd.s32 $0xFFFFFF80  }
0x53: {  	[spmem:s1] =	stream.indirect.scatter.add.f32 [tilespmem:s31], [sflag:$0xA], $0x80, s28, s30, $0xb8;
	[tilespmem:$0x1FC00] =	vst v63  }
0x54: {  	_ =	swait.ge [sflag:s10], $0x4000  }
0x55: {  	[sflag:s10] =	ssyncset.done $0x0  }
0x56: {  	[sflag:s10] =	ssyncadd.s32 $0xFFFFC000  }
0x57: {  	_ =	swait.ge [sflag:s11], $0x80  }
0x58: {  	[sflag:s11] =	ssyncset.done $0x0  }
0x59: {  	[sflag:s11] =	ssyncadd.s32 $0xFFFFFF80  }
0x5a: {  	[tilespmem:s12], [sflag:$0x9] =	stream.indirect.gather [hbm4b:s4+s30], $0x80, s0, s30, $0xb8;
	[tilespmem:$0x1FC00] =	vst v63  }
0x5b: {  	s26 =	rddreg [dreg:$0x12]  }
0x5c: {  	[tilespmem:s30], [sflag:$0x2] =	stream.linear.gather [hbm4b:s26+s2], $0x80, $0x38;
	[tilespmem:$0x1FC00] =	vst v63  }
0x5d: {  	s23 =	rddreg [dreg:$0x13]  }
0x5e: {  	[tilespmem:s13], [sflag:$0x6] =	stream.linear.gather [hbm4b:s23+s2], $0x80, $0x38;
	[tilespmem:$0x1FC00] =	vst v63  }
0x5f: {  	_ =	swait.ge [sflag:s14], $0x80  }
0x60: {  	[sflag:s14] =	ssyncset.done $0x0  }
0x61: {  	[sflag:s14] =	ssyncadd.s32 $0xFFFFFF80  }
0x62: {  	[spmem:s1] =	stream.indirect.scatter.add.f32 [tilespmem:s6], [sflag:$0xB], $0x80, s7, s30, $0xb8;
	[tilespmem:$0x1FC00] =	vst v63  }
0x63: {  	_ =	swait.ge [sflag:s15], $0x4000  }
0x64: {  	[sflag:s15] =	ssyncset.done $0x0  }
0x65: {  	[sflag:s15] =	ssyncadd.s32 $0xFFFFC000  }
0x66: {  	_ =	swait.ge [sflag:s29], $0x80  }
0x67: {  	[sflag:s29] =	ssyncset.done $0x0  }
0x68: {  	[sflag:s29] =	ssyncadd.s32 $0xFFFFFF80  }
0x69: {  	_ =	swait.ge [sflag:s16], $0x4000  }
0x6a: {  	[sflag:s16] =	ssyncset.done $0x0  }
0x6b: {  	[sflag:s16] =	ssyncadd.s32 $0xFFFFC000  }
0x6c: {  	[tilespmem:s31], [sflag:$0x7] =	stream.indirect.gather [hbm4b:s4+s30], $0x80, s2, s30, $0xb8;
	[tilespmem:$0x1FC00] =	vst v63  }
0x6d: {  	s26 =	sadd.s32 $0x0, s22;
	s25 =	rddreg [dreg:$0x6]  }
0x6e: {  	[tilespmem:s0], [sflag:$0x3] =	stream.linear.gather [hbm4b:s26+s2], $0x80, $0x38;
	[tilespmem:$0x1FC00] =	vst v63  }
0x6f: {  	s8 =	sadd.s32 $0x0, s25  }
0x70: {  	[tilespmem:s28], [sflag:$0x4] =	stream.linear.gather [hbm4b:s8+s2], $0x80, $0x38;
	[tilespmem:$0x1FC00] =	vst v63  }
0x71: {  	_ =	swait.ge [sflag:s17], $0x80  }
0x72: {  	[sflag:s17] =	ssyncset.done $0x0  }
0x73: {  	[sflag:s17] =	ssyncadd.s32 $0xFFFFFF80  }
0x74: {  	[spmem:s1] =	stream.indirect.scatter.add.f32 [tilespmem:s12], [sflag:$0xC], $0x80, s13, s30, $0xb8;
	[tilespmem:$0x1FC00] =	vst v63  }
0x75: {  	_ =	swait.ge [sflag:s3], $0x4000  }
0x76: {  	[sflag:s3] =	ssyncset.done $0x0  }
0x77: {  	[sflag:s3] =	ssyncadd.s32 $0xFFFFC000  }
0x78: {  	_ =	swait.ge [sflag:s5], $0x80  }
0x79: {  	[sflag:s5] =	ssyncset.done $0x0  }
0x7a: {  	[sflag:s5] =	ssyncadd.s32 $0xFFFFFF80  }
0x7b: {  	_ =	swait.ge [sflag:s18], $0x4000  }
0x7c: {  	[sflag:s18] =	ssyncset.done $0x0  }
0x7d: {  	s23 =	rddreg [dreg:$0x5];
	[sflag:s18] =	ssyncadd.s32 $0xFFFFC000  }
0x7e: {  	[tilespmem:s6], [sflag:$0x8] =	stream.indirect.gather [hbm4b:s4+s30], $0x80, s30, s30, $0xb8;
	[tilespmem:$0x1FC00] =	vst v63  }
0x7f: {  	s25 =	rddreg [dreg:$0x4];
	s8 =	sadd.s32 $0x0, s23  }
0x80: {  	[tilespmem:s2], [sflag:$0x1] =	stream.linear.gather [hbm4b:s8+s2], $0x80, $0x38;
	[tilespmem:$0x1FC00] =	vst v63  }
0x81: {  	s26 =	sadd.s32 $0x0, s25  }
0x82: {  	[tilespmem:s7], [sflag:$0x5] =	stream.linear.gather [hbm4b:s26+s2], $0x80, $0x38;
	[tilespmem:$0x1FC00] =	vst v63  }
0x83: {  	_ =	swait.ge [sflag:s9], $0x80  }
0x84: {  	[sflag:s9] =	ssyncset.done $0x0  }
0x85: {  	[sflag:s9] =	ssyncadd.s32 $0xFFFFFF80  }
0x86: {  	[spmem:s1] =	stream.indirect.scatter.add.f32 [tilespmem:s31], [sflag:$0xA], $0x80, s28, s30, $0xb8;
	[tilespmem:$0x1FC00] =	vst v63  }
0x87: {  	_ =	swait.ge [sflag:s10], $0x4000  }
0x88: {  	[sflag:s10] =	ssyncset.done $0x0  }
0x89: {  	[sflag:s10] =	ssyncadd.s32 $0xFFFFC000  }
0x8a: {  	_ =	swait.ge [sflag:s11], $0x80  }
0x8b: {  	[sflag:s11] =	ssyncset.done $0x0  }
0x8c: {  	[sflag:s11] =	ssyncadd.s32 $0xFFFFFF80  }
0x8d: {  	_ =	swait.ge [sflag:s19], $0x4000  }
0x8e: {  	[sflag:s19] =	ssyncset.done $0x0  }
0x8f: {  	s23 =	rddreg [dreg:$0x3];
	[sflag:s19] =	ssyncadd.s32 $0xFFFFC000  }
0x90: {  	[tilespmem:s12], [sflag:$0x9] =	stream.indirect.gather [hbm4b:s4+s30], $0x80, s0, s30, $0xb8;
	[tilespmem:$0x1FC00] =	vst v63  }
0x91: {  	s25 =	rddreg [dreg:$0x7];
	s8 =	sadd.s32 $0x0, s23  }
0x92: {  	[tilespmem:s30], [sflag:$0x2] =	stream.linear.gather [hbm4b:s8+s2], $0x80, $0x38;
	[tilespmem:$0x1FC00] =	vst v63  }
0x93: {  	s26 =	sadd.s32 $0x0, s25  }
0x94: {  	[tilespmem:s13], [sflag:$0x6] =	stream.linear.gather [hbm4b:s26+s2], $0x80, $0x38;
	[tilespmem:$0x1FC00] =	vst v63  }
0x95: {  	_ =	swait.ge [sflag:s14], $0x80  }
0x96: {  	[sflag:s14] =	ssyncset.done $0x0  }
0x97: {  	s23 =	simm.s32 $0x30;
	[sflag:s14] =	ssyncadd.s32 $0xFFFFFF80  }
.LBB2_2:
0x98: {  	[spmem:s1] =	stream.indirect.scatter.add.f32 [tilespmem:s6], [sflag:$0xB], $0x80, s7, s30, $0xb8;
	[tilespmem:$0x1FC00] =	vst v63  }
0x99: {  	_ =	swait.ge [sflag:s15], $0x4000  }
0x9a: {  	[sflag:s15] =	ssyncset.done $0x0  }
0x9b: {  	[sflag:s15] =	ssyncadd.s32 $0xFFFFC000  }
0x9c: {  	_ =	swait.ge [sflag:s29], $0x80  }
0x9d: {  	[sflag:s29] =	ssyncset.done $0x0  }
0x9e: {  	[sflag:s29] =	ssyncadd.s32 $0xFFFFFF80  }
0x9f: {  	_ =	swait.ge [sflag:s16], $0x4000  }
0xa0: {  	[sflag:s16] =	ssyncset.done $0x0  }
0xa1: {  	s8 =	smov.u32 s23;
	[sflag:s16] =	ssyncadd.s32 $0xFFFFC000  }
0xa2: {  	[tilespmem:s31], [sflag:$0x7] =	stream.indirect.gather [hbm4b:s4+s30], $0x80, s2, s30, $0xb8;
	[tilespmem:$0x1FC00] =	vst v63  }
0xa3: {  	s26 =	sadd.s32 s8, s22;
	s25 =	rddreg [dreg:$0x6]  }
0xa4: {  	[tilespmem:s0], [sflag:$0x3] =	stream.linear.gather [hbm4b:s26+s2], $0x80, $0x38;
	[tilespmem:$0x1FC00] =	vst v63  }
0xa5: {  	s25 =	sadd.s32 s8, s25  }
0xa6: {  	[tilespmem:s28], [sflag:$0x4] =	stream.linear.gather [hbm4b:s25+s2], $0x80, $0x38;
	[tilespmem:$0x1FC00] =	vst v63  }
0xa7: {  	_ =	swait.ge [sflag:s17], $0x80  }
0xa8: {  	[sflag:s17] =	ssyncset.done $0x0  }
0xa9: {  	[sflag:s17] =	ssyncadd.s32 $0xFFFFFF80  }
0xaa: {  	[spmem:s1] =	stream.indirect.scatter.add.f32 [tilespmem:s12], [sflag:$0xC], $0x80, s13, s30, $0xb8;
	[tilespmem:$0x1FC00] =	vst v63  }
0xab: {  	_ =	swait.ge [sflag:s3], $0x4000  }
0xac: {  	[sflag:s3] =	ssyncset.done $0x0  }
0xad: {  	[sflag:s3] =	ssyncadd.s32 $0xFFFFC000  }
0xae: {  	_ =	swait.ge [sflag:s5], $0x80  }
0xaf: {  	[sflag:s5] =	ssyncset.done $0x0  }
0xb0: {  	[sflag:s5] =	ssyncadd.s32 $0xFFFFFF80  }
0xb1: {  	_ =	swait.ge [sflag:s18], $0x4000  }
0xb2: {  	[sflag:s18] =	ssyncset.done $0x0  }
0xb3: {  	s25 =	rddreg [dreg:$0x5];
	[sflag:s18] =	ssyncadd.s32 $0xFFFFC000  }
0xb4: {  	[tilespmem:s6], [sflag:$0x8] =	stream.indirect.gather [hbm4b:s4+s30], $0x80, s30, s30, $0xb8;
	[tilespmem:$0x1FC00] =	vst v63  }
0xb5: {  	s26 =	rddreg [dreg:$0x4];
	s25 =	sadd.s32 s8, s25  }
0xb6: {  	[tilespmem:s2], [sflag:$0x1] =	stream.linear.gather [hbm4b:s25+s2], $0x80, $0x38;
	[tilespmem:$0x1FC00] =	vst v63  }
0xb7: {  	s26 =	sadd.s32 s8, s26  }
0xb8: {  	[tilespmem:s7], [sflag:$0x5] =	stream.linear.gather [hbm4b:s26+s2], $0x80, $0x38;
	[tilespmem:$0x1FC00] =	vst v63  }
0xb9: {  	_ =	swait.ge [sflag:s9], $0x80  }
0xba: {  	[sflag:s9] =	ssyncset.done $0x0  }
0xbb: {  	[sflag:s9] =	ssyncadd.s32 $0xFFFFFF80  }
0xbc: {  	[spmem:s1] =	stream.indirect.scatter.add.f32 [tilespmem:s31], [sflag:$0xA], $0x80, s28, s30, $0xb8;
	[tilespmem:$0x1FC00] =	vst v63  }
0xbd: {  	_ =	swait.ge [sflag:s10], $0x4000  }
0xbe: {  	[sflag:s10] =	ssyncset.done $0x0  }
0xbf: {  	[sflag:s10] =	ssyncadd.s32 $0xFFFFC000  }
0xc0: {  	_ =	swait.ge [sflag:s11], $0x80  }
0xc1: {  	[sflag:s11] =	ssyncset.done $0x0  }
0xc2: {  	[sflag:s11] =	ssyncadd.s32 $0xFFFFFF80  }
0xc3: {  	_ =	swait.ge [sflag:s19], $0x4000  }
0xc4: {  	[sflag:s19] =	ssyncset.done $0x0  }
0xc5: {  	s25 =	rddreg [dreg:$0x3];
	[sflag:s19] =	ssyncadd.s32 $0xFFFFC000  }
0xc6: {  	[tilespmem:s12], [sflag:$0x9] =	stream.indirect.gather [hbm4b:s4+s30], $0x80, s0, s30, $0xb8;
	[tilespmem:$0x1FC00] =	vst v63  }
0xc7: {  	p1 =	sne.s32 s23, $0x450;
	s26 =	rddreg [dreg:$0x7];
	s25 =	sadd.s32 s8, s25  }
0xc8: {  	[tilespmem:s30], [sflag:$0x2] =	stream.linear.gather [hbm4b:s25+s2], $0x80, $0x38;
	[tilespmem:$0x1FC00] =	vst v63  }
.Ltmp0:
0xc9: {  	s8 =	sadd.s32 s8, s26;
	(pc) =	sbr.rel @p1 .LBB2_2-.Ltmp0, $4  }
0xca: {  	[tilespmem:s13], [sflag:$0x6] =	stream.linear.gather [hbm4b:s8+s2], $0x80, $0x38;
	[tilespmem:$0x1FC00] =	vst v63  }
0xcb: {  	_ =	swait.ge [sflag:s14], $0x80  }
0xcc: {  	[sflag:s14] =	ssyncset.done $0x0  }
0xcd: {  	s23 =	sadd.s32 $0x30, s23;
	[sflag:s14] =	ssyncadd.s32 $0xFFFFFF80  }
0xce: {  	[spmem:s1] =	stream.indirect.scatter.add.f32 [tilespmem:s6], [sflag:$0xB], $0x80, s7, s30, $0xb8;
	[tilespmem:$0x1FC00] =	vst v63  }
0xcf: {  	_ =	swait.ge [sflag:s15], $0x4000  }
0xd0: {  	[sflag:s15] =	ssyncset.done $0x0  }
0xd1: {  	[sflag:s15] =	ssyncadd.s32 $0xFFFFC000  }
0xd2: {  	_ =	swait.ge [sflag:s29], $0x80  }
0xd3: {  	[sflag:s29] =	ssyncset.done $0x0  }
0xd4: {  	[sflag:s29] =	ssyncadd.s32 $0xFFFFFF80  }
0xd5: {  	_ =	swait.ge [sflag:s16], $0x4000  }
0xd6: {  	[sflag:s16] =	ssyncset.done $0x0  }
0xd7: {  	[sflag:s16] =	ssyncadd.s32 $0xFFFFC000  }
0xd8: {  	[tilespmem:s31], [sflag:$0x7] =	stream.indirect.gather [hbm4b:s4+s30], $0x80, s2, s30, $0xb8;
	[tilespmem:$0x1FC00] =	vst v63  }
0xd9: {  	s8 =	rddreg [dreg:$0x14]  }
0xda: {  	[tilespmem:s0], [sflag:$0x3] =	stream.linear.gather [hbm4b:s8+s2], $0x80, $0x38;
	[tilespmem:$0x1FC00] =	vst v63  }
0xdb: {  	s25 =	rddreg [dreg:$0x16]  }
0xdc: {  	[tilespmem:s28], [sflag:$0x4] =	stream.linear.gather [hbm4b:s25+s2], $0x80, $0x38;
	[tilespmem:$0x1FC00] =	vst v63  }
0xdd: {  	_ =	swait.ge [sflag:s17], $0x80  }
0xde: {  	[sflag:s17] =	ssyncset.done $0x0  }
0xdf: {  	[sflag:s17] =	ssyncadd.s32 $0xFFFFFF80  }
0xe0: {  	[spmem:s1] =	stream.indirect.scatter.add.f32 [tilespmem:s12], [sflag:$0xC], $0x80, s13, s30, $0xb8;
	[tilespmem:$0x1FC00] =	vst v63  }
0xe1: {  	_ =	swait.ge [sflag:s3], $0x4000  }
0xe2: {  	[sflag:s3] =	ssyncset.done $0x0  }
0xe3: {  	[sflag:s3] =	ssyncadd.s32 $0xFFFFC000  }
0xe4: {  	_ =	swait.ge [sflag:s5], $0x80  }
0xe5: {  	[sflag:s5] =	ssyncset.done $0x0  }
0xe6: {  	[sflag:s5] =	ssyncadd.s32 $0xFFFFFF80  }
0xe7: {  	_ =	swait.ge [sflag:s18], $0x4000  }
0xe8: {  	[sflag:s18] =	ssyncset.done $0x0  }
0xe9: {  	[sflag:s18] =	ssyncadd.s32 $0xFFFFC000  }
0xea: {  	[tilespmem:s6], [sflag:$0x8] =	stream.indirect.gather [hbm4b:s4+s30], $0x80, s30, s30, $0xb8;
	[tilespmem:$0x1FC00] =	vst v63  }
0xeb: {  	s26 =	rddreg [dreg:$0x17]  }
0xec: {  	[tilespmem:s7], [sflag:$0x5] =	stream.linear.gather [hbm4b:s26+s2], $0x80, $0x38;
	[tilespmem:$0x1FC00] =	vst v63  }
0xed: {  	_ =	swait.ge [sflag:s9], $0x80  }
0xee: {  	[sflag:s9] =	ssyncset.done $0x0  }
0xef: {  	[sflag:s9] =	ssyncadd.s32 $0xFFFFFF80  }
0xf0: {  	[spmem:s1] =	stream.indirect.scatter.add.f32 [tilespmem:s31], [sflag:$0xA], $0x80, s28, s30, $0xb8;
	[tilespmem:$0x1FC00] =	vst v63  }
0xf1: {  	_ =	swait.ge [sflag:s10], $0x4000  }
0xf2: {  	[sflag:s10] =	ssyncset.done $0x0  }
0xf3: {  	[sflag:s10] =	ssyncadd.s32 $0xFFFFC000  }
0xf4: {  	_ =	swait.ge [sflag:s11], $0x80  }
0xf5: {  	[sflag:s11] =	ssyncset.done $0x0  }
0xf6: {  	[sflag:s11] =	ssyncadd.s32 $0xFFFFFF80  }
0xf7: {  	_ =	swait.ge [sflag:s19], $0x4000  }
0xf8: {  	[sflag:s19] =	ssyncset.done $0x0  }
0xf9: {  	[sflag:s19] =	ssyncadd.s32 $0xFFFFC000  }
0xfa: {  	[tilespmem:s12], [sflag:$0x9] =	stream.indirect.gather [hbm4b:s4+s30], $0x80, s0, s30, $0xb8;
	[tilespmem:$0x1FC00] =	vst v63  }
0xfb: {  	s23 =	rddreg [dreg:$0x18]  }
0xfc: {  	[tilespmem:s13], [sflag:$0x6] =	stream.linear.gather [hbm4b:s23+s2], $0x80, $0x38;
	[tilespmem:$0x1FC00] =	vst v63  }
0xfd: {  	_ =	swait.ge [sflag:s14], $0x80  }
0xfe: {  	[sflag:s14] =	ssyncset.done $0x0  }
0xff: {  	[sflag:s14] =	ssyncadd.s32 $0xFFFFFF80  }
0x100: {  	[spmem:s1] =	stream.indirect.scatter.add.f32 [tilespmem:s6], [sflag:$0xB], $0x80, s7, s30, $0xb8;
	[tilespmem:$0x1FC00] =	vst v63  }
0x101: {  	_ =	swait.ge [sflag:s15], $0x4000  }
0x102: {  	[sflag:s15] =	ssyncset.done $0x0  }
0x103: {  	[sflag:s15] =	ssyncadd.s32 $0xFFFFC000  }
0x104: {  	_ =	swait.ge [sflag:s17], $0x80  }
0x105: {  	[sflag:s17] =	ssyncset.done $0x0  }
0x106: {  	[sflag:s17] =	ssyncadd.s32 $0xFFFFFF80  }
0x107: {  	[spmem:s1] =	stream.indirect.scatter.add.f32 [tilespmem:s12], [sflag:$0xD], $0x80, s13, s30, $0xb8;
	[tilespmem:$0x1FC00] =	vst v63  }
0x108: {  	_ =	swait.ge [sflag:s20], $0x4000  }
0x109: {  	[sflag:s20] =	ssyncset.done $0x0  }
0x10a: {  	[sflag:s20] =	ssyncadd.s32 $0xFFFFC000  }
0x10b: {  	_ =	swait.ge [sflag:s16], $0x4000  }
0x10c: {  	[sflag:s16] =	ssyncset.done $0x0  }
0x10d: {  	[sflag:s16] =	ssyncadd.s32 $0xFFFFC000  }
0x10e: {  	_ =	swait.ge [sflag:s18], $0x4000  }
0x10f: {  	[sflag:s18] =	ssyncset.done $0x0  }
0x110: {  	s25 =	rddreg [dreg:$0x19];
	[sflag:s18] =	ssyncadd.s32 $0xFFFFC000  }
0x111: {  	[tilespmem:s2], [sflag:$0xD] =	stream.linear.gather [hbm4b:s25+s2], $0x10, $0x38;
	[tilespmem:$0x1FC00] =	vst v63  }
0x112: {  	_ =	swait.ge [sflag:s20], $0x10  }
0x113: {  	[sflag:s20] =	ssyncset.done $0x0  }
0x114: {  	s23 =	simm.s32 $0x300;
	s26 =	rddreg [dreg:$0x1c];
	[sflag:s20] =	ssyncadd.s32 $0xFFFFFFF0  }
0x115: {  	[tilespmem:s23], [sflag:$0xD] =	stream.linear.gather [hbm4b:s26+s2], $0x10, $0x38;
	[tilespmem:$0x1FC00] =	vst v63  }
0x116: {  	_ =	swait.ge [sflag:s20], $0x10  }
0x117: {  	[sflag:s20] =	ssyncset.done $0x0  }
0x118: {  	s25 =	simm.s32 $0x10;
	[sflag:s20] =	ssyncadd.s32 $0xFFFFFFF0  }
0x119: {  	[tilespmem:s31], [sflag:$0xD] =	stream.indirect.gather [hbm4b:s4+s25], $0x80, s2, s25, $0xb8;
	[tilespmem:$0x1FC00] =	vst v63  }
0x11a: {  	_ =	swait.ge [sflag:s20], $0x800  }
0x11b: {  	[sflag:s20] =	ssyncset.done $0x0  }
0x11c: {  	[sflag:s20] =	ssyncadd.s32 $0xFFFFF800  }
0x11d: {  	[spmem:s1] =	stream.indirect.scatter.add.f32 [tilespmem:s31], [sflag:$0xD], $0x80, s23, s25, $0xb8;
	[tilespmem:$0x1FC00] =	vst v63  }
0x11e: {  	_ =	swait.ge [sflag:s20], $0x800  }
0x11f: {  	[sflag:s20] =	ssyncset.done $0x0  }
0x120: {  	[sflag:s20] =	ssyncadd.s32 $0xFFFFF800  }
0x121: {  	[bflag:$0x0] =	sbarrier.arrive $0xFFFF  }
0x122: {  	s23 =	rddreg [dreg:$0x1a]  }
0x123: {  	s8 =	simm.s32 @p0 $0x1FCD;
	s25 =	rddreg [dreg:$0x1d]  }
0x124: {  	[hbm:s23], [sflag:s8] =	dma.local @p0 [spmem:s25], $0x1900  }
0x125: {  	s8 =	simm.s32 @p0 $0xD  }
0x126: {  	_ =	swait.ge @p0 [sflag:s8], $0x1900  }
0x127: {  	[sflag:s8] =	ssyncset.done @p0 $0x0;
	s23 =	rddreg [dreg:$0x1e]  }
0x128: {  	[sflag:s8] =	ssyncadd.s32 @p0 $0xFFFFE700;
	s8 =	rddreg [dreg:$0x15]  }
0x129: {  	[hbm:s8], [sflag:s23] =	dma.local @!p0 [spmem:s21], $0x2800  }
0x12a: {  	s8 =	simm.s32 @!p0 $0xD  }
0x12b: {  	_ =	swait.ge @!p0 [sflag:s8], $0x2800  }
0x12c: {  	s24 =	sadd.s32 $0x1, s24;
	s26 =	rddreg [dreg:$0x1b]  }
0x12d: {  	p1 =	sne.s32 s24, s26  }
.Ltmp1:
0x12e: {  	_ = 	snop;
	(pc) =	sbr.rel @p1 .LBB2_1-.Ltmp1, $3  }
0x12f: {  	_ =	sdelay $0x1  }
0x130: {  	[sflag:s8] =	ssyncset.done @!p0 $0x0  }
0x131: {  	[sflag:s8] =	ssyncadd.s32 @!p0 $0xFFFFD800  }
0x132: {  	_ =	sfence.sel $0x180000  }
0x133: {  	[bflag:$0x0] =	sbarrier.arrive $0xFFFF  }
0x134: {  	_ =	strace $0x90000050  }
0x135: {  	s0 =	stileid.u32;
	[bflag:$0x2] =	sbarrier.arrive $0xFFFF  }
0x136: {  	p0 =	sne.s32 s0, $0x0;
	s0 =	rddreg [dreg:$0x2]  }
0x137: {  	s0 =	sadd.s32 @!p0 $0x100000, s0  }
0x138: {  	[sflag:s0] =	ssyncadd.tile.s32 @!p0 $0x1;
	_ =	shalt  }
.Lfunc_end2:
_tile_overlayer_lowered:
.L_overlay_start_2:
0x139: {  	(tag) =	ssettag $0x2  }
0x13a: {  	s0 =	rddreg [dreg:$0x0];
	s2 =	stileid.u32  }
0x13b: {  	s1 =	rddreg [dreg:$0x1];
	p0 =	sne.s32 s2, $0x0  }
0x13c: {  	s3 =	rddreg [dreg:$0x2];
	[bflag:$0x3] =	sbarrier.arrive $0xFFFF;
	s2 =	simm.s32 @!p0 $0x1C0D  }
0x13d: {  	[timem:s3], [sflag:s2] =	dma.local @!p0 [hbm:s0], s1  }
0x13e: {  	s0 =	simm.s32 @!p0 $0xD  }
0x13f: {  	_ =	swait.ge @!p0 [sflag:s0], s1  }
0x140: {  	s1 =	ssub.s32 @!p0 $0x0, s1;
	[sflag:s0] =	ssyncset.done @!p0 $0x0  }
0x141: {  	[sflag:s0] =	ssyncadd.s32 @!p0 s1  }
0x142: {  	[bflag:$0x3] =	sbarrier.arrive $0xFFFF  }
0x143: {  	_ =	shalt  }

</sc_bundles>
